<compile_context>
chip_gen: v7x
topology: tpu7x:2x2x1
jax: 0.10.2.dev20260603
libtpu: 0.0.44.dev20260713+nightly
codegen_flags: <defaults>
</compile_context>

<pallas_src>
import functools

import jax
import jax.numpy as jnp
from jax import lax
from jax.experimental import pallas as pl
from jax.experimental.pallas import tpu as pltpu
from jax.experimental.pallas import tpu_sc as plsc

N_NODES = 10000
N_EDGES = 320000
EPK = N_EDGES // 4
NPK = N_NODES // 4
EDGE_CHUNK = 4000
S2S_EDGE_CHUNK = 10000

SC_CORES = 2
SC_TILES = 16
SC_WORKERS = SC_CORES * SC_TILES
GATHER_K = 1000
SCATTER_K = 1000

BF = jnp.bfloat16


def _lrelu(x):
    return jnp.where(x > 0, x, 0.01 * x)


def _sigm(x):
    return 1.0 / (1.0 + jnp.exp(-x))


def _tanh(x):
    e2 = jnp.exp(-2.0 * x)
    return (1.0 - e2) / (1.0 + e2)


def _mm(x, w):
    return jnp.matmul(x, w, preferred_element_type=jnp.float32)


def _bd4(w):
    return jnp.kron(jnp.eye(4, dtype=w.dtype), w)


def _tile4(b):
    return jnp.tile(b, (4,))[None, :]


def _fold4(d):
    ii = jnp.arange(4 * d)
    return (ii[:, None] % d == jnp.arange(d)[None, :]).astype(jnp.float32)



def _sc_mesh():
    return plsc.VectorSubcoreMesh(core_axis_name="c", subcore_axis_name="s")


def _gather_call(h, src, dst):
    n2 = h.shape[1]
    epw = N_EDGES // SC_WORKERS
    k = GATHER_K
    niter = epw // k

    @functools.partial(
        pl.kernel,
        out_type=[jax.ShapeDtypeStruct((N_EDGES, n2), jnp.float32),
                  jax.ShapeDtypeStruct((N_EDGES, n2), jnp.float32)],
        mesh=_sc_mesh(),
        scratch_types=[pltpu.VMEM((k,), jnp.int32),
                       pltpu.VMEM((k,), jnp.int32),
                       pltpu.VMEM((k, n2), jnp.float32),
                       pltpu.VMEM((k, n2), jnp.float32),
                       pltpu.SemaphoreType.DMA,
                       pltpu.SemaphoreType.DMA],
        compiler_params=pltpu.CompilerParams(use_tc_tiling_on_sc=False),
    )
    def gk(h_hbm, src_hbm, dst_hbm, a_hbm, b_hbm,
           idx_s, idx_d, rows_a, rows_b, sem_a, sem_b):
        wid = lax.axis_index("s") * SC_CORES + lax.axis_index("c")
        base = wid * epw

        def body(t, carry):
            off = base + t * k
            pltpu.sync_copy(src_hbm.at[pl.ds(off, k)], idx_s)
            pltpu.sync_copy(dst_hbm.at[pl.ds(off, k)], idx_d)
            ca = pltpu.async_copy(h_hbm.at[idx_s], rows_a, sem_a)
            cb = pltpu.async_copy(h_hbm.at[idx_d], rows_b, sem_b)
            ca.wait()
            cb.wait()
            pltpu.sync_copy(rows_a, a_hbm.at[pl.ds(off, k)])
            pltpu.sync_copy(rows_b, b_hbm.at[pl.ds(off, k)])
            return carry

        lax.fori_loop(0, niter, body, 0)

    return gk(h, src, dst)


def _scatter_call(e_new, dst, zeros_tile, ones_k, with_counts):
    n2 = e_new.shape[1]
    epc = N_EDGES // SC_CORES
    epw = epc // SC_TILES
    k = SCATTER_K
    niter = epw // k
    stripe = N_NODES // SC_TILES

    out_type = [jax.ShapeDtypeStruct((SC_CORES * N_NODES, n2), jnp.float32)]
    scratch = [pltpu.VMEM((k,), jnp.int32),
               pltpu.VMEM((k, n2), jnp.float32),
               pltpu.VMEM_SHARED((N_NODES, n2), jnp.float32)]
    if with_counts:
        out_type.append(jax.ShapeDtypeStruct((SC_CORES * N_NODES, n2),
                                             jnp.float32))
        scratch.append(pltpu.VMEM_SHARED((N_NODES, n2), jnp.float32))
        scratch.append(pltpu.VMEM((k, n2), jnp.float32))

    @functools.partial(
        pl.kernel,
        out_type=out_type,
        mesh=_sc_mesh(),
        scratch_types=scratch,
        compiler_params=pltpu.CompilerParams(use_tc_tiling_on_sc=False),
    )
    def sk(e_hbm, dst_hbm, z_hbm, o_hbm, *rest):
        if with_counts:
            (p_hbm, c_hbm, idx_v, rows_v, shared, shared_cnt, ones_v) = rest
        else:
            (p_hbm, idx_v, rows_v, shared) = rest
        cid = lax.axis_index("c")
        sid = lax.axis_index("s")
        row0 = sid * stripe
        pltpu.sync_copy(z_hbm, shared.at[pl.ds(row0, stripe)])
        if with_counts:
            pltpu.sync_copy(z_hbm, shared_cnt.at[pl.ds(row0, stripe)])
            pltpu.sync_copy(o_hbm, ones_v)
        plsc.subcore_barrier()
        base = cid * epc + sid * epw

        def body(t, carry):
            off = base + t * k
            pltpu.sync_copy(dst_hbm.at[pl.ds(off, k)], idx_v)
            pltpu.sync_copy(e_hbm.at[pl.ds(off, k)], rows_v)
            pltpu.sync_copy(rows_v, shared.at[idx_v], add=True)
            if with_counts:
                pltpu.sync_copy(ones_v, shared_cnt.at[idx_v], add=True)
            return carry

        lax.fori_loop(0, niter, body, 0)
        plsc.subcore_barrier()
        obase = cid * N_NODES + row0
        pltpu.sync_copy(shared.at[pl.ds(row0, stripe)],
                        p_hbm.at[pl.ds(obase, stripe)])
        if with_counts:
            pltpu.sync_copy(shared_cnt.at[pl.ds(row0, stripe)],
                            c_hbm.at[pl.ds(obase, stripe)])

    return sk(e_new, dst, zeros_tile, ones_k)



def _emb_body(nf_ref, wn_ref, bn_ref, gf_ref, wg_ref, bg_ref,
              h_ref, u_ref):
    h_ref[...] = nf_ref[...] @ wn_ref[...] + bn_ref[...]
    u_ref[...] = gf_ref[...] @ wg_ref[...] + bg_ref[...]


def _emb_call(node_feats, graph_feats, params):
    wn = params["node_emb"]["w"]
    bn = params["node_emb"]["b"][None, :]
    wg = params["graph_emb"]["w"]
    bg = params["graph_emb"]["b"][None, :]
    n2 = wn.shape[1]
    return pl.pallas_call(
        _emb_body,
        out_shape=[
            jax.ShapeDtypeStruct((N_NODES, n2), jnp.float32),
            jax.ShapeDtypeStruct((1, n2), jnp.float32),
        ],
    )(node_feats, wn, bn, graph_feats, wg, bg)



def _edge_body(emb, lastblk,
               a_ref, b_ref, e_ref, u_ref,
               wa_ref, wb_ref, we_ref, w1u_ref, b1_ref,
               w2_ref, b2_ref, w3_ref, b3_ref, fold_ref,
               *rest):
    idx = 0
    if emb:
        ksel_ref, bemb_ref = rest[idx], rest[idx + 1]
        idx += 2
    outs = rest[idx:]
    enew_ref, ecs_ref = outs[0], outs[1]
    acc_ref = outs[2]

    j = pl.program_id(0)
    nj = pl.num_programs(0)
    a = a_ref[...].astype(BF)
    b = b_ref[...].astype(BF)
    if emb:
        e = _mm(e_ref[...].astype(BF), ksel_ref[...]) + bemb_ref[...]
    else:
        e = e_ref[...]
    ebf = e.astype(BF)
    ub = u_ref[...] @ w1u_ref[...] + b1_ref[...]
    ubt = jnp.concatenate([ub, ub, ub, ub], axis=1)
    x1 = _lrelu(_mm(a, wa_ref[...]) + _mm(b, wb_ref[...])
                + _mm(ebf, we_ref[...]) + ubt)
    x2 = _lrelu(_mm(x1.astype(BF), w2_ref[...]) + b2_ref[...])
    en = _mm(x2.astype(BF), w3_ref[...]) + b3_ref[...] + e
    enew_ref[...] = en
    cs = jnp.sum(en, axis=0, keepdims=True)

    @pl.when(j == 0)
    def _():
        acc_ref[...] = cs

    @pl.when(j > 0)
    def _():
        acc_ref[...] = acc_ref[...] + cs

    @pl.when(j == nj - 1)
    def _():
        ecs_ref[...] = acc_ref[...] @ fold_ref[...]


def _edge_call(a, b, e_in, u, blk, emb_w, lastblk):
    phi = blk["phi_e"]
    w1full = phi[0]["w"]
    wa = _bd4(w1full[:32]).astype(BF)
    wb = _bd4(w1full[32:64]).astype(BF)
    we = _bd4(w1full[64:96]).astype(BF)
    w1u = w1full[96:]
    b1 = phi[0]["b"][None, :]
    w2 = _bd4(phi[1]["w"]).astype(BF)
    b2 = _tile4(phi[1]["b"])
    w3 = _bd4(phi[2]["w"]).astype(BF)
    b3 = _tile4(phi[2]["b"])
    fold = _fold4(32)

    C = EDGE_CHUNK
    emb = emb_w is not None

    def row_spec(d):
        return pl.BlockSpec((C, d), lambda j: (j, 0))

    def full_spec(shape):
        return pl.BlockSpec(shape, lambda j: (0,) * len(shape))

    e_spec = row_spec(64) if emb else row_spec(128)

    in_specs = [row_spec(128), row_spec(128), e_spec,
                full_spec(u.shape),
                full_spec(wa.shape), full_spec(wb.shape), full_spec(we.shape),
                full_spec(w1u.shape), full_spec(b1.shape),
                full_spec(w2.shape), full_spec(b2.shape),
                full_spec(w3.shape), full_spec(b3.shape),
                full_spec(fold.shape)]
    args = [a, b, e_in, u, wa, wb, we, w1u, b1, w2, b2, w3, b3, fold]
    if emb:
        ksel, bemb = emb_w
        in_specs += [full_spec(ksel.shape), full_spec(bemb.shape)]
        args += [ksel, bemb]

    out_specs = [row_spec(128), pl.BlockSpec((1, 32), lambda j: (0, 0))]
    out_shape = [jax.ShapeDtypeStruct((EPK, 128), jnp.float32),
                 jax.ShapeDtypeStruct((1, 32), jnp.float32)]

    return pl.pallas_call(
        functools.partial(_edge_body, emb, lastblk),
        grid=(EPK // C,),
        in_specs=in_specs,
        out_specs=out_specs,
        out_shape=out_shape,
        scratch_shapes=[pltpu.VMEM((1, 128), jnp.float32)],
        compiler_params=pltpu.CompilerParams(
            dimension_semantics=("arbitrary",)),
    )(*args)



def _node_body(firstblk, lastblk,
               h_ref, p0_ref, p1_ref, cnt_ref, u_ref, ecs_ref,
               wv1h_ref, wv1a_ref, wv1u_ref, bv1_ref,
               wv2_ref, bv2_ref, wv3_ref, bv3_ref, fold_ref,
               wu1h_ref, wu1e_ref, wu1u_ref, bu1_ref,
               wu2_ref, bu2_ref, wu3_ref, bu3_ref,
               *rest):
    idx = 0
    if firstblk:
        c1_ref = rest[idx]
        idx += 1
    if lastblk:
        wnl_ref, bnl_ref = rest[idx], rest[idx + 1]
        idx += 2
    outs = rest[idx:]
    hn_ref, un_ref = outs[0], outs[1]
    outs = outs[2:]
    if firstblk:
        cnt_out_ref = outs[0]
        outs = outs[1:]
    if lastblk:
        h16_ref = outs[0]

    h = h_ref[...]
    if firstblk:
        cnt = cnt_ref[...] + c1_ref[...]
        cnt_out_ref[...] = cnt
    else:
        cnt = cnt_ref[...]
    agg = (p0_ref[...] + p1_ref[...]) / jnp.maximum(cnt, 1.0)
    urow = u_ref[...]
    ub = urow @ wv1u_ref[...] + bv1_ref[...]
    ubt = jnp.concatenate([ub, ub, ub, ub], axis=1)
    x1 = _lrelu(_mm(h.astype(BF), wv1h_ref[...])
                + _mm(agg.astype(BF), wv1a_ref[...]) + ubt)
    x2 = _lrelu(_mm(x1.astype(BF), wv2_ref[...]) + bv2_ref[...])
    hn = _mm(x2.astype(BF), wv3_ref[...]) + bv3_ref[...] + h
    hn_ref[...] = hn

    hm = (jnp.sum(hn, axis=0, keepdims=True) @ fold_ref[...]) * (1.0 / N_NODES)
    em = ecs_ref[...] * (1.0 / N_EDGES)
    y1 = _lrelu(hm @ wu1h_ref[...] + em @ wu1e_ref[...]
                + urow @ wu1u_ref[...] + bu1_ref[...])
    y2 = _lrelu(y1 @ wu2_ref[...] + bu2_ref[...])
    un_ref[...] = y2 @ wu3_ref[...] + bu3_ref[...] + urow

    if lastblk:
        h16_ref[...] = hn @ wnl_ref[...] + bnl_ref[...]


def _node_call(h, p0, p1, cnt, c1, u, ecs, blk, params, firstblk, lastblk):
    phiv = blk["phi_v"]
    wv1full = phiv[0]["w"]
    wv1h = _bd4(wv1full[:32]).astype(BF)
    wv1a = _bd4(wv1full[32:64]).astype(BF)
    wv1u = wv1full[64:]
    bv1 = phiv[0]["b"][None, :]
    wv2 = _bd4(phiv[1]["w"]).astype(BF)
    bv2 = _tile4(phiv[1]["b"])
    wv3 = _bd4(phiv[2]["w"]).astype(BF)
    bv3 = _tile4(phiv[2]["b"])
    fold = _fold4(32)
    phiu = blk["phi_u"]
    wu1full = phiu[0]["w"]
    wu1h = wu1full[:32]
    wu1e = wu1full[32:64]
    wu1u = wu1full[64:]
    bu1 = phiu[0]["b"][None, :]
    wu2, bu2 = phiu[1]["w"], phiu[1]["b"][None, :]
    wu3, bu3 = phiu[2]["w"], phiu[2]["b"][None, :]

    args = [h, p0, p1, cnt, u, ecs,
            wv1h, wv1a, wv1u, bv1, wv2, bv2, wv3, bv3, fold,
            wu1h, wu1e, wu1u, bu1, wu2, bu2, wu3, bu3]
    out_shape = [jax.ShapeDtypeStruct((NPK, 128), jnp.float32),
                 jax.ShapeDtypeStruct((1, 32), jnp.float32)]
    if firstblk:
        args += [c1]
        out_shape.append(jax.ShapeDtypeStruct((NPK, 128), jnp.float32))
    if lastblk:
        wnl = _bd4(params["node_last"]["w"])
        bnl = _tile4(params["node_last"]["b"])
        args += [wnl, bnl]
        out_shape.append(jax.ShapeDtypeStruct((NPK, 64), jnp.float32))

    return pl.pallas_call(
        functools.partial(_node_body, firstblk, lastblk),
        out_shape=out_shape,
    )(*args)



def _s2s_body(nchunks, has_proj,
              *refs):
    if has_proj:
        (x_ref, wproj_ref, bproj_ref, bd_ref, bdt_ref, f_ref, ft_ref,
         wih0_ref, whh0_ref, b0_ref, wih1_ref, whh1_ref, b1_ref,
         out_ref, st_ref) = refs
    else:
        (x_ref, bd_ref, bdt_ref, f_ref, ft_ref,
         wih0_ref, whh0_ref, b0_ref, wih1_ref, whh1_ref, b1_ref,
         out_ref, st_ref) = refs
    i = pl.program_id(0)
    j = pl.program_id(1)

    @pl.when(jnp.logical_and(i == 0, j == 0))
    def _():
        st_ref[...] = jnp.zeros((8, 128), jnp.float32)

    @pl.when(j == 0)
    def _():
        qs = st_ref[4:5, 0:32]
        h0 = st_ref[0:1, 0:16]
        c0 = st_ref[1:2, 0:16]
        h1 = st_ref[2:3, 0:16]
        c1 = st_ref[3:4, 0:16]
        g = qs @ wih0_ref[...] + h0 @ whh0_ref[...] + b0_ref[...]
        ig = _sigm(g[:, 0:16])
        fg = _sigm(g[:, 16:32])
        gg = _tanh(g[:, 32:48])
        og = _sigm(g[:, 48:64])
        c0n = fg * c0 + ig * gg
        h0n = og * _tanh(c0n)
        g2 = h0n @ wih1_ref[...] + h1 @ whh1_ref[...] + b1_ref[...]
        ig2 = _sigm(g2[:, 0:16])
        fg2 = _sigm(g2[:, 16:32])
        gg2 = _tanh(g2[:, 32:48])
        og2 = _sigm(g2[:, 48:64])
        c1n = fg2 * c1 + ig2 * gg2
        h1n = og2 * _tanh(c1n)
        st_ref[0:1, 0:16] = h0n
        st_ref[1:2, 0:16] = c0n
        st_ref[2:3, 0:16] = h1n
        st_ref[3:4, 0:16] = c1n
        st_ref[5:6, 0:16] = h1n
        st_ref[6:7, :] = jnp.zeros((1, 128), jnp.float32)
        st_ref[7:8, 0:1] = jnp.full((1, 1), -1e30, jnp.float32)
        st_ref[7:8, 1:2] = jnp.zeros((1, 1), jnp.float32)

    x = x_ref[...]
    if has_proj:
        x = x @ wproj_ref[...] + bproj_ref[...]
    q = st_ref[5:6, 0:16]
    q64 = q @ ft_ref[...]
    sc4 = (x * q64) @ bd_ref[...]
    m_old = st_ref[7:8, 0:1]
    s_old = st_ref[7:8, 1:2]
    cmax = jnp.max(sc4, axis=(0, 1), keepdims=True)
    m_new = jnp.maximum(m_old, cmax)
    scale = jnp.exp(m_old - m_new)
    w4 = jnp.exp(sc4 - m_new)
    ssum = jnp.sum(w4, axis=(0, 1), keepdims=True)
    wx = w4 @ bdt_ref[...]
    v = jnp.sum(wx * x, axis=0, keepdims=True)
    st_ref[6:7, 0:64] = st_ref[6:7, 0:64] * scale + v
    st_ref[7:8, 0:1] = m_new
    st_ref[7:8, 1:2] = s_old * scale + ssum

    @pl.when(j == nchunks - 1)
    def _():
        r = (st_ref[6:7, 0:64] @ f_ref[...]) / st_ref[7:8, 1:2]
        qsn = jnp.concatenate([st_ref[5:6, 0:16], r], axis=1)
        st_ref[4:5, 0:32] = qsn

        @pl.when(i == 2)
        def _():
            out_ref[...] = qsn


def _s2s_call(x_packed, p, chunk, proj):
    R = x_packed.shape[0]
    L = x_packed.shape[1]
    nchunks = R // chunk
    d = 16
    ii = jnp.arange(64)
    bd = (ii[:, None] // d == jnp.arange(4)[None, :]).astype(jnp.float32)
    f = (ii[:, None] % d == jnp.arange(d)[None, :]).astype(jnp.float32)
    bdt = bd.T
    ft = f.T
    wih0, whh0, b0 = p["wih0"], p["whh0"], p["b0"][None, :]
    wih1, whh1, b1 = p["wih1"], p["whh1"], p["b1"][None, :]

    def full_spec2(shape):
        return pl.BlockSpec(shape, lambda i, j: (0,) * len(shape))

    in_specs = [pl.BlockSpec((chunk, L), lambda i, j: (j, 0))]
    args = [x_packed]
    if proj is not None:
        wproj, bproj = proj
        in_specs += [full_spec2(wproj.shape), full_spec2(bproj.shape)]
        args += [wproj, bproj]
    in_specs += [full_spec2(bd.shape), full_spec2(bdt.shape),
                 full_spec2(f.shape), full_spec2(ft.shape),
                 full_spec2(wih0.shape), full_spec2(whh0.shape),
                 full_spec2(b0.shape),
                 full_spec2(wih1.shape), full_spec2(whh1.shape),
                 full_spec2(b1.shape)]
    args += [bd, bdt, f, ft, wih0, whh0, b0, wih1, whh1, b1]

    return pl.pallas_call(
        functools.partial(_s2s_body, nchunks, proj is not None),
        grid=(3, nchunks),
        in_specs=in_specs,
        out_specs=pl.BlockSpec((1, 32), lambda i, j: (0, 0)),
        out_shape=jax.ShapeDtypeStruct((1, 32), jnp.float32),
        scratch_shapes=[pltpu.VMEM((8, 128), jnp.float32)],
        compiler_params=pltpu.CompilerParams(
            dimension_semantics=("arbitrary", "arbitrary")),
    )(*args)



def _pred_body(hp_ref, ep_ref, w1h_ref, w1e_ref, b1_ref, w2_ref, b2_ref,
               out_ref):
    y1 = _lrelu(hp_ref[...] @ w1h_ref[...] + ep_ref[...] @ w1e_ref[...]
                + b1_ref[...])
    out_ref[...] = y1 @ w2_ref[...] + b2_ref[...]


def _pred_call(hp, ep, p):
    w1full = p[0]["w"]
    w1h = w1full[:32]
    w1e = w1full[32:]
    b1 = p[0]["b"][None, :]
    w2, b2 = p[1]["w"], p[1]["b"][None, :]
    return pl.pallas_call(
        _pred_body,
        out_shape=jax.ShapeDtypeStruct((1, 1), jnp.float32),
    )(hp, ep, w1h, w1e, b1, w2, b2)



def kernel(node_feats, edge_feats, graph_feats, edge_index, params):
    src = edge_index[0]
    dst = edge_index[1]
    ef4 = jnp.reshape(edge_feats, (EPK, 64))

    h32, u = _emb_call(node_feats, graph_feats, params)

    wemb = params["edge_emb"]["w"]
    ksel = jnp.kron(jnp.eye(4, dtype=wemb.dtype), wemb).astype(BF)
    bemb = _tile4(params["edge_emb"]["b"])

    zeros_tile = jnp.zeros((N_NODES // SC_TILES, 32), jnp.float32)
    ones_k = jnp.ones((SCATTER_K, 32), jnp.float32)

    cnt_pk = None
    h16 = None
    e_in = ef4
    for bi, blk in enumerate(params["blocks"]):
        a32, b32 = _gather_call(h32, src, dst)
        a_pk = jnp.reshape(a32, (EPK, 128))
        b_pk = jnp.reshape(b32, (EPK, 128))
        firstblk = bi == 0
        lastblk = bi == 2
        h_pk = jnp.reshape(h32, (NPK, 128))
        emb_w = (ksel, bemb) if firstblk else None
        eouts = _edge_call(a_pk, b_pk, e_in, u, blk, emb_w, lastblk)
        enew_pk, ecs = eouts[0], eouts[1]
        souts = _scatter_call(jnp.reshape(enew_pk, (N_EDGES, 32)), dst,
                              zeros_tile, ones_k, firstblk)
        parts = jnp.reshape(souts[0], (2, NPK, 128))
        p0, p1 = parts[0], parts[1]
        if firstblk:
            cparts = jnp.reshape(souts[1], (2, NPK, 128))
            c0, c1 = cparts[0], cparts[1]
        else:
            c0, c1 = cnt_pk, None
        nouts = _node_call(h_pk, p0, p1, c0, c1, u, ecs, blk, params,
                           firstblk, lastblk)
        hn_pk, u = nouts[0], nouts[1]
        nouts = nouts[2:]
        if firstblk:
            cnt_pk = nouts[0]
            nouts = nouts[1:]
        if lastblk:
            h16 = nouts[0]
        h32 = jnp.reshape(hn_pk, (N_NODES, 32))
        e_in = enew_pk

    wel = _bd4(params["edge_last"]["w"])
    bel = _tile4(params["edge_last"]["b"])
    hp = _s2s_call(h16, params["s2s_node"], NPK, None)
    ep = _s2s_call(e_in, params["s2s_edge"], S2S_EDGE_CHUNK, (wel, bel))
    return _pred_call(hp, ep, params["pred"])

# --- scband reference (transcript-rebuilt; emitter-appended) ---
"""Pipeline reference for scband-network-20650202759244 (READ-ONLY COPY).

The authoritative reference and input builder live on the scoring server;
editing this copy changes nothing except your own understanding.
"""

import jax, jax.numpy as jnp
import numpy as np

N_NODES = 10000
N_EDGES = 320000
NODE_DIM = 128
EDGE_DIM = 16
GRAPH_DIM = 16
N1 = 64
N2 = 32
N3 = 16
CONV_LAYERS = 3
TARGET_DIM = 1


def _dense(key, fan_in, fan_out):
    w = jax.random.normal(key, (fan_in, fan_out), dtype=jnp.float32) / np.sqrt(fan_in)
    b = jnp.zeros((fan_out,), dtype=jnp.float32)
    return {"w": w, "b": b}


def _mlp(key, dims):
    keys = jax.random.split(key, len(dims) - 1)
    return [_dense(keys[i], dims[i], dims[i + 1]) for i in range(len(dims) - 1)]


def _set2set_params(key, d):
    k = jax.random.split(key, 4)
    s = 0.1
    z = lambda n: jnp.zeros((n,), dtype=jnp.float32)
    return {"wih0": jax.random.normal(k[0], (2 * d, 4 * d), dtype=jnp.float32) * s,
            "whh0": jax.random.normal(k[1], (d, 4 * d), dtype=jnp.float32) * s,
            "b0": z(4 * d),
            "wih1": jax.random.normal(k[2], (d, 4 * d), dtype=jnp.float32) * s,
            "whh1": jax.random.normal(k[3], (d, 4 * d), dtype=jnp.float32) * s,
            "b1": z(4 * d)}


def setup_inputs(seed: int = 0):
    key = jax.random.key(seed)
    ks = jax.random.split(key, 13)
    node_feats = jax.random.normal(ks[0], (N_NODES, NODE_DIM), dtype=jnp.float32)
    edge_feats = jax.random.normal(ks[1], (N_EDGES, EDGE_DIM), dtype=jnp.float32)
    graph_feats = jax.random.normal(ks[2], (1, GRAPH_DIM), dtype=jnp.float32)
    edge_index = jax.random.randint(ks[3], (2, N_EDGES), 0, N_NODES, dtype=jnp.int32)
    blocks = []
    bk = jax.random.split(ks[4], CONV_LAYERS)
    for i in range(CONV_LAYERS):
        k3 = jax.random.split(bk[i], 3)
        blocks.append({"phi_e": _mlp(k3[0], [4 * N2, N1, N1, N2]),
                       "phi_v": _mlp(k3[1], [3 * N2, N1, N1, N2]),
                       "phi_u": _mlp(k3[2], [3 * N2, N1, N1, N2])})
    params = {"node_emb": _dense(ks[5], NODE_DIM, N2),
              "edge_emb": _dense(ks[6], EDGE_DIM, N2),
              "graph_emb": _dense(ks[7], GRAPH_DIM, N2),
              "blocks": blocks,
              "node_last": _dense(ks[8], N2, N3),
              "edge_last": _dense(ks[9], N2, N3),
              "s2s_node": _set2set_params(ks[10], N3),
              "s2s_edge": _set2set_params(ks[11], N3),
              "pred": _mlp(ks[12], [4 * N3, 4 * N3, TARGET_DIM])}
    return {"node_feats": node_feats, "edge_feats": edge_feats, "graph_feats": graph_feats,
            "edge_index": edge_index, "params": params}


def _apply_dense(p, x):
    return x @ p["w"] + p["b"]


def _apply_mlp(layers, x):
    for l in layers[:-1]:
        x = jax.nn.leaky_relu(_apply_dense(l, x), negative_slope=0.01)
    return _apply_dense(layers[-1], x)


def _segment_mean(data, seg, num):
    s = jax.ops.segment_sum(data, seg, num_segments=num)
    c = jax.ops.segment_sum(jnp.ones((data.shape[0], 1), data.dtype), seg, num_segments=num)
    return s / jnp.maximum(c, 1.0)


def _lstm_step(p, x, h0, c0, h1, c1):
    g = x @ p["wih0"] + h0 @ p["whh0"] + p["b0"]
    i, f, gg, o = jnp.split(g, 4)
    c0 = jax.nn.sigmoid(f) * c0 + jax.nn.sigmoid(i) * jnp.tanh(gg)
    h0 = jax.nn.sigmoid(o) * jnp.tanh(c0)
    g = h0 @ p["wih1"] + h1 @ p["whh1"] + p["b1"]
    i, f, gg, o = jnp.split(g, 4)
    c1 = jax.nn.sigmoid(f) * c1 + jax.nn.sigmoid(i) * jnp.tanh(gg)
    h1 = jax.nn.sigmoid(o) * jnp.tanh(c1)
    return h0, c0, h1, c1


def _set2set(x, p, n_iters=3):
    d = x.shape[1]
    q_star = jnp.zeros((2 * d,), x.dtype)
    h0 = jnp.zeros((d,), x.dtype); c0 = jnp.zeros((d,), x.dtype)
    h1 = jnp.zeros((d,), x.dtype); c1 = jnp.zeros((d,), x.dtype)
    for _ in range(n_iters):
        h0, c0, h1, c1 = _lstm_step(p, q_star, h0, c0, h1, c1)
        q = h1
        a = jax.nn.softmax(x @ q)
        r = (a[:, None] * x).sum(axis=0)
        q_star = jnp.concatenate([q, r])
    return q_star


def _megnet_block(p, h, e, u, src, dst, n_nodes):
    u_e = jnp.broadcast_to(u, (e.shape[0], u.shape[-1]))
    e_new = _apply_mlp(p["phi_e"], jnp.concatenate([h[src], h[dst], e, u_e], axis=1)) + e
    agg = _segment_mean(e_new, dst, n_nodes)
    u_n = jnp.broadcast_to(u, (h.shape[0], u.shape[-1]))
    h_new = _apply_mlp(p["phi_v"], jnp.concatenate([h, agg, u_n], axis=1)) + h
    u_in = jnp.concatenate([h_new.mean(axis=0), e_new.mean(axis=0), u[0]])
    u_new = _apply_mlp(p["phi_u"], u_in) + u[0]
    return h_new, e_new, u_new[None, :]


def _forward(node_feats, edge_feats, graph_feats, params, src, dst):
    h = _apply_dense(params["node_emb"], node_feats)
    e = _apply_dense(params["edge_emb"], edge_feats)
    u = _apply_dense(params["graph_emb"], graph_feats)
    for blk in params["blocks"]:
        h, e, u = _megnet_block(blk, h, e, u, src, dst, node_feats.shape[0])
    h = _apply_dense(params["node_last"], h)
    e = _apply_dense(params["edge_last"], e)
    hp = _set2set(h, params["s2s_node"])
    ep = _set2set(e, params["s2s_edge"])
    g = jnp.concatenate([hp, ep])[None, :]
    return _apply_mlp(params["pred"], g)


def reference(node_feats, edge_feats, graph_feats, edge_index, params):
    return _forward(node_feats, edge_feats, graph_feats, params, edge_index[0], edge_index[1])

if __name__ == "__main__":
    import jax
    _d = setup_inputs()
    print(jax.jit(kernel)(*tuple(_d.values())))

</pallas_src>

<mosaic_0001>
#map = affine_map<(d0, d1) -> (0, 0)>
#map1 = affine_map<(d0, d1) -> (0)>
module attributes {stable_mosaic.version = 14 : i64} {
  func.func @gk(%arg0: i32, %arg1: i32, %arg2: memref<10000x32xf32, #tpu.memory_space<hbm>>, %arg3: memref<320000xi32, #tpu.memory_space<hbm>>, %arg4: memref<320000xi32, #tpu.memory_space<hbm>>, %arg5: memref<320000x32xf32, #tpu.memory_space<hbm>>, %arg6: memref<320000x32xf32, #tpu.memory_space<hbm>>, %arg7: memref<1000xi32, #tpu.memory_space<vmem>>, %arg8: memref<1000xi32, #tpu.memory_space<vmem>>, %arg9: memref<1000x32xf32, #tpu.memory_space<vmem>>, %arg10: memref<1000x32xf32, #tpu.memory_space<vmem>>, %arg11: memref<!tpu.dma_semaphore, #tpu.memory_space<semaphore_mem>>, %arg12: memref<!tpu.dma_semaphore, #tpu.memory_space<semaphore_mem>>) attributes {dimension_semantics = [#tpu.dimension_semantics<core_parallel>, #tpu.dimension_semantics<subcore_parallel>], iteration_bounds = array<i64: 2, 16>, scalar_prefetch = 0 : i64, scratch_operands = 6 : i64, tpu.core_type = #tpu.core_type<sc_vector_subcore>, window_params = [{transform_indices = #map}, {transform_indices = #map1}, {transform_indices = #map1}, {transform_indices = #map}, {transform_indices = #map}]} {
    %mul3A = arith.constant 2 : i32
    %mul3A_0 = arith.muli %arg1, %mul3A : i32
    %add3A = arith.addi %mul3A_0, %arg0 : i32
    %mul3A_1 = arith.constant 10000 : i32
    %mul3A_2 = arith.muli %add3A, %mul3A_1 : i32
    %scan3A = arith.constant 0 : i32
    %scan3A_3 = arith.constant 0 : i32
    %scan3A_4 = arith.constant 10 : i32
    %scan3A_5 = arith.addi %scan3A_3, %scan3A_4 : i32
    %scan3A_6 = arith.constant 1 : i32
    scf.for %scan3A_8 = %scan3A_3 to %scan3A_5 step %scan3A_6  : i32 {
      %mul3A_9 = arith.constant 1000 : i32
      %mul3A_10 = arith.muli %scan3A_8, %mul3A_9 : i32
      %add3A_11 = arith.addi %mul3A_2, %mul3A_10 : i32
      "tpu.region"() ({
        %run_scoped3A = tpu.sem_alloc : memref<!tpu.dma_semaphore, #tpu.memory_space<semaphore_mem>>
        %dma_start3A_22 = tpu.memref_slice %arg3[%add3A_11] : memref<320000xi32, #tpu.memory_space<hbm>> -> memref<1000xi32, #tpu.memory_space<hbm>>
        %dma_start3A_23 = tpu.memref_slice %arg3[%add3A_11] : memref<320000xi32, #tpu.memory_space<hbm>> -> memref<1000xi32, #tpu.memory_space<hbm>>
        tpu.enqueue_dma source(%dma_start3A_23 : memref<1000xi32, #tpu.memory_space<hbm>>) target(%arg7 : memref<1000xi32, #tpu.memory_space<vmem>>) target_semaphore(%run_scoped3A : memref<!tpu.dma_semaphore, #tpu.memory_space<semaphore_mem>>)
        %dma_wait3A_24 = tpu.memref_slice %arg3[%add3A_11] : memref<320000xi32, #tpu.memory_space<hbm>> -> memref<1000xi32, #tpu.memory_space<hbm>>
        %dma_wait3A_25 = tpu.memref_slice %arg3[%add3A_11] : memref<320000xi32, #tpu.memory_space<hbm>> -> memref<1000xi32, #tpu.memory_space<hbm>>
        tpu.wait_dma2 semaphore(%run_scoped3A : memref<!tpu.dma_semaphore, #tpu.memory_space<semaphore_mem>>) src(%dma_wait3A_25 : memref<1000xi32, #tpu.memory_space<hbm>>) dst(%arg7 : memref<1000xi32, #tpu.memory_space<vmem>>)
        tpu.yield
      }) : () -> ()
      "tpu.region"() ({
        %run_scoped3A = tpu.sem_alloc : memref<!tpu.dma_semaphore, #tpu.memory_space<semaphore_mem>>
        %dma_start3A_22 = tpu.memref_slice %arg4[%add3A_11] : memref<320000xi32, #tpu.memory_space<hbm>> -> memref<1000xi32, #tpu.memory_space<hbm>>
        %dma_start3A_23 = tpu.memref_slice %arg4[%add3A_11] : memref<320000xi32, #tpu.memory_space<hbm>> -> memref<1000xi32, #tpu.memory_space<hbm>>
        tpu.enqueue_dma source(%dma_start3A_23 : memref<1000xi32, #tpu.memory_space<hbm>>) target(%arg8 : memref<1000xi32, #tpu.memory_space<vmem>>) target_semaphore(%run_scoped3A : memref<!tpu.dma_semaphore, #tpu.memory_space<semaphore_mem>>)
        %dma_wait3A_24 = tpu.memref_slice %arg4[%add3A_11] : memref<320000xi32, #tpu.memory_space<hbm>> -> memref<1000xi32, #tpu.memory_space<hbm>>
        %dma_wait3A_25 = tpu.memref_slice %arg4[%add3A_11] : memref<320000xi32, #tpu.memory_space<hbm>> -> memref<1000xi32, #tpu.memory_space<hbm>>
        tpu.wait_dma2 semaphore(%run_scoped3A : memref<!tpu.dma_semaphore, #tpu.memory_space<semaphore_mem>>) src(%dma_wait3A_25 : memref<1000xi32, #tpu.memory_space<hbm>>) dst(%arg8 : memref<1000xi32, #tpu.memory_space<vmem>>)
        tpu.yield
      }) : () -> ()
      %dma_start3A = arith.constant 0 : i32
      %dma_start3A_12 = arith.constant 0 : i32
      %dma_start3A_13 = tpu.memref_slice %arg2[%dma_start3A, %dma_start3A_12] : memref<10000x32xf32, #tpu.memory_space<hbm>> -> memref<10000x32xf32, #tpu.memory_space<hbm>>
      tpu.enqueue_indirect_dma source(%dma_start3A_13 : memref<10000x32xf32, #tpu.memory_space<hbm>>) target(%arg9 : memref<1000x32xf32, #tpu.memory_space<vmem>>) offsets(%arg7 : memref<1000xi32, #tpu.memory_space<vmem>>) semaphore(%arg11 : memref<!tpu.dma_semaphore, #tpu.memory_space<semaphore_mem>>)
      %dma_start3A_14 = arith.constant 0 : i32
      %dma_start3A_15 = arith.constant 0 : i32
      %dma_start3A_16 = tpu.memref_slice %arg2[%dma_start3A_14, %dma_start3A_15] : memref<10000x32xf32, #tpu.memory_space<hbm>> -> memref<10000x32xf32, #tpu.memory_space<hbm>>
      tpu.enqueue_indirect_dma source(%dma_start3A_16 : memref<10000x32xf32, #tpu.memory_space<hbm>>) target(%arg10 : memref<1000x32xf32, #tpu.memory_space<vmem>>) offsets(%arg8 : memref<1000xi32, #tpu.memory_space<vmem>>) semaphore(%arg12 : memref<!tpu.dma_semaphore, #tpu.memory_space<semaphore_mem>>)
      %dma_wait3A = arith.constant 0 : i32
      %dma_wait3A_17 = arith.constant 0 : i32
      %dma_wait3A_18 = tpu.memref_slice %arg2[%dma_wait3A, %dma_wait3A_17] : memref<10000x32xf32, #tpu.memory_space<hbm>> -> memref<10000x32xf32, #tpu.memory_space<hbm>>
      tpu.wait_indirect_dma semaphore(%arg11 : memref<!tpu.dma_semaphore, #tpu.memory_space<semaphore_mem>>) src(%dma_wait3A_18 : memref<10000x32xf32, #tpu.memory_space<hbm>>) dst(%arg9 : memref<1000x32xf32, #tpu.memory_space<vmem>>)
      %dma_wait3A_19 = arith.constant 0 : i32
      %dma_wait3A_20 = arith.constant 0 : i32
      %dma_wait3A_21 = tpu.memref_slice %arg2[%dma_wait3A_19, %dma_wait3A_20] : memref<10000x32xf32, #tpu.memory_space<hbm>> -> memref<10000x32xf32, #tpu.memory_space<hbm>>
      tpu.wait_indirect_dma semaphore(%arg12 : memref<!tpu.dma_semaphore, #tpu.memory_space<semaphore_mem>>) src(%dma_wait3A_21 : memref<10000x32xf32, #tpu.memory_space<hbm>>) dst(%arg10 : memref<1000x32xf32, #tpu.memory_space<vmem>>)
      "tpu.region"() ({
        %run_scoped3A = tpu.sem_alloc : memref<!tpu.dma_semaphore, #tpu.memory_space<semaphore_mem>>
        %dma_start3A_22 = arith.constant 0 : i32
        %dma_start3A_23 = tpu.memref_slice %arg5[%add3A_11, %dma_start3A_22] : memref<320000x32xf32, #tpu.memory_space<hbm>> -> memref<1000x32xf32, #tpu.memory_space<hbm>>
        %dma_start3A_24 = arith.constant 0 : i32
        %dma_start3A_25 = tpu.memref_slice %arg5[%add3A_11, %dma_start3A_24] : memref<320000x32xf32, #tpu.memory_space<hbm>> -> memref<1000x32xf32, #tpu.memory_space<hbm>>
        tpu.enqueue_dma source(%arg9 : memref<1000x32xf32, #tpu.memory_space<vmem>>) target(%dma_start3A_25 : memref<1000x32xf32, #tpu.memory_space<hbm>>) target_semaphore(%run_scoped3A : memref<!tpu.dma_semaphore, #tpu.memory_space<semaphore_mem>>)
        %dma_wait3A_26 = arith.constant 0 : i32
        %dma_wait3A_27 = tpu.memref_slice %arg5[%add3A_11, %dma_wait3A_26] : memref<320000x32xf32, #tpu.memory_space<hbm>> -> memref<1000x32xf32, #tpu.memory_space<hbm>>
        %dma_wait3A_28 = arith.constant 0 : i32
        %dma_wait3A_29 = tpu.memref_slice %arg5[%add3A_11, %dma_wait3A_28] : memref<320000x32xf32, #tpu.memory_space<hbm>> -> memref<1000x32xf32, #tpu.memory_space<hbm>>
        tpu.wait_dma2 semaphore(%run_scoped3A : memref<!tpu.dma_semaphore, #tpu.memory_space<semaphore_mem>>) src(%arg9 : memref<1000x32xf32, #tpu.memory_space<vmem>>) dst(%dma_wait3A_29 : memref<1000x32xf32, #tpu.memory_space<hbm>>)
        tpu.yield
      }) : () -> ()
      "tpu.region"() ({
        %run_scoped3A = tpu.sem_alloc : memref<!tpu.dma_semaphore, #tpu.memory_space<semaphore_mem>>
        %dma_start3A_22 = arith.constant 0 : i32
        %dma_start3A_23 = tpu.memref_slice %arg6[%add3A_11, %dma_start3A_22] : memref<320000x32xf32, #tpu.memory_space<hbm>> -> memref<1000x32xf32, #tpu.memory_space<hbm>>
        %dma_start3A_24 = arith.constant 0 : i32
        %dma_start3A_25 = tpu.memref_slice %arg6[%add3A_11, %dma_start3A_24] : memref<320000x32xf32, #tpu.memory_space<hbm>> -> memref<1000x32xf32, #tpu.memory_space<hbm>>
        tpu.enqueue_dma source(%arg10 : memref<1000x32xf32, #tpu.memory_space<vmem>>) target(%dma_start3A_25 : memref<1000x32xf32, #tpu.memory_space<hbm>>) target_semaphore(%run_scoped3A : memref<!tpu.dma_semaphore, #tpu.memory_space<semaphore_mem>>)
        %dma_wait3A_26 = arith.constant 0 : i32
        %dma_wait3A_27 = tpu.memref_slice %arg6[%add3A_11, %dma_wait3A_26] : memref<320000x32xf32, #tpu.memory_space<hbm>> -> memref<1000x32xf32, #tpu.memory_space<hbm>>
        %dma_wait3A_28 = arith.constant 0 : i32
        %dma_wait3A_29 = tpu.memref_slice %arg6[%add3A_11, %dma_wait3A_28] : memref<320000x32xf32, #tpu.memory_space<hbm>> -> memref<1000x32xf32, #tpu.memory_space<hbm>>
        tpu.wait_dma2 semaphore(%run_scoped3A : memref<!tpu.dma_semaphore, #tpu.memory_space<semaphore_mem>>) src(%arg10 : memref<1000x32xf32, #tpu.memory_space<vmem>>) dst(%dma_wait3A_29 : memref<1000x32xf32, #tpu.memory_space<hbm>>)
        tpu.yield
      }) : () -> ()
    }
    %scan3A_7 = arith.constant 10 : i32
    return
  }
}

#map = affine_map<(d0, d1) -> (0, 0)>
#map1 = affine_map<(d0, d1) -> (0)>
module attributes {stable_mosaic.version = 14 : i64} {
  func.func @gk(%arg0: i32, %arg1: i32, %arg2: memref<10000x32xf32, #tpu.memory_space<hbm>>, %arg3: memref<320000xi32, #tpu.memory_space<hbm>>, %arg4: memref<320000xi32, #tpu.memory_space<hbm>>, %arg5: memref<320000x32xf32, #tpu.memory_space<hbm>>, %arg6: memref<320000x32xf32, #tpu.memory_space<hbm>>, %arg7: memref<1000xi32, #tpu.memory_space<vmem>>, %arg8: memref<1000xi32, #tpu.memory_space<vmem>>, %arg9: memref<1000x32xf32, #tpu.memory_space<vmem>>, %arg10: memref<1000x32xf32, #tpu.memory_space<vmem>>, %arg11: memref<!tpu.dma_semaphore, #tpu.memory_space<semaphore_mem>>, %arg12: memref<!tpu.dma_semaphore, #tpu.memory_space<semaphore_mem>>) attributes {dimension_semantics = [#tpu.dimension_semantics<core_parallel>, #tpu.dimension_semantics<subcore_parallel>], iteration_bounds = array<i64: 2, 16>, scalar_prefetch = 0 : i64, scratch_operands = 6 : i64, tpu.core_type = #tpu.core_type<sc_vector_subcore>, window_params = [{transform_indices = #map}, {transform_indices = #map1}, {transform_indices = #map1}, {transform_indices = #map}, {transform_indices = #map}]} {
    %mul3A = arith.constant 2 : i32
    %mul3A_0 = arith.muli %arg1, %mul3A : i32
    %add3A = arith.addi %mul3A_0, %arg0 : i32
    %mul3A_1 = arith.constant 10000 : i32
    %mul3A_2 = arith.muli %add3A, %mul3A_1 : i32
    %scan3A = arith.constant 0 : i32
    %scan3A_3 = arith.constant 0 : i32
    %scan3A_4 = arith.constant 10 : i32
    %scan3A_5 = arith.addi %scan3A_3, %scan3A_4 : i32
    %scan3A_6 = arith.constant 1 : i32
    scf.for %scan3A_8 = %scan3A_3 to %scan3A_5 step %scan3A_6  : i32 {
      %mul3A_9 = arith.constant 1000 : i32
      %mul3A_10 = arith.muli %scan3A_8, %mul3A_9 : i32
      %add3A_11 = arith.addi %mul3A_2, %mul3A_10 : i32
      "tpu.region"() ({
        %run_scoped3A = tpu.sem_alloc : memref<!tpu.dma_semaphore, #tpu.memory_space<semaphore_mem>>
        %dma_start3A_22 = tpu.memref_slice %arg3[%add3A_11] : memref<320000xi32, #tpu.memory_space<hbm>> -> memref<1000xi32, #tpu.memory_space<hbm>>
        %dma_start3A_23 = tpu.memref_slice %arg3[%add3A_11] : memref<320000xi32, #tpu.memory_space<hbm>> -> memref<1000xi32, #tpu.memory_space<hbm>>
        tpu.enqueue_dma source(%dma_start3A_23 : memref<1000xi32, #tpu.memory_space<hbm>>) target(%arg7 : memref<1000xi32, #tpu.memory_space<vmem>>) target_semaphore(%run_scoped3A : memref<!tpu.dma_semaphore, #tpu.memory_space<semaphore_mem>>)
        %dma_wait3A_24 = tpu.memref_slice %arg3[%add3A_11] : memref<320000xi32, #tpu.memory_space<hbm>> -> memref<1000xi32, #tpu.memory_space<hbm>>
        %dma_wait3A_25 = tpu.memref_slice %arg3[%add3A_11] : memref<320000xi32, #tpu.memory_space<hbm>> -> memref<1000xi32, #tpu.memory_space<hbm>>
        tpu.wait_dma2 semaphore(%run_scoped3A : memref<!tpu.dma_semaphore, #tpu.memory_space<semaphore_mem>>) src(%dma_wait3A_25 : memref<1000xi32, #tpu.memory_space<hbm>>) dst(%arg7 : memref<1000xi32, #tpu.memory_space<vmem>>)
        tpu.yield
      }) : () -> ()
      "tpu.region"() ({
        %run_scoped3A = tpu.sem_alloc : memref<!tpu.dma_semaphore, #tpu.memory_space<semaphore_mem>>
        %dma_start3A_22 = tpu.memref_slice %arg4[%add3A_11] : memref<320000xi32, #tpu.memory_space<hbm>> -> memref<1000xi32, #tpu.memory_space<hbm>>
        %dma_start3A_23 = tpu.memref_slice %arg4[%add3A_11] : memref<320000xi32, #tpu.memory_space<hbm>> -> memref<1000xi32, #tpu.memory_space<hbm>>
        tpu.enqueue_dma source(%dma_start3A_23 : memref<1000xi32, #tpu.memory_space<hbm>>) target(%arg8 : memref<1000xi32, #tpu.memory_space<vmem>>) target_semaphore(%run_scoped3A : memref<!tpu.dma_semaphore, #tpu.memory_space<semaphore_mem>>)
        %dma_wait3A_24 = tpu.memref_slice %arg4[%add3A_11] : memref<320000xi32, #tpu.memory_space<hbm>> -> memref<1000xi32, #tpu.memory_space<hbm>>
        %dma_wait3A_25 = tpu.memref_slice %arg4[%add3A_11] : memref<320000xi32, #tpu.memory_space<hbm>> -> memref<1000xi32, #tpu.memory_space<hbm>>
        tpu.wait_dma2 semaphore(%run_scoped3A : memref<!tpu.dma_semaphore, #tpu.memory_space<semaphore_mem>>) src(%dma_wait3A_25 : memref<1000xi32, #tpu.memory_space<hbm>>) dst(%arg8 : memref<1000xi32, #tpu.memory_space<vmem>>)
        tpu.yield
      }) : () -> ()
      %dma_start3A = arith.constant 0 : i32
      %dma_start3A_12 = arith.constant 0 : i32
      %dma_start3A_13 = tpu.memref_slice %arg2[%dma_start3A, %dma_start3A_12] : memref<10000x32xf32, #tpu.memory_space<hbm>> -> memref<10000x32xf32, #tpu.memory_space<hbm>>
      tpu.enqueue_indirect_dma source(%dma_start3A_13 : memref<10000x32xf32, #tpu.memory_space<hbm>>) target(%arg9 : memref<1000x32xf32, #tpu.memory_space<vmem>>) offsets(%arg7 : memref<1000xi32, #tpu.memory_space<vmem>>) semaphore(%arg11 : memref<!tpu.dma_semaphore, #tpu.memory_space<semaphore_mem>>)
      %dma_start3A_14 = arith.constant 0 : i32
      %dma_start3A_15 = arith.constant 0 : i32
      %dma_start3A_16 = tpu.memref_slice %arg2[%dma_start3A_14, %dma_start3A_15] : memref<10000x32xf32, #tpu.memory_space<hbm>> -> memref<10000x32xf32, #tpu.memory_space<hbm>>
      tpu.enqueue_indirect_dma source(%dma_start3A_16 : memref<10000x32xf32, #tpu.memory_space<hbm>>) target(%arg10 : memref<1000x32xf32, #tpu.memory_space<vmem>>) offsets(%arg8 : memref<1000xi32, #tpu.memory_space<vmem>>) semaphore(%arg12 : memref<!tpu.dma_semaphore, #tpu.memory_space<semaphore_mem>>)
      %dma_wait3A = arith.constant 0 : i32
      %dma_wait3A_17 = arith.constant 0 : i32
      %dma_wait3A_18 = tpu.memref_slice %arg2[%dma_wait3A, %dma_wait3A_17] : memref<10000x32xf32, #tpu.memory_space<hbm>> -> memref<10000x32xf32, #tpu.memory_space<hbm>>
      tpu.wait_indirect_dma semaphore(%arg11 : memref<!tpu.dma_semaphore, #tpu.memory_space<semaphore_mem>>) src(%dma_wait3A_18 : memref<10000x32xf32, #tpu.memory_space<hbm>>) dst(%arg9 : memref<1000x32xf32, #tpu.memory_space<vmem>>)
      %dma_wait3A_19 = arith.constant 0 : i32
      %dma_wait3A_20 = arith.constant 0 : i32
      %dma_wait3A_21 = tpu.memref_slice %arg2[%dma_wait3A_19, %dma_wait3A_20] : memref<10000x32xf32, #tpu.memory_space<hbm>> -> memref<10000x32xf32, #tpu.memory_space<hbm>>
      tpu.wait_indirect_dma semaphore(%arg12 : memref<!tpu.dma_semaphore, #tpu.memory_space<semaphore_mem>>) src(%dma_wait3A_21 : memref<10000x32xf32, #tpu.memory_space<hbm>>) dst(%arg10 : memref<1000x32xf32, #tpu.memory_space<vmem>>)
      "tpu.region"() ({
        %run_scoped3A = tpu.sem_alloc : memref<!tpu.dma_semaphore, #tpu.memory_space<semaphore_mem>>
        %dma_start3A_22 = arith.constant 0 : i32
        %dma_start3A_23 = tpu.memref_slice %arg5[%add3A_11, %dma_start3A_22] : memref<320000x32xf32, #tpu.memory_space<hbm>> -> memref<1000x32xf32, #tpu.memory_space<hbm>>
        %dma_start3A_24 = arith.constant 0 : i32
        %dma_start3A_25 = tpu.memref_slice %arg5[%add3A_11, %dma_start3A_24] : memref<320000x32xf32, #tpu.memory_space<hbm>> -> memref<1000x32xf32, #tpu.memory_space<hbm>>
        tpu.enqueue_dma source(%arg9 : memref<1000x32xf32, #tpu.memory_space<vmem>>) target(%dma_start3A_25 : memref<1000x32xf32, #tpu.memory_space<hbm>>) target_semaphore(%run_scoped3A : memref<!tpu.dma_semaphore, #tpu.memory_space<semaphore_mem>>)
        %dma_wait3A_26 = arith.constant 0 : i32
        %dma_wait3A_27 = tpu.memref_slice %arg5[%add3A_11, %dma_wait3A_26] : memref<320000x32xf32, #tpu.memory_space<hbm>> -> memref<1000x32xf32, #tpu.memory_space<hbm>>
        %dma_wait3A_28 = arith.constant 0 : i32
        %dma_wait3A_29 = tpu.memref_slice %arg5[%add3A_11, %dma_wait3A_28] : memref<320000x32xf32, #tpu.memory_space<hbm>> -> memref<1000x32xf32, #tpu.memory_space<hbm>>
        tpu.wait_dma2 semaphore(%run_scoped3A : memref<!tpu.dma_semaphore, #tpu.memory_space<semaphore_mem>>) src(%arg9 : memref<1000x32xf32, #tpu.memory_space<vmem>>) dst(%dma_wait3A_29 : memref<1000x32xf32, #tpu.memory_space<hbm>>)
        tpu.yield
      }) : () -> ()
      "tpu.region"() ({
        %run_scoped3A = tpu.sem_alloc : memref<!tpu.dma_semaphore, #tpu.memory_space<semaphore_mem>>
        %dma_start3A_22 = arith.constant 0 : i32
        %dma_start3A_23 = tpu.memref_slice %arg6[%add3A_11, %dma_start3A_22] : memref<320000x32xf32, #tpu.memory_space<hbm>> -> memref<1000x32xf32, #tpu.memory_space<hbm>>
        %dma_start3A_24 = arith.constant 0 : i32
        %dma_start3A_25 = tpu.memref_slice %arg6[%add3A_11, %dma_start3A_24] : memref<320000x32xf32, #tpu.memory_space<hbm>> -> memref<1000x32xf32, #tpu.memory_space<hbm>>
        tpu.enqueue_dma source(%arg10 : memref<1000x32xf32, #tpu.memory_space<vmem>>) target(%dma_start3A_25 : memref<1000x32xf32, #tpu.memory_space<hbm>>) target_semaphore(%run_scoped3A : memref<!tpu.dma_semaphore, #tpu.memory_space<semaphore_mem>>)
        %dma_wait3A_26 = arith.constant 0 : i32
        %dma_wait3A_27 = tpu.memref_slice %arg6[%add3A_11, %dma_wait3A_26] : memref<320000x32xf32, #tpu.memory_space<hbm>> -> memref<1000x32xf32, #tpu.memory_space<hbm>>
        %dma_wait3A_28 = arith.constant 0 : i32
        %dma_wait3A_29 = tpu.memref_slice %arg6[%add3A_11, %dma_wait3A_28] : memref<320000x32xf32, #tpu.memory_space<hbm>> -> memref<1000x32xf32, #tpu.memory_space<hbm>>
        tpu.wait_dma2 semaphore(%run_scoped3A : memref<!tpu.dma_semaphore, #tpu.memory_space<semaphore_mem>>) src(%arg10 : memref<1000x32xf32, #tpu.memory_space<vmem>>) dst(%dma_wait3A_29 : memref<1000x32xf32, #tpu.memory_space<hbm>>)
        tpu.yield
      }) : () -> ()
    }
    %scan3A_7 = arith.constant 10 : i32
    return
  }
}

#map = affine_map<(d0, d1) -> (0, 0)>
#map1 = affine_map<(d0, d1) -> (0)>
module attributes {stable_mosaic.version = 14 : i64} {
  func.func @sk(%arg0: i32, %arg1: i32, %arg2: memref<320000x32xf32, #tpu.memory_space<hbm>>, %arg3: memref<320000xi32, #tpu.memory_space<hbm>>, %arg4: memref<625x32xf32, #tpu.memory_space<hbm>>, %arg5: memref<1000x32xf32, #tpu.memory_space<hbm>>, %arg6: memref<20000x32xf32, #tpu.memory_space<hbm>>, %arg7: memref<1000xi32, #tpu.memory_space<vmem>>, %arg8: memref<1000x32xf32, #tpu.memory_space<vmem>>, %arg9: memref<10000x32xf32, #tpu.memory_space<vmem_shared>>) attributes {dimension_semantics = [#tpu.dimension_semantics<core_parallel>, #tpu.dimension_semantics<subcore_parallel>], iteration_bounds = array<i64: 2, 16>, scalar_prefetch = 0 : i64, scratch_operands = 3 : i64, tpu.core_type = #tpu.core_type<sc_vector_subcore>, window_params = [{transform_indices = #map}, {transform_indices = #map1}, {transform_indices = #map}, {transform_indices = #map}, {transform_indices = #map}]} {
    %mul3A = arith.constant 625 : i32
    %mul3A_0 = arith.muli %arg1, %mul3A : i32
    "tpu.region"() ({
      %run_scoped3A = tpu.sem_alloc : memref<!tpu.dma_semaphore, #tpu.memory_space<semaphore_mem>>
      %dma_start3A = arith.constant 0 : i32
      %dma_start3A_14 = tpu.memref_slice %arg9[%mul3A_0, %dma_start3A] : memref<10000x32xf32, #tpu.memory_space<vmem_shared>> -> memref<625x32xf32, #tpu.memory_space<vmem_shared>>
      tpu.enqueue_dma source(%arg4 : memref<625x32xf32, #tpu.memory_space<hbm>>) target(%dma_start3A_14 : memref<625x32xf32, #tpu.memory_space<vmem_shared>>) target_semaphore(%run_scoped3A : memref<!tpu.dma_semaphore, #tpu.memory_space<semaphore_mem>>)
      %dma_wait3A = arith.constant 0 : i32
      %dma_wait3A_15 = tpu.memref_slice %arg9[%mul3A_0, %dma_wait3A] : memref<10000x32xf32, #tpu.memory_space<vmem_shared>> -> memref<625x32xf32, #tpu.memory_space<vmem_shared>>
      tpu.wait_dma2 semaphore(%run_scoped3A : memref<!tpu.dma_semaphore, #tpu.memory_space<semaphore_mem>>) src(%arg4 : memref<625x32xf32, #tpu.memory_space<hbm>>) dst(%dma_wait3A_15 : memref<625x32xf32, #tpu.memory_space<vmem_shared>>)
      tpu.yield
    }) : () -> ()
    %barrier3A = arith.constant 0 : index
    tpu.barrier barrier_id(%barrier3A)
    %mul3A_1 = arith.constant 160000 : i32
    %mul3A_2 = arith.muli %arg0, %mul3A_1 : i32
    %mul3A_3 = arith.constant 10000 : i32
    %mul3A_4 = arith.muli %arg1, %mul3A_3 : i32
    %add3A = arith.addi %mul3A_2, %mul3A_4 : i32
    %scan3A = arith.constant 0 : i32
    %scan3A_5 = arith.constant 0 : i32
    %scan3A_6 = arith.constant 10 : i32
    %scan3A_7 = arith.addi %scan3A_5, %scan3A_6 : i32
    %scan3A_8 = arith.constant 1 : i32
    scf.for %scan3A_14 = %scan3A_5 to %scan3A_7 step %scan3A_8  : i32 {
      %mul3A_15 = arith.constant 1000 : i32
      %mul3A_16 = arith.muli %scan3A_14, %mul3A_15 : i32
      %add3A_17 = arith.addi %add3A, %mul3A_16 : i32
      "tpu.region"() ({
        %run_scoped3A = tpu.sem_alloc : memref<!tpu.dma_semaphore, #tpu.memory_space<semaphore_mem>>
        %dma_start3A = tpu.memref_slice %arg3[%add3A_17] : memref<320000xi32, #tpu.memory_space<hbm>> -> memref<1000xi32, #tpu.memory_space<hbm>>
        %dma_start3A_18 = tpu.memref_slice %arg3[%add3A_17] : memref<320000xi32, #tpu.memory_space<hbm>> -> memref<1000xi32, #tpu.memory_space<hbm>>
        tpu.enqueue_dma source(%dma_start3A_18 : memref<1000xi32, #tpu.memory_space<hbm>>) target(%arg7 : memref<1000xi32, #tpu.memory_space<vmem>>) target_semaphore(%run_scoped3A : memref<!tpu.dma_semaphore, #tpu.memory_space<semaphore_mem>>)
        %dma_wait3A = tpu.memref_slice %arg3[%add3A_17] : memref<320000xi32, #tpu.memory_space<hbm>> -> memref<1000xi32, #tpu.memory_space<hbm>>
        %dma_wait3A_19 = tpu.memref_slice %arg3[%add3A_17] : memref<320000xi32, #tpu.memory_space<hbm>> -> memref<1000xi32, #tpu.memory_space<hbm>>
        tpu.wait_dma2 semaphore(%run_scoped3A : memref<!tpu.dma_semaphore, #tpu.memory_space<semaphore_mem>>) src(%dma_wait3A_19 : memref<1000xi32, #tpu.memory_space<hbm>>) dst(%arg7 : memref<1000xi32, #tpu.memory_space<vmem>>)
        tpu.yield
      }) : () -> ()
      "tpu.region"() ({
        %run_scoped3A = tpu.sem_alloc : memref<!tpu.dma_semaphore, #tpu.memory_space<semaphore_mem>>
        %dma_start3A = arith.constant 0 : i32
        %dma_start3A_18 = tpu.memref_slice %arg2[%add3A_17, %dma_start3A] : memref<320000x32xf32, #tpu.memory_space<hbm>> -> memref<1000x32xf32, #tpu.memory_space<hbm>>
        %dma_start3A_19 = arith.constant 0 : i32
        %dma_start3A_20 = tpu.memref_slice %arg2[%add3A_17, %dma_start3A_19] : memref<320000x32xf32, #tpu.memory_space<hbm>> -> memref<1000x32xf32, #tpu.memory_space<hbm>>
        tpu.enqueue_dma source(%dma_start3A_20 : memref<1000x32xf32, #tpu.memory_space<hbm>>) target(%arg8 : memref<1000x32xf32, #tpu.memory_space<vmem>>) target_semaphore(%run_scoped3A : memref<!tpu.dma_semaphore, #tpu.memory_space<semaphore_mem>>)
        %dma_wait3A = arith.constant 0 : i32
        %dma_wait3A_21 = tpu.memref_slice %arg2[%add3A_17, %dma_wait3A] : memref<320000x32xf32, #tpu.memory_space<hbm>> -> memref<1000x32xf32, #tpu.memory_space<hbm>>
        %dma_wait3A_22 = arith.constant 0 : i32
        %dma_wait3A_23 = tpu.memref_slice %arg2[%add3A_17, %dma_wait3A_22] : memref<320000x32xf32, #tpu.memory_space<hbm>> -> memref<1000x32xf32, #tpu.memory_space<hbm>>
        tpu.wait_dma2 semaphore(%run_scoped3A : memref<!tpu.dma_semaphore, #tpu.memory_space<semaphore_mem>>) src(%dma_wait3A_23 : memref<1000x32xf32, #tpu.memory_space<hbm>>) dst(%arg8 : memref<1000x32xf32, #tpu.memory_space<vmem>>)
        tpu.yield
      }) : () -> ()
      "tpu.region"() ({
        %run_scoped3A = tpu.sem_alloc : memref<!tpu.dma_semaphore, #tpu.memory_space<semaphore_mem>>
        %dma_start3A = arith.constant 0 : i32
        %dma_start3A_18 = arith.constant 0 : i32
        %dma_start3A_19 = tpu.memref_slice %arg9[%dma_start3A, %dma_start3A_18] : memref<10000x32xf32, #tpu.memory_space<vmem_shared>> -> memref<10000x32xf32, #tpu.memory_space<vmem_shared>>
        tpu.enqueue_indirect_dma source(%arg8 : memref<1000x32xf32, #tpu.memory_space<vmem>>) target(%dma_start3A_19 : memref<10000x32xf32, #tpu.memory_space<vmem_shared>>) offsets(%arg7 : memref<1000xi32, #tpu.memory_space<vmem>>) semaphore(%run_scoped3A : memref<!tpu.dma_semaphore, #tpu.memory_space<semaphore_mem>>) {add = true}
        %dma_wait3A = arith.constant 0 : i32
        %dma_wait3A_20 = arith.constant 0 : i32
        %dma_wait3A_21 = tpu.memref_slice %arg9[%dma_wait3A, %dma_wait3A_20] : memref<10000x32xf32, #tpu.memory_space<vmem_shared>> -> memref<10000x32xf32, #tpu.memory_space<vmem_shared>>
        tpu.wait_indirect_dma semaphore(%run_scoped3A : memref<!tpu.dma_semaphore, #tpu.memory_space<semaphore_mem>>) src(%arg8 : memref<1000x32xf32, #tpu.memory_space<vmem>>) dst(%dma_wait3A_21 : memref<10000x32xf32, #tpu.memory_space<vmem_shared>>)
        tpu.yield
      }) : () -> ()
    }
    %scan3A_9 = arith.constant 10 : i32
    %barrier3A_10 = arith.constant 0 : index
    tpu.barrier barrier_id(%barrier3A_10)
    %mul3A_11 = arith.constant 10000 : i32
    %mul3A_12 = arith.muli %arg0, %mul3A_11 : i32
    %add3A_13 = arith.addi %mul3A_12, %mul3A_0 : i32
    "tpu.region"() ({
      %run_scoped3A = tpu.sem_alloc : memref<!tpu.dma_semaphore, #tpu.memory_space<semaphore_mem>>
      %dma_start3A = arith.constant 0 : i32
      %dma_start3A_14 = tpu.memref_slice %arg6[%add3A_13, %dma_start3A] : memref<20000x32xf32, #tpu.memory_space<hbm>> -> memref<625x32xf32, #tpu.memory_space<hbm>>
      %dma_start3A_15 = arith.constant 0 : i32
      %dma_start3A_16 = tpu.memref_slice %arg9[%mul3A_0, %dma_start3A_15] : memref<10000x32xf32, #tpu.memory_space<vmem_shared>> -> memref<625x32xf32, #tpu.memory_space<vmem_shared>>
      tpu.enqueue_dma source(%dma_start3A_16 : memref<625x32xf32, #tpu.memory_space<vmem_shared>>) target(%dma_start3A_14 : memref<625x32xf32, #tpu.memory_space<hbm>>) target_semaphore(%run_scoped3A : memref<!tpu.dma_semaphore, #tpu.memory_space<semaphore_mem>>)
      %dma_wait3A = arith.constant 0 : i32
      %dma_wait3A_17 = tpu.memref_slice %arg6[%add3A_13, %dma_wait3A] : memref<20000x32xf32, #tpu.memory_space<hbm>> -> memref<625x32xf32, #tpu.memory_space<hbm>>
      %dma_wait3A_18 = arith.constant 0 : i32
      %dma_wait3A_19 = tpu.memref_slice %arg9[%mul3A_0, %dma_wait3A_18] : memref<10000x32xf32, #tpu.memory_space<vmem_shared>> -> memref<625x32xf32, #tpu.memory_space<vmem_shared>>
      tpu.wait_dma2 semaphore(%run_scoped3A : memref<!tpu.dma_semaphore, #tpu.memory_space<semaphore_mem>>) src(%dma_wait3A_19 : memref<625x32xf32, #tpu.memory_space<vmem_shared>>) dst(%dma_wait3A_17 : memref<625x32xf32, #tpu.memory_space<hbm>>)
      tpu.yield
    }) : () -> ()
    return
  }
}

#map = affine_map<(d0, d1) -> (0, 0)>
#map1 = affine_map<(d0, d1) -> (0)>
module attributes {stable_mosaic.version = 14 : i64} {
  func.func @sk(%arg0: i32, %arg1: i32, %arg2: memref<320000x32xf32, #tpu.memory_space<hbm>>, %arg3: memref<320000xi32, #tpu.memory_space<hbm>>, %arg4: memref<625x32xf32, #tpu.memory_space<hbm>>, %arg5: memref<1000x32xf32, #tpu.memory_space<hbm>>, %arg6: memref<20000x32xf32, #tpu.memory_space<hbm>>, %arg7: memref<20000x32xf32, #tpu.memory_space<hbm>>, %arg8: memref<1000xi32, #tpu.memory_space<vmem>>, %arg9: memref<1000x32xf32, #tpu.memory_space<vmem>>, %arg10: memref<10000x32xf32, #tpu.memory_space<vmem_shared>>, %arg11: memref<10000x32xf32, #tpu.memory_space<vmem_shared>>, %arg12: memref<1000x32xf32, #tpu.memory_space<vmem>>) attributes {dimension_semantics = [#tpu.dimension_semantics<core_parallel>, #tpu.dimension_semantics<subcore_parallel>], iteration_bounds = array<i64: 2, 16>, scalar_prefetch = 0 : i64, scratch_operands = 5 : i64, tpu.core_type = #tpu.core_type<sc_vector_subcore>, window_params = [{transform_indices = #map}, {transform_indices = #map1}, {transform_indices = #map}, {transform_indices = #map}, {transform_indices = #map}, {transform_indices = #map}]} {
    %mul3A = arith.constant 625 : i32
    %mul3A_0 = arith.muli %arg1, %mul3A : i32
    "tpu.region"() ({
      %run_scoped3A = tpu.sem_alloc : memref<!tpu.dma_semaphore, #tpu.memory_space<semaphore_mem>>
      %dma_start3A = arith.constant 0 : i32
      %dma_start3A_14 = tpu.memref_slice %arg10[%mul3A_0, %dma_start3A] : memref<10000x32xf32, #tpu.memory_space<vmem_shared>> -> memref<625x32xf32, #tpu.memory_space<vmem_shared>>
      tpu.enqueue_dma source(%arg4 : memref<625x32xf32, #tpu.memory_space<hbm>>) target(%dma_start3A_14 : memref<625x32xf32, #tpu.memory_space<vmem_shared>>) target_semaphore(%run_scoped3A : memref<!tpu.dma_semaphore, #tpu.memory_space<semaphore_mem>>)
      %dma_wait3A = arith.constant 0 : i32
      %dma_wait3A_15 = tpu.memref_slice %arg10[%mul3A_0, %dma_wait3A] : memref<10000x32xf32, #tpu.memory_space<vmem_shared>> -> memref<625x32xf32, #tpu.memory_space<vmem_shared>>
      tpu.wait_dma2 semaphore(%run_scoped3A : memref<!tpu.dma_semaphore, #tpu.memory_space<semaphore_mem>>) src(%arg4 : memref<625x32xf32, #tpu.memory_space<hbm>>) dst(%dma_wait3A_15 : memref<625x32xf32, #tpu.memory_space<vmem_shared>>)
      tpu.yield
    }) : () -> ()
    "tpu.region"() ({
      %run_scoped3A = tpu.sem_alloc : memref<!tpu.dma_semaphore, #tpu.memory_space<semaphore_mem>>
      %dma_start3A = arith.constant 0 : i32
      %dma_start3A_14 = tpu.memref_slice %arg11[%mul3A_0, %dma_start3A] : memref<10000x32xf32, #tpu.memory_space<vmem_shared>> -> memref<625x32xf32, #tpu.memory_space<vmem_shared>>
      tpu.enqueue_dma source(%arg4 : memref<625x32xf32, #tpu.memory_space<hbm>>) target(%dma_start3A_14 : memref<625x32xf32, #tpu.memory_space<vmem_shared>>) target_semaphore(%run_scoped3A : memref<!tpu.dma_semaphore, #tpu.memory_space<semaphore_mem>>)
      %dma_wait3A = arith.constant 0 : i32
      %dma_wait3A_15 = tpu.memref_slice %arg11[%mul3A_0, %dma_wait3A] : memref<10000x32xf32, #tpu.memory_space<vmem_shared>> -> memref<625x32xf32, #tpu.memory_space<vmem_shared>>
      tpu.wait_dma2 semaphore(%run_scoped3A : memref<!tpu.dma_semaphore, #tpu.memory_space<semaphore_mem>>) src(%arg4 : memref<625x32xf32, #tpu.memory_space<hbm>>) dst(%dma_wait3A_15 : memref<625x32xf32, #tpu.memory_space<vmem_shared>>)
      tpu.yield
    }) : () -> ()
    "tpu.region"() ({
      %run_scoped3A = tpu.sem_alloc : memref<!tpu.dma_semaphore, #tpu.memory_space<semaphore_mem>>
      tpu.enqueue_dma source(%arg5 : memref<1000x32xf32, #tpu.memory_space<hbm>>) target(%arg12 : memref<1000x32xf32, #tpu.memory_space<vmem>>) target_semaphore(%run_scoped3A : memref<!tpu.dma_semaphore, #tpu.memory_space<semaphore_mem>>)
      tpu.wait_dma2 semaphore(%run_scoped3A : memref<!tpu.dma_semaphore, #tpu.memory_space<semaphore_mem>>) src(%arg5 : memref<1000x32xf32, #tpu.memory_space<hbm>>) dst(%arg12 : memref<1000x32xf32, #tpu.memory_space<vmem>>)
      tpu.yield
    }) : () -> ()
    %barrier3A = arith.constant 0 : index
    tpu.barrier barrier_id(%barrier3A)
    %mul3A_1 = arith.constant 160000 : i32
    %mul3A_2 = arith.muli %arg0, %mul3A_1 : i32
    %mul3A_3 = arith.constant 10000 : i32
    %mul3A_4 = arith.muli %arg1, %mul3A_3 : i32
    %add3A = arith.addi %mul3A_2, %mul3A_4 : i32
    %scan3A = arith.constant 0 : i32
    %scan3A_5 = arith.constant 0 : i32
    %scan3A_6 = arith.constant 10 : i32
    %scan3A_7 = arith.addi %scan3A_5, %scan3A_6 : i32
    %scan3A_8 = arith.constant 1 : i32
    scf.for %scan3A_14 = %scan3A_5 to %scan3A_7 step %scan3A_8  : i32 {
      %mul3A_15 = arith.constant 1000 : i32
      %mul3A_16 = arith.muli %scan3A_14, %mul3A_15 : i32
      %add3A_17 = arith.addi %add3A, %mul3A_16 : i32
      "tpu.region"() ({
        %run_scoped3A = tpu.sem_alloc : memref<!tpu.dma_semaphore, #tpu.memory_space<semaphore_mem>>
        %dma_start3A = tpu.memref_slice %arg3[%add3A_17] : memref<320000xi32, #tpu.memory_space<hbm>> -> memref<1000xi32, #tpu.memory_space<hbm>>
        %dma_start3A_18 = tpu.memref_slice %arg3[%add3A_17] : memref<320000xi32, #tpu.memory_space<hbm>> -> memref<1000xi32, #tpu.memory_space<hbm>>
        tpu.enqueue_dma source(%dma_start3A_18 : memref<1000xi32, #tpu.memory_space<hbm>>) target(%arg8 : memref<1000xi32, #tpu.memory_space<vmem>>) target_semaphore(%run_scoped3A : memref<!tpu.dma_semaphore, #tpu.memory_space<semaphore_mem>>)
        %dma_wait3A = tpu.memref_slice %arg3[%add3A_17] : memref<320000xi32, #tpu.memory_space<hbm>> -> memref<1000xi32, #tpu.memory_space<hbm>>
        %dma_wait3A_19 = tpu.memref_slice %arg3[%add3A_17] : memref<320000xi32, #tpu.memory_space<hbm>> -> memref<1000xi32, #tpu.memory_space<hbm>>
        tpu.wait_dma2 semaphore(%run_scoped3A : memref<!tpu.dma_semaphore, #tpu.memory_space<semaphore_mem>>) src(%dma_wait3A_19 : memref<1000xi32, #tpu.memory_space<hbm>>) dst(%arg8 : memref<1000xi32, #tpu.memory_space<vmem>>)
        tpu.yield
      }) : () -> ()
      "tpu.region"() ({
        %run_scoped3A = tpu.sem_alloc : memref<!tpu.dma_semaphore, #tpu.memory_space<semaphore_mem>>
        %dma_start3A = arith.constant 0 : i32
        %dma_start3A_18 = tpu.memref_slice %arg2[%add3A_17, %dma_start3A] : memref<320000x32xf32, #tpu.memory_space<hbm>> -> memref<1000x32xf32, #tpu.memory_space<hbm>>
        %dma_start3A_19 = arith.constant 0 : i32
        %dma_start3A_20 = tpu.memref_slice %arg2[%add3A_17, %dma_start3A_19] : memref<320000x32xf32, #tpu.memory_space<hbm>> -> memref<1000x32xf32, #tpu.memory_space<hbm>>
        tpu.enqueue_dma source(%dma_start3A_20 : memref<1000x32xf32, #tpu.memory_space<hbm>>) target(%arg9 : memref<1000x32xf32, #tpu.memory_space<vmem>>) target_semaphore(%run_scoped3A : memref<!tpu.dma_semaphore, #tpu.memory_space<semaphore_mem>>)
        %dma_wait3A = arith.constant 0 : i32
        %dma_wait3A_21 = tpu.memref_slice %arg2[%add3A_17, %dma_wait3A] : memref<320000x32xf32, #tpu.memory_space<hbm>> -> memref<1000x32xf32, #tpu.memory_space<hbm>>
        %dma_wait3A_22 = arith.constant 0 : i32
        %dma_wait3A_23 = tpu.memref_slice %arg2[%add3A_17, %dma_wait3A_22] : memref<320000x32xf32, #tpu.memory_space<hbm>> -> memref<1000x32xf32, #tpu.memory_space<hbm>>
        tpu.wait_dma2 semaphore(%run_scoped3A : memref<!tpu.dma_semaphore, #tpu.memory_space<semaphore_mem>>) src(%dma_wait3A_23 : memref<1000x32xf32, #tpu.memory_space<hbm>>) dst(%arg9 : memref<1000x32xf32, #tpu.memory_space<vmem>>)
        tpu.yield
      }) : () -> ()
      "tpu.region"() ({
        %run_scoped3A = tpu.sem_alloc : memref<!tpu.dma_semaphore, #tpu.memory_space<semaphore_mem>>
        %dma_start3A = arith.constant 0 : i32
        %dma_start3A_18 = arith.constant 0 : i32
        %dma_start3A_19 = tpu.memref_slice %arg10[%dma_start3A, %dma_start3A_18] : memref<10000x32xf32, #tpu.memory_space<vmem_shared>> -> memref<10000x32xf32, #tpu.memory_space<vmem_shared>>
        tpu.enqueue_indirect_dma source(%arg9 : memref<1000x32xf32, #tpu.memory_space<vmem>>) target(%dma_start3A_19 : memref<10000x32xf32, #tpu.memory_space<vmem_shared>>) offsets(%arg8 : memref<1000xi32, #tpu.memory_space<vmem>>) semaphore(%run_scoped3A : memref<!tpu.dma_semaphore, #tpu.memory_space<semaphore_mem>>) {add = true}
        %dma_wait3A = arith.constant 0 : i32
        %dma_wait3A_20 = arith.constant 0 : i32
        %dma_wait3A_21 = tpu.memref_slice %arg10[%dma_wait3A, %dma_wait3A_20] : memref<10000x32xf32, #tpu.memory_space<vmem_shared>> -> memref<10000x32xf32, #tpu.memory_space<vmem_shared>>
        tpu.wait_indirect_dma semaphore(%run_scoped3A : memref<!tpu.dma_semaphore, #tpu.memory_space<semaphore_mem>>) src(%arg9 : memref<1000x32xf32, #tpu.memory_space<vmem>>) dst(%dma_wait3A_21 : memref<10000x32xf32, #tpu.memory_space<vmem_shared>>)
        tpu.yield
      }) : () -> ()
      "tpu.region"() ({
        %run_scoped3A = tpu.sem_alloc : memref<!tpu.dma_semaphore, #tpu.memory_space<semaphore_mem>>
        %dma_start3A = arith.constant 0 : i32
        %dma_start3A_18 = arith.constant 0 : i32
        %dma_start3A_19 = tpu.memref_slice %arg11[%dma_start3A, %dma_start3A_18] : memref<10000x32xf32, #tpu.memory_space<vmem_shared>> -> memref<10000x32xf32, #tpu.memory_space<vmem_shared>>
        tpu.enqueue_indirect_dma source(%arg12 : memref<1000x32xf32, #tpu.memory_space<vmem>>) target(%dma_start3A_19 : memref<10000x32xf32, #tpu.memory_space<vmem_shared>>) offsets(%arg8 : memref<1000xi32, #tpu.memory_space<vmem>>) semaphore(%run_scoped3A : memref<!tpu.dma_semaphore, #tpu.memory_space<semaphore_mem>>) {add = true}
        %dma_wait3A = arith.constant 0 : i32
        %dma_wait3A_20 = arith.constant 0 : i32
        %dma_wait3A_21 = tpu.memref_slice %arg11[%dma_wait3A, %dma_wait3A_20] : memref<10000x32xf32, #tpu.memory_space<vmem_shared>> -> memref<10000x32xf32, #tpu.memory_space<vmem_shared>>
        tpu.wait_indirect_dma semaphore(%run_scoped3A : memref<!tpu.dma_semaphore, #tpu.memory_space<semaphore_mem>>) src(%arg12 : memref<1000x32xf32, #tpu.memory_space<vmem>>) dst(%dma_wait3A_21 : memref<10000x32xf32, #tpu.memory_space<vmem_shared>>)
        tpu.yield
      }) : () -> ()
    }
    %scan3A_9 = arith.constant 10 : i32
    %barrier3A_10 = arith.constant 0 : index
    tpu.barrier barrier_id(%barrier3A_10)
    %mul3A_11 = arith.constant 10000 : i32
    %mul3A_12 = arith.muli %arg0, %mul3A_11 : i32
    %add3A_13 = arith.addi %mul3A_12, %mul3A_0 : i32
    "tpu.region"() ({
      %run_scoped3A = tpu.sem_alloc : memref<!tpu.dma_semaphore, #tpu.memory_space<semaphore_mem>>
      %dma_start3A = arith.constant 0 : i32
      %dma_start3A_14 = tpu.memref_slice %arg6[%add3A_13, %dma_start3A] : memref<20000x32xf32, #tpu.memory_space<hbm>> -> memref<625x32xf32, #tpu.memory_space<hbm>>
      %dma_start3A_15 = arith.constant 0 : i32
      %dma_start3A_16 = tpu.memref_slice %arg10[%mul3A_0, %dma_start3A_15] : memref<10000x32xf32, #tpu.memory_space<vmem_shared>> -> memref<625x32xf32, #tpu.memory_space<vmem_shared>>
      tpu.enqueue_dma source(%dma_start3A_16 : memref<625x32xf32, #tpu.memory_space<vmem_shared>>) target(%dma_start3A_14 : memref<625x32xf32, #tpu.memory_space<hbm>>) target_semaphore(%run_scoped3A : memref<!tpu.dma_semaphore, #tpu.memory_space<semaphore_mem>>)
      %dma_wait3A = arith.constant 0 : i32
      %dma_wait3A_17 = tpu.memref_slice %arg6[%add3A_13, %dma_wait3A] : memref<20000x32xf32, #tpu.memory_space<hbm>> -> memref<625x32xf32, #tpu.memory_space<hbm>>
      %dma_wait3A_18 = arith.constant 0 : i32
      %dma_wait3A_19 = tpu.memref_slice %arg10[%mul3A_0, %dma_wait3A_18] : memref<10000x32xf32, #tpu.memory_space<vmem_shared>> -> memref<625x32xf32, #tpu.memory_space<vmem_shared>>
      tpu.wait_dma2 semaphore(%run_scoped3A : memref<!tpu.dma_semaphore, #tpu.memory_space<semaphore_mem>>) src(%dma_wait3A_19 : memref<625x32xf32, #tpu.memory_space<vmem_shared>>) dst(%dma_wait3A_17 : memref<625x32xf32, #tpu.memory_space<hbm>>)
      tpu.yield
    }) : () -> ()
    "tpu.region"() ({
      %run_scoped3A = tpu.sem_alloc : memref<!tpu.dma_semaphore, #tpu.memory_space<semaphore_mem>>
      %dma_start3A = arith.constant 0 : i32
      %dma_start3A_14 = tpu.memref_slice %arg7[%add3A_13, %dma_start3A] : memref<20000x32xf32, #tpu.memory_space<hbm>> -> memref<625x32xf32, #tpu.memory_space<hbm>>
      %dma_start3A_15 = arith.constant 0 : i32
      %dma_start3A_16 = tpu.memref_slice %arg11[%mul3A_0, %dma_start3A_15] : memref<10000x32xf32, #tpu.memory_space<vmem_shared>> -> memref<625x32xf32, #tpu.memory_space<vmem_shared>>
      tpu.enqueue_dma source(%dma_start3A_16 : memref<625x32xf32, #tpu.memory_space<vmem_shared>>) target(%dma_start3A_14 : memref<625x32xf32, #tpu.memory_space<hbm>>) target_semaphore(%run_scoped3A : memref<!tpu.dma_semaphore, #tpu.memory_space<semaphore_mem>>)
      %dma_wait3A = arith.constant 0 : i32
      %dma_wait3A_17 = tpu.memref_slice %arg7[%add3A_13, %dma_wait3A] : memref<20000x32xf32, #tpu.memory_space<hbm>> -> memref<625x32xf32, #tpu.memory_space<hbm>>
      %dma_wait3A_18 = arith.constant 0 : i32
      %dma_wait3A_19 = tpu.memref_slice %arg11[%mul3A_0, %dma_wait3A_18] : memref<10000x32xf32, #tpu.memory_space<vmem_shared>> -> memref<625x32xf32, #tpu.memory_space<vmem_shared>>
      tpu.wait_dma2 semaphore(%run_scoped3A : memref<!tpu.dma_semaphore, #tpu.memory_space<semaphore_mem>>) src(%dma_wait3A_19 : memref<625x32xf32, #tpu.memory_space<vmem_shared>>) dst(%dma_wait3A_17 : memref<625x32xf32, #tpu.memory_space<hbm>>)
      tpu.yield
    }) : () -> ()
    return
  }
}

#map = affine_map<(d0, d1) -> (0, 0)>
#map1 = affine_map<(d0, d1) -> (0)>
module attributes {stable_mosaic.version = 14 : i64} {
  func.func @gk(%arg0: i32, %arg1: i32, %arg2: memref<10000x32xf32, #tpu.memory_space<hbm>>, %arg3: memref<320000xi32, #tpu.memory_space<hbm>>, %arg4: memref<320000xi32, #tpu.memory_space<hbm>>, %arg5: memref<320000x32xf32, #tpu.memory_space<hbm>>, %arg6: memref<320000x32xf32, #tpu.memory_space<hbm>>, %arg7: memref<1000xi32, #tpu.memory_space<vmem>>, %arg8: memref<1000xi32, #tpu.memory_space<vmem>>, %arg9: memref<1000x32xf32, #tpu.memory_space<vmem>>, %arg10: memref<1000x32xf32, #tpu.memory_space<vmem>>, %arg11: memref<!tpu.dma_semaphore, #tpu.memory_space<semaphore_mem>>, %arg12: memref<!tpu.dma_semaphore, #tpu.memory_space<semaphore_mem>>) attributes {dimension_semantics = [#tpu.dimension_semantics<core_parallel>, #tpu.dimension_semantics<subcore_parallel>], iteration_bounds = array<i64: 2, 16>, scalar_prefetch = 0 : i64, scratch_operands = 6 : i64, tpu.core_type = #tpu.core_type<sc_vector_subcore>, window_params = [{transform_indices = #map}, {transform_indices = #map1}, {transform_indices = #map1}, {transform_indices = #map}, {transform_indices = #map}]} {
    %mul3A = arith.constant 2 : i32
    %mul3A_0 = arith.muli %arg1, %mul3A : i32
    %add3A = arith.addi %mul3A_0, %arg0 : i32
    %mul3A_1 = arith.constant 10000 : i32
    %mul3A_2 = arith.muli %add3A, %mul3A_1 : i32
    %scan3A = arith.constant 0 : i32
    %scan3A_3 = arith.constant 0 : i32
    %scan3A_4 = arith.constant 10 : i32
    %scan3A_5 = arith.addi %scan3A_3, %scan3A_4 : i32
    %scan3A_6 = arith.constant 1 : i32
    scf.for %scan3A_8 = %scan3A_3 to %scan3A_5 step %scan3A_6  : i32 {
      %mul3A_9 = arith.constant 1000 : i32
      %mul3A_10 = arith.muli %scan3A_8, %mul3A_9 : i32
      %add3A_11 = arith.addi %mul3A_2, %mul3A_10 : i32
      "tpu.region"() ({
        %run_scoped3A = tpu.sem_alloc : memref<!tpu.dma_semaphore, #tpu.memory_space<semaphore_mem>>
        %dma_start3A_22 = tpu.memref_slice %arg3[%add3A_11] : memref<320000xi32, #tpu.memory_space<hbm>> -> memref<1000xi32, #tpu.memory_space<hbm>>
        %dma_start3A_23 = tpu.memref_slice %arg3[%add3A_11] : memref<320000xi32, #tpu.memory_space<hbm>> -> memref<1000xi32, #tpu.memory_space<hbm>>
        tpu.enqueue_dma source(%dma_start3A_23 : memref<1000xi32, #tpu.memory_space<hbm>>) target(%arg7 : memref<1000xi32, #tpu.memory_space<vmem>>) target_semaphore(%run_scoped3A : memref<!tpu.dma_semaphore, #tpu.memory_space<semaphore_mem>>)
        %dma_wait3A_24 = tpu.memref_slice %arg3[%add3A_11] : memref<320000xi32, #tpu.memory_space<hbm>> -> memref<1000xi32, #tpu.memory_space<hbm>>
        %dma_wait3A_25 = tpu.memref_slice %arg3[%add3A_11] : memref<320000xi32, #tpu.memory_space<hbm>> -> memref<1000xi32, #tpu.memory_space<hbm>>
        tpu.wait_dma2 semaphore(%run_scoped3A : memref<!tpu.dma_semaphore, #tpu.memory_space<semaphore_mem>>) src(%dma_wait3A_25 : memref<1000xi32, #tpu.memory_space<hbm>>) dst(%arg7 : memref<1000xi32, #tpu.memory_space<vmem>>)
        tpu.yield
      }) : () -> ()
      "tpu.region"() ({
        %run_scoped3A = tpu.sem_alloc : memref<!tpu.dma_semaphore, #tpu.memory_space<semaphore_mem>>
        %dma_start3A_22 = tpu.memref_slice %arg4[%add3A_11] : memref<320000xi32, #tpu.memory_space<hbm>> -> memref<1000xi32, #tpu.memory_space<hbm>>
        %dma_start3A_23 = tpu.memref_slice %arg4[%add3A_11] : memref<320000xi32, #tpu.memory_space<hbm>> -> memref<1000xi32, #tpu.memory_space<hbm>>
        tpu.enqueue_dma source(%dma_start3A_23 : memref<1000xi32, #tpu.memory_space<hbm>>) target(%arg8 : memref<1000xi32, #tpu.memory_space<vmem>>) target_semaphore(%run_scoped3A : memref<!tpu.dma_semaphore, #tpu.memory_space<semaphore_mem>>)
        %dma_wait3A_24 = tpu.memref_slice %arg4[%add3A_11] : memref<320000xi32, #tpu.memory_space<hbm>> -> memref<1000xi32, #tpu.memory_space<hbm>>
        %dma_wait3A_25 = tpu.memref_slice %arg4[%add3A_11] : memref<320000xi32, #tpu.memory_space<hbm>> -> memref<1000xi32, #tpu.memory_space<hbm>>
        tpu.wait_dma2 semaphore(%run_scoped3A : memref<!tpu.dma_semaphore, #tpu.memory_space<semaphore_mem>>) src(%dma_wait3A_25 : memref<1000xi32, #tpu.memory_space<hbm>>) dst(%arg8 : memref<1000xi32, #tpu.memory_space<vmem>>)
        tpu.yield
      }) : () -> ()
      %dma_start3A = arith.constant 0 : i32
      %dma_start3A_12 = arith.constant 0 : i32
      %dma_start3A_13 = tpu.memref_slice %arg2[%dma_start3A, %dma_start3A_12] : memref<10000x32xf32, #tpu.memory_space<hbm>> -> memref<10000x32xf32, #tpu.memory_space<hbm>>
      tpu.enqueue_indirect_dma source(%dma_start3A_13 : memref<10000x32xf32, #tpu.memory_space<hbm>>) target(%arg9 : memref<1000x32xf32, #tpu.memory_space<vmem>>) offsets(%arg7 : memref<1000xi32, #tpu.memory_space<vmem>>) semaphore(%arg11 : memref<!tpu.dma_semaphore, #tpu.memory_space<semaphore_mem>>)
      %dma_start3A_14 = arith.constant 0 : i32
      %dma_start3A_15 = arith.constant 0 : i32
      %dma_start3A_16 = tpu.memref_slice %arg2[%dma_start3A_14, %dma_start3A_15] : memref<10000x32xf32, #tpu.memory_space<hbm>> -> memref<10000x32xf32, #tpu.memory_space<hbm>>
      tpu.enqueue_indirect_dma source(%dma_start3A_16 : memref<10000x32xf32, #tpu.memory_space<hbm>>) target(%arg10 : memref<1000x32xf32, #tpu.memory_space<vmem>>) offsets(%arg8 : memref<1000xi32, #tpu.memory_space<vmem>>) semaphore(%arg12 : memref<!tpu.dma_semaphore, #tpu.memory_space<semaphore_mem>>)
      %dma_wait3A = arith.constant 0 : i32
      %dma_wait3A_17 = arith.constant 0 : i32
      %dma_wait3A_18 = tpu.memref_slice %arg2[%dma_wait3A, %dma_wait3A_17] : memref<10000x32xf32, #tpu.memory_space<hbm>> -> memref<10000x32xf32, #tpu.memory_space<hbm>>
      tpu.wait_indirect_dma semaphore(%arg11 : memref<!tpu.dma_semaphore, #tpu.memory_space<semaphore_mem>>) src(%dma_wait3A_18 : memref<10000x32xf32, #tpu.memory_space<hbm>>) dst(%arg9 : memref<1000x32xf32, #tpu.memory_space<vmem>>)
      %dma_wait3A_19 = arith.constant 0 : i32
      %dma_wait3A_20 = arith.constant 0 : i32
      %dma_wait3A_21 = tpu.memref_slice %arg2[%dma_wait3A_19, %dma_wait3A_20] : memref<10000x32xf32, #tpu.memory_space<hbm>> -> memref<10000x32xf32, #tpu.memory_space<hbm>>
      tpu.wait_indirect_dma semaphore(%arg12 : memref<!tpu.dma_semaphore, #tpu.memory_space<semaphore_mem>>) src(%dma_wait3A_21 : memref<10000x32xf32, #tpu.memory_space<hbm>>) dst(%arg10 : memref<1000x32xf32, #tpu.memory_space<vmem>>)
      "tpu.region"() ({
        %run_scoped3A = tpu.sem_alloc : memref<!tpu.dma_semaphore, #tpu.memory_space<semaphore_mem>>
        %dma_start3A_22 = arith.constant 0 : i32
        %dma_start3A_23 = tpu.memref_slice %arg5[%add3A_11, %dma_start3A_22] : memref<320000x32xf32, #tpu.memory_space<hbm>> -> memref<1000x32xf32, #tpu.memory_space<hbm>>
        %dma_start3A_24 = arith.constant 0 : i32
        %dma_start3A_25 = tpu.memref_slice %arg5[%add3A_11, %dma_start3A_24] : memref<320000x32xf32, #tpu.memory_space<hbm>> -> memref<1000x32xf32, #tpu.memory_space<hbm>>
        tpu.enqueue_dma source(%arg9 : memref<1000x32xf32, #tpu.memory_space<vmem>>) target(%dma_start3A_25 : memref<1000x32xf32, #tpu.memory_space<hbm>>) target_semaphore(%run_scoped3A : memref<!tpu.dma_semaphore, #tpu.memory_space<semaphore_mem>>)
        %dma_wait3A_26 = arith.constant 0 : i32
        %dma_wait3A_27 = tpu.memref_slice %arg5[%add3A_11, %dma_wait3A_26] : memref<320000x32xf32, #tpu.memory_space<hbm>> -> memref<1000x32xf32, #tpu.memory_space<hbm>>
        %dma_wait3A_28 = arith.constant 0 : i32
        %dma_wait3A_29 = tpu.memref_slice %arg5[%add3A_11, %dma_wait3A_28] : memref<320000x32xf32, #tpu.memory_space<hbm>> -> memref<1000x32xf32, #tpu.memory_space<hbm>>
        tpu.wait_dma2 semaphore(%run_scoped3A : memref<!tpu.dma_semaphore, #tpu.memory_space<semaphore_mem>>) src(%arg9 : memref<1000x32xf32, #tpu.memory_space<vmem>>) dst(%dma_wait3A_29 : memref<1000x32xf32, #tpu.memory_space<hbm>>)
        tpu.yield
      }) : () -> ()
      "tpu.region"() ({
        %run_scoped3A = tpu.sem_alloc : memref<!tpu.dma_semaphore, #tpu.memory_space<semaphore_mem>>
        %dma_start3A_22 = arith.constant 0 : i32
        %dma_start3A_23 = tpu.memref_slice %arg6[%add3A_11, %dma_start3A_22] : memref<320000x32xf32, #tpu.memory_space<hbm>> -> memref<1000x32xf32, #tpu.memory_space<hbm>>
        %dma_start3A_24 = arith.constant 0 : i32
        %dma_start3A_25 = tpu.memref_slice %arg6[%add3A_11, %dma_start3A_24] : memref<320000x32xf32, #tpu.memory_space<hbm>> -> memref<1000x32xf32, #tpu.memory_space<hbm>>
        tpu.enqueue_dma source(%arg10 : memref<1000x32xf32, #tpu.memory_space<vmem>>) target(%dma_start3A_25 : memref<1000x32xf32, #tpu.memory_space<hbm>>) target_semaphore(%run_scoped3A : memref<!tpu.dma_semaphore, #tpu.memory_space<semaphore_mem>>)
        %dma_wait3A_26 = arith.constant 0 : i32
        %dma_wait3A_27 = tpu.memref_slice %arg6[%add3A_11, %dma_wait3A_26] : memref<320000x32xf32, #tpu.memory_space<hbm>> -> memref<1000x32xf32, #tpu.memory_space<hbm>>
        %dma_wait3A_28 = arith.constant 0 : i32
        %dma_wait3A_29 = tpu.memref_slice %arg6[%add3A_11, %dma_wait3A_28] : memref<320000x32xf32, #tpu.memory_space<hbm>> -> memref<1000x32xf32, #tpu.memory_space<hbm>>
        tpu.wait_dma2 semaphore(%run_scoped3A : memref<!tpu.dma_semaphore, #tpu.memory_space<semaphore_mem>>) src(%arg10 : memref<1000x32xf32, #tpu.memory_space<vmem>>) dst(%dma_wait3A_29 : memref<1000x32xf32, #tpu.memory_space<hbm>>)
        tpu.yield
      }) : () -> ()
    }
    %scan3A_7 = arith.constant 10 : i32
    return
  }
}

#map = affine_map<(d0, d1) -> (0, 0)>
#map1 = affine_map<(d0, d1) -> (0)>
module attributes {stable_mosaic.version = 14 : i64} {
  func.func @sk(%arg0: i32, %arg1: i32, %arg2: memref<320000x32xf32, #tpu.memory_space<hbm>>, %arg3: memref<320000xi32, #tpu.memory_space<hbm>>, %arg4: memref<625x32xf32, #tpu.memory_space<hbm>>, %arg5: memref<1000x32xf32, #tpu.memory_space<hbm>>, %arg6: memref<20000x32xf32, #tpu.memory_space<hbm>>, %arg7: memref<1000xi32, #tpu.memory_space<vmem>>, %arg8: memref<1000x32xf32, #tpu.memory_space<vmem>>, %arg9: memref<10000x32xf32, #tpu.memory_space<vmem_shared>>) attributes {dimension_semantics = [#tpu.dimension_semantics<core_parallel>, #tpu.dimension_semantics<subcore_parallel>], iteration_bounds = array<i64: 2, 16>, scalar_prefetch = 0 : i64, scratch_operands = 3 : i64, tpu.core_type = #tpu.core_type<sc_vector_subcore>, window_params = [{transform_indices = #map}, {transform_indices = #map1}, {transform_indices = #map}, {transform_indices = #map}, {transform_indices = #map}]} {
    %mul3A = arith.constant 625 : i32
    %mul3A_0 = arith.muli %arg1, %mul3A : i32
    "tpu.region"() ({
      %run_scoped3A = tpu.sem_alloc : memref<!tpu.dma_semaphore, #tpu.memory_space<semaphore_mem>>
      %dma_start3A = arith.constant 0 : i32
      %dma_start3A_14 = tpu.memref_slice %arg9[%mul3A_0, %dma_start3A] : memref<10000x32xf32, #tpu.memory_space<vmem_shared>> -> memref<625x32xf32, #tpu.memory_space<vmem_shared>>
      tpu.enqueue_dma source(%arg4 : memref<625x32xf32, #tpu.memory_space<hbm>>) target(%dma_start3A_14 : memref<625x32xf32, #tpu.memory_space<vmem_shared>>) target_semaphore(%run_scoped3A : memref<!tpu.dma_semaphore, #tpu.memory_space<semaphore_mem>>)
      %dma_wait3A = arith.constant 0 : i32
      %dma_wait3A_15 = tpu.memref_slice %arg9[%mul3A_0, %dma_wait3A] : memref<10000x32xf32, #tpu.memory_space<vmem_shared>> -> memref<625x32xf32, #tpu.memory_space<vmem_shared>>
      tpu.wait_dma2 semaphore(%run_scoped3A : memref<!tpu.dma_semaphore, #tpu.memory_space<semaphore_mem>>) src(%arg4 : memref<625x32xf32, #tpu.memory_space<hbm>>) dst(%dma_wait3A_15 : memref<625x32xf32, #tpu.memory_space<vmem_shared>>)
      tpu.yield
    }) : () -> ()
    %barrier3A = arith.constant 0 : index
    tpu.barrier barrier_id(%barrier3A)
    %mul3A_1 = arith.constant 160000 : i32
    %mul3A_2 = arith.muli %arg0, %mul3A_1 : i32
    %mul3A_3 = arith.constant 10000 : i32
    %mul3A_4 = arith.muli %arg1, %mul3A_3 : i32
    %add3A = arith.addi %mul3A_2, %mul3A_4 : i32
    %scan3A = arith.constant 0 : i32
    %scan3A_5 = arith.constant 0 : i32
    %scan3A_6 = arith.constant 10 : i32
    %scan3A_7 = arith.addi %scan3A_5, %scan3A_6 : i32
    %scan3A_8 = arith.constant 1 : i32
    scf.for %scan3A_14 = %scan3A_5 to %scan3A_7 step %scan3A_8  : i32 {
      %mul3A_15 = arith.constant 1000 : i32
      %mul3A_16 = arith.muli %scan3A_14, %mul3A_15 : i32
      %add3A_17 = arith.addi %add3A, %mul3A_16 : i32
      "tpu.region"() ({
        %run_scoped3A = tpu.sem_alloc : memref<!tpu.dma_semaphore, #tpu.memory_space<semaphore_mem>>
        %dma_start3A = tpu.memref_slice %arg3[%add3A_17] : memref<320000xi32, #tpu.memory_space<hbm>> -> memref<1000xi32, #tpu.memory_space<hbm>>
        %dma_start3A_18 = tpu.memref_slice %arg3[%add3A_17] : memref<320000xi32, #tpu.memory_space<hbm>> -> memref<1000xi32, #tpu.memory_space<hbm>>
        tpu.enqueue_dma source(%dma_start3A_18 : memref<1000xi32, #tpu.memory_space<hbm>>) target(%arg7 : memref<1000xi32, #tpu.memory_space<vmem>>) target_semaphore(%run_scoped3A : memref<!tpu.dma_semaphore, #tpu.memory_space<semaphore_mem>>)
        %dma_wait3A = tpu.memref_slice %arg3[%add3A_17] : memref<320000xi32, #tpu.memory_space<hbm>> -> memref<1000xi32, #tpu.memory_space<hbm>>
        %dma_wait3A_19 = tpu.memref_slice %arg3[%add3A_17] : memref<320000xi32, #tpu.memory_space<hbm>> -> memref<1000xi32, #tpu.memory_space<hbm>>
        tpu.wait_dma2 semaphore(%run_scoped3A : memref<!tpu.dma_semaphore, #tpu.memory_space<semaphore_mem>>) src(%dma_wait3A_19 : memref<1000xi32, #tpu.memory_space<hbm>>) dst(%arg7 : memref<1000xi32, #tpu.memory_space<vmem>>)
        tpu.yield
      }) : () -> ()
      "tpu.region"() ({
        %run_scoped3A = tpu.sem_alloc : memref<!tpu.dma_semaphore, #tpu.memory_space<semaphore_mem>>
        %dma_start3A = arith.constant 0 : i32
        %dma_start3A_18 = tpu.memref_slice %arg2[%add3A_17, %dma_start3A] : memref<320000x32xf32, #tpu.memory_space<hbm>> -> memref<1000x32xf32, #tpu.memory_space<hbm>>
        %dma_start3A_19 = arith.constant 0 : i32
        %dma_start3A_20 = tpu.memref_slice %arg2[%add3A_17, %dma_start3A_19] : memref<320000x32xf32, #tpu.memory_space<hbm>> -> memref<1000x32xf32, #tpu.memory_space<hbm>>
        tpu.enqueue_dma source(%dma_start3A_20 : memref<1000x32xf32, #tpu.memory_space<hbm>>) target(%arg8 : memref<1000x32xf32, #tpu.memory_space<vmem>>) target_semaphore(%run_scoped3A : memref<!tpu.dma_semaphore, #tpu.memory_space<semaphore_mem>>)
        %dma_wait3A = arith.constant 0 : i32
        %dma_wait3A_21 = tpu.memref_slice %arg2[%add3A_17, %dma_wait3A] : memref<320000x32xf32, #tpu.memory_space<hbm>> -> memref<1000x32xf32, #tpu.memory_space<hbm>>
        %dma_wait3A_22 = arith.constant 0 : i32
        %dma_wait3A_23 = tpu.memref_slice %arg2[%add3A_17, %dma_wait3A_22] : memref<320000x32xf32, #tpu.memory_space<hbm>> -> memref<1000x32xf32, #tpu.memory_space<hbm>>
        tpu.wait_dma2 semaphore(%run_scoped3A : memref<!tpu.dma_semaphore, #tpu.memory_space<semaphore_mem>>) src(%dma_wait3A_23 : memref<1000x32xf32, #tpu.memory_space<hbm>>) dst(%arg8 : memref<1000x32xf32, #tpu.memory_space<vmem>>)
        tpu.yield
      }) : () -> ()
      "tpu.region"() ({
        %run_scoped3A = tpu.sem_alloc : memref<!tpu.dma_semaphore, #tpu.memory_space<semaphore_mem>>
        %dma_start3A = arith.constant 0 : i32
        %dma_start3A_18 = arith.constant 0 : i32
        %dma_start3A_19 = tpu.memref_slice %arg9[%dma_start3A, %dma_start3A_18] : memref<10000x32xf32, #tpu.memory_space<vmem_shared>> -> memref<10000x32xf32, #tpu.memory_space<vmem_shared>>
        tpu.enqueue_indirect_dma source(%arg8 : memref<1000x32xf32, #tpu.memory_space<vmem>>) target(%dma_start3A_19 : memref<10000x32xf32, #tpu.memory_space<vmem_shared>>) offsets(%arg7 : memref<1000xi32, #tpu.memory_space<vmem>>) semaphore(%run_scoped3A : memref<!tpu.dma_semaphore, #tpu.memory_space<semaphore_mem>>) {add = true}
        %dma_wait3A = arith.constant 0 : i32
        %dma_wait3A_20 = arith.constant 0 : i32
        %dma_wait3A_21 = tpu.memref_slice %arg9[%dma_wait3A, %dma_wait3A_20] : memref<10000x32xf32, #tpu.memory_space<vmem_shared>> -> memref<10000x32xf32, #tpu.memory_space<vmem_shared>>
        tpu.wait_indirect_dma semaphore(%run_scoped3A : memref<!tpu.dma_semaphore, #tpu.memory_space<semaphore_mem>>) src(%arg8 : memref<1000x32xf32, #tpu.memory_space<vmem>>) dst(%dma_wait3A_21 : memref<10000x32xf32, #tpu.memory_space<vmem_shared>>)
        tpu.yield
      }) : () -> ()
    }
    %scan3A_9 = arith.constant 10 : i32
    %barrier3A_10 = arith.constant 0 : index
    tpu.barrier barrier_id(%barrier3A_10)
    %mul3A_11 = arith.constant 10000 : i32
    %mul3A_12 = arith.muli %arg0, %mul3A_11 : i32
    %add3A_13 = arith.addi %mul3A_12, %mul3A_0 : i32
    "tpu.region"() ({
      %run_scoped3A = tpu.sem_alloc : memref<!tpu.dma_semaphore, #tpu.memory_space<semaphore_mem>>
      %dma_start3A = arith.constant 0 : i32
      %dma_start3A_14 = tpu.memref_slice %arg6[%add3A_13, %dma_start3A] : memref<20000x32xf32, #tpu.memory_space<hbm>> -> memref<625x32xf32, #tpu.memory_space<hbm>>
      %dma_start3A_15 = arith.constant 0 : i32
      %dma_start3A_16 = tpu.memref_slice %arg9[%mul3A_0, %dma_start3A_15] : memref<10000x32xf32, #tpu.memory_space<vmem_shared>> -> memref<625x32xf32, #tpu.memory_space<vmem_shared>>
      tpu.enqueue_dma source(%dma_start3A_16 : memref<625x32xf32, #tpu.memory_space<vmem_shared>>) target(%dma_start3A_14 : memref<625x32xf32, #tpu.memory_space<hbm>>) target_semaphore(%run_scoped3A : memref<!tpu.dma_semaphore, #tpu.memory_space<semaphore_mem>>)
      %dma_wait3A = arith.constant 0 : i32
      %dma_wait3A_17 = tpu.memref_slice %arg6[%add3A_13, %dma_wait3A] : memref<20000x32xf32, #tpu.memory_space<hbm>> -> memref<625x32xf32, #tpu.memory_space<hbm>>
      %dma_wait3A_18 = arith.constant 0 : i32
      %dma_wait3A_19 = tpu.memref_slice %arg9[%mul3A_0, %dma_wait3A_18] : memref<10000x32xf32, #tpu.memory_space<vmem_shared>> -> memref<625x32xf32, #tpu.memory_space<vmem_shared>>
      tpu.wait_dma2 semaphore(%run_scoped3A : memref<!tpu.dma_semaphore, #tpu.memory_space<semaphore_mem>>) src(%dma_wait3A_19 : memref<625x32xf32, #tpu.memory_space<vmem_shared>>) dst(%dma_wait3A_17 : memref<625x32xf32, #tpu.memory_space<hbm>>)
      tpu.yield
    }) : () -> ()
    return
  }
}

module attributes {stable_mosaic.version = 14 : i64} {
  func.func @_emb_body(%arg0: memref<10000x128xf32, #tpu.memory_space<vmem>>, %arg1: memref<128x32xf32, #tpu.memory_space<vmem>>, %arg2: memref<1x32xf32, #tpu.memory_space<vmem>>, %arg3: memref<1x16xf32, #tpu.memory_space<vmem>>, %arg4: memref<16x32xf32, #tpu.memory_space<vmem>>, %arg5: memref<1x32xf32, #tpu.memory_space<vmem>>, %arg6: memref<10000x32xf32, #tpu.memory_space<vmem>>, %arg7: memref<1x32xf32, #tpu.memory_space<vmem>>) attributes {dimension_semantics = [], scalar_prefetch = 0 : i64, scratch_operands = 0 : i64, tpu.core_type = #tpu.core_type<tc>} {
    %get3A = arith.constant 0 : index
    %get3A_0 = arith.constant 0 : index
    %get3A_1 = vector.load %arg0[%get3A, %get3A_0] : memref<10000x128xf32, #tpu.memory_space<vmem>>, vector<10000x128xf32>
    %get3A_2 = arith.constant 0 : index
    %get3A_3 = arith.constant 0 : index
    %get3A_4 = vector.load %arg1[%get3A_2, %get3A_3] : memref<128x32xf32, #tpu.memory_space<vmem>>, vector<128x32xf32>
    %dot_general3A = arith.constant dense<0.000000e+00> : vector<10000x32xf32>
    %dot_general3A_5 = tpu.matmul %get3A_1, %get3A_4, %dot_general3A {dimension_numbers = #tpu.dot_dimension_numbers<[1], [0], [0], [1], [0, 0, 1, 1], [], []>, transpose_lhs_hint = false} : vector<10000x128xf32>, vector<128x32xf32>, vector<10000x32xf32> -> vector<10000x32xf32>
    %get3A_6 = arith.constant 0 : index
    %get3A_7 = arith.constant 0 : index
    %get3A_8 = vector.load %arg2[%get3A_6, %get3A_7] : memref<1x32xf32, #tpu.memory_space<vmem>>, vector<1x32xf32>
    %add3A = vector.broadcast %get3A_8 : vector<1x32xf32> to vector<10000x32xf32>
    %add3A_9 = arith.addf %dot_general3A_5, %add3A : vector<10000x32xf32>
    %swap3A = arith.constant 0 : index
    %swap3A_10 = arith.constant 0 : index
    %swap3A_11 = vector.load %arg6[%swap3A, %swap3A_10] : memref<10000x32xf32, #tpu.memory_space<vmem>>, vector<10000x32xf32>
    tpu.vector_store %arg6[%swap3A, %swap3A_10], %add3A_9 {strides = array<i32>} : memref<10000x32xf32, #tpu.memory_space<vmem>>, vector<10000x32xf32>,
    %get3A_12 = arith.constant 0 : index
    %get3A_13 = arith.constant 0 : index
    %get3A_14 = vector.load %arg3[%get3A_12, %get3A_13] : memref<1x16xf32, #tpu.memory_space<vmem>>, vector<1x16xf32>
    %get3A_15 = arith.constant 0 : index
    %get3A_16 = arith.constant 0 : index
    %get3A_17 = vector.load %arg4[%get3A_15, %get3A_16] : memref<16x32xf32, #tpu.memory_space<vmem>>, vector<16x32xf32>
    %dot_general3A_18 = arith.constant dense<0.000000e+00> : vector<1x32xf32>
    %dot_general3A_19 = tpu.matmul %get3A_14, %get3A_17, %dot_general3A_18 {dimension_numbers = #tpu.dot_dimension_numbers<[1], [0], [0], [1], [0, 0, 1, 1], [], []>, transpose_lhs_hint = false} : vector<1x16xf32>, vector<16x32xf32>, vector<1x32xf32> -> vector<1x32xf32>
    %get3A_20 = arith.constant 0 : index
    %get3A_21 = arith.constant 0 : index
    %get3A_22 = vector.load %arg5[%get3A_20, %get3A_21] : memref<1x32xf32, #tpu.memory_space<vmem>>, vector<1x32xf32>
    %add3A_23 = arith.addf %dot_general3A_19, %get3A_22 : vector<1x32xf32>
    %swap3A_24 = arith.constant 0 : index
    %swap3A_25 = arith.constant 0 : index
    %swap3A_26 = vector.load %arg7[%swap3A_24, %swap3A_25] : memref<1x32xf32, #tpu.memory_space<vmem>>, vector<1x32xf32>
    tpu.vector_store %arg7[%swap3A_24, %swap3A_25], %add3A_23 {strides = array<i32>} : memref<1x32xf32, #tpu.memory_space<vmem>>, vector<1x32xf32>,
    return
  }
}

module attributes {stable_mosaic.version = 14 : i64} {
  func.func @_edge_body(%arg0: i32, %arg1: memref<4000x128xf32, #tpu.memory_space<vmem>>, %arg2: memref<4000x128xf32, #tpu.memory_space<vmem>>, %arg3: memref<4000x64xf32, #tpu.memory_space<vmem>>, %arg4: memref<1x32xf32, #tpu.memory_space<vmem>>, %arg5: memref<128x256xbf16, #tpu.memory_space<vmem>>, %arg6: memref<128x256xbf16, #tpu.memory_space<vmem>>, %arg7: memref<128x256xbf16, #tpu.memory_space<vmem>>, %arg8: memref<32x64xf32, #tpu.memory_space<vmem>>, %arg9: memref<1x64xf32, #tpu.memory_space<vmem>>, %arg10: memref<256x256xbf16, #tpu.memory_space<vmem>>, %arg11: memref<1x256xf32, #tpu.memory_space<vmem>>, %arg12: memref<256x128xbf16, #tpu.memory_space<vmem>>, %arg13: memref<1x128xf32, #tpu.memory_space<vmem>>, %arg14: memref<128x32xf32, #tpu.memory_space<vmem>>, %arg15: memref<64x128xbf16, #tpu.memory_space<vmem>>, %arg16: memref<1x128xf32, #tpu.memory_space<vmem>>, %arg17: memref<4000x128xf32, #tpu.memory_space<vmem>>, %arg18: memref<1x32xf32, #tpu.memory_space<vmem>>, %arg19: memref<1x128xf32, #tpu.memory_space<vmem>>) attributes {dimension_semantics = [#tpu.dimension_semantics<arbitrary>], iteration_bounds = array<i64: 20>, scalar_prefetch = 0 : i64, scratch_operands = 1 : i64, tpu.core_type = #tpu.core_type<tc>, window_params = [{transform_indices = @transform_0, window_bounds = array<i64: 4000, 128>}, {transform_indices = @transform_1, window_bounds = array<i64: 4000, 128>}, {transform_indices = @transform_2, window_bounds = array<i64: 4000, 64>}, {pipeline_mode = #tpu.pipeline_mode<synchronous>, transform_indices = @transform_3, window_bounds = array<i64: 1, 32>}, {pipeline_mode = #tpu.pipeline_mode<synchronous>, transform_indices = @transform_4, window_bounds = array<i64: 128, 256>}, {pipeline_mode = #tpu.pipeline_mode<synchronous>, transform_indices = @transform_5, window_bounds = array<i64: 128, 256>}, {pipeline_mode = #tpu.pipeline_mode<synchronous>, transform_indices = @transform_6, window_bounds = array<i64: 128, 256>}, {pipeline_mode = #tpu.pipeline_mode<synchronous>, transform_indices = @transform_7, window_bounds = array<i64: 32, 64>}, {pipeline_mode = #tpu.pipeline_mode<synchronous>, transform_indices = @transform_8, window_bounds = array<i64: 1, 64>}, {pipeline_mode = #tpu.pipeline_mode<synchronous>, transform_indices = @transform_9, window_bounds = array<i64: 256, 256>}, {pipeline_mode = #tpu.pipeline_mode<synchronous>, transform_indices = @transform_10, window_bounds = array<i64: 1, 256>}, {pipeline_mode = #tpu.pipeline_mode<synchronous>, transform_indices = @transform_11, window_bounds = array<i64: 256, 128>}, {pipeline_mode = #tpu.pipeline_mode<synchronous>, transform_indices = @transform_12, window_bounds = array<i64: 1, 128>}, {pipeline_mode = #tpu.pipeline_mode<synchronous>, transform_indices = @transform_13, window_bounds = array<i64: 128, 32>}, {pipeline_mode = #tpu.pipeline_mode<synchronous>, transform_indices = @transform_14, window_bounds = array<i64: 64, 128>}, {pipeline_mode = #tpu.pipeline_mode<synchronous>, transform_indices = @transform_15, window_bounds = array<i64: 1, 128>}, {transform_indices = @transform_16, window_bounds = array<i64: 4000, 128>}, {pipeline_mode = #tpu.pipeline_mode<synchronous>, transform_indices = @transform_17, window_bounds = array<i64: 1, 32>}]} {
    %get3A = arith.constant 0 : index
    %get3A_0 = arith.constant 0 : index
    %get3A_1 = vector.load %arg1[%get3A, %get3A_0] : memref<4000x128xf32, #tpu.memory_space<vmem>>, vector<4000x128xf32>
    %convert_element_type3A = arith.truncf %get3A_1 : vector<4000x128xf32> to vector<4000x128xbf16>
    %get3A_2 = arith.constant 0 : index
    %get3A_3 = arith.constant 0 : index
    %get3A_4 = vector.load %arg2[%get3A_2, %get3A_3] : memref<4000x128xf32, #tpu.memory_space<vmem>>, vector<4000x128xf32>
    %convert_element_type3A_5 = arith.truncf %get3A_4 : vector<4000x128xf32> to vector<4000x128xbf16>
    %get3A_6 = arith.constant 0 : index
    %get3A_7 = arith.constant 0 : index
    %get3A_8 = vector.load %arg3[%get3A_6, %get3A_7] : memref<4000x64xf32, #tpu.memory_space<vmem>>, vector<4000x64xf32>
    %convert_element_type3A_9 = arith.truncf %get3A_8 : vector<4000x64xf32> to vector<4000x64xbf16>
    %get3A_10 = arith.constant 0 : index
    %get3A_11 = arith.constant 0 : index
    %get3A_12 = vector.load %arg15[%get3A_10, %get3A_11] : memref<64x128xbf16, #tpu.memory_space<vmem>>, vector<64x128xbf16>
    %dot_general3A = arith.constant dense<0.000000e+00> : vector<4000x128xf32>
    %dot_general3A_13 = tpu.matmul %convert_element_type3A_9, %get3A_12, %dot_general3A {dimension_numbers = #tpu.dot_dimension_numbers<[1], [0], [0], [1], [0, 0, 1, 1], [], []>, transpose_lhs_hint = false} : vector<4000x64xbf16>, vector<64x128xbf16>, vector<4000x128xf32> -> vector<4000x128xf32>
    %get3A_14 = arith.constant 0 : index
    %get3A_15 = arith.constant 0 : index
    %get3A_16 = vector.load %arg16[%get3A_14, %get3A_15] : memref<1x128xf32, #tpu.memory_space<vmem>>, vector<1x128xf32>
    %add3A = vector.broadcast %get3A_16 : vector<1x128xf32> to vector<4000x128xf32>
    %add3A_17 = arith.addf %dot_general3A_13, %add3A : vector<4000x128xf32>
    %convert_element_type3A_18 = arith.truncf %add3A_17 : vector<4000x128xf32> to vector<4000x128xbf16>
    %get3A_19 = arith.constant 0 : index
    %get3A_20 = arith.constant 0 : index
    %get3A_21 = vector.load %arg4[%get3A_19, %get3A_20] : memref<1x32xf32, #tpu.memory_space<vmem>>, vector<1x32xf32>
    %get3A_22 = arith.constant 0 : index
    %get3A_23 = arith.constant 0 : index
    %get3A_24 = vector.load %arg8[%get3A_22, %get3A_23] : memref<32x64xf32, #tpu.memory_space<vmem>>, vector<32x64xf32>
    %dot_general3A_25 = arith.constant dense<0.000000e+00> : vector<1x64xf32>
    %dot_general3A_26 = tpu.matmul %get3A_21, %get3A_24, %dot_general3A_25 {dimension_numbers = #tpu.dot_dimension_numbers<[1], [0], [0], [1], [0, 0, 1, 1], [], []>, transpose_lhs_hint = false} : vector<1x32xf32>, vector<32x64xf32>, vector<1x64xf32> -> vector<1x64xf32>
    %get3A_27 = arith.constant 0 : index
    %get3A_28 = arith.constant 0 : index
    %get3A_29 = vector.load %arg9[%get3A_27, %get3A_28] : memref<1x64xf32, #tpu.memory_space<vmem>>, vector<1x64xf32>
    %add3A_30 = arith.addf %dot_general3A_26, %get3A_29 : vector<1x64xf32>
    %concatenate3A = tpu.concatenate %add3A_30, %add3A_30, %add3A_30, %add3A_30 in 1 : vector<1x64xf32>, vector<1x64xf32>, vector<1x64xf32>, vector<1x64xf32> -> vector<1x256xf32>
    %get3A_31 = arith.constant 0 : index
    %get3A_32 = arith.constant 0 : index
    %get3A_33 = vector.load %arg5[%get3A_31, %get3A_32] : memref<128x256xbf16, #tpu.memory_space<vmem>>, vector<128x256xbf16>
    %dot_general3A_34 = arith.constant dense<0.000000e+00> : vector<4000x256xf32>
    %dot_general3A_35 = tpu.matmul %convert_element_type3A, %get3A_33, %dot_general3A_34 {dimension_numbers = #tpu.dot_dimension_numbers<[1], [0], [0], [1], [0, 0, 1, 1], [], []>, transpose_lhs_hint = false} : vector<4000x128xbf16>, vector<128x256xbf16>, vector<4000x256xf32> -> vector<4000x256xf32>
    %get3A_36 = arith.constant 0 : index
    %get3A_37 = arith.constant 0 : index
    %get3A_38 = vector.load %arg6[%get3A_36, %get3A_37] : memref<128x256xbf16, #tpu.memory_space<vmem>>, vector<128x256xbf16>
    %dot_general3A_39 = arith.constant dense<0.000000e+00> : vector<4000x256xf32>
    %dot_general3A_40 = tpu.matmul %convert_element_type3A_5, %get3A_38, %dot_general3A_39 {dimension_numbers = #tpu.dot_dimension_numbers<[1], [0], [0], [1], [0, 0, 1, 1], [], []>, transpose_lhs_hint = false} : vector<4000x128xbf16>, vector<128x256xbf16>, vector<4000x256xf32> -> vector<4000x256xf32>
    %add3A_41 = arith.addf %dot_general3A_35, %dot_general3A_40 : vector<4000x256xf32>
    %get3A_42 = arith.constant 0 : index
    %get3A_43 = arith.constant 0 : index
    %get3A_44 = vector.load %arg7[%get3A_42, %get3A_43] : memref<128x256xbf16, #tpu.memory_space<vmem>>, vector<128x256xbf16>
    %dot_general3A_45 = arith.constant dense<0.000000e+00> : vector<4000x256xf32>
    %dot_general3A_46 = tpu.matmul %convert_element_type3A_18, %get3A_44, %dot_general3A_45 {dimension_numbers = #tpu.dot_dimension_numbers<[1], [0], [0], [1], [0, 0, 1, 1], [], []>, transpose_lhs_hint = false} : vector<4000x128xbf16>, vector<128x256xbf16>, vector<4000x256xf32> -> vector<4000x256xf32>
    %add3A_47 = arith.addf %add3A_41, %dot_general3A_46 : vector<4000x256xf32>
    %add3A_48 = vector.broadcast %concatenate3A : vector<1x256xf32> to vector<4000x256xf32>
    %add3A_49 = arith.addf %add3A_47, %add3A_48 : vector<4000x256xf32>
    %gt3A = arith.constant 0.000000e+00 : f32
    %gt3A_50 = vector.broadcast %gt3A : f32 to vector<4000x256xf32>
    %gt3A_51 = arith.cmpf ogt, %add3A_49, %gt3A_50 : vector<4000x256xf32>
    %mul3A = arith.constant 0.00999999977 : f32
    %mul3A_52 = vector.broadcast %mul3A : f32 to vector<4000x256xf32>
    %mul3A_53 = arith.mulf %mul3A_52, %add3A_49 : vector<4000x256xf32>
    %select_n3A = arith.select %gt3A_51, %add3A_49, %mul3A_53 : vector<4000x256xi1>, vector<4000x256xf32>
    %convert_element_type3A_54 = arith.truncf %select_n3A : vector<4000x256xf32> to vector<4000x256xbf16>
    %get3A_55 = arith.constant 0 : index
    %get3A_56 = arith.constant 0 : index
    %get3A_57 = vector.load %arg10[%get3A_55, %get3A_56] : memref<256x256xbf16, #tpu.memory_space<vmem>>, vector<256x256xbf16>
    %dot_general3A_58 = arith.constant dense<0.000000e+00> : vector<4000x256xf32>
    %dot_general3A_59 = tpu.matmul %convert_element_type3A_54, %get3A_57, %dot_general3A_58 {dimension_numbers = #tpu.dot_dimension_numbers<[1], [0], [0], [1], [0, 0, 1, 1], [], []>, transpose_lhs_hint = false} : vector<4000x256xbf16>, vector<256x256xbf16>, vector<4000x256xf32> -> vector<4000x256xf32>
    %get3A_60 = arith.constant 0 : index
    %get3A_61 = arith.constant 0 : index
    %get3A_62 = vector.load %arg11[%get3A_60, %get3A_61] : memref<1x256xf32, #tpu.memory_space<vmem>>, vector<1x256xf32>
    %add3A_63 = vector.broadcast %get3A_62 : vector<1x256xf32> to vector<4000x256xf32>
    %add3A_64 = arith.addf %dot_general3A_59, %add3A_63 : vector<4000x256xf32>
    %gt3A_65 = arith.constant 0.000000e+00 : f32
    %gt3A_66 = vector.broadcast %gt3A_65 : f32 to vector<4000x256xf32>
    %gt3A_67 = arith.cmpf ogt, %add3A_64, %gt3A_66 : vector<4000x256xf32>
    %mul3A_68 = arith.constant 0.00999999977 : f32
    %mul3A_69 = vector.broadcast %mul3A_68 : f32 to vector<4000x256xf32>
    %mul3A_70 = arith.mulf %mul3A_69, %add3A_64 : vector<4000x256xf32>
    %select_n3A_71 = arith.select %gt3A_67, %add3A_64, %mul3A_70 : vector<4000x256xi1>, vector<4000x256xf32>
    %convert_element_type3A_72 = arith.truncf %select_n3A_71 : vector<4000x256xf32> to vector<4000x256xbf16>
    %get3A_73 = arith.constant 0 : index
    %get3A_74 = arith.constant 0 : index
    %get3A_75 = vector.load %arg12[%get3A_73, %get3A_74] : memref<256x128xbf16, #tpu.memory_space<vmem>>, vector<256x128xbf16>
    %dot_general3A_76 = arith.constant dense<0.000000e+00> : vector<4000x128xf32>
    %dot_general3A_77 = tpu.matmul %convert_element_type3A_72, %get3A_75, %dot_general3A_76 {dimension_numbers = #tpu.dot_dimension_numbers<[1], [0], [0], [1], [0, 0, 1, 1], [], []>, transpose_lhs_hint = false} : vector<4000x256xbf16>, vector<256x128xbf16>, vector<4000x128xf32> -> vector<4000x128xf32>
    %get3A_78 = arith.constant 0 : index
    %get3A_79 = arith.constant 0 : index
    %get3A_80 = vector.load %arg13[%get3A_78, %get3A_79] : memref<1x128xf32, #tpu.memory_space<vmem>>, vector<1x128xf32>
    %add3A_81 = vector.broadcast %get3A_80 : vector<1x128xf32> to vector<4000x128xf32>
    %add3A_82 = arith.addf %dot_general3A_77, %add3A_81 : vector<4000x128xf32>
    %add3A_83 = arith.addf %add3A_82, %add3A_17 : vector<4000x128xf32>
    %swap3A = arith.constant 0 : index
    %swap3A_84 = arith.constant 0 : index
    %swap3A_85 = vector.load %arg17[%swap3A, %swap3A_84] : memref<4000x128xf32, #tpu.memory_space<vmem>>, vector<4000x128xf32>
    tpu.vector_store %arg17[%swap3A, %swap3A_84], %add3A_83 {strides = array<i32>} : memref<4000x128xf32, #tpu.memory_space<vmem>>, vector<4000x128xf32>,
    %reduce_sum3A = arith.constant dense<0.000000e+00> : vector<128xf32>
    %reduce_sum3A_86 = vector.multi_reduction <add>, %add3A_83, %reduce_sum3A [0] : vector<4000x128xf32> to vector<128xf32>
    %broadcast_in_dim3A = vector.shape_cast %reduce_sum3A_86 : vector<128xf32> to vector<1x128xf32>
    %eq3A = arith.constant 0 : i32
    %eq3A_87 = arith.cmpi eq, %arg0, %eq3A : i32
    %convert_element_type3A_88 = arith.extui %eq3A_87 : i1 to i32
    %cond3A = arith.constant 0 : i32
    %cond3A_89 = arith.cmpi ne, %convert_element_type3A_88, %cond3A : i32
    scf.if %cond3A_89 {
      %swap3A_100 = arith.constant 0 : index
      %swap3A_101 = arith.constant 0 : index
      %swap3A_102 = vector.load %arg19[%swap3A_100, %swap3A_101] : memref<1x128xf32, #tpu.memory_space<vmem>>, vector<1x128xf32>
      tpu.vector_store %arg19[%swap3A_100, %swap3A_101], %broadcast_in_dim3A {strides = array<i32>} : memref<1x128xf32, #tpu.memory_space<vmem>>, vector<1x128xf32>,
    } else {
    }
    %gt3A_90 = arith.constant 0 : i32
    %gt3A_91 = arith.cmpi sgt, %arg0, %gt3A_90 : i32
    %convert_element_type3A_92 = arith.extui %gt3A_91 : i1 to i32
    %cond3A_93 = arith.constant 0 : i32
    %cond3A_94 = arith.cmpi ne, %convert_element_type3A_92, %cond3A_93 : i32
    scf.if %cond3A_94 {
      %get3A_100 = arith.constant 0 : index
      %get3A_101 = arith.constant 0 : index
      %get3A_102 = vector.load %arg19[%get3A_100, %get3A_101] : memref<1x128xf32, #tpu.memory_space<vmem>>, vector<1x128xf32>
      %add3A_103 = arith.addf %get3A_102, %broadcast_in_dim3A : vector<1x128xf32>
      %swap3A_104 = arith.constant 0 : index
      %swap3A_105 = arith.constant 0 : index
      %swap3A_106 = vector.load %arg19[%swap3A_104, %swap3A_105] : memref<1x128xf32, #tpu.memory_space<vmem>>, vector<1x128xf32>
      tpu.vector_store %arg19[%swap3A_104, %swap3A_105], %add3A_103 {strides = array<i32>} : memref<1x128xf32, #tpu.memory_space<vmem>>, vector<1x128xf32>,
    } else {
    }
    %eq3A_95 = arith.constant 19 : i32
    %eq3A_96 = arith.cmpi eq, %arg0, %eq3A_95 : i32
    %convert_element_type3A_97 = arith.extui %eq3A_96 : i1 to i32
    %cond3A_98 = arith.constant 0 : i32
    %cond3A_99 = arith.cmpi ne, %convert_element_type3A_97, %cond3A_98 : i32
    scf.if %cond3A_99 {
      %get3A_100 = arith.constant 0 : index
      %get3A_101 = arith.constant 0 : index
      %get3A_102 = vector.load %arg19[%get3A_100, %get3A_101] : memref<1x128xf32, #tpu.memory_space<vmem>>, vector<1x128xf32>
      %get3A_103 = arith.constant 0 : index
      %get3A_104 = arith.constant 0 : index
      %get3A_105 = vector.load %arg14[%get3A_103, %get3A_104] : memref<128x32xf32, #tpu.memory_space<vmem>>, vector<128x32xf32>
      %dot_general3A_106 = arith.constant dense<0.000000e+00> : vector<1x32xf32>
      %dot_general3A_107 = tpu.matmul %get3A_102, %get3A_105, %dot_general3A_106 {dimension_numbers = #tpu.dot_dimension_numbers<[1], [0], [0], [1], [0, 0, 1, 1], [], []>, transpose_lhs_hint = false} : vector<1x128xf32>, vector<128x32xf32>, vector<1x32xf32> -> vector<1x32xf32>
      %swap3A_108 = arith.constant 0 : index
      %swap3A_109 = arith.constant 0 : index
      %swap3A_110 = vector.load %arg18[%swap3A_108, %swap3A_109] : memref<1x32xf32, #tpu.memory_space<vmem>>, vector<1x32xf32>
      tpu.vector_store %arg18[%swap3A_108, %swap3A_109], %dot_general3A_107 {strides = array<i32>} : memref<1x32xf32, #tpu.memory_space<vmem>>, vector<1x32xf32>,
    } else {
    }
    return
  }
  func.func @transform_0(%arg0: i32) -> (i32, i32) {
    %c0_i32 = arith.constant 0 : i32
    %c0_i32_0 = arith.constant 0 : i32
    return %arg0, %c0_i32 : i32, i32
  }
  func.func @transform_1(%arg0: i32) -> (i32, i32) {
    %c0_i32 = arith.constant 0 : i32
    %c0_i32_0 = arith.constant 0 : i32
    return %arg0, %c0_i32 : i32, i32
  }
  func.func @transform_2(%arg0: i32) -> (i32, i32) {
    %c0_i32 = arith.constant 0 : i32
    %c0_i32_0 = arith.constant 0 : i32
    return %arg0, %c0_i32 : i32, i32
  }
  func.func @transform_3(%arg0: i32) -> (i32, i32) {
    %c0_i32 = arith.constant 0 : i32
    %c0_i32_0 = arith.constant 0 : i32
    %c0_i32_1 = arith.constant 0 : i32
    return %c0_i32, %c0_i32_0 : i32, i32
  }
  func.func @transform_4(%arg0: i32) -> (i32, i32) {
    %c0_i32 = arith.constant 0 : i32
    %c0_i32_0 = arith.constant 0 : i32
    %c0_i32_1 = arith.constant 0 : i32
    return %c0_i32, %c0_i32_0 : i32, i32
  }
  func.func @transform_5(%arg0: i32) -> (i32, i32) {
    %c0_i32 = arith.constant 0 : i32
    %c0_i32_0 = arith.constant 0 : i32
    %c0_i32_1 = arith.constant 0 : i32
    return %c0_i32, %c0_i32_0 : i32, i32
  }
  func.func @transform_6(%arg0: i32) -> (i32, i32) {
    %c0_i32 = arith.constant 0 : i32
    %c0_i32_0 = arith.constant 0 : i32
    %c0_i32_1 = arith.constant 0 : i32
    return %c0_i32, %c0_i32_0 : i32, i32
  }
  func.func @transform_7(%arg0: i32) -> (i32, i32) {
    %c0_i32 = arith.constant 0 : i32
    %c0_i32_0 = arith.constant 0 : i32
    %c0_i32_1 = arith.constant 0 : i32
    return %c0_i32, %c0_i32_0 : i32, i32
  }
  func.func @transform_8(%arg0: i32) -> (i32, i32) {
    %c0_i32 = arith.constant 0 : i32
    %c0_i32_0 = arith.constant 0 : i32
    %c0_i32_1 = arith.constant 0 : i32
    return %c0_i32, %c0_i32_0 : i32, i32
  }
  func.func @transform_9(%arg0: i32) -> (i32, i32) {
    %c0_i32 = arith.constant 0 : i32
    %c0_i32_0 = arith.constant 0 : i32
    %c0_i32_1 = arith.constant 0 : i32
    return %c0_i32, %c0_i32_0 : i32, i32
  }
  func.func @transform_10(%arg0: i32) -> (i32, i32) {
    %c0_i32 = arith.constant 0 : i32
    %c0_i32_0 = arith.constant 0 : i32
    %c0_i32_1 = arith.constant 0 : i32
    return %c0_i32, %c0_i32_0 : i32, i32
  }
  func.func @transform_11(%arg0: i32) -> (i32, i32) {
    %c0_i32 = arith.constant 0 : i32
    %c0_i32_0 = arith.constant 0 : i32
    %c0_i32_1 = arith.constant 0 : i32
    return %c0_i32, %c0_i32_0 : i32, i32
  }
  func.func @transform_12(%arg0: i32) -> (i32, i32) {
    %c0_i32 = arith.constant 0 : i32
    %c0_i32_0 = arith.constant 0 : i32
    %c0_i32_1 = arith.constant 0 : i32
    return %c0_i32, %c0_i32_0 : i32, i32
  }
  func.func @transform_13(%arg0: i32) -> (i32, i32) {
    %c0_i32 = arith.constant 0 : i32
    %c0_i32_0 = arith.constant 0 : i32
    %c0_i32_1 = arith.constant 0 : i32
    return %c0_i32, %c0_i32_0 : i32, i32
  }
  func.func @transform_14(%arg0: i32) -> (i32, i32) {
    %c0_i32 = arith.constant 0 : i32
    %c0_i32_0 = arith.constant 0 : i32
    %c0_i32_1 = arith.constant 0 : i32
    return %c0_i32, %c0_i32_0 : i32, i32
  }
  func.func @transform_15(%arg0: i32) -> (i32, i32) {
    %c0_i32 = arith.constant 0 : i32
    %c0_i32_0 = arith.constant 0 : i32
    %c0_i32_1 = arith.constant 0 : i32
    return %c0_i32, %c0_i32_0 : i32, i32
  }
  func.func @transform_16(%arg0: i32) -> (i32, i32) {
    %c0_i32 = arith.constant 0 : i32
    %c0_i32_0 = arith.constant 0 : i32
    return %arg0, %c0_i32 : i32, i32
  }
  func.func @transform_17(%arg0: i32) -> (i32, i32) {
    %c0_i32 = arith.constant 0 : i32
    %c0_i32_0 = arith.constant 0 : i32
    %c0_i32_1 = arith.constant 0 : i32
    return %c0_i32, %c0_i32_0 : i32, i32
  }
}

module attributes {stable_mosaic.version = 14 : i64} {
  func.func @_node_body(%arg0: memref<2500x128xf32, #tpu.memory_space<vmem>>, %arg1: memref<2500x128xf32, #tpu.memory_space<vmem>>, %arg2: memref<2500x128xf32, #tpu.memory_space<vmem>>, %arg3: memref<2500x128xf32, #tpu.memory_space<vmem>>, %arg4: memref<1x32xf32, #tpu.memory_space<vmem>>, %arg5: memref<1x32xf32, #tpu.memory_space<vmem>>, %arg6: memref<128x256xbf16, #tpu.memory_space<vmem>>, %arg7: memref<128x256xbf16, #tpu.memory_space<vmem>>, %arg8: memref<32x64xf32, #tpu.memory_space<vmem>>, %arg9: memref<1x64xf32, #tpu.memory_space<vmem>>, %arg10: memref<256x256xbf16, #tpu.memory_space<vmem>>, %arg11: memref<1x256xf32, #tpu.memory_space<vmem>>, %arg12: memref<256x128xbf16, #tpu.memory_space<vmem>>, %arg13: memref<1x128xf32, #tpu.memory_space<vmem>>, %arg14: memref<128x32xf32, #tpu.memory_space<vmem>>, %arg15: memref<32x64xf32, #tpu.memory_space<vmem>>, %arg16: memref<32x64xf32, #tpu.memory_space<vmem>>, %arg17: memref<32x64xf32, #tpu.memory_space<vmem>>, %arg18: memref<1x64xf32, #tpu.memory_space<vmem>>, %arg19: memref<64x64xf32, #tpu.memory_space<vmem>>, %arg20: memref<1x64xf32, #tpu.memory_space<vmem>>, %arg21: memref<64x32xf32, #tpu.memory_space<vmem>>, %arg22: memref<1x32xf32, #tpu.memory_space<vmem>>, %arg23: memref<2500x128xf32, #tpu.memory_space<vmem>>, %arg24: memref<2500x128xf32, #tpu.memory_space<vmem>>, %arg25: memref<1x32xf32, #tpu.memory_space<vmem>>, %arg26: memref<2500x128xf32, #tpu.memory_space<vmem>>) attributes {dimension_semantics = [], scalar_prefetch = 0 : i64, scratch_operands = 0 : i64, tpu.core_type = #tpu.core_type<tc>} {
    %get3A = arith.constant 0 : index
    %get3A_0 = arith.constant 0 : index
    %get3A_1 = vector.load %arg0[%get3A, %get3A_0] : memref<2500x128xf32, #tpu.memory_space<vmem>>, vector<2500x128xf32>
    %get3A_2 = arith.constant 0 : index
    %get3A_3 = arith.constant 0 : index
    %get3A_4 = vector.load %arg3[%get3A_2, %get3A_3] : memref<2500x128xf32, #tpu.memory_space<vmem>>, vector<2500x128xf32>
    %get3A_5 = arith.constant 0 : index
    %get3A_6 = arith.constant 0 : index
    %get3A_7 = vector.load %arg23[%get3A_5, %get3A_6] : memref<2500x128xf32, #tpu.memory_space<vmem>>, vector<2500x128xf32>
    %add3A = arith.addf %get3A_4, %get3A_7 : vector<2500x128xf32>
    %swap3A = arith.constant 0 : index
    %swap3A_8 = arith.constant 0 : index
    %swap3A_9 = vector.load %arg26[%swap3A, %swap3A_8] : memref<2500x128xf32, #tpu.memory_space<vmem>>, vector<2500x128xf32>
    tpu.vector_store %arg26[%swap3A, %swap3A_8], %add3A {strides = array<i32>} : memref<2500x128xf32, #tpu.memory_space<vmem>>, vector<2500x128xf32>,
    %get3A_10 = arith.constant 0 : index
    %get3A_11 = arith.constant 0 : index
    %get3A_12 = vector.load %arg1[%get3A_10, %get3A_11] : memref<2500x128xf32, #tpu.memory_space<vmem>>, vector<2500x128xf32>
    %get3A_13 = arith.constant 0 : index
    %get3A_14 = arith.constant 0 : index
    %get3A_15 = vector.load %arg2[%get3A_13, %get3A_14] : memref<2500x128xf32, #tpu.memory_space<vmem>>, vector<2500x128xf32>
    %add3A_16 = arith.addf %get3A_12, %get3A_15 : vector<2500x128xf32>
    %max3A = arith.constant 1.000000e+00 : f32
    %max3A_17 = vector.broadcast %max3A : f32 to vector<2500x128xf32>
    %max3A_18 = arith.maximumf %add3A, %max3A_17 : vector<2500x128xf32>
    %div3A = arith.divf %add3A_16, %max3A_18 : vector<2500x128xf32>
    %get3A_19 = arith.constant 0 : index
    %get3A_20 = arith.constant 0 : index
    %get3A_21 = vector.load %arg4[%get3A_19, %get3A_20] : memref<1x32xf32, #tpu.memory_space<vmem>>, vector<1x32xf32>
    %get3A_22 = arith.constant 0 : index
    %get3A_23 = arith.constant 0 : index
    %get3A_24 = vector.load %arg8[%get3A_22, %get3A_23] : memref<32x64xf32, #tpu.memory_space<vmem>>, vector<32x64xf32>
    %dot_general3A = arith.constant dense<0.000000e+00> : vector<1x64xf32>
    %dot_general3A_25 = tpu.matmul %get3A_21, %get3A_24, %dot_general3A {dimension_numbers = #tpu.dot_dimension_numbers<[1], [0], [0], [1], [0, 0, 1, 1], [], []>, transpose_lhs_hint = false} : vector<1x32xf32>, vector<32x64xf32>, vector<1x64xf32> -> vector<1x64xf32>
    %get3A_26 = arith.constant 0 : index
    %get3A_27 = arith.constant 0 : index
    %get3A_28 = vector.load %arg9[%get3A_26, %get3A_27] : memref<1x64xf32, #tpu.memory_space<vmem>>, vector<1x64xf32>
    %add3A_29 = arith.addf %dot_general3A_25, %get3A_28 : vector<1x64xf32>
    %concatenate3A = tpu.concatenate %add3A_29, %add3A_29, %add3A_29, %add3A_29 in 1 : vector<1x64xf32>, vector<1x64xf32>, vector<1x64xf32>, vector<1x64xf32> -> vector<1x256xf32>
    %convert_element_type3A = arith.truncf %get3A_1 : vector<2500x128xf32> to vector<2500x128xbf16>
    %get3A_30 = arith.constant 0 : index
    %get3A_31 = arith.constant 0 : index
    %get3A_32 = vector.load %arg6[%get3A_30, %get3A_31] : memref<128x256xbf16, #tpu.memory_space<vmem>>, vector<128x256xbf16>
    %dot_general3A_33 = arith.constant dense<0.000000e+00> : vector<2500x256xf32>
    %dot_general3A_34 = tpu.matmul %convert_element_type3A, %get3A_32, %dot_general3A_33 {dimension_numbers = #tpu.dot_dimension_numbers<[1], [0], [0], [1], [0, 0, 1, 1], [], []>, transpose_lhs_hint = false} : vector<2500x128xbf16>, vector<128x256xbf16>, vector<2500x256xf32> -> vector<2500x256xf32>
    %convert_element_type3A_35 = arith.truncf %div3A : vector<2500x128xf32> to vector<2500x128xbf16>
    %get3A_36 = arith.constant 0 : index
    %get3A_37 = arith.constant 0 : index
    %get3A_38 = vector.load %arg7[%get3A_36, %get3A_37] : memref<128x256xbf16, #tpu.memory_space<vmem>>, vector<128x256xbf16>
    %dot_general3A_39 = arith.constant dense<0.000000e+00> : vector<2500x256xf32>
    %dot_general3A_40 = tpu.matmul %convert_element_type3A_35, %get3A_38, %dot_general3A_39 {dimension_numbers = #tpu.dot_dimension_numbers<[1], [0], [0], [1], [0, 0, 1, 1], [], []>, transpose_lhs_hint = false} : vector<2500x128xbf16>, vector<128x256xbf16>, vector<2500x256xf32> -> vector<2500x256xf32>
    %add3A_41 = arith.addf %dot_general3A_34, %dot_general3A_40 : vector<2500x256xf32>
    %add3A_42 = vector.broadcast %concatenate3A : vector<1x256xf32> to vector<2500x256xf32>
    %add3A_43 = arith.addf %add3A_41, %add3A_42 : vector<2500x256xf32>
    %gt3A = arith.constant 0.000000e+00 : f32
    %gt3A_44 = vector.broadcast %gt3A : f32 to vector<2500x256xf32>
    %gt3A_45 = arith.cmpf ogt, %add3A_43, %gt3A_44 : vector<2500x256xf32>
    %mul3A = arith.constant 0.00999999977 : f32
    %mul3A_46 = vector.broadcast %mul3A : f32 to vector<2500x256xf32>
    %mul3A_47 = arith.mulf %mul3A_46, %add3A_43 : vector<2500x256xf32>
    %select_n3A = arith.select %gt3A_45, %add3A_43, %mul3A_47 : vector<2500x256xi1>, vector<2500x256xf32>
    %convert_element_type3A_48 = arith.truncf %select_n3A : vector<2500x256xf32> to vector<2500x256xbf16>
    %get3A_49 = arith.constant 0 : index
    %get3A_50 = arith.constant 0 : index
    %get3A_51 = vector.load %arg10[%get3A_49, %get3A_50] : memref<256x256xbf16, #tpu.memory_space<vmem>>, vector<256x256xbf16>
    %dot_general3A_52 = arith.constant dense<0.000000e+00> : vector<2500x256xf32>
    %dot_general3A_53 = tpu.matmul %convert_element_type3A_48, %get3A_51, %dot_general3A_52 {dimension_numbers = #tpu.dot_dimension_numbers<[1], [0], [0], [1], [0, 0, 1, 1], [], []>, transpose_lhs_hint = false} : vector<2500x256xbf16>, vector<256x256xbf16>, vector<2500x256xf32> -> vector<2500x256xf32>
    %get3A_54 = arith.constant 0 : index
    %get3A_55 = arith.constant 0 : index
    %get3A_56 = vector.load %arg11[%get3A_54, %get3A_55] : memref<1x256xf32, #tpu.memory_space<vmem>>, vector<1x256xf32>
    %add3A_57 = vector.broadcast %get3A_56 : vector<1x256xf32> to vector<2500x256xf32>
    %add3A_58 = arith.addf %dot_general3A_53, %add3A_57 : vector<2500x256xf32>
    %gt3A_59 = arith.constant 0.000000e+00 : f32
    %gt3A_60 = vector.broadcast %gt3A_59 : f32 to vector<2500x256xf32>
    %gt3A_61 = arith.cmpf ogt, %add3A_58, %gt3A_60 : vector<2500x256xf32>
    %mul3A_62 = arith.constant 0.00999999977 : f32
    %mul3A_63 = vector.broadcast %mul3A_62 : f32 to vector<2500x256xf32>
    %mul3A_64 = arith.mulf %mul3A_63, %add3A_58 : vector<2500x256xf32>
    %select_n3A_65 = arith.select %gt3A_61, %add3A_58, %mul3A_64 : vector<2500x256xi1>, vector<2500x256xf32>
    %convert_element_type3A_66 = arith.truncf %select_n3A_65 : vector<2500x256xf32> to vector<2500x256xbf16>
    %get3A_67 = arith.constant 0 : index
    %get3A_68 = arith.constant 0 : index
    %get3A_69 = vector.load %arg12[%get3A_67, %get3A_68] : memref<256x128xbf16, #tpu.memory_space<vmem>>, vector<256x128xbf16>
    %dot_general3A_70 = arith.constant dense<0.000000e+00> : vector<2500x128xf32>
    %dot_general3A_71 = tpu.matmul %convert_element_type3A_66, %get3A_69, %dot_general3A_70 {dimension_numbers = #tpu.dot_dimension_numbers<[1], [0], [0], [1], [0, 0, 1, 1], [], []>, transpose_lhs_hint = false} : vector<2500x256xbf16>, vector<256x128xbf16>, vector<2500x128xf32> -> vector<2500x128xf32>
    %get3A_72 = arith.constant 0 : index
    %get3A_73 = arith.constant 0 : index
    %get3A_74 = vector.load %arg13[%get3A_72, %get3A_73] : memref<1x128xf32, #tpu.memory_space<vmem>>, vector<1x128xf32>
    %add3A_75 = vector.broadcast %get3A_74 : vector<1x128xf32> to vector<2500x128xf32>
    %add3A_76 = arith.addf %dot_general3A_71, %add3A_75 : vector<2500x128xf32>
    %add3A_77 = arith.addf %add3A_76, %get3A_1 : vector<2500x128xf32>
    %swap3A_78 = arith.constant 0 : index
    %swap3A_79 = arith.constant 0 : index
    %swap3A_80 = vector.load %arg24[%swap3A_78, %swap3A_79] : memref<2500x128xf32, #tpu.memory_space<vmem>>, vector<2500x128xf32>
    tpu.vector_store %arg24[%swap3A_78, %swap3A_79], %add3A_77 {strides = array<i32>} : memref<2500x128xf32, #tpu.memory_space<vmem>>, vector<2500x128xf32>,
    %reduce_sum3A = arith.constant dense<0.000000e+00> : vector<128xf32>
    %reduce_sum3A_81 = vector.multi_reduction <add>, %add3A_77, %reduce_sum3A [0] : vector<2500x128xf32> to vector<128xf32>
    %broadcast_in_dim3A = vector.shape_cast %reduce_sum3A_81 : vector<128xf32> to vector<1x128xf32>
    %get3A_82 = arith.constant 0 : index
    %get3A_83 = arith.constant 0 : index
    %get3A_84 = vector.load %arg14[%get3A_82, %get3A_83] : memref<128x32xf32, #tpu.memory_space<vmem>>, vector<128x32xf32>
    %dot_general3A_85 = arith.constant dense<0.000000e+00> : vector<1x32xf32>
    %dot_general3A_86 = tpu.matmul %broadcast_in_dim3A, %get3A_84, %dot_general3A_85 {dimension_numbers = #tpu.dot_dimension_numbers<[1], [0], [0], [1], [0, 0, 1, 1], [], []>, transpose_lhs_hint = false} : vector<1x128xf32>, vector<128x32xf32>, vector<1x32xf32> -> vector<1x32xf32>
    %mul3A_87 = arith.constant 9.99999974E-5 : f32
    %mul3A_88 = vector.broadcast %mul3A_87 : f32 to vector<1x32xf32>
    %mul3A_89 = arith.mulf %dot_general3A_86, %mul3A_88 : vector<1x32xf32>
    %get3A_90 = arith.constant 0 : index
    %get3A_91 = arith.constant 0 : index
    %get3A_92 = vector.load %arg5[%get3A_90, %get3A_91] : memref<1x32xf32, #tpu.memory_space<vmem>>, vector<1x32xf32>
    %mul3A_93 = arith.constant 3.125000e-06 : f32
    %mul3A_94 = vector.broadcast %mul3A_93 : f32 to vector<1x32xf32>
    %mul3A_95 = arith.mulf %get3A_92, %mul3A_94 : vector<1x32xf32>
    %get3A_96 = arith.constant 0 : index
    %get3A_97 = arith.constant 0 : index
    %get3A_98 = vector.load %arg15[%get3A_96, %get3A_97] : memref<32x64xf32, #tpu.memory_space<vmem>>, vector<32x64xf32>
    %dot_general3A_99 = arith.constant dense<0.000000e+00> : vector<1x64xf32>
    %dot_general3A_100 = tpu.matmul %mul3A_89, %get3A_98, %dot_general3A_99 {dimension_numbers = #tpu.dot_dimension_numbers<[1], [0], [0], [1], [0, 0, 1, 1], [], []>, transpose_lhs_hint = false} : vector<1x32xf32>, vector<32x64xf32>, vector<1x64xf32> -> vector<1x64xf32>
    %get3A_101 = arith.constant 0 : index
    %get3A_102 = arith.constant 0 : index
    %get3A_103 = vector.load %arg16[%get3A_101, %get3A_102] : memref<32x64xf32, #tpu.memory_space<vmem>>, vector<32x64xf32>
    %dot_general3A_104 = arith.constant dense<0.000000e+00> : vector<1x64xf32>
    %dot_general3A_105 = tpu.matmul %mul3A_95, %get3A_103, %dot_general3A_104 {dimension_numbers = #tpu.dot_dimension_numbers<[1], [0], [0], [1], [0, 0, 1, 1], [], []>, transpose_lhs_hint = false} : vector<1x32xf32>, vector<32x64xf32>, vector<1x64xf32> -> vector<1x64xf32>
    %add3A_106 = arith.addf %dot_general3A_100, %dot_general3A_105 : vector<1x64xf32>
    %get3A_107 = arith.constant 0 : index
    %get3A_108 = arith.constant 0 : index
    %get3A_109 = vector.load %arg17[%get3A_107, %get3A_108] : memref<32x64xf32, #tpu.memory_space<vmem>>, vector<32x64xf32>
    %dot_general3A_110 = arith.constant dense<0.000000e+00> : vector<1x64xf32>
    %dot_general3A_111 = tpu.matmul %get3A_21, %get3A_109, %dot_general3A_110 {dimension_numbers = #tpu.dot_dimension_numbers<[1], [0], [0], [1], [0, 0, 1, 1], [], []>, transpose_lhs_hint = false} : vector<1x32xf32>, vector<32x64xf32>, vector<1x64xf32> -> vector<1x64xf32>
    %add3A_112 = arith.addf %add3A_106, %dot_general3A_111 : vector<1x64xf32>
    %get3A_113 = arith.constant 0 : index
    %get3A_114 = arith.constant 0 : index
    %get3A_115 = vector.load %arg18[%get3A_113, %get3A_114] : memref<1x64xf32, #tpu.memory_space<vmem>>, vector<1x64xf32>
    %add3A_116 = arith.addf %add3A_112, %get3A_115 : vector<1x64xf32>
    %gt3A_117 = arith.constant 0.000000e+00 : f32
    %gt3A_118 = vector.broadcast %gt3A_117 : f32 to vector<1x64xf32>
    %gt3A_119 = arith.cmpf ogt, %add3A_116, %gt3A_118 : vector<1x64xf32>
    %mul3A_120 = arith.constant 0.00999999977 : f32
    %mul3A_121 = vector.broadcast %mul3A_120 : f32 to vector<1x64xf32>
    %mul3A_122 = arith.mulf %mul3A_121, %add3A_116 : vector<1x64xf32>
    %select_n3A_123 = arith.select %gt3A_119, %add3A_116, %mul3A_122 : vector<1x64xi1>, vector<1x64xf32>
    %get3A_124 = arith.constant 0 : index
    %get3A_125 = arith.constant 0 : index
    %get3A_126 = vector.load %arg19[%get3A_124, %get3A_125] : memref<64x64xf32, #tpu.memory_space<vmem>>, vector<64x64xf32>
    %dot_general3A_127 = arith.constant dense<0.000000e+00> : vector<1x64xf32>
    %dot_general3A_128 = tpu.matmul %select_n3A_123, %get3A_126, %dot_general3A_127 {dimension_numbers = #tpu.dot_dimension_numbers<[1], [0], [0], [1], [0, 0, 1, 1], [], []>, transpose_lhs_hint = false} : vector<1x64xf32>, vector<64x64xf32>, vector<1x64xf32> -> vector<1x64xf32>
    %get3A_129 = arith.constant 0 : index
    %get3A_130 = arith.constant 0 : index
    %get3A_131 = vector.load %arg20[%get3A_129, %get3A_130] : memref<1x64xf32, #tpu.memory_space<vmem>>, vector<1x64xf32>
    %add3A_132 = arith.addf %dot_general3A_128, %get3A_131 : vector<1x64xf32>
    %gt3A_133 = arith.constant 0.000000e+00 : f32
    %gt3A_134 = vector.broadcast %gt3A_133 : f32 to vector<1x64xf32>
    %gt3A_135 = arith.cmpf ogt, %add3A_132, %gt3A_134 : vector<1x64xf32>
    %mul3A_136 = arith.constant 0.00999999977 : f32
    %mul3A_137 = vector.broadcast %mul3A_136 : f32 to vector<1x64xf32>
    %mul3A_138 = arith.mulf %mul3A_137, %add3A_132 : vector<1x64xf32>
    %select_n3A_139 = arith.select %gt3A_135, %add3A_132, %mul3A_138 : vector<1x64xi1>, vector<1x64xf32>
    %get3A_140 = arith.constant 0 : index
    %get3A_141 = arith.constant 0 : index
    %get3A_142 = vector.load %arg21[%get3A_140, %get3A_141] : memref<64x32xf32, #tpu.memory_space<vmem>>, vector<64x32xf32>
    %dot_general3A_143 = arith.constant dense<0.000000e+00> : vector<1x32xf32>
    %dot_general3A_144 = tpu.matmul %select_n3A_139, %get3A_142, %dot_general3A_143 {dimension_numbers = #tpu.dot_dimension_numbers<[1], [0], [0], [1], [0, 0, 1, 1], [], []>, transpose_lhs_hint = false} : vector<1x64xf32>, vector<64x32xf32>, vector<1x32xf32> -> vector<1x32xf32>
    %get3A_145 = arith.constant 0 : index
    %get3A_146 = arith.constant 0 : index
    %get3A_147 = vector.load %arg22[%get3A_145, %get3A_146] : memref<1x32xf32, #tpu.memory_space<vmem>>, vector<1x32xf32>
    %add3A_148 = arith.addf %dot_general3A_144, %get3A_147 : vector<1x32xf32>
    %add3A_149 = arith.addf %add3A_148, %get3A_21 : vector<1x32xf32>
    %swap3A_150 = arith.constant 0 : index
    %swap3A_151 = arith.constant 0 : index
    %swap3A_152 = vector.load %arg25[%swap3A_150, %swap3A_151] : memref<1x32xf32, #tpu.memory_space<vmem>>, vector<1x32xf32>
    tpu.vector_store %arg25[%swap3A_150, %swap3A_151], %add3A_149 {strides = array<i32>} : memref<1x32xf32, #tpu.memory_space<vmem>>, vector<1x32xf32>,
    return
  }
}

module attributes {stable_mosaic.version = 14 : i64} {
  func.func @_edge_body(%arg0: i32, %arg1: memref<4000x128xf32, #tpu.memory_space<vmem>>, %arg2: memref<4000x128xf32, #tpu.memory_space<vmem>>, %arg3: memref<4000x128xf32, #tpu.memory_space<vmem>>, %arg4: memref<1x32xf32, #tpu.memory_space<vmem>>, %arg5: memref<128x256xbf16, #tpu.memory_space<vmem>>, %arg6: memref<128x256xbf16, #tpu.memory_space<vmem>>, %arg7: memref<128x256xbf16, #tpu.memory_space<vmem>>, %arg8: memref<32x64xf32, #tpu.memory_space<vmem>>, %arg9: memref<1x64xf32, #tpu.memory_space<vmem>>, %arg10: memref<256x256xbf16, #tpu.memory_space<vmem>>, %arg11: memref<1x256xf32, #tpu.memory_space<vmem>>, %arg12: memref<256x128xbf16, #tpu.memory_space<vmem>>, %arg13: memref<1x128xf32, #tpu.memory_space<vmem>>, %arg14: memref<128x32xf32, #tpu.memory_space<vmem>>, %arg15: memref<4000x128xf32, #tpu.memory_space<vmem>>, %arg16: memref<1x32xf32, #tpu.memory_space<vmem>>, %arg17: memref<1x128xf32, #tpu.memory_space<vmem>>) attributes {dimension_semantics = [#tpu.dimension_semantics<arbitrary>], iteration_bounds = array<i64: 20>, scalar_prefetch = 0 : i64, scratch_operands = 1 : i64, tpu.core_type = #tpu.core_type<tc>, window_params = [{transform_indices = @transform_0, window_bounds = array<i64: 4000, 128>}, {transform_indices = @transform_1, window_bounds = array<i64: 4000, 128>}, {transform_indices = @transform_2, window_bounds = array<i64: 4000, 128>}, {pipeline_mode = #tpu.pipeline_mode<synchronous>, transform_indices = @transform_3, window_bounds = array<i64: 1, 32>}, {pipeline_mode = #tpu.pipeline_mode<synchronous>, transform_indices = @transform_4, window_bounds = array<i64: 128, 256>}, {pipeline_mode = #tpu.pipeline_mode<synchronous>, transform_indices = @transform_5, window_bounds = array<i64: 128, 256>}, {pipeline_mode = #tpu.pipeline_mode<synchronous>, transform_indices = @transform_6, window_bounds = array<i64: 128, 256>}, {pipeline_mode = #tpu.pipeline_mode<synchronous>, transform_indices = @transform_7, window_bounds = array<i64: 32, 64>}, {pipeline_mode = #tpu.pipeline_mode<synchronous>, transform_indices = @transform_8, window_bounds = array<i64: 1, 64>}, {pipeline_mode = #tpu.pipeline_mode<synchronous>, transform_indices = @transform_9, window_bounds = array<i64: 256, 256>}, {pipeline_mode = #tpu.pipeline_mode<synchronous>, transform_indices = @transform_10, window_bounds = array<i64: 1, 256>}, {pipeline_mode = #tpu.pipeline_mode<synchronous>, transform_indices = @transform_11, window_bounds = array<i64: 256, 128>}, {pipeline_mode = #tpu.pipeline_mode<synchronous>, transform_indices = @transform_12, window_bounds = array<i64: 1, 128>}, {pipeline_mode = #tpu.pipeline_mode<synchronous>, transform_indices = @transform_13, window_bounds = array<i64: 128, 32>}, {transform_indices = @transform_14, window_bounds = array<i64: 4000, 128>}, {pipeline_mode = #tpu.pipeline_mode<synchronous>, transform_indices = @transform_15, window_bounds = array<i64: 1, 32>}]} {
    %get3A = arith.constant 0 : index
    %get3A_0 = arith.constant 0 : index
    %get3A_1 = vector.load %arg1[%get3A, %get3A_0] : memref<4000x128xf32, #tpu.memory_space<vmem>>, vector<4000x128xf32>
    %convert_element_type3A = arith.truncf %get3A_1 : vector<4000x128xf32> to vector<4000x128xbf16>
    %get3A_2 = arith.constant 0 : index
    %get3A_3 = arith.constant 0 : index
    %get3A_4 = vector.load %arg2[%get3A_2, %get3A_3] : memref<4000x128xf32, #tpu.memory_space<vmem>>, vector<4000x128xf32>
    %convert_element_type3A_5 = arith.truncf %get3A_4 : vector<4000x128xf32> to vector<4000x128xbf16>
    %get3A_6 = arith.constant 0 : index
    %get3A_7 = arith.constant 0 : index
    %get3A_8 = vector.load %arg3[%get3A_6, %get3A_7] : memref<4000x128xf32, #tpu.memory_space<vmem>>, vector<4000x128xf32>
    %convert_element_type3A_9 = arith.truncf %get3A_8 : vector<4000x128xf32> to vector<4000x128xbf16>
    %get3A_10 = arith.constant 0 : index
    %get3A_11 = arith.constant 0 : index
    %get3A_12 = vector.load %arg4[%get3A_10, %get3A_11] : memref<1x32xf32, #tpu.memory_space<vmem>>, vector<1x32xf32>
    %get3A_13 = arith.constant 0 : index
    %get3A_14 = arith.constant 0 : index
    %get3A_15 = vector.load %arg8[%get3A_13, %get3A_14] : memref<32x64xf32, #tpu.memory_space<vmem>>, vector<32x64xf32>
    %dot_general3A = arith.constant dense<0.000000e+00> : vector<1x64xf32>
    %dot_general3A_16 = tpu.matmul %get3A_12, %get3A_15, %dot_general3A {dimension_numbers = #tpu.dot_dimension_numbers<[1], [0], [0], [1], [0, 0, 1, 1], [], []>, transpose_lhs_hint = false} : vector<1x32xf32>, vector<32x64xf32>, vector<1x64xf32> -> vector<1x64xf32>
    %get3A_17 = arith.constant 0 : index
    %get3A_18 = arith.constant 0 : index
    %get3A_19 = vector.load %arg9[%get3A_17, %get3A_18] : memref<1x64xf32, #tpu.memory_space<vmem>>, vector<1x64xf32>
    %add3A = arith.addf %dot_general3A_16, %get3A_19 : vector<1x64xf32>
    %concatenate3A = tpu.concatenate %add3A, %add3A, %add3A, %add3A in 1 : vector<1x64xf32>, vector<1x64xf32>, vector<1x64xf32>, vector<1x64xf32> -> vector<1x256xf32>
    %get3A_20 = arith.constant 0 : index
    %get3A_21 = arith.constant 0 : index
    %get3A_22 = vector.load %arg5[%get3A_20, %get3A_21] : memref<128x256xbf16, #tpu.memory_space<vmem>>, vector<128x256xbf16>
    %dot_general3A_23 = arith.constant dense<0.000000e+00> : vector<4000x256xf32>
    %dot_general3A_24 = tpu.matmul %convert_element_type3A, %get3A_22, %dot_general3A_23 {dimension_numbers = #tpu.dot_dimension_numbers<[1], [0], [0], [1], [0, 0, 1, 1], [], []>, transpose_lhs_hint = false} : vector<4000x128xbf16>, vector<128x256xbf16>, vector<4000x256xf32> -> vector<4000x256xf32>
    %get3A_25 = arith.constant 0 : index
    %get3A_26 = arith.constant 0 : index
    %get3A_27 = vector.load %arg6[%get3A_25, %get3A_26] : memref<128x256xbf16, #tpu.memory_space<vmem>>, vector<128x256xbf16>
    %dot_general3A_28 = arith.constant dense<0.000000e+00> : vector<4000x256xf32>
    %dot_general3A_29 = tpu.matmul %convert_element_type3A_5, %get3A_27, %dot_general3A_28 {dimension_numbers = #tpu.dot_dimension_numbers<[1], [0], [0], [1], [0, 0, 1, 1], [], []>, transpose_lhs_hint = false} : vector<4000x128xbf16>, vector<128x256xbf16>, vector<4000x256xf32> -> vector<4000x256xf32>
    %add3A_30 = arith.addf %dot_general3A_24, %dot_general3A_29 : vector<4000x256xf32>
    %get3A_31 = arith.constant 0 : index
    %get3A_32 = arith.constant 0 : index
    %get3A_33 = vector.load %arg7[%get3A_31, %get3A_32] : memref<128x256xbf16, #tpu.memory_space<vmem>>, vector<128x256xbf16>
    %dot_general3A_34 = arith.constant dense<0.000000e+00> : vector<4000x256xf32>
    %dot_general3A_35 = tpu.matmul %convert_element_type3A_9, %get3A_33, %dot_general3A_34 {dimension_numbers = #tpu.dot_dimension_numbers<[1], [0], [0], [1], [0, 0, 1, 1], [], []>, transpose_lhs_hint = false} : vector<4000x128xbf16>, vector<128x256xbf16>, vector<4000x256xf32> -> vector<4000x256xf32>
    %add3A_36 = arith.addf %add3A_30, %dot_general3A_35 : vector<4000x256xf32>
    %add3A_37 = vector.broadcast %concatenate3A : vector<1x256xf32> to vector<4000x256xf32>
    %add3A_38 = arith.addf %add3A_36, %add3A_37 : vector<4000x256xf32>
    %gt3A = arith.constant 0.000000e+00 : f32
    %gt3A_39 = vector.broadcast %gt3A : f32 to vector<4000x256xf32>
    %gt3A_40 = arith.cmpf ogt, %add3A_38, %gt3A_39 : vector<4000x256xf32>
    %mul3A = arith.constant 0.00999999977 : f32
    %mul3A_41 = vector.broadcast %mul3A : f32 to vector<4000x256xf32>
    %mul3A_42 = arith.mulf %mul3A_41, %add3A_38 : vector<4000x256xf32>
    %select_n3A = arith.select %gt3A_40, %add3A_38, %mul3A_42 : vector<4000x256xi1>, vector<4000x256xf32>
    %convert_element_type3A_43 = arith.truncf %select_n3A : vector<4000x256xf32> to vector<4000x256xbf16>
    %get3A_44 = arith.constant 0 : index
    %get3A_45 = arith.constant 0 : index
    %get3A_46 = vector.load %arg10[%get3A_44, %get3A_45] : memref<256x256xbf16, #tpu.memory_space<vmem>>, vector<256x256xbf16>
    %dot_general3A_47 = arith.constant dense<0.000000e+00> : vector<4000x256xf32>
    %dot_general3A_48 = tpu.matmul %convert_element_type3A_43, %get3A_46, %dot_general3A_47 {dimension_numbers = #tpu.dot_dimension_numbers<[1], [0], [0], [1], [0, 0, 1, 1], [], []>, transpose_lhs_hint = false} : vector<4000x256xbf16>, vector<256x256xbf16>, vector<4000x256xf32> -> vector<4000x256xf32>
    %get3A_49 = arith.constant 0 : index
    %get3A_50 = arith.constant 0 : index
    %get3A_51 = vector.load %arg11[%get3A_49, %get3A_50] : memref<1x256xf32, #tpu.memory_space<vmem>>, vector<1x256xf32>
    %add3A_52 = vector.broadcast %get3A_51 : vector<1x256xf32> to vector<4000x256xf32>
    %add3A_53 = arith.addf %dot_general3A_48, %add3A_52 : vector<4000x256xf32>
    %gt3A_54 = arith.constant 0.000000e+00 : f32
    %gt3A_55 = vector.broadcast %gt3A_54 : f32 to vector<4000x256xf32>
    %gt3A_56 = arith.cmpf ogt, %add3A_53, %gt3A_55 : vector<4000x256xf32>
    %mul3A_57 = arith.constant 0.00999999977 : f32
    %mul3A_58 = vector.broadcast %mul3A_57 : f32 to vector<4000x256xf32>
    %mul3A_59 = arith.mulf %mul3A_58, %add3A_53 : vector<4000x256xf32>
    %select_n3A_60 = arith.select %gt3A_56, %add3A_53, %mul3A_59 : vector<4000x256xi1>, vector<4000x256xf32>
    %convert_element_type3A_61 = arith.truncf %select_n3A_60 : vector<4000x256xf32> to vector<4000x256xbf16>
    %get3A_62 = arith.constant 0 : index
    %get3A_63 = arith.constant 0 : index
    %get3A_64 = vector.load %arg12[%get3A_62, %get3A_63] : memref<256x128xbf16, #tpu.memory_space<vmem>>, vector<256x128xbf16>
    %dot_general3A_65 = arith.constant dense<0.000000e+00> : vector<4000x128xf32>
    %dot_general3A_66 = tpu.matmul %convert_element_type3A_61, %get3A_64, %dot_general3A_65 {dimension_numbers = #tpu.dot_dimension_numbers<[1], [0], [0], [1], [0, 0, 1, 1], [], []>, transpose_lhs_hint = false} : vector<4000x256xbf16>, vector<256x128xbf16>, vector<4000x128xf32> -> vector<4000x128xf32>
    %get3A_67 = arith.constant 0 : index
    %get3A_68 = arith.constant 0 : index
    %get3A_69 = vector.load %arg13[%get3A_67, %get3A_68] : memref<1x128xf32, #tpu.memory_space<vmem>>, vector<1x128xf32>
    %add3A_70 = vector.broadcast %get3A_69 : vector<1x128xf32> to vector<4000x128xf32>
    %add3A_71 = arith.addf %dot_general3A_66, %add3A_70 : vector<4000x128xf32>
    %add3A_72 = arith.addf %add3A_71, %get3A_8 : vector<4000x128xf32>
    %swap3A = arith.constant 0 : index
    %swap3A_73 = arith.constant 0 : index
    %swap3A_74 = vector.load %arg15[%swap3A, %swap3A_73] : memref<4000x128xf32, #tpu.memory_space<vmem>>, vector<4000x128xf32>
    tpu.vector_store %arg15[%swap3A, %swap3A_73], %add3A_72 {strides = array<i32>} : memref<4000x128xf32, #tpu.memory_space<vmem>>, vector<4000x128xf32>,
    %reduce_sum3A = arith.constant dense<0.000000e+00> : vector<128xf32>
    %reduce_sum3A_75 = vector.multi_reduction <add>, %add3A_72, %reduce_sum3A [0] : vector<4000x128xf32> to vector<128xf32>
    %broadcast_in_dim3A = vector.shape_cast %reduce_sum3A_75 : vector<128xf32> to vector<1x128xf32>
    %eq3A = arith.constant 0 : i32
    %eq3A_76 = arith.cmpi eq, %arg0, %eq3A : i32
    %convert_element_type3A_77 = arith.extui %eq3A_76 : i1 to i32
    %cond3A = arith.constant 0 : i32
    %cond3A_78 = arith.cmpi ne, %convert_element_type3A_77, %cond3A : i32
    scf.if %cond3A_78 {
      %swap3A_89 = arith.constant 0 : index
      %swap3A_90 = arith.constant 0 : index
      %swap3A_91 = vector.load %arg17[%swap3A_89, %swap3A_90] : memref<1x128xf32, #tpu.memory_space<vmem>>, vector<1x128xf32>
      tpu.vector_store %arg17[%swap3A_89, %swap3A_90], %broadcast_in_dim3A {strides = array<i32>} : memref<1x128xf32, #tpu.memory_space<vmem>>, vector<1x128xf32>,
    } else {
    }
    %gt3A_79 = arith.constant 0 : i32
    %gt3A_80 = arith.cmpi sgt, %arg0, %gt3A_79 : i32
    %convert_element_type3A_81 = arith.extui %gt3A_80 : i1 to i32
    %cond3A_82 = arith.constant 0 : i32
    %cond3A_83 = arith.cmpi ne, %convert_element_type3A_81, %cond3A_82 : i32
    scf.if %cond3A_83 {
      %get3A_89 = arith.constant 0 : index
      %get3A_90 = arith.constant 0 : index
      %get3A_91 = vector.load %arg17[%get3A_89, %get3A_90] : memref<1x128xf32, #tpu.memory_space<vmem>>, vector<1x128xf32>
      %add3A_92 = arith.addf %get3A_91, %broadcast_in_dim3A : vector<1x128xf32>
      %swap3A_93 = arith.constant 0 : index
      %swap3A_94 = arith.constant 0 : index
      %swap3A_95 = vector.load %arg17[%swap3A_93, %swap3A_94] : memref<1x128xf32, #tpu.memory_space<vmem>>, vector<1x128xf32>
      tpu.vector_store %arg17[%swap3A_93, %swap3A_94], %add3A_92 {strides = array<i32>} : memref<1x128xf32, #tpu.memory_space<vmem>>, vector<1x128xf32>,
    } else {
    }
    %eq3A_84 = arith.constant 19 : i32
    %eq3A_85 = arith.cmpi eq, %arg0, %eq3A_84 : i32
    %convert_element_type3A_86 = arith.extui %eq3A_85 : i1 to i32
    %cond3A_87 = arith.constant 0 : i32
    %cond3A_88 = arith.cmpi ne, %convert_element_type3A_86, %cond3A_87 : i32
    scf.if %cond3A_88 {
      %get3A_89 = arith.constant 0 : index
      %get3A_90 = arith.constant 0 : index
      %get3A_91 = vector.load %arg17[%get3A_89, %get3A_90] : memref<1x128xf32, #tpu.memory_space<vmem>>, vector<1x128xf32>
      %get3A_92 = arith.constant 0 : index
      %get3A_93 = arith.constant 0 : index
      %get3A_94 = vector.load %arg14[%get3A_92, %get3A_93] : memref<128x32xf32, #tpu.memory_space<vmem>>, vector<128x32xf32>
      %dot_general3A_95 = arith.constant dense<0.000000e+00> : vector<1x32xf32>
      %dot_general3A_96 = tpu.matmul %get3A_91, %get3A_94, %dot_general3A_95 {dimension_numbers = #tpu.dot_dimension_numbers<[1], [0], [0], [1], [0, 0, 1, 1], [], []>, transpose_lhs_hint = false} : vector<1x128xf32>, vector<128x32xf32>, vector<1x32xf32> -> vector<1x32xf32>
      %swap3A_97 = arith.constant 0 : index
      %swap3A_98 = arith.constant 0 : index
      %swap3A_99 = vector.load %arg16[%swap3A_97, %swap3A_98] : memref<1x32xf32, #tpu.memory_space<vmem>>, vector<1x32xf32>
      tpu.vector_store %arg16[%swap3A_97, %swap3A_98], %dot_general3A_96 {strides = array<i32>} : memref<1x32xf32, #tpu.memory_space<vmem>>, vector<1x32xf32>,
    } else {
    }
    return
  }
  func.func @transform_0(%arg0: i32) -> (i32, i32) {
    %c0_i32 = arith.constant 0 : i32
    %c0_i32_0 = arith.constant 0 : i32
    return %arg0, %c0_i32 : i32, i32
  }
  func.func @transform_1(%arg0: i32) -> (i32, i32) {
    %c0_i32 = arith.constant 0 : i32
    %c0_i32_0 = arith.constant 0 : i32
    return %arg0, %c0_i32 : i32, i32
  }
  func.func @transform_2(%arg0: i32) -> (i32, i32) {
    %c0_i32 = arith.constant 0 : i32
    %c0_i32_0 = arith.constant 0 : i32
    return %arg0, %c0_i32 : i32, i32
  }
  func.func @transform_3(%arg0: i32) -> (i32, i32) {
    %c0_i32 = arith.constant 0 : i32
    %c0_i32_0 = arith.constant 0 : i32
    %c0_i32_1 = arith.constant 0 : i32
    return %c0_i32, %c0_i32_0 : i32, i32
  }
  func.func @transform_4(%arg0: i32) -> (i32, i32) {
    %c0_i32 = arith.constant 0 : i32
    %c0_i32_0 = arith.constant 0 : i32
    %c0_i32_1 = arith.constant 0 : i32
    return %c0_i32, %c0_i32_0 : i32, i32
  }
  func.func @transform_5(%arg0: i32) -> (i32, i32) {
    %c0_i32 = arith.constant 0 : i32
    %c0_i32_0 = arith.constant 0 : i32
    %c0_i32_1 = arith.constant 0 : i32
    return %c0_i32, %c0_i32_0 : i32, i32
  }
  func.func @transform_6(%arg0: i32) -> (i32, i32) {
    %c0_i32 = arith.constant 0 : i32
    %c0_i32_0 = arith.constant 0 : i32
    %c0_i32_1 = arith.constant 0 : i32
    return %c0_i32, %c0_i32_0 : i32, i32
  }
  func.func @transform_7(%arg0: i32) -> (i32, i32) {
    %c0_i32 = arith.constant 0 : i32
    %c0_i32_0 = arith.constant 0 : i32
    %c0_i32_1 = arith.constant 0 : i32
    return %c0_i32, %c0_i32_0 : i32, i32
  }
  func.func @transform_8(%arg0: i32) -> (i32, i32) {
    %c0_i32 = arith.constant 0 : i32
    %c0_i32_0 = arith.constant 0 : i32
    %c0_i32_1 = arith.constant 0 : i32
    return %c0_i32, %c0_i32_0 : i32, i32
  }
  func.func @transform_9(%arg0: i32) -> (i32, i32) {
    %c0_i32 = arith.constant 0 : i32
    %c0_i32_0 = arith.constant 0 : i32
    %c0_i32_1 = arith.constant 0 : i32
    return %c0_i32, %c0_i32_0 : i32, i32
  }
  func.func @transform_10(%arg0: i32) -> (i32, i32) {
    %c0_i32 = arith.constant 0 : i32
    %c0_i32_0 = arith.constant 0 : i32
    %c0_i32_1 = arith.constant 0 : i32
    return %c0_i32, %c0_i32_0 : i32, i32
  }
  func.func @transform_11(%arg0: i32) -> (i32, i32) {
    %c0_i32 = arith.constant 0 : i32
    %c0_i32_0 = arith.constant 0 : i32
    %c0_i32_1 = arith.constant 0 : i32
    return %c0_i32, %c0_i32_0 : i32, i32
  }
  func.func @transform_12(%arg0: i32) -> (i32, i32) {
    %c0_i32 = arith.constant 0 : i32
    %c0_i32_0 = arith.constant 0 : i32
    %c0_i32_1 = arith.constant 0 : i32
    return %c0_i32, %c0_i32_0 : i32, i32
  }
  func.func @transform_13(%arg0: i32) -> (i32, i32) {
    %c0_i32 = arith.constant 0 : i32
    %c0_i32_0 = arith.constant 0 : i32
    %c0_i32_1 = arith.constant 0 : i32
    return %c0_i32, %c0_i32_0 : i32, i32
  }
  func.func @transform_14(%arg0: i32) -> (i32, i32) {
    %c0_i32 = arith.constant 0 : i32
    %c0_i32_0 = arith.constant 0 : i32
    return %arg0, %c0_i32 : i32, i32
  }
  func.func @transform_15(%arg0: i32) -> (i32, i32) {
    %c0_i32 = arith.constant 0 : i32
    %c0_i32_0 = arith.constant 0 : i32
    %c0_i32_1 = arith.constant 0 : i32
    return %c0_i32, %c0_i32_0 : i32, i32
  }
}

module attributes {stable_mosaic.version = 14 : i64} {
  func.func @_node_body(%arg0: memref<2500x128xf32, #tpu.memory_space<vmem>>, %arg1: memref<2500x128xf32, #tpu.memory_space<vmem>>, %arg2: memref<2500x128xf32, #tpu.memory_space<vmem>>, %arg3: memref<2500x128xf32, #tpu.memory_space<vmem>>, %arg4: memref<1x32xf32, #tpu.memory_space<vmem>>, %arg5: memref<1x32xf32, #tpu.memory_space<vmem>>, %arg6: memref<128x256xbf16, #tpu.memory_space<vmem>>, %arg7: memref<128x256xbf16, #tpu.memory_space<vmem>>, %arg8: memref<32x64xf32, #tpu.memory_space<vmem>>, %arg9: memref<1x64xf32, #tpu.memory_space<vmem>>, %arg10: memref<256x256xbf16, #tpu.memory_space<vmem>>, %arg11: memref<1x256xf32, #tpu.memory_space<vmem>>, %arg12: memref<256x128xbf16, #tpu.memory_space<vmem>>, %arg13: memref<1x128xf32, #tpu.memory_space<vmem>>, %arg14: memref<128x32xf32, #tpu.memory_space<vmem>>, %arg15: memref<32x64xf32, #tpu.memory_space<vmem>>, %arg16: memref<32x64xf32, #tpu.memory_space<vmem>>, %arg17: memref<32x64xf32, #tpu.memory_space<vmem>>, %arg18: memref<1x64xf32, #tpu.memory_space<vmem>>, %arg19: memref<64x64xf32, #tpu.memory_space<vmem>>, %arg20: memref<1x64xf32, #tpu.memory_space<vmem>>, %arg21: memref<64x32xf32, #tpu.memory_space<vmem>>, %arg22: memref<1x32xf32, #tpu.memory_space<vmem>>, %arg23: memref<2500x128xf32, #tpu.memory_space<vmem>>, %arg24: memref<1x32xf32, #tpu.memory_space<vmem>>) attributes {dimension_semantics = [], scalar_prefetch = 0 : i64, scratch_operands = 0 : i64, tpu.core_type = #tpu.core_type<tc>} {
    %get3A = arith.constant 0 : index
    %get3A_0 = arith.constant 0 : index
    %get3A_1 = vector.load %arg0[%get3A, %get3A_0] : memref<2500x128xf32, #tpu.memory_space<vmem>>, vector<2500x128xf32>
    %get3A_2 = arith.constant 0 : index
    %get3A_3 = arith.constant 0 : index
    %get3A_4 = vector.load %arg3[%get3A_2, %get3A_3] : memref<2500x128xf32, #tpu.memory_space<vmem>>, vector<2500x128xf32>
    %get3A_5 = arith.constant 0 : index
    %get3A_6 = arith.constant 0 : index
    %get3A_7 = vector.load %arg1[%get3A_5, %get3A_6] : memref<2500x128xf32, #tpu.memory_space<vmem>>, vector<2500x128xf32>
    %get3A_8 = arith.constant 0 : index
    %get3A_9 = arith.constant 0 : index
    %get3A_10 = vector.load %arg2[%get3A_8, %get3A_9] : memref<2500x128xf32, #tpu.memory_space<vmem>>, vector<2500x128xf32>
    %add3A = arith.addf %get3A_7, %get3A_10 : vector<2500x128xf32>
    %max3A = arith.constant 1.000000e+00 : f32
    %max3A_11 = vector.broadcast %max3A : f32 to vector<2500x128xf32>
    %max3A_12 = arith.maximumf %get3A_4, %max3A_11 : vector<2500x128xf32>
    %div3A = arith.divf %add3A, %max3A_12 : vector<2500x128xf32>
    %get3A_13 = arith.constant 0 : index
    %get3A_14 = arith.constant 0 : index
    %get3A_15 = vector.load %arg4[%get3A_13, %get3A_14] : memref<1x32xf32, #tpu.memory_space<vmem>>, vector<1x32xf32>
    %get3A_16 = arith.constant 0 : index
    %get3A_17 = arith.constant 0 : index
    %get3A_18 = vector.load %arg8[%get3A_16, %get3A_17] : memref<32x64xf32, #tpu.memory_space<vmem>>, vector<32x64xf32>
    %dot_general3A = arith.constant dense<0.000000e+00> : vector<1x64xf32>
    %dot_general3A_19 = tpu.matmul %get3A_15, %get3A_18, %dot_general3A {dimension_numbers = #tpu.dot_dimension_numbers<[1], [0], [0], [1], [0, 0, 1, 1], [], []>, transpose_lhs_hint = false} : vector<1x32xf32>, vector<32x64xf32>, vector<1x64xf32> -> vector<1x64xf32>
    %get3A_20 = arith.constant 0 : index
    %get3A_21 = arith.constant 0 : index
    %get3A_22 = vector.load %arg9[%get3A_20, %get3A_21] : memref<1x64xf32, #tpu.memory_space<vmem>>, vector<1x64xf32>
    %add3A_23 = arith.addf %dot_general3A_19, %get3A_22 : vector<1x64xf32>
    %concatenate3A = tpu.concatenate %add3A_23, %add3A_23, %add3A_23, %add3A_23 in 1 : vector<1x64xf32>, vector<1x64xf32>, vector<1x64xf32>, vector<1x64xf32> -> vector<1x256xf32>
    %convert_element_type3A = arith.truncf %get3A_1 : vector<2500x128xf32> to vector<2500x128xbf16>
    %get3A_24 = arith.constant 0 : index
    %get3A_25 = arith.constant 0 : index
    %get3A_26 = vector.load %arg6[%get3A_24, %get3A_25] : memref<128x256xbf16, #tpu.memory_space<vmem>>, vector<128x256xbf16>
    %dot_general3A_27 = arith.constant dense<0.000000e+00> : vector<2500x256xf32>
    %dot_general3A_28 = tpu.matmul %convert_element_type3A, %get3A_26, %dot_general3A_27 {dimension_numbers = #tpu.dot_dimension_numbers<[1], [0], [0], [1], [0, 0, 1, 1], [], []>, transpose_lhs_hint = false} : vector<2500x128xbf16>, vector<128x256xbf16>, vector<2500x256xf32> -> vector<2500x256xf32>
    %convert_element_type3A_29 = arith.truncf %div3A : vector<2500x128xf32> to vector<2500x128xbf16>
    %get3A_30 = arith.constant 0 : index
    %get3A_31 = arith.constant 0 : index
    %get3A_32 = vector.load %arg7[%get3A_30, %get3A_31] : memref<128x256xbf16, #tpu.memory_space<vmem>>, vector<128x256xbf16>
    %dot_general3A_33 = arith.constant dense<0.000000e+00> : vector<2500x256xf32>
    %dot_general3A_34 = tpu.matmul %convert_element_type3A_29, %get3A_32, %dot_general3A_33 {dimension_numbers = #tpu.dot_dimension_numbers<[1], [0], [0], [1], [0, 0, 1, 1], [], []>, transpose_lhs_hint = false} : vector<2500x128xbf16>, vector<128x256xbf16>, vector<2500x256xf32> -> vector<2500x256xf32>
    %add3A_35 = arith.addf %dot_general3A_28, %dot_general3A_34 : vector<2500x256xf32>
    %add3A_36 = vector.broadcast %concatenate3A : vector<1x256xf32> to vector<2500x256xf32>
    %add3A_37 = arith.addf %add3A_35, %add3A_36 : vector<2500x256xf32>
    %gt3A = arith.constant 0.000000e+00 : f32
    %gt3A_38 = vector.broadcast %gt3A : f32 to vector<2500x256xf32>
    %gt3A_39 = arith.cmpf ogt, %add3A_37, %gt3A_38 : vector<2500x256xf32>
    %mul3A = arith.constant 0.00999999977 : f32
    %mul3A_40 = vector.broadcast %mul3A : f32 to vector<2500x256xf32>
    %mul3A_41 = arith.mulf %mul3A_40, %add3A_37 : vector<2500x256xf32>
    %select_n3A = arith.select %gt3A_39, %add3A_37, %mul3A_41 : vector<2500x256xi1>, vector<2500x256xf32>
    %convert_element_type3A_42 = arith.truncf %select_n3A : vector<2500x256xf32> to vector<2500x256xbf16>
    %get3A_43 = arith.constant 0 : index
    %get3A_44 = arith.constant 0 : index
    %get3A_45 = vector.load %arg10[%get3A_43, %get3A_44] : memref<256x256xbf16, #tpu.memory_space<vmem>>, vector<256x256xbf16>
    %dot_general3A_46 = arith.constant dense<0.000000e+00> : vector<2500x256xf32>
    %dot_general3A_47 = tpu.matmul %convert_element_type3A_42, %get3A_45, %dot_general3A_46 {dimension_numbers = #tpu.dot_dimension_numbers<[1], [0], [0], [1], [0, 0, 1, 1], [], []>, transpose_lhs_hint = false} : vector<2500x256xbf16>, vector<256x256xbf16>, vector<2500x256xf32> -> vector<2500x256xf32>
    %get3A_48 = arith.constant 0 : index
    %get3A_49 = arith.constant 0 : index
    %get3A_50 = vector.load %arg11[%get3A_48, %get3A_49] : memref<1x256xf32, #tpu.memory_space<vmem>>, vector<1x256xf32>
    %add3A_51 = vector.broadcast %get3A_50 : vector<1x256xf32> to vector<2500x256xf32>
    %add3A_52 = arith.addf %dot_general3A_47, %add3A_51 : vector<2500x256xf32>
    %gt3A_53 = arith.constant 0.000000e+00 : f32
    %gt3A_54 = vector.broadcast %gt3A_53 : f32 to vector<2500x256xf32>
    %gt3A_55 = arith.cmpf ogt, %add3A_52, %gt3A_54 : vector<2500x256xf32>
    %mul3A_56 = arith.constant 0.00999999977 : f32
    %mul3A_57 = vector.broadcast %mul3A_56 : f32 to vector<2500x256xf32>
    %mul3A_58 = arith.mulf %mul3A_57, %add3A_52 : vector<2500x256xf32>
    %select_n3A_59 = arith.select %gt3A_55, %add3A_52, %mul3A_58 : vector<2500x256xi1>, vector<2500x256xf32>
    %convert_element_type3A_60 = arith.truncf %select_n3A_59 : vector<2500x256xf32> to vector<2500x256xbf16>
    %get3A_61 = arith.constant 0 : index
    %get3A_62 = arith.constant 0 : index
    %get3A_63 = vector.load %arg12[%get3A_61, %get3A_62] : memref<256x128xbf16, #tpu.memory_space<vmem>>, vector<256x128xbf16>
    %dot_general3A_64 = arith.constant dense<0.000000e+00> : vector<2500x128xf32>
    %dot_general3A_65 = tpu.matmul %convert_element_type3A_60, %get3A_63, %dot_general3A_64 {dimension_numbers = #tpu.dot_dimension_numbers<[1], [0], [0], [1], [0, 0, 1, 1], [], []>, transpose_lhs_hint = false} : vector<2500x256xbf16>, vector<256x128xbf16>, vector<2500x128xf32> -> vector<2500x128xf32>
    %get3A_66 = arith.constant 0 : index
    %get3A_67 = arith.constant 0 : index
    %get3A_68 = vector.load %arg13[%get3A_66, %get3A_67] : memref<1x128xf32, #tpu.memory_space<vmem>>, vector<1x128xf32>
    %add3A_69 = vector.broadcast %get3A_68 : vector<1x128xf32> to vector<2500x128xf32>
    %add3A_70 = arith.addf %dot_general3A_65, %add3A_69 : vector<2500x128xf32>
    %add3A_71 = arith.addf %add3A_70, %get3A_1 : vector<2500x128xf32>
    %swap3A = arith.constant 0 : index
    %swap3A_72 = arith.constant 0 : index
    %swap3A_73 = vector.load %arg23[%swap3A, %swap3A_72] : memref<2500x128xf32, #tpu.memory_space<vmem>>, vector<2500x128xf32>
    tpu.vector_store %arg23[%swap3A, %swap3A_72], %add3A_71 {strides = array<i32>} : memref<2500x128xf32, #tpu.memory_space<vmem>>, vector<2500x128xf32>,
    %reduce_sum3A = arith.constant dense<0.000000e+00> : vector<128xf32>
    %reduce_sum3A_74 = vector.multi_reduction <add>, %add3A_71, %reduce_sum3A [0] : vector<2500x128xf32> to vector<128xf32>
    %broadcast_in_dim3A = vector.shape_cast %reduce_sum3A_74 : vector<128xf32> to vector<1x128xf32>
    %get3A_75 = arith.constant 0 : index
    %get3A_76 = arith.constant 0 : index
    %get3A_77 = vector.load %arg14[%get3A_75, %get3A_76] : memref<128x32xf32, #tpu.memory_space<vmem>>, vector<128x32xf32>
    %dot_general3A_78 = arith.constant dense<0.000000e+00> : vector<1x32xf32>
    %dot_general3A_79 = tpu.matmul %broadcast_in_dim3A, %get3A_77, %dot_general3A_78 {dimension_numbers = #tpu.dot_dimension_numbers<[1], [0], [0], [1], [0, 0, 1, 1], [], []>, transpose_lhs_hint = false} : vector<1x128xf32>, vector<128x32xf32>, vector<1x32xf32> -> vector<1x32xf32>
    %mul3A_80 = arith.constant 9.99999974E-5 : f32
    %mul3A_81 = vector.broadcast %mul3A_80 : f32 to vector<1x32xf32>
    %mul3A_82 = arith.mulf %dot_general3A_79, %mul3A_81 : vector<1x32xf32>
    %get3A_83 = arith.constant 0 : index
    %get3A_84 = arith.constant 0 : index
    %get3A_85 = vector.load %arg5[%get3A_83, %get3A_84] : memref<1x32xf32, #tpu.memory_space<vmem>>, vector<1x32xf32>
    %mul3A_86 = arith.constant 3.125000e-06 : f32
    %mul3A_87 = vector.broadcast %mul3A_86 : f32 to vector<1x32xf32>
    %mul3A_88 = arith.mulf %get3A_85, %mul3A_87 : vector<1x32xf32>
    %get3A_89 = arith.constant 0 : index
    %get3A_90 = arith.constant 0 : index
    %get3A_91 = vector.load %arg15[%get3A_89, %get3A_90] : memref<32x64xf32, #tpu.memory_space<vmem>>, vector<32x64xf32>
    %dot_general3A_92 = arith.constant dense<0.000000e+00> : vector<1x64xf32>
    %dot_general3A_93 = tpu.matmul %mul3A_82, %get3A_91, %dot_general3A_92 {dimension_numbers = #tpu.dot_dimension_numbers<[1], [0], [0], [1], [0, 0, 1, 1], [], []>, transpose_lhs_hint = false} : vector<1x32xf32>, vector<32x64xf32>, vector<1x64xf32> -> vector<1x64xf32>
    %get3A_94 = arith.constant 0 : index
    %get3A_95 = arith.constant 0 : index
    %get3A_96 = vector.load %arg16[%get3A_94, %get3A_95] : memref<32x64xf32, #tpu.memory_space<vmem>>, vector<32x64xf32>
    %dot_general3A_97 = arith.constant dense<0.000000e+00> : vector<1x64xf32>
    %dot_general3A_98 = tpu.matmul %mul3A_88, %get3A_96, %dot_general3A_97 {dimension_numbers = #tpu.dot_dimension_numbers<[1], [0], [0], [1], [0, 0, 1, 1], [], []>, transpose_lhs_hint = false} : vector<1x32xf32>, vector<32x64xf32>, vector<1x64xf32> -> vector<1x64xf32>
    %add3A_99 = arith.addf %dot_general3A_93, %dot_general3A_98 : vector<1x64xf32>
    %get3A_100 = arith.constant 0 : index
    %get3A_101 = arith.constant 0 : index
    %get3A_102 = vector.load %arg17[%get3A_100, %get3A_101] : memref<32x64xf32, #tpu.memory_space<vmem>>, vector<32x64xf32>
    %dot_general3A_103 = arith.constant dense<0.000000e+00> : vector<1x64xf32>
    %dot_general3A_104 = tpu.matmul %get3A_15, %get3A_102, %dot_general3A_103 {dimension_numbers = #tpu.dot_dimension_numbers<[1], [0], [0], [1], [0, 0, 1, 1], [], []>, transpose_lhs_hint = false} : vector<1x32xf32>, vector<32x64xf32>, vector<1x64xf32> -> vector<1x64xf32>
    %add3A_105 = arith.addf %add3A_99, %dot_general3A_104 : vector<1x64xf32>
    %get3A_106 = arith.constant 0 : index
    %get3A_107 = arith.constant 0 : index
    %get3A_108 = vector.load %arg18[%get3A_106, %get3A_107] : memref<1x64xf32, #tpu.memory_space<vmem>>, vector<1x64xf32>
    %add3A_109 = arith.addf %add3A_105, %get3A_108 : vector<1x64xf32>
    %gt3A_110 = arith.constant 0.000000e+00 : f32
    %gt3A_111 = vector.broadcast %gt3A_110 : f32 to vector<1x64xf32>
    %gt3A_112 = arith.cmpf ogt, %add3A_109, %gt3A_111 : vector<1x64xf32>
    %mul3A_113 = arith.constant 0.00999999977 : f32
    %mul3A_114 = vector.broadcast %mul3A_113 : f32 to vector<1x64xf32>
    %mul3A_115 = arith.mulf %mul3A_114, %add3A_109 : vector<1x64xf32>
    %select_n3A_116 = arith.select %gt3A_112, %add3A_109, %mul3A_115 : vector<1x64xi1>, vector<1x64xf32>
    %get3A_117 = arith.constant 0 : index
    %get3A_118 = arith.constant 0 : index
    %get3A_119 = vector.load %arg19[%get3A_117, %get3A_118] : memref<64x64xf32, #tpu.memory_space<vmem>>, vector<64x64xf32>
    %dot_general3A_120 = arith.constant dense<0.000000e+00> : vector<1x64xf32>
    %dot_general3A_121 = tpu.matmul %select_n3A_116, %get3A_119, %dot_general3A_120 {dimension_numbers = #tpu.dot_dimension_numbers<[1], [0], [0], [1], [0, 0, 1, 1], [], []>, transpose_lhs_hint = false} : vector<1x64xf32>, vector<64x64xf32>, vector<1x64xf32> -> vector<1x64xf32>
    %get3A_122 = arith.constant 0 : index
    %get3A_123 = arith.constant 0 : index
    %get3A_124 = vector.load %arg20[%get3A_122, %get3A_123] : memref<1x64xf32, #tpu.memory_space<vmem>>, vector<1x64xf32>
    %add3A_125 = arith.addf %dot_general3A_121, %get3A_124 : vector<1x64xf32>
    %gt3A_126 = arith.constant 0.000000e+00 : f32
    %gt3A_127 = vector.broadcast %gt3A_126 : f32 to vector<1x64xf32>
    %gt3A_128 = arith.cmpf ogt, %add3A_125, %gt3A_127 : vector<1x64xf32>
    %mul3A_129 = arith.constant 0.00999999977 : f32
    %mul3A_130 = vector.broadcast %mul3A_129 : f32 to vector<1x64xf32>
    %mul3A_131 = arith.mulf %mul3A_130, %add3A_125 : vector<1x64xf32>
    %select_n3A_132 = arith.select %gt3A_128, %add3A_125, %mul3A_131 : vector<1x64xi1>, vector<1x64xf32>
    %get3A_133 = arith.constant 0 : index
    %get3A_134 = arith.constant 0 : index
    %get3A_135 = vector.load %arg21[%get3A_133, %get3A_134] : memref<64x32xf32, #tpu.memory_space<vmem>>, vector<64x32xf32>
    %dot_general3A_136 = arith.constant dense<0.000000e+00> : vector<1x32xf32>
    %dot_general3A_137 = tpu.matmul %select_n3A_132, %get3A_135, %dot_general3A_136 {dimension_numbers = #tpu.dot_dimension_numbers<[1], [0], [0], [1], [0, 0, 1, 1], [], []>, transpose_lhs_hint = false} : vector<1x64xf32>, vector<64x32xf32>, vector<1x32xf32> -> vector<1x32xf32>
    %get3A_138 = arith.constant 0 : index
    %get3A_139 = arith.constant 0 : index
    %get3A_140 = vector.load %arg22[%get3A_138, %get3A_139] : memref<1x32xf32, #tpu.memory_space<vmem>>, vector<1x32xf32>
    %add3A_141 = arith.addf %dot_general3A_137, %get3A_140 : vector<1x32xf32>
    %add3A_142 = arith.addf %add3A_141, %get3A_15 : vector<1x32xf32>
    %swap3A_143 = arith.constant 0 : index
    %swap3A_144 = arith.constant 0 : index
    %swap3A_145 = vector.load %arg24[%swap3A_143, %swap3A_144] : memref<1x32xf32, #tpu.memory_space<vmem>>, vector<1x32xf32>
    tpu.vector_store %arg24[%swap3A_143, %swap3A_144], %add3A_142 {strides = array<i32>} : memref<1x32xf32, #tpu.memory_space<vmem>>, vector<1x32xf32>,
    return
  }
}

module attributes {stable_mosaic.version = 14 : i64} {
  func.func @_s2s_body(%arg0: i32, %arg1: i32, %arg2: memref<10000x128xf32, #tpu.memory_space<vmem>>, %arg3: memref<128x64xf32, #tpu.memory_space<vmem>>, %arg4: memref<1x64xf32, #tpu.memory_space<vmem>>, %arg5: memref<64x4xf32, #tpu.memory_space<vmem>>, %arg6: memref<4x64xf32, #tpu.memory_space<vmem>>, %arg7: memref<64x16xf32, #tpu.memory_space<vmem>>, %arg8: memref<16x64xf32, #tpu.memory_space<vmem>>, %arg9: memref<32x64xf32, #tpu.memory_space<vmem>>, %arg10: memref<16x64xf32, #tpu.memory_space<vmem>>, %arg11: memref<1x64xf32, #tpu.memory_space<vmem>>, %arg12: memref<16x64xf32, #tpu.memory_space<vmem>>, %arg13: memref<16x64xf32, #tpu.memory_space<vmem>>, %arg14: memref<1x64xf32, #tpu.memory_space<vmem>>, %arg15: memref<1x32xf32, #tpu.memory_space<vmem>>, %arg16: memref<8x128xf32, #tpu.memory_space<vmem>>) attributes {dimension_semantics = [#tpu.dimension_semantics<arbitrary>, #tpu.dimension_semantics<arbitrary>], iteration_bounds = array<i64: 3, 8>, scalar_prefetch = 0 : i64, scratch_operands = 1 : i64, tpu.core_type = #tpu.core_type<tc>, window_params = [{transform_indices = @transform_0, window_bounds = array<i64: 10000, 128>}, {pipeline_mode = #tpu.pipeline_mode<synchronous>, transform_indices = @transform_1, window_bounds = array<i64: 128, 64>}, {pipeline_mode = #tpu.pipeline_mode<synchronous>, transform_indices = @transform_2, window_bounds = array<i64: 1, 64>}, {pipeline_mode = #tpu.pipeline_mode<synchronous>, transform_indices = @transform_3, window_bounds = array<i64: 64, 4>}, {pipeline_mode = #tpu.pipeline_mode<synchronous>, transform_indices = @transform_4, window_bounds = array<i64: 4, 64>}, {pipeline_mode = #tpu.pipeline_mode<synchronous>, transform_indices = @transform_5, window_bounds = array<i64: 64, 16>}, {pipeline_mode = #tpu.pipeline_mode<synchronous>, transform_indices = @transform_6, window_bounds = array<i64: 16, 64>}, {pipeline_mode = #tpu.pipeline_mode<synchronous>, transform_indices = @transform_7, window_bounds = array<i64: 32, 64>}, {pipeline_mode = #tpu.pipeline_mode<synchronous>, transform_indices = @transform_8, window_bounds = array<i64: 16, 64>}, {pipeline_mode = #tpu.pipeline_mode<synchronous>, transform_indices = @transform_9, window_bounds = array<i64: 1, 64>}, {pipeline_mode = #tpu.pipeline_mode<synchronous>, transform_indices = @transform_10, window_bounds = array<i64: 16, 64>}, {pipeline_mode = #tpu.pipeline_mode<synchronous>, transform_indices = @transform_11, window_bounds = array<i64: 16, 64>}, {pipeline_mode = #tpu.pipeline_mode<synchronous>, transform_indices = @transform_12, window_bounds = array<i64: 1, 64>}, {pipeline_mode = #tpu.pipeline_mode<synchronous>, transform_indices = @transform_13, window_bounds = array<i64: 1, 32>}]} {
    %eq3A = arith.constant 0 : i32
    %eq3A_0 = arith.cmpi eq, %arg0, %eq3A : i32
    %eq3A_1 = arith.constant 0 : i32
    %eq3A_2 = arith.cmpi eq, %arg1, %eq3A_1 : i32
    %and3A = arith.andi %eq3A_0, %eq3A_2 : i1
    %convert_element_type3A = arith.extui %and3A : i1 to i32
    %cond3A = arith.constant 0 : i32
    %cond3A_3 = arith.cmpi ne, %convert_element_type3A, %cond3A : i32
    scf.if %cond3A_3 {
      %broadcast_in_dim3A_81 = arith.constant 0.000000e+00 : f32
      %broadcast_in_dim3A_82 = vector.broadcast %broadcast_in_dim3A_81 : f32 to vector<8x128xf32>
      %swap3A_83 = arith.constant 0 : index
      %swap3A_84 = arith.constant 0 : index
      %swap3A_85 = vector.load %arg16[%swap3A_83, %swap3A_84] : memref<8x128xf32, #tpu.memory_space<vmem>>, vector<8x128xf32>
      tpu.vector_store %arg16[%swap3A_83, %swap3A_84], %broadcast_in_dim3A_82 {strides = array<i32>} : memref<8x128xf32, #tpu.memory_space<vmem>>, vector<8x128xf32>,
    } else {
    }
    %eq3A_4 = arith.constant 0 : i32
    %eq3A_5 = arith.cmpi eq, %arg1, %eq3A_4 : i32
    %convert_element_type3A_6 = arith.extui %eq3A_5 : i1 to i32
    %cond3A_7 = arith.constant 0 : i32
    %cond3A_8 = arith.cmpi ne, %convert_element_type3A_6, %cond3A_7 : i32
    scf.if %cond3A_8 {
      %get3A_81 = arith.constant 4 : index
      %get3A_82 = arith.constant 0 : index
      %get3A_83 = vector.load %arg16[%get3A_81, %get3A_82] : memref<8x128xf32, #tpu.memory_space<vmem>>, vector<1x32xf32>
      %get3A_84 = arith.constant 0 : index
      %get3A_85 = arith.constant 0 : index
      %get3A_86 = vector.load %arg16[%get3A_84, %get3A_85] : memref<8x128xf32, #tpu.memory_space<vmem>>, vector<1x16xf32>
      %get3A_87 = arith.constant 1 : index
      %get3A_88 = arith.constant 0 : index
      %get3A_89 = vector.load %arg16[%get3A_87, %get3A_88] : memref<8x128xf32, #tpu.memory_space<vmem>>, vector<1x16xf32>
      %get3A_90 = arith.constant 2 : index
      %get3A_91 = arith.constant 0 : index
      %get3A_92 = vector.load %arg16[%get3A_90, %get3A_91] : memref<8x128xf32, #tpu.memory_space<vmem>>, vector<1x16xf32>
      %get3A_93 = arith.constant 3 : index
      %get3A_94 = arith.constant 0 : index
      %get3A_95 = vector.load %arg16[%get3A_93, %get3A_94] : memref<8x128xf32, #tpu.memory_space<vmem>>, vector<1x16xf32>
      %get3A_96 = arith.constant 0 : index
      %get3A_97 = arith.constant 0 : index
      %get3A_98 = vector.load %arg9[%get3A_96, %get3A_97] : memref<32x64xf32, #tpu.memory_space<vmem>>, vector<32x64xf32>
      %dot_general3A_99 = arith.constant dense<0.000000e+00> : vector<1x64xf32>
      %dot_general3A_100 = tpu.matmul %get3A_83, %get3A_98, %dot_general3A_99 {dimension_numbers = #tpu.dot_dimension_numbers<[1], [0], [0], [1], [0, 0, 1, 1], [], []>, transpose_lhs_hint = false} : vector<1x32xf32>, vector<32x64xf32>, vector<1x64xf32> -> vector<1x64xf32>
      %get3A_101 = arith.constant 0 : index
      %get3A_102 = arith.constant 0 : index
      %get3A_103 = vector.load %arg10[%get3A_101, %get3A_102] : memref<16x64xf32, #tpu.memory_space<vmem>>, vector<16x64xf32>
      %dot_general3A_104 = arith.constant dense<0.000000e+00> : vector<1x64xf32>
      %dot_general3A_105 = tpu.matmul %get3A_86, %get3A_103, %dot_general3A_104 {dimension_numbers = #tpu.dot_dimension_numbers<[1], [0], [0], [1], [0, 0, 1, 1], [], []>, transpose_lhs_hint = false} : vector<1x16xf32>, vector<16x64xf32>, vector<1x64xf32> -> vector<1x64xf32>
      %add3A_106 = arith.addf %dot_general3A_100, %dot_general3A_105 : vector<1x64xf32>
      %get3A_107 = arith.constant 0 : index
      %get3A_108 = arith.constant 0 : index
      %get3A_109 = vector.load %arg11[%get3A_107, %get3A_108] : memref<1x64xf32, #tpu.memory_space<vmem>>, vector<1x64xf32>
      %add3A_110 = arith.addf %add3A_106, %get3A_109 : vector<1x64xf32>
      %slice3A = vector.extract_strided_slice %add3A_110 {offsets = [0, 0], sizes = [1, 16], strides = [1, 1]} : vector<1x64xf32> to vector<1x16xf32>
      %neg3A = arith.constant 0.000000e+00 : f32
      %neg3A_111 = vector.broadcast %neg3A : f32 to vector<1x16xf32>
      %neg3A_112 = arith.subf %neg3A_111, %slice3A : vector<1x16xf32>
      %exp3A_113 = math.exp %neg3A_112 : vector<1x16xf32>
      %add3A_114 = arith.constant 1.000000e+00 : f32
      %add3A_115 = vector.broadcast %add3A_114 : f32 to vector<1x16xf32>
      %add3A_116 = arith.addf %add3A_115, %exp3A_113 : vector<1x16xf32>
      %div3A = arith.constant 1.000000e+00 : f32
      %div3A_117 = vector.broadcast %div3A : f32 to vector<1x16xf32>
      %div3A_118 = arith.divf %div3A_117, %add3A_116 : vector<1x16xf32>
      %slice3A_119 = vector.extract_strided_slice %add3A_110 {offsets = [0, 16], sizes = [1, 16], strides = [1, 1]} : vector<1x64xf32> to vector<1x16xf32>
      %neg3A_120 = arith.constant 0.000000e+00 : f32
      %neg3A_121 = vector.broadcast %neg3A_120 : f32 to vector<1x16xf32>
      %neg3A_122 = arith.subf %neg3A_121, %slice3A_119 : vector<1x16xf32>
      %exp3A_123 = math.exp %neg3A_122 : vector<1x16xf32>
      %add3A_124 = arith.constant 1.000000e+00 : f32
      %add3A_125 = vector.broadcast %add3A_124 : f32 to vector<1x16xf32>
      %add3A_126 = arith.addf %add3A_125, %exp3A_123 : vector<1x16xf32>
      %div3A_127 = arith.constant 1.000000e+00 : f32
      %div3A_128 = vector.broadcast %div3A_127 : f32 to vector<1x16xf32>
      %div3A_129 = arith.divf %div3A_128, %add3A_126 : vector<1x16xf32>
      %slice3A_130 = vector.extract_strided_slice %add3A_110 {offsets = [0, 32], sizes = [1, 16], strides = [1, 1]} : vector<1x64xf32> to vector<1x16xf32>
      %mul3A_131 = arith.constant -2.000000e+00 : f32
      %mul3A_132 = vector.broadcast %mul3A_131 : f32 to vector<1x16xf32>
      %mul3A_133 = arith.mulf %mul3A_132, %slice3A_130 : vector<1x16xf32>
      %exp3A_134 = math.exp %mul3A_133 : vector<1x16xf32>
      %sub3A_135 = arith.constant 1.000000e+00 : f32
      %sub3A_136 = vector.broadcast %sub3A_135 : f32 to vector<1x16xf32>
      %sub3A_137 = arith.subf %sub3A_136, %exp3A_134 : vector<1x16xf32>
      %add3A_138 = arith.constant 1.000000e+00 : f32
      %add3A_139 = vector.broadcast %add3A_138 : f32 to vector<1x16xf32>
      %add3A_140 = arith.addf %add3A_139, %exp3A_134 : vector<1x16xf32>
      %div3A_141 = arith.divf %sub3A_137, %add3A_140 : vector<1x16xf32>
      %slice3A_142 = vector.extract_strided_slice %add3A_110 {offsets = [0, 48], sizes = [1, 16], strides = [1, 1]} : vector<1x64xf32> to vector<1x16xf32>
      %neg3A_143 = arith.constant 0.000000e+00 : f32
      %neg3A_144 = vector.broadcast %neg3A_143 : f32 to vector<1x16xf32>
      %neg3A_145 = arith.subf %neg3A_144, %slice3A_142 : vector<1x16xf32>
      %exp3A_146 = math.exp %neg3A_145 : vector<1x16xf32>
      %add3A_147 = arith.constant 1.000000e+00 : f32
      %add3A_148 = vector.broadcast %add3A_147 : f32 to vector<1x16xf32>
      %add3A_149 = arith.addf %add3A_148, %exp3A_146 : vector<1x16xf32>
      %div3A_150 = arith.constant 1.000000e+00 : f32
      %div3A_151 = vector.broadcast %div3A_150 : f32 to vector<1x16xf32>
      %div3A_152 = arith.divf %div3A_151, %add3A_149 : vector<1x16xf32>
      %mul3A_153 = arith.mulf %div3A_129, %get3A_89 : vector<1x16xf32>
      %mul3A_154 = arith.mulf %div3A_118, %div3A_141 : vector<1x16xf32>
      %add3A_155 = arith.addf %mul3A_153, %mul3A_154 : vector<1x16xf32>
      %mul3A_156 = arith.constant -2.000000e+00 : f32
      %mul3A_157 = vector.broadcast %mul3A_156 : f32 to vector<1x16xf32>
      %mul3A_158 = arith.mulf %mul3A_157, %add3A_155 : vector<1x16xf32>
      %exp3A_159 = math.exp %mul3A_158 : vector<1x16xf32>
      %sub3A_160 = arith.constant 1.000000e+00 : f32
      %sub3A_161 = vector.broadcast %sub3A_160 : f32 to vector<1x16xf32>
      %sub3A_162 = arith.subf %sub3A_161, %exp3A_159 : vector<1x16xf32>
      %add3A_163 = arith.constant 1.000000e+00 : f32
      %add3A_164 = vector.broadcast %add3A_163 : f32 to vector<1x16xf32>
      %add3A_165 = arith.addf %add3A_164, %exp3A_159 : vector<1x16xf32>
      %div3A_166 = arith.divf %sub3A_162, %add3A_165 : vector<1x16xf32>
      %mul3A_167 = arith.mulf %div3A_152, %div3A_166 : vector<1x16xf32>
      %get3A_168 = arith.constant 0 : index
      %get3A_169 = arith.constant 0 : index
      %get3A_170 = vector.load %arg12[%get3A_168, %get3A_169] : memref<16x64xf32, #tpu.memory_space<vmem>>, vector<16x64xf32>
      %dot_general3A_171 = arith.constant dense<0.000000e+00> : vector<1x64xf32>
      %dot_general3A_172 = tpu.matmul %mul3A_167, %get3A_170, %dot_general3A_171 {dimension_numbers = #tpu.dot_dimension_numbers<[1], [0], [0], [1], [0, 0, 1, 1], [], []>, transpose_lhs_hint = false} : vector<1x16xf32>, vector<16x64xf32>, vector<1x64xf32> -> vector<1x64xf32>
      %get3A_173 = arith.constant 0 : index
      %get3A_174 = arith.constant 0 : index
      %get3A_175 = vector.load %arg13[%get3A_173, %get3A_174] : memref<16x64xf32, #tpu.memory_space<vmem>>, vector<16x64xf32>
      %dot_general3A_176 = arith.constant dense<0.000000e+00> : vector<1x64xf32>
      %dot_general3A_177 = tpu.matmul %get3A_92, %get3A_175, %dot_general3A_176 {dimension_numbers = #tpu.dot_dimension_numbers<[1], [0], [0], [1], [0, 0, 1, 1], [], []>, transpose_lhs_hint = false} : vector<1x16xf32>, vector<16x64xf32>, vector<1x64xf32> -> vector<1x64xf32>
      %add3A_178 = arith.addf %dot_general3A_172, %dot_general3A_177 : vector<1x64xf32>
      %get3A_179 = arith.constant 0 : index
      %get3A_180 = arith.constant 0 : index
      %get3A_181 = vector.load %arg14[%get3A_179, %get3A_180] : memref<1x64xf32, #tpu.memory_space<vmem>>, vector<1x64xf32>
      %add3A_182 = arith.addf %add3A_178, %get3A_181 : vector<1x64xf32>
      %slice3A_183 = vector.extract_strided_slice %add3A_182 {offsets = [0, 0], sizes = [1, 16], strides = [1, 1]} : vector<1x64xf32> to vector<1x16xf32>
      %neg3A_184 = arith.constant 0.000000e+00 : f32
      %neg3A_185 = vector.broadcast %neg3A_184 : f32 to vector<1x16xf32>
      %neg3A_186 = arith.subf %neg3A_185, %slice3A_183 : vector<1x16xf32>
      %exp3A_187 = math.exp %neg3A_186 : vector<1x16xf32>
      %add3A_188 = arith.constant 1.000000e+00 : f32
      %add3A_189 = vector.broadcast %add3A_188 : f32 to vector<1x16xf32>
      %add3A_190 = arith.addf %add3A_189, %exp3A_187 : vector<1x16xf32>
      %div3A_191 = arith.constant 1.000000e+00 : f32
      %div3A_192 = vector.broadcast %div3A_191 : f32 to vector<1x16xf32>
      %div3A_193 = arith.divf %div3A_192, %add3A_190 : vector<1x16xf32>
      %slice3A_194 = vector.extract_strided_slice %add3A_182 {offsets = [0, 16], sizes = [1, 16], strides = [1, 1]} : vector<1x64xf32> to vector<1x16xf32>
      %neg3A_195 = arith.constant 0.000000e+00 : f32
      %neg3A_196 = vector.broadcast %neg3A_195 : f32 to vector<1x16xf32>
      %neg3A_197 = arith.subf %neg3A_196, %slice3A_194 : vector<1x16xf32>
      %exp3A_198 = math.exp %neg3A_197 : vector<1x16xf32>
      %add3A_199 = arith.constant 1.000000e+00 : f32
      %add3A_200 = vector.broadcast %add3A_199 : f32 to vector<1x16xf32>
      %add3A_201 = arith.addf %add3A_200, %exp3A_198 : vector<1x16xf32>
      %div3A_202 = arith.constant 1.000000e+00 : f32
      %div3A_203 = vector.broadcast %div3A_202 : f32 to vector<1x16xf32>
      %div3A_204 = arith.divf %div3A_203, %add3A_201 : vector<1x16xf32>
      %slice3A_205 = vector.extract_strided_slice %add3A_182 {offsets = [0, 32], sizes = [1, 16], strides = [1, 1]} : vector<1x64xf32> to vector<1x16xf32>
      %mul3A_206 = arith.constant -2.000000e+00 : f32
      %mul3A_207 = vector.broadcast %mul3A_206 : f32 to vector<1x16xf32>
      %mul3A_208 = arith.mulf %mul3A_207, %slice3A_205 : vector<1x16xf32>
      %exp3A_209 = math.exp %mul3A_208 : vector<1x16xf32>
      %sub3A_210 = arith.constant 1.000000e+00 : f32
      %sub3A_211 = vector.broadcast %sub3A_210 : f32 to vector<1x16xf32>
      %sub3A_212 = arith.subf %sub3A_211, %exp3A_209 : vector<1x16xf32>
      %add3A_213 = arith.constant 1.000000e+00 : f32
      %add3A_214 = vector.broadcast %add3A_213 : f32 to vector<1x16xf32>
      %add3A_215 = arith.addf %add3A_214, %exp3A_209 : vector<1x16xf32>
      %div3A_216 = arith.divf %sub3A_212, %add3A_215 : vector<1x16xf32>
      %slice3A_217 = vector.extract_strided_slice %add3A_182 {offsets = [0, 48], sizes = [1, 16], strides = [1, 1]} : vector<1x64xf32> to vector<1x16xf32>
      %neg3A_218 = arith.constant 0.000000e+00 : f32
      %neg3A_219 = vector.broadcast %neg3A_218 : f32 to vector<1x16xf32>
      %neg3A_220 = arith.subf %neg3A_219, %slice3A_217 : vector<1x16xf32>
      %exp3A_221 = math.exp %neg3A_220 : vector<1x16xf32>
      %add3A_222 = arith.constant 1.000000e+00 : f32
      %add3A_223 = vector.broadcast %add3A_222 : f32 to vector<1x16xf32>
      %add3A_224 = arith.addf %add3A_223, %exp3A_221 : vector<1x16xf32>
      %div3A_225 = arith.constant 1.000000e+00 : f32
      %div3A_226 = vector.broadcast %div3A_225 : f32 to vector<1x16xf32>
      %div3A_227 = arith.divf %div3A_226, %add3A_224 : vector<1x16xf32>
      %mul3A_228 = arith.mulf %div3A_204, %get3A_95 : vector<1x16xf32>
      %mul3A_229 = arith.mulf %div3A_193, %div3A_216 : vector<1x16xf32>
      %add3A_230 = arith.addf %mul3A_228, %mul3A_229 : vector<1x16xf32>
      %mul3A_231 = arith.constant -2.000000e+00 : f32
      %mul3A_232 = vector.broadcast %mul3A_231 : f32 to vector<1x16xf32>
      %mul3A_233 = arith.mulf %mul3A_232, %add3A_230 : vector<1x16xf32>
      %exp3A_234 = math.exp %mul3A_233 : vector<1x16xf32>
      %sub3A_235 = arith.constant 1.000000e+00 : f32
      %sub3A_236 = vector.broadcast %sub3A_235 : f32 to vector<1x16xf32>
      %sub3A_237 = arith.subf %sub3A_236, %exp3A_234 : vector<1x16xf32>
      %add3A_238 = arith.constant 1.000000e+00 : f32
      %add3A_239 = vector.broadcast %add3A_238 : f32 to vector<1x16xf32>
      %add3A_240 = arith.addf %add3A_239, %exp3A_234 : vector<1x16xf32>
      %div3A_241 = arith.divf %sub3A_237, %add3A_240 : vector<1x16xf32>
      %mul3A_242 = arith.mulf %div3A_227, %div3A_241 : vector<1x16xf32>
      %swap3A_243 = arith.constant 0 : index
      %swap3A_244 = arith.constant 0 : index
      %swap3A_245 = vector.load %arg16[%swap3A_243, %swap3A_244] : memref<8x128xf32, #tpu.memory_space<vmem>>, vector<1x16xf32>
      tpu.vector_store %arg16[%swap3A_243, %swap3A_244], %mul3A_167 {strides = array<i32>} : memref<8x128xf32, #tpu.memory_space<vmem>>, vector<1x16xf32>,
      %swap3A_246 = arith.constant 1 : index
      %swap3A_247 = arith.constant 0 : index
      %swap3A_248 = vector.load %arg16[%swap3A_246, %swap3A_247] : memref<8x128xf32, #tpu.memory_space<vmem>>, vector<1x16xf32>
      tpu.vector_store %arg16[%swap3A_246, %swap3A_247], %add3A_155 {strides = array<i32>} : memref<8x128xf32, #tpu.memory_space<vmem>>, vector<1x16xf32>,
      %swap3A_249 = arith.constant 2 : index
      %swap3A_250 = arith.constant 0 : index
      %swap3A_251 = vector.load %arg16[%swap3A_249, %swap3A_250] : memref<8x128xf32, #tpu.memory_space<vmem>>, vector<1x16xf32>
      tpu.vector_store %arg16[%swap3A_249, %swap3A_250], %mul3A_242 {strides = array<i32>} : memref<8x128xf32, #tpu.memory_space<vmem>>, vector<1x16xf32>,
      %swap3A_252 = arith.constant 3 : index
      %swap3A_253 = arith.constant 0 : index
      %swap3A_254 = vector.load %arg16[%swap3A_252, %swap3A_253] : memref<8x128xf32, #tpu.memory_space<vmem>>, vector<1x16xf32>
      tpu.vector_store %arg16[%swap3A_252, %swap3A_253], %add3A_230 {strides = array<i32>} : memref<8x128xf32, #tpu.memory_space<vmem>>, vector<1x16xf32>,
      %swap3A_255 = arith.constant 5 : index
      %swap3A_256 = arith.constant 0 : index
      %swap3A_257 = vector.load %arg16[%swap3A_255, %swap3A_256] : memref<8x128xf32, #tpu.memory_space<vmem>>, vector<1x16xf32>
      tpu.vector_store %arg16[%swap3A_255, %swap3A_256], %mul3A_242 {strides = array<i32>} : memref<8x128xf32, #tpu.memory_space<vmem>>, vector<1x16xf32>,
      %broadcast_in_dim3A_258 = arith.constant 0.000000e+00 : f32
      %broadcast_in_dim3A_259 = vector.broadcast %broadcast_in_dim3A_258 : f32 to vector<1x128xf32>
      %swap3A_260 = arith.constant 6 : index
      %swap3A_261 = arith.constant 0 : index
      %swap3A_262 = vector.load %arg16[%swap3A_260, %swap3A_261] : memref<8x128xf32, #tpu.memory_space<vmem>>, vector<1x128xf32>
      tpu.vector_store %arg16[%swap3A_260, %swap3A_261], %broadcast_in_dim3A_259 {strides = array<i32>} : memref<8x128xf32, #tpu.memory_space<vmem>>, vector<1x128xf32>,
      %broadcast_in_dim3A_263 = arith.constant -1.000000e+30 : f32
      %broadcast_in_dim3A_264 = vector.broadcast %broadcast_in_dim3A_263 : f32 to vector<1x1xf32>
      %swap3A_265 = arith.constant 7 : index
      %swap3A_266 = arith.constant 0 : index
      %swap3A_267 = vector.load %arg16[%swap3A_265, %swap3A_266] : memref<8x128xf32, #tpu.memory_space<vmem>>, vector<1x1xf32>
      tpu.vector_store %arg16[%swap3A_265, %swap3A_266], %broadcast_in_dim3A_264 {strides = array<i32>} : memref<8x128xf32, #tpu.memory_space<vmem>>, vector<1x1xf32>,
      %broadcast_in_dim3A_268 = arith.constant 0.000000e+00 : f32
      %broadcast_in_dim3A_269 = vector.broadcast %broadcast_in_dim3A_268 : f32 to vector<1x1xf32>
      %swap3A_270 = arith.constant 7 : index
      %swap3A_271 = arith.constant 1 : index
      %swap3A_272 = vector.load %arg16[%swap3A_270, %swap3A_271] : memref<8x128xf32, #tpu.memory_space<vmem>>, vector<1x1xf32>
      tpu.vector_store %arg16[%swap3A_270, %swap3A_271], %broadcast_in_dim3A_269 {strides = array<i32>} : memref<8x128xf32, #tpu.memory_space<vmem>>, vector<1x1xf32>,
    } else {
    }
    %get3A = arith.constant 0 : index
    %get3A_9 = arith.constant 0 : index
    %get3A_10 = vector.load %arg2[%get3A, %get3A_9] : memref<10000x128xf32, #tpu.memory_space<vmem>>, vector<10000x128xf32>
    %get3A_11 = arith.constant 0 : index
    %get3A_12 = arith.constant 0 : index
    %get3A_13 = vector.load %arg3[%get3A_11, %get3A_12] : memref<128x64xf32, #tpu.memory_space<vmem>>, vector<128x64xf32>
    %dot_general3A = arith.constant dense<0.000000e+00> : vector<10000x64xf32>
    %dot_general3A_14 = tpu.matmul %get3A_10, %get3A_13, %dot_general3A {dimension_numbers = #tpu.dot_dimension_numbers<[1], [0], [0], [1], [0, 0, 1, 1], [], []>, transpose_lhs_hint = false} : vector<10000x128xf32>, vector<128x64xf32>, vector<10000x64xf32> -> vector<10000x64xf32>
    %get3A_15 = arith.constant 0 : index
    %get3A_16 = arith.constant 0 : index
    %get3A_17 = vector.load %arg4[%get3A_15, %get3A_16] : memref<1x64xf32, #tpu.memory_space<vmem>>, vector<1x64xf32>
    %add3A = vector.broadcast %get3A_17 : vector<1x64xf32> to vector<10000x64xf32>
    %add3A_18 = arith.addf %dot_general3A_14, %add3A : vector<10000x64xf32>
    %get3A_19 = arith.constant 5 : index
    %get3A_20 = arith.constant 0 : index
    %get3A_21 = vector.load %arg16[%get3A_19, %get3A_20] : memref<8x128xf32, #tpu.memory_space<vmem>>, vector<1x16xf32>
    %get3A_22 = arith.constant 0 : index
    %get3A_23 = arith.constant 0 : index
    %get3A_24 = vector.load %arg8[%get3A_22, %get3A_23] : memref<16x64xf32, #tpu.memory_space<vmem>>, vector<16x64xf32>
    %dot_general3A_25 = arith.constant dense<0.000000e+00> : vector<1x64xf32>
    %dot_general3A_26 = tpu.matmul %get3A_21, %get3A_24, %dot_general3A_25 {dimension_numbers = #tpu.dot_dimension_numbers<[1], [0], [0], [1], [0, 0, 1, 1], [], []>, transpose_lhs_hint = false} : vector<1x16xf32>, vector<16x64xf32>, vector<1x64xf32> -> vector<1x64xf32>
    %mul3A = vector.broadcast %dot_general3A_26 : vector<1x64xf32> to vector<10000x64xf32>
    %mul3A_27 = arith.mulf %add3A_18, %mul3A : vector<10000x64xf32>
    %get3A_28 = arith.constant 0 : index
    %get3A_29 = arith.constant 0 : index
    %get3A_30 = vector.load %arg5[%get3A_28, %get3A_29] : memref<64x4xf32, #tpu.memory_space<vmem>>, vector<64x4xf32>
    %dot_general3A_31 = arith.constant dense<0.000000e+00> : vector<10000x4xf32>
    %dot_general3A_32 = tpu.matmul %mul3A_27, %get3A_30, %dot_general3A_31 {dimension_numbers = #tpu.dot_dimension_numbers<[1], [0], [0], [1], [0, 0, 1, 1], [], []>, transpose_lhs_hint = false} : vector<10000x64xf32>, vector<64x4xf32>, vector<10000x4xf32> -> vector<10000x4xf32>
    %get3A_33 = arith.constant 7 : index
    %get3A_34 = arith.constant 0 : index
    %get3A_35 = vector.load %arg16[%get3A_33, %get3A_34] : memref<8x128xf32, #tpu.memory_space<vmem>>, vector<1x1xf32>
    %get3A_36 = arith.constant 7 : index
    %get3A_37 = arith.constant 1 : index
    %get3A_38 = vector.load %arg16[%get3A_36, %get3A_37] : memref<8x128xf32, #tpu.memory_space<vmem>>, vector<1x1xf32>
    %reduce_max3A = vector.shape_cast %dot_general3A_32 : vector<10000x4xf32> to vector<1x10000x4xf32>
    %reduce_max3A_39 = arith.constant dense<0xFF800000> : vector<1xf32>
    %reduce_max3A_40 = vector.multi_reduction <maximumf>, %reduce_max3A, %reduce_max3A_39 [1, 2] : vector<1x10000x4xf32> to vector<1xf32>
    %reduce_max3A_41 = vector.shape_cast %reduce_max3A_40 : vector<1xf32> to vector<1x1x1xf32>
    %reduce_max3A_42 = vector.extract %reduce_max3A_41[0, 0, 0] : f32 from vector<1x1x1xf32>
    %broadcast_in_dim3A = vector.broadcast %reduce_max3A_42 : f32 to vector<1x1xf32>
    %max3A = arith.maximumf %get3A_35, %broadcast_in_dim3A : vector<1x1xf32>
    %sub3A = arith.subf %get3A_35, %max3A : vector<1x1xf32>
    %exp3A = math.exp %sub3A : vector<1x1xf32>
    %sub3A_43 = vector.broadcast %max3A : vector<1x1xf32> to vector<10000x4xf32>
    %sub3A_44 = arith.subf %dot_general3A_32, %sub3A_43 : vector<10000x4xf32>
    %exp3A_45 = math.exp %sub3A_44 : vector<10000x4xf32>
    %reduce_sum3A = vector.shape_cast %exp3A_45 : vector<10000x4xf32> to vector<1x10000x4xf32>
    %reduce_sum3A_46 = arith.constant dense<0.000000e+00> : vector<1xf32>
    %reduce_sum3A_47 = vector.multi_reduction <add>, %reduce_sum3A, %reduce_sum3A_46 [1, 2] : vector<1x10000x4xf32> to vector<1xf32>
    %reduce_sum3A_48 = vector.shape_cast %reduce_sum3A_47 : vector<1xf32> to vector<1x1x1xf32>
    %reduce_sum3A_49 = vector.extract %reduce_sum3A_48[0, 0, 0] : f32 from vector<1x1x1xf32>
    %broadcast_in_dim3A_50 = vector.broadcast %reduce_sum3A_49 : f32 to vector<1x1xf32>
    %get3A_51 = arith.constant 0 : index
    %get3A_52 = arith.constant 0 : index
    %get3A_53 = vector.load %arg6[%get3A_51, %get3A_52] : memref<4x64xf32, #tpu.memory_space<vmem>>, vector<4x64xf32>
    %dot_general3A_54 = arith.constant dense<0.000000e+00> : vector<10000x64xf32>
    %dot_general3A_55 = tpu.matmul %exp3A_45, %get3A_53, %dot_general3A_54 {dimension_numbers = #tpu.dot_dimension_numbers<[1], [0], [0], [1], [0, 0, 1, 1], [], []>, transpose_lhs_hint = false} : vector<10000x4xf32>, vector<4x64xf32>, vector<10000x64xf32> -> vector<10000x64xf32>
    %mul3A_56 = arith.mulf %dot_general3A_55, %add3A_18 : vector<10000x64xf32>
    %reduce_sum3A_57 = arith.constant dense<0.000000e+00> : vector<64xf32>
    %reduce_sum3A_58 = vector.multi_reduction <add>, %mul3A_56, %reduce_sum3A_57 [0] : vector<10000x64xf32> to vector<64xf32>
    %broadcast_in_dim3A_59 = vector.shape_cast %reduce_sum3A_58 : vector<64xf32> to vector<1x64xf32>
    %get3A_60 = arith.constant 6 : index
    %get3A_61 = arith.constant 0 : index
    %get3A_62 = vector.load %arg16[%get3A_60, %get3A_61] : memref<8x128xf32, #tpu.memory_space<vmem>>, vector<1x64xf32>
    %mul3A_63 = vector.broadcast %exp3A : vector<1x1xf32> to vector<1x64xf32>
    %mul3A_64 = arith.mulf %get3A_62, %mul3A_63 : vector<1x64xf32>
    %add3A_65 = arith.addf %mul3A_64, %broadcast_in_dim3A_59 : vector<1x64xf32>
    %swap3A = arith.constant 6 : index
    %swap3A_66 = arith.constant 0 : index
    %swap3A_67 = vector.load %arg16[%swap3A, %swap3A_66] : memref<8x128xf32, #tpu.memory_space<vmem>>, vector<1x64xf32>
    tpu.vector_store %arg16[%swap3A, %swap3A_66], %add3A_65 {strides = array<i32>} : memref<8x128xf32, #tpu.memory_space<vmem>>, vector<1x64xf32>,
    %swap3A_68 = arith.constant 7 : index
    %swap3A_69 = arith.constant 0 : index
    %swap3A_70 = vector.load %arg16[%swap3A_68, %swap3A_69] : memref<8x128xf32, #tpu.memory_space<vmem>>, vector<1x1xf32>
    tpu.vector_store %arg16[%swap3A_68, %swap3A_69], %max3A {strides = array<i32>} : memref<8x128xf32, #tpu.memory_space<vmem>>, vector<1x1xf32>,
    %mul3A_71 = arith.mulf %get3A_38, %exp3A : vector<1x1xf32>
    %add3A_72 = arith.addf %mul3A_71, %broadcast_in_dim3A_50 : vector<1x1xf32>
    %swap3A_73 = arith.constant 7 : index
    %swap3A_74 = arith.constant 1 : index
    %swap3A_75 = vector.load %arg16[%swap3A_73, %swap3A_74] : memref<8x128xf32, #tpu.memory_space<vmem>>, vector<1x1xf32>
    tpu.vector_store %arg16[%swap3A_73, %swap3A_74], %add3A_72 {strides = array<i32>} : memref<8x128xf32, #tpu.memory_space<vmem>>, vector<1x1xf32>,
    %eq3A_76 = arith.constant 7 : i32
    %eq3A_77 = arith.cmpi eq, %arg1, %eq3A_76 : i32
    %convert_element_type3A_78 = arith.extui %eq3A_77 : i1 to i32
    %cond3A_79 = arith.constant 0 : i32
    %cond3A_80 = arith.cmpi ne, %convert_element_type3A_78, %cond3A_79 : i32
    scf.if %cond3A_80 {
      %get3A_81 = arith.constant 6 : index
      %get3A_82 = arith.constant 0 : index
      %get3A_83 = vector.load %arg16[%get3A_81, %get3A_82] : memref<8x128xf32, #tpu.memory_space<vmem>>, vector<1x64xf32>
      %get3A_84 = arith.constant 0 : index
      %get3A_85 = arith.constant 0 : index
      %get3A_86 = vector.load %arg7[%get3A_84, %get3A_85] : memref<64x16xf32, #tpu.memory_space<vmem>>, vector<64x16xf32>
      %dot_general3A_87 = arith.constant dense<0.000000e+00> : vector<1x16xf32>
      %dot_general3A_88 = tpu.matmul %get3A_83, %get3A_86, %dot_general3A_87 {dimension_numbers = #tpu.dot_dimension_numbers<[1], [0], [0], [1], [0, 0, 1, 1], [], []>, transpose_lhs_hint = false} : vector<1x64xf32>, vector<64x16xf32>, vector<1x16xf32> -> vector<1x16xf32>
      %get3A_89 = arith.constant 7 : index
      %get3A_90 = arith.constant 1 : index
      %get3A_91 = vector.load %arg16[%get3A_89, %get3A_90] : memref<8x128xf32, #tpu.memory_space<vmem>>, vector<1x1xf32>
      %div3A = vector.broadcast %get3A_91 : vector<1x1xf32> to vector<1x16xf32>
      %div3A_92 = arith.divf %dot_general3A_88, %div3A : vector<1x16xf32>
      %get3A_93 = arith.constant 5 : index
      %get3A_94 = arith.constant 0 : index
      %get3A_95 = vector.load %arg16[%get3A_93, %get3A_94] : memref<8x128xf32, #tpu.memory_space<vmem>>, vector<1x16xf32>
      %concatenate3A = tpu.concatenate %get3A_95, %div3A_92 in 1 : vector<1x16xf32>, vector<1x16xf32> -> vector<1x32xf32>
      %swap3A_96 = arith.constant 4 : index
      %swap3A_97 = arith.constant 0 : index
      %swap3A_98 = vector.load %arg16[%swap3A_96, %swap3A_97] : memref<8x128xf32, #tpu.memory_space<vmem>>, vector<1x32xf32>
      tpu.vector_store %arg16[%swap3A_96, %swap3A_97], %concatenate3A {strides = array<i32>} : memref<8x128xf32, #tpu.memory_space<vmem>>, vector<1x32xf32>,
      %eq3A_99 = arith.constant 2 : i32
      %eq3A_100 = arith.cmpi eq, %arg0, %eq3A_99 : i32
      %convert_element_type3A_101 = arith.extui %eq3A_100 : i1 to i32
      %cond3A_102 = arith.constant 0 : i32
      %cond3A_103 = arith.cmpi ne, %convert_element_type3A_101, %cond3A_102 : i32
      scf.if %cond3A_103 {
        %swap3A_104 = arith.constant 0 : index
        %swap3A_105 = arith.constant 0 : index
        %swap3A_106 = vector.load %arg15[%swap3A_104, %swap3A_105] : memref<1x32xf32, #tpu.memory_space<vmem>>, vector<1x32xf32>
        tpu.vector_store %arg15[%swap3A_104, %swap3A_105], %concatenate3A {strides = array<i32>} : memref<1x32xf32, #tpu.memory_space<vmem>>, vector<1x32xf32>,
      } else {
      }
    } else {
    }
    return
  }
  func.func @transform_0(%arg0: i32, %arg1: i32) -> (i32, i32) {
    %c0_i32 = arith.constant 0 : i32
    %c0_i32_0 = arith.constant 0 : i32
    return %arg1, %c0_i32 : i32, i32
  }
  func.func @transform_1(%arg0: i32, %arg1: i32) -> (i32, i32) {
    %c0_i32 = arith.constant 0 : i32
    %c0_i32_0 = arith.constant 0 : i32
    %c0_i32_1 = arith.constant 0 : i32
    return %c0_i32, %c0_i32_0 : i32, i32
  }
  func.func @transform_2(%arg0: i32, %arg1: i32) -> (i32, i32) {
    %c0_i32 = arith.constant 0 : i32
    %c0_i32_0 = arith.constant 0 : i32
    %c0_i32_1 = arith.constant 0 : i32
    return %c0_i32, %c0_i32_0 : i32, i32
  }
  func.func @transform_3(%arg0: i32, %arg1: i32) -> (i32, i32) {
    %c0_i32 = arith.constant 0 : i32
    %c0_i32_0 = arith.constant 0 : i32
    %c0_i32_1 = arith.constant 0 : i32
    return %c0_i32, %c0_i32_0 : i32, i32
  }
  func.func @transform_4(%arg0: i32, %arg1: i32) -> (i32, i32) {
    %c0_i32 = arith.constant 0 : i32
    %c0_i32_0 = arith.constant 0 : i32
    %c0_i32_1 = arith.constant 0 : i32
    return %c0_i32, %c0_i32_0 : i32, i32
  }
  func.func @transform_5(%arg0: i32, %arg1: i32) -> (i32, i32) {
    %c0_i32 = arith.constant 0 : i32
    %c0_i32_0 = arith.constant 0 : i32
    %c0_i32_1 = arith.constant 0 : i32
    return %c0_i32, %c0_i32_0 : i32, i32
  }
  func.func @transform_6(%arg0: i32, %arg1: i32) -> (i32, i32) {
    %c0_i32 = arith.constant 0 : i32
    %c0_i32_0 = arith.constant 0 : i32
    %c0_i32_1 = arith.constant 0 : i32
    return %c0_i32, %c0_i32_0 : i32, i32
  }
  func.func @transform_7(%arg0: i32, %arg1: i32) -> (i32, i32) {
    %c0_i32 = arith.constant 0 : i32
    %c0_i32_0 = arith.constant 0 : i32
    %c0_i32_1 = arith.constant 0 : i32
    return %c0_i32, %c0_i32_0 : i32, i32
  }
  func.func @transform_8(%arg0: i32, %arg1: i32) -> (i32, i32) {
    %c0_i32 = arith.constant 0 : i32
    %c0_i32_0 = arith.constant 0 : i32
    %c0_i32_1 = arith.constant 0 : i32
    return %c0_i32, %c0_i32_0 : i32, i32
  }
  func.func @transform_9(%arg0: i32, %arg1: i32) -> (i32, i32) {
    %c0_i32 = arith.constant 0 : i32
    %c0_i32_0 = arith.constant 0 : i32
    %c0_i32_1 = arith.constant 0 : i32
    return %c0_i32, %c0_i32_0 : i32, i32
  }
  func.func @transform_10(%arg0: i32, %arg1: i32) -> (i32, i32) {
    %c0_i32 = arith.constant 0 : i32
    %c0_i32_0 = arith.constant 0 : i32
    %c0_i32_1 = arith.constant 0 : i32
    return %c0_i32, %c0_i32_0 : i32, i32
  }
  func.func @transform_11(%arg0: i32, %arg1: i32) -> (i32, i32) {
    %c0_i32 = arith.constant 0 : i32
    %c0_i32_0 = arith.constant 0 : i32
    %c0_i32_1 = arith.constant 0 : i32
    return %c0_i32, %c0_i32_0 : i32, i32
  }
  func.func @transform_12(%arg0: i32, %arg1: i32) -> (i32, i32) {
    %c0_i32 = arith.constant 0 : i32
    %c0_i32_0 = arith.constant 0 : i32
    %c0_i32_1 = arith.constant 0 : i32
    return %c0_i32, %c0_i32_0 : i32, i32
  }
  func.func @transform_13(%arg0: i32, %arg1: i32) -> (i32, i32) {
    %c0_i32 = arith.constant 0 : i32
    %c0_i32_0 = arith.constant 0 : i32
    %c0_i32_1 = arith.constant 0 : i32
    return %c0_i32, %c0_i32_0 : i32, i32
  }
}

module attributes {stable_mosaic.version = 14 : i64} {
  func.func @_node_body(%arg0: memref<2500x128xf32, #tpu.memory_space<vmem>>, %arg1: memref<2500x128xf32, #tpu.memory_space<vmem>>, %arg2: memref<2500x128xf32, #tpu.memory_space<vmem>>, %arg3: memref<2500x128xf32, #tpu.memory_space<vmem>>, %arg4: memref<1x32xf32, #tpu.memory_space<vmem>>, %arg5: memref<1x32xf32, #tpu.memory_space<vmem>>, %arg6: memref<128x256xbf16, #tpu.memory_space<vmem>>, %arg7: memref<128x256xbf16, #tpu.memory_space<vmem>>, %arg8: memref<32x64xf32, #tpu.memory_space<vmem>>, %arg9: memref<1x64xf32, #tpu.memory_space<vmem>>, %arg10: memref<256x256xbf16, #tpu.memory_space<vmem>>, %arg11: memref<1x256xf32, #tpu.memory_space<vmem>>, %arg12: memref<256x128xbf16, #tpu.memory_space<vmem>>, %arg13: memref<1x128xf32, #tpu.memory_space<vmem>>, %arg14: memref<128x32xf32, #tpu.memory_space<vmem>>, %arg15: memref<32x64xf32, #tpu.memory_space<vmem>>, %arg16: memref<32x64xf32, #tpu.memory_space<vmem>>, %arg17: memref<32x64xf32, #tpu.memory_space<vmem>>, %arg18: memref<1x64xf32, #tpu.memory_space<vmem>>, %arg19: memref<64x64xf32, #tpu.memory_space<vmem>>, %arg20: memref<1x64xf32, #tpu.memory_space<vmem>>, %arg21: memref<64x32xf32, #tpu.memory_space<vmem>>, %arg22: memref<1x32xf32, #tpu.memory_space<vmem>>, %arg23: memref<128x64xf32, #tpu.memory_space<vmem>>, %arg24: memref<1x64xf32, #tpu.memory_space<vmem>>, %arg25: memref<2500x128xf32, #tpu.memory_space<vmem>>, %arg26: memref<1x32xf32, #tpu.memory_space<vmem>>, %arg27: memref<2500x64xf32, #tpu.memory_space<vmem>>) attributes {dimension_semantics = [], scalar_prefetch = 0 : i64, scratch_operands = 0 : i64, tpu.core_type = #tpu.core_type<tc>} {
    %get3A = arith.constant 0 : index
    %get3A_0 = arith.constant 0 : index
    %get3A_1 = vector.load %arg0[%get3A, %get3A_0] : memref<2500x128xf32, #tpu.memory_space<vmem>>, vector<2500x128xf32>
    %get3A_2 = arith.constant 0 : index
    %get3A_3 = arith.constant 0 : index
    %get3A_4 = vector.load %arg3[%get3A_2, %get3A_3] : memref<2500x128xf32, #tpu.memory_space<vmem>>, vector<2500x128xf32>
    %get3A_5 = arith.constant 0 : index
    %get3A_6 = arith.constant 0 : index
    %get3A_7 = vector.load %arg1[%get3A_5, %get3A_6] : memref<2500x128xf32, #tpu.memory_space<vmem>>, vector<2500x128xf32>
    %get3A_8 = arith.constant 0 : index
    %get3A_9 = arith.constant 0 : index
    %get3A_10 = vector.load %arg2[%get3A_8, %get3A_9] : memref<2500x128xf32, #tpu.memory_space<vmem>>, vector<2500x128xf32>
    %add3A = arith.addf %get3A_7, %get3A_10 : vector<2500x128xf32>
    %max3A = arith.constant 1.000000e+00 : f32
    %max3A_11 = vector.broadcast %max3A : f32 to vector<2500x128xf32>
    %max3A_12 = arith.maximumf %get3A_4, %max3A_11 : vector<2500x128xf32>
    %div3A = arith.divf %add3A, %max3A_12 : vector<2500x128xf32>
    %get3A_13 = arith.constant 0 : index
    %get3A_14 = arith.constant 0 : index
    %get3A_15 = vector.load %arg4[%get3A_13, %get3A_14] : memref<1x32xf32, #tpu.memory_space<vmem>>, vector<1x32xf32>
    %get3A_16 = arith.constant 0 : index
    %get3A_17 = arith.constant 0 : index
    %get3A_18 = vector.load %arg8[%get3A_16, %get3A_17] : memref<32x64xf32, #tpu.memory_space<vmem>>, vector<32x64xf32>
    %dot_general3A = arith.constant dense<0.000000e+00> : vector<1x64xf32>
    %dot_general3A_19 = tpu.matmul %get3A_15, %get3A_18, %dot_general3A {dimension_numbers = #tpu.dot_dimension_numbers<[1], [0], [0], [1], [0, 0, 1, 1], [], []>, transpose_lhs_hint = false} : vector<1x32xf32>, vector<32x64xf32>, vector<1x64xf32> -> vector<1x64xf32>
    %get3A_20 = arith.constant 0 : index
    %get3A_21 = arith.constant 0 : index
    %get3A_22 = vector.load %arg9[%get3A_20, %get3A_21] : memref<1x64xf32, #tpu.memory_space<vmem>>, vector<1x64xf32>
    %add3A_23 = arith.addf %dot_general3A_19, %get3A_22 : vector<1x64xf32>
    %concatenate3A = tpu.concatenate %add3A_23, %add3A_23, %add3A_23, %add3A_23 in 1 : vector<1x64xf32>, vector<1x64xf32>, vector<1x64xf32>, vector<1x64xf32> -> vector<1x256xf32>
    %convert_element_type3A = arith.truncf %get3A_1 : vector<2500x128xf32> to vector<2500x128xbf16>
    %get3A_24 = arith.constant 0 : index
    %get3A_25 = arith.constant 0 : index
    %get3A_26 = vector.load %arg6[%get3A_24, %get3A_25] : memref<128x256xbf16, #tpu.memory_space<vmem>>, vector<128x256xbf16>
    %dot_general3A_27 = arith.constant dense<0.000000e+00> : vector<2500x256xf32>
    %dot_general3A_28 = tpu.matmul %convert_element_type3A, %get3A_26, %dot_general3A_27 {dimension_numbers = #tpu.dot_dimension_numbers<[1], [0], [0], [1], [0, 0, 1, 1], [], []>, transpose_lhs_hint = false} : vector<2500x128xbf16>, vector<128x256xbf16>, vector<2500x256xf32> -> vector<2500x256xf32>
    %convert_element_type3A_29 = arith.truncf %div3A : vector<2500x128xf32> to vector<2500x128xbf16>
    %get3A_30 = arith.constant 0 : index
    %get3A_31 = arith.constant 0 : index
    %get3A_32 = vector.load %arg7[%get3A_30, %get3A_31] : memref<128x256xbf16, #tpu.memory_space<vmem>>, vector<128x256xbf16>
    %dot_general3A_33 = arith.constant dense<0.000000e+00> : vector<2500x256xf32>
    %dot_general3A_34 = tpu.matmul %convert_element_type3A_29, %get3A_32, %dot_general3A_33 {dimension_numbers = #tpu.dot_dimension_numbers<[1], [0], [0], [1], [0, 0, 1, 1], [], []>, transpose_lhs_hint = false} : vector<2500x128xbf16>, vector<128x256xbf16>, vector<2500x256xf32> -> vector<2500x256xf32>
    %add3A_35 = arith.addf %dot_general3A_28, %dot_general3A_34 : vector<2500x256xf32>
    %add3A_36 = vector.broadcast %concatenate3A : vector<1x256xf32> to vector<2500x256xf32>
    %add3A_37 = arith.addf %add3A_35, %add3A_36 : vector<2500x256xf32>
    %gt3A = arith.constant 0.000000e+00 : f32
    %gt3A_38 = vector.broadcast %gt3A : f32 to vector<2500x256xf32>
    %gt3A_39 = arith.cmpf ogt, %add3A_37, %gt3A_38 : vector<2500x256xf32>
    %mul3A = arith.constant 0.00999999977 : f32
    %mul3A_40 = vector.broadcast %mul3A : f32 to vector<2500x256xf32>
    %mul3A_41 = arith.mulf %mul3A_40, %add3A_37 : vector<2500x256xf32>
    %select_n3A = arith.select %gt3A_39, %add3A_37, %mul3A_41 : vector<2500x256xi1>, vector<2500x256xf32>
    %convert_element_type3A_42 = arith.truncf %select_n3A : vector<2500x256xf32> to vector<2500x256xbf16>
    %get3A_43 = arith.constant 0 : index
    %get3A_44 = arith.constant 0 : index
    %get3A_45 = vector.load %arg10[%get3A_43, %get3A_44] : memref<256x256xbf16, #tpu.memory_space<vmem>>, vector<256x256xbf16>
    %dot_general3A_46 = arith.constant dense<0.000000e+00> : vector<2500x256xf32>
    %dot_general3A_47 = tpu.matmul %convert_element_type3A_42, %get3A_45, %dot_general3A_46 {dimension_numbers = #tpu.dot_dimension_numbers<[1], [0], [0], [1], [0, 0, 1, 1], [], []>, transpose_lhs_hint = false} : vector<2500x256xbf16>, vector<256x256xbf16>, vector<2500x256xf32> -> vector<2500x256xf32>
    %get3A_48 = arith.constant 0 : index
    %get3A_49 = arith.constant 0 : index
    %get3A_50 = vector.load %arg11[%get3A_48, %get3A_49] : memref<1x256xf32, #tpu.memory_space<vmem>>, vector<1x256xf32>
    %add3A_51 = vector.broadcast %get3A_50 : vector<1x256xf32> to vector<2500x256xf32>
    %add3A_52 = arith.addf %dot_general3A_47, %add3A_51 : vector<2500x256xf32>
    %gt3A_53 = arith.constant 0.000000e+00 : f32
    %gt3A_54 = vector.broadcast %gt3A_53 : f32 to vector<2500x256xf32>
    %gt3A_55 = arith.cmpf ogt, %add3A_52, %gt3A_54 : vector<2500x256xf32>
    %mul3A_56 = arith.constant 0.00999999977 : f32
    %mul3A_57 = vector.broadcast %mul3A_56 : f32 to vector<2500x256xf32>
    %mul3A_58 = arith.mulf %mul3A_57, %add3A_52 : vector<2500x256xf32>
    %select_n3A_59 = arith.select %gt3A_55, %add3A_52, %mul3A_58 : vector<2500x256xi1>, vector<2500x256xf32>
    %convert_element_type3A_60 = arith.truncf %select_n3A_59 : vector<2500x256xf32> to vector<2500x256xbf16>
    %get3A_61 = arith.constant 0 : index
    %get3A_62 = arith.constant 0 : index
    %get3A_63 = vector.load %arg12[%get3A_61, %get3A_62] : memref<256x128xbf16, #tpu.memory_space<vmem>>, vector<256x128xbf16>
    %dot_general3A_64 = arith.constant dense<0.000000e+00> : vector<2500x128xf32>
    %dot_general3A_65 = tpu.matmul %convert_element_type3A_60, %get3A_63, %dot_general3A_64 {dimension_numbers = #tpu.dot_dimension_numbers<[1], [0], [0], [1], [0, 0, 1, 1], [], []>, transpose_lhs_hint = false} : vector<2500x256xbf16>, vector<256x128xbf16>, vector<2500x128xf32> -> vector<2500x128xf32>
    %get3A_66 = arith.constant 0 : index
    %get3A_67 = arith.constant 0 : index
    %get3A_68 = vector.load %arg13[%get3A_66, %get3A_67] : memref<1x128xf32, #tpu.memory_space<vmem>>, vector<1x128xf32>
    %add3A_69 = vector.broadcast %get3A_68 : vector<1x128xf32> to vector<2500x128xf32>
    %add3A_70 = arith.addf %dot_general3A_65, %add3A_69 : vector<2500x128xf32>
    %add3A_71 = arith.addf %add3A_70, %get3A_1 : vector<2500x128xf32>
    %swap3A = arith.constant 0 : index
    %swap3A_72 = arith.constant 0 : index
    %swap3A_73 = vector.load %arg25[%swap3A, %swap3A_72] : memref<2500x128xf32, #tpu.memory_space<vmem>>, vector<2500x128xf32>
    tpu.vector_store %arg25[%swap3A, %swap3A_72], %add3A_71 {strides = array<i32>} : memref<2500x128xf32, #tpu.memory_space<vmem>>, vector<2500x128xf32>,
    %reduce_sum3A = arith.constant dense<0.000000e+00> : vector<128xf32>
    %reduce_sum3A_74 = vector.multi_reduction <add>, %add3A_71, %reduce_sum3A [0] : vector<2500x128xf32> to vector<128xf32>
    %broadcast_in_dim3A = vector.shape_cast %reduce_sum3A_74 : vector<128xf32> to vector<1x128xf32>
    %get3A_75 = arith.constant 0 : index
    %get3A_76 = arith.constant 0 : index
    %get3A_77 = vector.load %arg14[%get3A_75, %get3A_76] : memref<128x32xf32, #tpu.memory_space<vmem>>, vector<128x32xf32>
    %dot_general3A_78 = arith.constant dense<0.000000e+00> : vector<1x32xf32>
    %dot_general3A_79 = tpu.matmul %broadcast_in_dim3A, %get3A_77, %dot_general3A_78 {dimension_numbers = #tpu.dot_dimension_numbers<[1], [0], [0], [1], [0, 0, 1, 1], [], []>, transpose_lhs_hint = false} : vector<1x128xf32>, vector<128x32xf32>, vector<1x32xf32> -> vector<1x32xf32>
    %mul3A_80 = arith.constant 9.99999974E-5 : f32
    %mul3A_81 = vector.broadcast %mul3A_80 : f32 to vector<1x32xf32>
    %mul3A_82 = arith.mulf %dot_general3A_79, %mul3A_81 : vector<1x32xf32>
    %get3A_83 = arith.constant 0 : index
    %get3A_84 = arith.constant 0 : index
    %get3A_85 = vector.load %arg5[%get3A_83, %get3A_84] : memref<1x32xf32, #tpu.memory_space<vmem>>, vector<1x32xf32>
    %mul3A_86 = arith.constant 3.125000e-06 : f32
    %mul3A_87 = vector.broadcast %mul3A_86 : f32 to vector<1x32xf32>
    %mul3A_88 = arith.mulf %get3A_85, %mul3A_87 : vector<1x32xf32>
    %get3A_89 = arith.constant 0 : index
    %get3A_90 = arith.constant 0 : index
    %get3A_91 = vector.load %arg15[%get3A_89, %get3A_90] : memref<32x64xf32, #tpu.memory_space<vmem>>, vector<32x64xf32>
    %dot_general3A_92 = arith.constant dense<0.000000e+00> : vector<1x64xf32>
    %dot_general3A_93 = tpu.matmul %mul3A_82, %get3A_91, %dot_general3A_92 {dimension_numbers = #tpu.dot_dimension_numbers<[1], [0], [0], [1], [0, 0, 1, 1], [], []>, transpose_lhs_hint = false} : vector<1x32xf32>, vector<32x64xf32>, vector<1x64xf32> -> vector<1x64xf32>
    %get3A_94 = arith.constant 0 : index
    %get3A_95 = arith.constant 0 : index
    %get3A_96 = vector.load %arg16[%get3A_94, %get3A_95] : memref<32x64xf32, #tpu.memory_space<vmem>>, vector<32x64xf32>
    %dot_general3A_97 = arith.constant dense<0.000000e+00> : vector<1x64xf32>
    %dot_general3A_98 = tpu.matmul %mul3A_88, %get3A_96, %dot_general3A_97 {dimension_numbers = #tpu.dot_dimension_numbers<[1], [0], [0], [1], [0, 0, 1, 1], [], []>, transpose_lhs_hint = false} : vector<1x32xf32>, vector<32x64xf32>, vector<1x64xf32> -> vector<1x64xf32>
    %add3A_99 = arith.addf %dot_general3A_93, %dot_general3A_98 : vector<1x64xf32>
    %get3A_100 = arith.constant 0 : index
    %get3A_101 = arith.constant 0 : index
    %get3A_102 = vector.load %arg17[%get3A_100, %get3A_101] : memref<32x64xf32, #tpu.memory_space<vmem>>, vector<32x64xf32>
    %dot_general3A_103 = arith.constant dense<0.000000e+00> : vector<1x64xf32>
    %dot_general3A_104 = tpu.matmul %get3A_15, %get3A_102, %dot_general3A_103 {dimension_numbers = #tpu.dot_dimension_numbers<[1], [0], [0], [1], [0, 0, 1, 1], [], []>, transpose_lhs_hint = false} : vector<1x32xf32>, vector<32x64xf32>, vector<1x64xf32> -> vector<1x64xf32>
    %add3A_105 = arith.addf %add3A_99, %dot_general3A_104 : vector<1x64xf32>
    %get3A_106 = arith.constant 0 : index
    %get3A_107 = arith.constant 0 : index
    %get3A_108 = vector.load %arg18[%get3A_106, %get3A_107] : memref<1x64xf32, #tpu.memory_space<vmem>>, vector<1x64xf32>
    %add3A_109 = arith.addf %add3A_105, %get3A_108 : vector<1x64xf32>
    %gt3A_110 = arith.constant 0.000000e+00 : f32
    %gt3A_111 = vector.broadcast %gt3A_110 : f32 to vector<1x64xf32>
    %gt3A_112 = arith.cmpf ogt, %add3A_109, %gt3A_111 : vector<1x64xf32>
    %mul3A_113 = arith.constant 0.00999999977 : f32
    %mul3A_114 = vector.broadcast %mul3A_113 : f32 to vector<1x64xf32>
    %mul3A_115 = arith.mulf %mul3A_114, %add3A_109 : vector<1x64xf32>
    %select_n3A_116 = arith.select %gt3A_112, %add3A_109, %mul3A_115 : vector<1x64xi1>, vector<1x64xf32>
    %get3A_117 = arith.constant 0 : index
    %get3A_118 = arith.constant 0 : index
    %get3A_119 = vector.load %arg19[%get3A_117, %get3A_118] : memref<64x64xf32, #tpu.memory_space<vmem>>, vector<64x64xf32>
    %dot_general3A_120 = arith.constant dense<0.000000e+00> : vector<1x64xf32>
    %dot_general3A_121 = tpu.matmul %select_n3A_116, %get3A_119, %dot_general3A_120 {dimension_numbers = #tpu.dot_dimension_numbers<[1], [0], [0], [1], [0, 0, 1, 1], [], []>, transpose_lhs_hint = false} : vector<1x64xf32>, vector<64x64xf32>, vector<1x64xf32> -> vector<1x64xf32>
    %get3A_122 = arith.constant 0 : index
    %get3A_123 = arith.constant 0 : index
    %get3A_124 = vector.load %arg20[%get3A_122, %get3A_123] : memref<1x64xf32, #tpu.memory_space<vmem>>, vector<1x64xf32>
    %add3A_125 = arith.addf %dot_general3A_121, %get3A_124 : vector<1x64xf32>
    %gt3A_126 = arith.constant 0.000000e+00 : f32
    %gt3A_127 = vector.broadcast %gt3A_126 : f32 to vector<1x64xf32>
    %gt3A_128 = arith.cmpf ogt, %add3A_125, %gt3A_127 : vector<1x64xf32>
    %mul3A_129 = arith.constant 0.00999999977 : f32
    %mul3A_130 = vector.broadcast %mul3A_129 : f32 to vector<1x64xf32>
    %mul3A_131 = arith.mulf %mul3A_130, %add3A_125 : vector<1x64xf32>
    %select_n3A_132 = arith.select %gt3A_128, %add3A_125, %mul3A_131 : vector<1x64xi1>, vector<1x64xf32>
    %get3A_133 = arith.constant 0 : index
    %get3A_134 = arith.constant 0 : index
    %get3A_135 = vector.load %arg21[%get3A_133, %get3A_134] : memref<64x32xf32, #tpu.memory_space<vmem>>, vector<64x32xf32>
    %dot_general3A_136 = arith.constant dense<0.000000e+00> : vector<1x32xf32>
    %dot_general3A_137 = tpu.matmul %select_n3A_132, %get3A_135, %dot_general3A_136 {dimension_numbers = #tpu.dot_dimension_numbers<[1], [0], [0], [1], [0, 0, 1, 1], [], []>, transpose_lhs_hint = false} : vector<1x64xf32>, vector<64x32xf32>, vector<1x32xf32> -> vector<1x32xf32>
    %get3A_138 = arith.constant 0 : index
    %get3A_139 = arith.constant 0 : index
    %get3A_140 = vector.load %arg22[%get3A_138, %get3A_139] : memref<1x32xf32, #tpu.memory_space<vmem>>, vector<1x32xf32>
    %add3A_141 = arith.addf %dot_general3A_137, %get3A_140 : vector<1x32xf32>
    %add3A_142 = arith.addf %add3A_141, %get3A_15 : vector<1x32xf32>
    %swap3A_143 = arith.constant 0 : index
    %swap3A_144 = arith.constant 0 : index
    %swap3A_145 = vector.load %arg26[%swap3A_143, %swap3A_144] : memref<1x32xf32, #tpu.memory_space<vmem>>, vector<1x32xf32>
    tpu.vector_store %arg26[%swap3A_143, %swap3A_144], %add3A_142 {strides = array<i32>} : memref<1x32xf32, #tpu.memory_space<vmem>>, vector<1x32xf32>,
    %get3A_146 = arith.constant 0 : index
    %get3A_147 = arith.constant 0 : index
    %get3A_148 = vector.load %arg23[%get3A_146, %get3A_147] : memref<128x64xf32, #tpu.memory_space<vmem>>, vector<128x64xf32>
    %dot_general3A_149 = arith.constant dense<0.000000e+00> : vector<2500x64xf32>
    %dot_general3A_150 = tpu.matmul %add3A_71, %get3A_148, %dot_general3A_149 {dimension_numbers = #tpu.dot_dimension_numbers<[1], [0], [0], [1], [0, 0, 1, 1], [], []>, transpose_lhs_hint = false} : vector<2500x128xf32>, vector<128x64xf32>, vector<2500x64xf32> -> vector<2500x64xf32>
    %get3A_151 = arith.constant 0 : index
    %get3A_152 = arith.constant 0 : index
    %get3A_153 = vector.load %arg24[%get3A_151, %get3A_152] : memref<1x64xf32, #tpu.memory_space<vmem>>, vector<1x64xf32>
    %add3A_154 = vector.broadcast %get3A_153 : vector<1x64xf32> to vector<2500x64xf32>
    %add3A_155 = arith.addf %dot_general3A_150, %add3A_154 : vector<2500x64xf32>
    %swap3A_156 = arith.constant 0 : index
    %swap3A_157 = arith.constant 0 : index
    %swap3A_158 = vector.load %arg27[%swap3A_156, %swap3A_157] : memref<2500x64xf32, #tpu.memory_space<vmem>>, vector<2500x64xf32>
    tpu.vector_store %arg27[%swap3A_156, %swap3A_157], %add3A_155 {strides = array<i32>} : memref<2500x64xf32, #tpu.memory_space<vmem>>, vector<2500x64xf32>,
    return
  }
}

module attributes {stable_mosaic.version = 14 : i64} {
  func.func @_s2s_body(%arg0: i32, %arg1: i32, %arg2: memref<2500x64xf32, #tpu.memory_space<vmem>>, %arg3: memref<64x4xf32, #tpu.memory_space<vmem>>, %arg4: memref<4x64xf32, #tpu.memory_space<vmem>>, %arg5: memref<64x16xf32, #tpu.memory_space<vmem>>, %arg6: memref<16x64xf32, #tpu.memory_space<vmem>>, %arg7: memref<32x64xf32, #tpu.memory_space<vmem>>, %arg8: memref<16x64xf32, #tpu.memory_space<vmem>>, %arg9: memref<1x64xf32, #tpu.memory_space<vmem>>, %arg10: memref<16x64xf32, #tpu.memory_space<vmem>>, %arg11: memref<16x64xf32, #tpu.memory_space<vmem>>, %arg12: memref<1x64xf32, #tpu.memory_space<vmem>>, %arg13: memref<1x32xf32, #tpu.memory_space<vmem>>, %arg14: memref<8x128xf32, #tpu.memory_space<vmem>>) attributes {dimension_semantics = [#tpu.dimension_semantics<arbitrary>, #tpu.dimension_semantics<arbitrary>], iteration_bounds = array<i64: 3, 1>, scalar_prefetch = 0 : i64, scratch_operands = 1 : i64, tpu.core_type = #tpu.core_type<tc>, window_params = [{transform_indices = @transform_0, window_bounds = array<i64: 2500, 64>}, {pipeline_mode = #tpu.pipeline_mode<synchronous>, transform_indices = @transform_1, window_bounds = array<i64: 64, 4>}, {pipeline_mode = #tpu.pipeline_mode<synchronous>, transform_indices = @transform_2, window_bounds = array<i64: 4, 64>}, {pipeline_mode = #tpu.pipeline_mode<synchronous>, transform_indices = @transform_3, window_bounds = array<i64: 64, 16>}, {pipeline_mode = #tpu.pipeline_mode<synchronous>, transform_indices = @transform_4, window_bounds = array<i64: 16, 64>}, {pipeline_mode = #tpu.pipeline_mode<synchronous>, transform_indices = @transform_5, window_bounds = array<i64: 32, 64>}, {pipeline_mode = #tpu.pipeline_mode<synchronous>, transform_indices = @transform_6, window_bounds = array<i64: 16, 64>}, {pipeline_mode = #tpu.pipeline_mode<synchronous>, transform_indices = @transform_7, window_bounds = array<i64: 1, 64>}, {pipeline_mode = #tpu.pipeline_mode<synchronous>, transform_indices = @transform_8, window_bounds = array<i64: 16, 64>}, {pipeline_mode = #tpu.pipeline_mode<synchronous>, transform_indices = @transform_9, window_bounds = array<i64: 16, 64>}, {pipeline_mode = #tpu.pipeline_mode<synchronous>, transform_indices = @transform_10, window_bounds = array<i64: 1, 64>}, {pipeline_mode = #tpu.pipeline_mode<synchronous>, transform_indices = @transform_11, window_bounds = array<i64: 1, 32>}]} {
    %eq3A = arith.constant 0 : i32
    %eq3A_0 = arith.cmpi eq, %arg0, %eq3A : i32
    %eq3A_1 = arith.constant 0 : i32
    %eq3A_2 = arith.cmpi eq, %arg1, %eq3A_1 : i32
    %and3A = arith.andi %eq3A_0, %eq3A_2 : i1
    %convert_element_type3A = arith.extui %and3A : i1 to i32
    %cond3A = arith.constant 0 : i32
    %cond3A_3 = arith.cmpi ne, %convert_element_type3A, %cond3A : i32
    scf.if %cond3A_3 {
      %broadcast_in_dim3A_71 = arith.constant 0.000000e+00 : f32
      %broadcast_in_dim3A_72 = vector.broadcast %broadcast_in_dim3A_71 : f32 to vector<8x128xf32>
      %swap3A_73 = arith.constant 0 : index
      %swap3A_74 = arith.constant 0 : index
      %swap3A_75 = vector.load %arg14[%swap3A_73, %swap3A_74] : memref<8x128xf32, #tpu.memory_space<vmem>>, vector<8x128xf32>
      tpu.vector_store %arg14[%swap3A_73, %swap3A_74], %broadcast_in_dim3A_72 {strides = array<i32>} : memref<8x128xf32, #tpu.memory_space<vmem>>, vector<8x128xf32>,
    } else {
    }
    %eq3A_4 = arith.constant 0 : i32
    %eq3A_5 = arith.cmpi eq, %arg1, %eq3A_4 : i32
    %convert_element_type3A_6 = arith.extui %eq3A_5 : i1 to i32
    %cond3A_7 = arith.constant 0 : i32
    %cond3A_8 = arith.cmpi ne, %convert_element_type3A_6, %cond3A_7 : i32
    scf.if %cond3A_8 {
      %get3A_71 = arith.constant 4 : index
      %get3A_72 = arith.constant 0 : index
      %get3A_73 = vector.load %arg14[%get3A_71, %get3A_72] : memref<8x128xf32, #tpu.memory_space<vmem>>, vector<1x32xf32>
      %get3A_74 = arith.constant 0 : index
      %get3A_75 = arith.constant 0 : index
      %get3A_76 = vector.load %arg14[%get3A_74, %get3A_75] : memref<8x128xf32, #tpu.memory_space<vmem>>, vector<1x16xf32>
      %get3A_77 = arith.constant 1 : index
      %get3A_78 = arith.constant 0 : index
      %get3A_79 = vector.load %arg14[%get3A_77, %get3A_78] : memref<8x128xf32, #tpu.memory_space<vmem>>, vector<1x16xf32>
      %get3A_80 = arith.constant 2 : index
      %get3A_81 = arith.constant 0 : index
      %get3A_82 = vector.load %arg14[%get3A_80, %get3A_81] : memref<8x128xf32, #tpu.memory_space<vmem>>, vector<1x16xf32>
      %get3A_83 = arith.constant 3 : index
      %get3A_84 = arith.constant 0 : index
      %get3A_85 = vector.load %arg14[%get3A_83, %get3A_84] : memref<8x128xf32, #tpu.memory_space<vmem>>, vector<1x16xf32>
      %get3A_86 = arith.constant 0 : index
      %get3A_87 = arith.constant 0 : index
      %get3A_88 = vector.load %arg7[%get3A_86, %get3A_87] : memref<32x64xf32, #tpu.memory_space<vmem>>, vector<32x64xf32>
      %dot_general3A_89 = arith.constant dense<0.000000e+00> : vector<1x64xf32>
      %dot_general3A_90 = tpu.matmul %get3A_73, %get3A_88, %dot_general3A_89 {dimension_numbers = #tpu.dot_dimension_numbers<[1], [0], [0], [1], [0, 0, 1, 1], [], []>, transpose_lhs_hint = false} : vector<1x32xf32>, vector<32x64xf32>, vector<1x64xf32> -> vector<1x64xf32>
      %get3A_91 = arith.constant 0 : index
      %get3A_92 = arith.constant 0 : index
      %get3A_93 = vector.load %arg8[%get3A_91, %get3A_92] : memref<16x64xf32, #tpu.memory_space<vmem>>, vector<16x64xf32>
      %dot_general3A_94 = arith.constant dense<0.000000e+00> : vector<1x64xf32>
      %dot_general3A_95 = tpu.matmul %get3A_76, %get3A_93, %dot_general3A_94 {dimension_numbers = #tpu.dot_dimension_numbers<[1], [0], [0], [1], [0, 0, 1, 1], [], []>, transpose_lhs_hint = false} : vector<1x16xf32>, vector<16x64xf32>, vector<1x64xf32> -> vector<1x64xf32>
      %add3A_96 = arith.addf %dot_general3A_90, %dot_general3A_95 : vector<1x64xf32>
      %get3A_97 = arith.constant 0 : index
      %get3A_98 = arith.constant 0 : index
      %get3A_99 = vector.load %arg9[%get3A_97, %get3A_98] : memref<1x64xf32, #tpu.memory_space<vmem>>, vector<1x64xf32>
      %add3A_100 = arith.addf %add3A_96, %get3A_99 : vector<1x64xf32>
      %slice3A = vector.extract_strided_slice %add3A_100 {offsets = [0, 0], sizes = [1, 16], strides = [1, 1]} : vector<1x64xf32> to vector<1x16xf32>
      %neg3A = arith.constant 0.000000e+00 : f32
      %neg3A_101 = vector.broadcast %neg3A : f32 to vector<1x16xf32>
      %neg3A_102 = arith.subf %neg3A_101, %slice3A : vector<1x16xf32>
      %exp3A_103 = math.exp %neg3A_102 : vector<1x16xf32>
      %add3A_104 = arith.constant 1.000000e+00 : f32
      %add3A_105 = vector.broadcast %add3A_104 : f32 to vector<1x16xf32>
      %add3A_106 = arith.addf %add3A_105, %exp3A_103 : vector<1x16xf32>
      %div3A = arith.constant 1.000000e+00 : f32
      %div3A_107 = vector.broadcast %div3A : f32 to vector<1x16xf32>
      %div3A_108 = arith.divf %div3A_107, %add3A_106 : vector<1x16xf32>
      %slice3A_109 = vector.extract_strided_slice %add3A_100 {offsets = [0, 16], sizes = [1, 16], strides = [1, 1]} : vector<1x64xf32> to vector<1x16xf32>
      %neg3A_110 = arith.constant 0.000000e+00 : f32
      %neg3A_111 = vector.broadcast %neg3A_110 : f32 to vector<1x16xf32>
      %neg3A_112 = arith.subf %neg3A_111, %slice3A_109 : vector<1x16xf32>
      %exp3A_113 = math.exp %neg3A_112 : vector<1x16xf32>
      %add3A_114 = arith.constant 1.000000e+00 : f32
      %add3A_115 = vector.broadcast %add3A_114 : f32 to vector<1x16xf32>
      %add3A_116 = arith.addf %add3A_115, %exp3A_113 : vector<1x16xf32>
      %div3A_117 = arith.constant 1.000000e+00 : f32
      %div3A_118 = vector.broadcast %div3A_117 : f32 to vector<1x16xf32>
      %div3A_119 = arith.divf %div3A_118, %add3A_116 : vector<1x16xf32>
      %slice3A_120 = vector.extract_strided_slice %add3A_100 {offsets = [0, 32], sizes = [1, 16], strides = [1, 1]} : vector<1x64xf32> to vector<1x16xf32>
      %mul3A_121 = arith.constant -2.000000e+00 : f32
      %mul3A_122 = vector.broadcast %mul3A_121 : f32 to vector<1x16xf32>
      %mul3A_123 = arith.mulf %mul3A_122, %slice3A_120 : vector<1x16xf32>
      %exp3A_124 = math.exp %mul3A_123 : vector<1x16xf32>
      %sub3A_125 = arith.constant 1.000000e+00 : f32
      %sub3A_126 = vector.broadcast %sub3A_125 : f32 to vector<1x16xf32>
      %sub3A_127 = arith.subf %sub3A_126, %exp3A_124 : vector<1x16xf32>
      %add3A_128 = arith.constant 1.000000e+00 : f32
      %add3A_129 = vector.broadcast %add3A_128 : f32 to vector<1x16xf32>
      %add3A_130 = arith.addf %add3A_129, %exp3A_124 : vector<1x16xf32>
      %div3A_131 = arith.divf %sub3A_127, %add3A_130 : vector<1x16xf32>
      %slice3A_132 = vector.extract_strided_slice %add3A_100 {offsets = [0, 48], sizes = [1, 16], strides = [1, 1]} : vector<1x64xf32> to vector<1x16xf32>
      %neg3A_133 = arith.constant 0.000000e+00 : f32
      %neg3A_134 = vector.broadcast %neg3A_133 : f32 to vector<1x16xf32>
      %neg3A_135 = arith.subf %neg3A_134, %slice3A_132 : vector<1x16xf32>
      %exp3A_136 = math.exp %neg3A_135 : vector<1x16xf32>
      %add3A_137 = arith.constant 1.000000e+00 : f32
      %add3A_138 = vector.broadcast %add3A_137 : f32 to vector<1x16xf32>
      %add3A_139 = arith.addf %add3A_138, %exp3A_136 : vector<1x16xf32>
      %div3A_140 = arith.constant 1.000000e+00 : f32
      %div3A_141 = vector.broadcast %div3A_140 : f32 to vector<1x16xf32>
      %div3A_142 = arith.divf %div3A_141, %add3A_139 : vector<1x16xf32>
      %mul3A_143 = arith.mulf %div3A_119, %get3A_79 : vector<1x16xf32>
      %mul3A_144 = arith.mulf %div3A_108, %div3A_131 : vector<1x16xf32>
      %add3A_145 = arith.addf %mul3A_143, %mul3A_144 : vector<1x16xf32>
      %mul3A_146 = arith.constant -2.000000e+00 : f32
      %mul3A_147 = vector.broadcast %mul3A_146 : f32 to vector<1x16xf32>
      %mul3A_148 = arith.mulf %mul3A_147, %add3A_145 : vector<1x16xf32>
      %exp3A_149 = math.exp %mul3A_148 : vector<1x16xf32>
      %sub3A_150 = arith.constant 1.000000e+00 : f32
      %sub3A_151 = vector.broadcast %sub3A_150 : f32 to vector<1x16xf32>
      %sub3A_152 = arith.subf %sub3A_151, %exp3A_149 : vector<1x16xf32>
      %add3A_153 = arith.constant 1.000000e+00 : f32
      %add3A_154 = vector.broadcast %add3A_153 : f32 to vector<1x16xf32>
      %add3A_155 = arith.addf %add3A_154, %exp3A_149 : vector<1x16xf32>
      %div3A_156 = arith.divf %sub3A_152, %add3A_155 : vector<1x16xf32>
      %mul3A_157 = arith.mulf %div3A_142, %div3A_156 : vector<1x16xf32>
      %get3A_158 = arith.constant 0 : index
      %get3A_159 = arith.constant 0 : index
      %get3A_160 = vector.load %arg10[%get3A_158, %get3A_159] : memref<16x64xf32, #tpu.memory_space<vmem>>, vector<16x64xf32>
      %dot_general3A_161 = arith.constant dense<0.000000e+00> : vector<1x64xf32>
      %dot_general3A_162 = tpu.matmul %mul3A_157, %get3A_160, %dot_general3A_161 {dimension_numbers = #tpu.dot_dimension_numbers<[1], [0], [0], [1], [0, 0, 1, 1], [], []>, transpose_lhs_hint = false} : vector<1x16xf32>, vector<16x64xf32>, vector<1x64xf32> -> vector<1x64xf32>
      %get3A_163 = arith.constant 0 : index
      %get3A_164 = arith.constant 0 : index
      %get3A_165 = vector.load %arg11[%get3A_163, %get3A_164] : memref<16x64xf32, #tpu.memory_space<vmem>>, vector<16x64xf32>
      %dot_general3A_166 = arith.constant dense<0.000000e+00> : vector<1x64xf32>
      %dot_general3A_167 = tpu.matmul %get3A_82, %get3A_165, %dot_general3A_166 {dimension_numbers = #tpu.dot_dimension_numbers<[1], [0], [0], [1], [0, 0, 1, 1], [], []>, transpose_lhs_hint = false} : vector<1x16xf32>, vector<16x64xf32>, vector<1x64xf32> -> vector<1x64xf32>
      %add3A_168 = arith.addf %dot_general3A_162, %dot_general3A_167 : vector<1x64xf32>
      %get3A_169 = arith.constant 0 : index
      %get3A_170 = arith.constant 0 : index
      %get3A_171 = vector.load %arg12[%get3A_169, %get3A_170] : memref<1x64xf32, #tpu.memory_space<vmem>>, vector<1x64xf32>
      %add3A_172 = arith.addf %add3A_168, %get3A_171 : vector<1x64xf32>
      %slice3A_173 = vector.extract_strided_slice %add3A_172 {offsets = [0, 0], sizes = [1, 16], strides = [1, 1]} : vector<1x64xf32> to vector<1x16xf32>
      %neg3A_174 = arith.constant 0.000000e+00 : f32
      %neg3A_175 = vector.broadcast %neg3A_174 : f32 to vector<1x16xf32>
      %neg3A_176 = arith.subf %neg3A_175, %slice3A_173 : vector<1x16xf32>
      %exp3A_177 = math.exp %neg3A_176 : vector<1x16xf32>
      %add3A_178 = arith.constant 1.000000e+00 : f32
      %add3A_179 = vector.broadcast %add3A_178 : f32 to vector<1x16xf32>
      %add3A_180 = arith.addf %add3A_179, %exp3A_177 : vector<1x16xf32>
      %div3A_181 = arith.constant 1.000000e+00 : f32
      %div3A_182 = vector.broadcast %div3A_181 : f32 to vector<1x16xf32>
      %div3A_183 = arith.divf %div3A_182, %add3A_180 : vector<1x16xf32>
      %slice3A_184 = vector.extract_strided_slice %add3A_172 {offsets = [0, 16], sizes = [1, 16], strides = [1, 1]} : vector<1x64xf32> to vector<1x16xf32>
      %neg3A_185 = arith.constant 0.000000e+00 : f32
      %neg3A_186 = vector.broadcast %neg3A_185 : f32 to vector<1x16xf32>
      %neg3A_187 = arith.subf %neg3A_186, %slice3A_184 : vector<1x16xf32>
      %exp3A_188 = math.exp %neg3A_187 : vector<1x16xf32>
      %add3A_189 = arith.constant 1.000000e+00 : f32
      %add3A_190 = vector.broadcast %add3A_189 : f32 to vector<1x16xf32>
      %add3A_191 = arith.addf %add3A_190, %exp3A_188 : vector<1x16xf32>
      %div3A_192 = arith.constant 1.000000e+00 : f32
      %div3A_193 = vector.broadcast %div3A_192 : f32 to vector<1x16xf32>
      %div3A_194 = arith.divf %div3A_193, %add3A_191 : vector<1x16xf32>
      %slice3A_195 = vector.extract_strided_slice %add3A_172 {offsets = [0, 32], sizes = [1, 16], strides = [1, 1]} : vector<1x64xf32> to vector<1x16xf32>
      %mul3A_196 = arith.constant -2.000000e+00 : f32
      %mul3A_197 = vector.broadcast %mul3A_196 : f32 to vector<1x16xf32>
      %mul3A_198 = arith.mulf %mul3A_197, %slice3A_195 : vector<1x16xf32>
      %exp3A_199 = math.exp %mul3A_198 : vector<1x16xf32>
      %sub3A_200 = arith.constant 1.000000e+00 : f32
      %sub3A_201 = vector.broadcast %sub3A_200 : f32 to vector<1x16xf32>
      %sub3A_202 = arith.subf %sub3A_201, %exp3A_199 : vector<1x16xf32>
      %add3A_203 = arith.constant 1.000000e+00 : f32
      %add3A_204 = vector.broadcast %add3A_203 : f32 to vector<1x16xf32>
      %add3A_205 = arith.addf %add3A_204, %exp3A_199 : vector<1x16xf32>
      %div3A_206 = arith.divf %sub3A_202, %add3A_205 : vector<1x16xf32>
      %slice3A_207 = vector.extract_strided_slice %add3A_172 {offsets = [0, 48], sizes = [1, 16], strides = [1, 1]} : vector<1x64xf32> to vector<1x16xf32>
      %neg3A_208 = arith.constant 0.000000e+00 : f32
      %neg3A_209 = vector.broadcast %neg3A_208 : f32 to vector<1x16xf32>
      %neg3A_210 = arith.subf %neg3A_209, %slice3A_207 : vector<1x16xf32>
      %exp3A_211 = math.exp %neg3A_210 : vector<1x16xf32>
      %add3A_212 = arith.constant 1.000000e+00 : f32
      %add3A_213 = vector.broadcast %add3A_212 : f32 to vector<1x16xf32>
      %add3A_214 = arith.addf %add3A_213, %exp3A_211 : vector<1x16xf32>
      %div3A_215 = arith.constant 1.000000e+00 : f32
      %div3A_216 = vector.broadcast %div3A_215 : f32 to vector<1x16xf32>
      %div3A_217 = arith.divf %div3A_216, %add3A_214 : vector<1x16xf32>
      %mul3A_218 = arith.mulf %div3A_194, %get3A_85 : vector<1x16xf32>
      %mul3A_219 = arith.mulf %div3A_183, %div3A_206 : vector<1x16xf32>
      %add3A_220 = arith.addf %mul3A_218, %mul3A_219 : vector<1x16xf32>
      %mul3A_221 = arith.constant -2.000000e+00 : f32
      %mul3A_222 = vector.broadcast %mul3A_221 : f32 to vector<1x16xf32>
      %mul3A_223 = arith.mulf %mul3A_222, %add3A_220 : vector<1x16xf32>
      %exp3A_224 = math.exp %mul3A_223 : vector<1x16xf32>
      %sub3A_225 = arith.constant 1.000000e+00 : f32
      %sub3A_226 = vector.broadcast %sub3A_225 : f32 to vector<1x16xf32>
      %sub3A_227 = arith.subf %sub3A_226, %exp3A_224 : vector<1x16xf32>
      %add3A_228 = arith.constant 1.000000e+00 : f32
      %add3A_229 = vector.broadcast %add3A_228 : f32 to vector<1x16xf32>
      %add3A_230 = arith.addf %add3A_229, %exp3A_224 : vector<1x16xf32>
      %div3A_231 = arith.divf %sub3A_227, %add3A_230 : vector<1x16xf32>
      %mul3A_232 = arith.mulf %div3A_217, %div3A_231 : vector<1x16xf32>
      %swap3A_233 = arith.constant 0 : index
      %swap3A_234 = arith.constant 0 : index
      %swap3A_235 = vector.load %arg14[%swap3A_233, %swap3A_234] : memref<8x128xf32, #tpu.memory_space<vmem>>, vector<1x16xf32>
      tpu.vector_store %arg14[%swap3A_233, %swap3A_234], %mul3A_157 {strides = array<i32>} : memref<8x128xf32, #tpu.memory_space<vmem>>, vector<1x16xf32>,
      %swap3A_236 = arith.constant 1 : index
      %swap3A_237 = arith.constant 0 : index
      %swap3A_238 = vector.load %arg14[%swap3A_236, %swap3A_237] : memref<8x128xf32, #tpu.memory_space<vmem>>, vector<1x16xf32>
      tpu.vector_store %arg14[%swap3A_236, %swap3A_237], %add3A_145 {strides = array<i32>} : memref<8x128xf32, #tpu.memory_space<vmem>>, vector<1x16xf32>,
      %swap3A_239 = arith.constant 2 : index
      %swap3A_240 = arith.constant 0 : index
      %swap3A_241 = vector.load %arg14[%swap3A_239, %swap3A_240] : memref<8x128xf32, #tpu.memory_space<vmem>>, vector<1x16xf32>
      tpu.vector_store %arg14[%swap3A_239, %swap3A_240], %mul3A_232 {strides = array<i32>} : memref<8x128xf32, #tpu.memory_space<vmem>>, vector<1x16xf32>,
      %swap3A_242 = arith.constant 3 : index
      %swap3A_243 = arith.constant 0 : index
      %swap3A_244 = vector.load %arg14[%swap3A_242, %swap3A_243] : memref<8x128xf32, #tpu.memory_space<vmem>>, vector<1x16xf32>
      tpu.vector_store %arg14[%swap3A_242, %swap3A_243], %add3A_220 {strides = array<i32>} : memref<8x128xf32, #tpu.memory_space<vmem>>, vector<1x16xf32>,
      %swap3A_245 = arith.constant 5 : index
      %swap3A_246 = arith.constant 0 : index
      %swap3A_247 = vector.load %arg14[%swap3A_245, %swap3A_246] : memref<8x128xf32, #tpu.memory_space<vmem>>, vector<1x16xf32>
      tpu.vector_store %arg14[%swap3A_245, %swap3A_246], %mul3A_232 {strides = array<i32>} : memref<8x128xf32, #tpu.memory_space<vmem>>, vector<1x16xf32>,
      %broadcast_in_dim3A_248 = arith.constant 0.000000e+00 : f32
      %broadcast_in_dim3A_249 = vector.broadcast %broadcast_in_dim3A_248 : f32 to vector<1x128xf32>
      %swap3A_250 = arith.constant 6 : index
      %swap3A_251 = arith.constant 0 : index
      %swap3A_252 = vector.load %arg14[%swap3A_250, %swap3A_251] : memref<8x128xf32, #tpu.memory_space<vmem>>, vector<1x128xf32>
      tpu.vector_store %arg14[%swap3A_250, %swap3A_251], %broadcast_in_dim3A_249 {strides = array<i32>} : memref<8x128xf32, #tpu.memory_space<vmem>>, vector<1x128xf32>,
      %broadcast_in_dim3A_253 = arith.constant -1.000000e+30 : f32
      %broadcast_in_dim3A_254 = vector.broadcast %broadcast_in_dim3A_253 : f32 to vector<1x1xf32>
      %swap3A_255 = arith.constant 7 : index
      %swap3A_256 = arith.constant 0 : index
      %swap3A_257 = vector.load %arg14[%swap3A_255, %swap3A_256] : memref<8x128xf32, #tpu.memory_space<vmem>>, vector<1x1xf32>
      tpu.vector_store %arg14[%swap3A_255, %swap3A_256], %broadcast_in_dim3A_254 {strides = array<i32>} : memref<8x128xf32, #tpu.memory_space<vmem>>, vector<1x1xf32>,
      %broadcast_in_dim3A_258 = arith.constant 0.000000e+00 : f32
      %broadcast_in_dim3A_259 = vector.broadcast %broadcast_in_dim3A_258 : f32 to vector<1x1xf32>
      %swap3A_260 = arith.constant 7 : index
      %swap3A_261 = arith.constant 1 : index
      %swap3A_262 = vector.load %arg14[%swap3A_260, %swap3A_261] : memref<8x128xf32, #tpu.memory_space<vmem>>, vector<1x1xf32>
      tpu.vector_store %arg14[%swap3A_260, %swap3A_261], %broadcast_in_dim3A_259 {strides = array<i32>} : memref<8x128xf32, #tpu.memory_space<vmem>>, vector<1x1xf32>,
    } else {
    }
    %get3A = arith.constant 0 : index
    %get3A_9 = arith.constant 0 : index
    %get3A_10 = vector.load %arg2[%get3A, %get3A_9] : memref<2500x64xf32, #tpu.memory_space<vmem>>, vector<2500x64xf32>
    %get3A_11 = arith.constant 5 : index
    %get3A_12 = arith.constant 0 : index
    %get3A_13 = vector.load %arg14[%get3A_11, %get3A_12] : memref<8x128xf32, #tpu.memory_space<vmem>>, vector<1x16xf32>
    %get3A_14 = arith.constant 0 : index
    %get3A_15 = arith.constant 0 : index
    %get3A_16 = vector.load %arg6[%get3A_14, %get3A_15] : memref<16x64xf32, #tpu.memory_space<vmem>>, vector<16x64xf32>
    %dot_general3A = arith.constant dense<0.000000e+00> : vector<1x64xf32>
    %dot_general3A_17 = tpu.matmul %get3A_13, %get3A_16, %dot_general3A {dimension_numbers = #tpu.dot_dimension_numbers<[1], [0], [0], [1], [0, 0, 1, 1], [], []>, transpose_lhs_hint = false} : vector<1x16xf32>, vector<16x64xf32>, vector<1x64xf32> -> vector<1x64xf32>
    %mul3A = vector.broadcast %dot_general3A_17 : vector<1x64xf32> to vector<2500x64xf32>
    %mul3A_18 = arith.mulf %get3A_10, %mul3A : vector<2500x64xf32>
    %get3A_19 = arith.constant 0 : index
    %get3A_20 = arith.constant 0 : index
    %get3A_21 = vector.load %arg3[%get3A_19, %get3A_20] : memref<64x4xf32, #tpu.memory_space<vmem>>, vector<64x4xf32>
    %dot_general3A_22 = arith.constant dense<0.000000e+00> : vector<2500x4xf32>
    %dot_general3A_23 = tpu.matmul %mul3A_18, %get3A_21, %dot_general3A_22 {dimension_numbers = #tpu.dot_dimension_numbers<[1], [0], [0], [1], [0, 0, 1, 1], [], []>, transpose_lhs_hint = false} : vector<2500x64xf32>, vector<64x4xf32>, vector<2500x4xf32> -> vector<2500x4xf32>
    %get3A_24 = arith.constant 7 : index
    %get3A_25 = arith.constant 0 : index
    %get3A_26 = vector.load %arg14[%get3A_24, %get3A_25] : memref<8x128xf32, #tpu.memory_space<vmem>>, vector<1x1xf32>
    %get3A_27 = arith.constant 7 : index
    %get3A_28 = arith.constant 1 : index
    %get3A_29 = vector.load %arg14[%get3A_27, %get3A_28] : memref<8x128xf32, #tpu.memory_space<vmem>>, vector<1x1xf32>
    %reduce_max3A = vector.shape_cast %dot_general3A_23 : vector<2500x4xf32> to vector<1x2500x4xf32>
    %reduce_max3A_30 = arith.constant dense<0xFF800000> : vector<1xf32>
    %reduce_max3A_31 = vector.multi_reduction <maximumf>, %reduce_max3A, %reduce_max3A_30 [1, 2] : vector<1x2500x4xf32> to vector<1xf32>
    %reduce_max3A_32 = vector.shape_cast %reduce_max3A_31 : vector<1xf32> to vector<1x1x1xf32>
    %reduce_max3A_33 = vector.extract %reduce_max3A_32[0, 0, 0] : f32 from vector<1x1x1xf32>
    %broadcast_in_dim3A = vector.broadcast %reduce_max3A_33 : f32 to vector<1x1xf32>
    %max3A = arith.maximumf %get3A_26, %broadcast_in_dim3A : vector<1x1xf32>
    %sub3A = arith.subf %get3A_26, %max3A : vector<1x1xf32>
    %exp3A = math.exp %sub3A : vector<1x1xf32>
    %sub3A_34 = vector.broadcast %max3A : vector<1x1xf32> to vector<2500x4xf32>
    %sub3A_35 = arith.subf %dot_general3A_23, %sub3A_34 : vector<2500x4xf32>
    %exp3A_36 = math.exp %sub3A_35 : vector<2500x4xf32>
    %reduce_sum3A = vector.shape_cast %exp3A_36 : vector<2500x4xf32> to vector<1x2500x4xf32>
    %reduce_sum3A_37 = arith.constant dense<0.000000e+00> : vector<1xf32>
    %reduce_sum3A_38 = vector.multi_reduction <add>, %reduce_sum3A, %reduce_sum3A_37 [1, 2] : vector<1x2500x4xf32> to vector<1xf32>
    %reduce_sum3A_39 = vector.shape_cast %reduce_sum3A_38 : vector<1xf32> to vector<1x1x1xf32>
    %reduce_sum3A_40 = vector.extract %reduce_sum3A_39[0, 0, 0] : f32 from vector<1x1x1xf32>
    %broadcast_in_dim3A_41 = vector.broadcast %reduce_sum3A_40 : f32 to vector<1x1xf32>
    %get3A_42 = arith.constant 0 : index
    %get3A_43 = arith.constant 0 : index
    %get3A_44 = vector.load %arg4[%get3A_42, %get3A_43] : memref<4x64xf32, #tpu.memory_space<vmem>>, vector<4x64xf32>
    %dot_general3A_45 = arith.constant dense<0.000000e+00> : vector<2500x64xf32>
    %dot_general3A_46 = tpu.matmul %exp3A_36, %get3A_44, %dot_general3A_45 {dimension_numbers = #tpu.dot_dimension_numbers<[1], [0], [0], [1], [0, 0, 1, 1], [], []>, transpose_lhs_hint = false} : vector<2500x4xf32>, vector<4x64xf32>, vector<2500x64xf32> -> vector<2500x64xf32>
    %mul3A_47 = arith.mulf %dot_general3A_46, %get3A_10 : vector<2500x64xf32>
    %reduce_sum3A_48 = arith.constant dense<0.000000e+00> : vector<64xf32>
    %reduce_sum3A_49 = vector.multi_reduction <add>, %mul3A_47, %reduce_sum3A_48 [0] : vector<2500x64xf32> to vector<64xf32>
    %broadcast_in_dim3A_50 = vector.shape_cast %reduce_sum3A_49 : vector<64xf32> to vector<1x64xf32>
    %get3A_51 = arith.constant 6 : index
    %get3A_52 = arith.constant 0 : index
    %get3A_53 = vector.load %arg14[%get3A_51, %get3A_52] : memref<8x128xf32, #tpu.memory_space<vmem>>, vector<1x64xf32>
    %mul3A_54 = vector.broadcast %exp3A : vector<1x1xf32> to vector<1x64xf32>
    %mul3A_55 = arith.mulf %get3A_53, %mul3A_54 : vector<1x64xf32>
    %add3A = arith.addf %mul3A_55, %broadcast_in_dim3A_50 : vector<1x64xf32>
    %swap3A = arith.constant 6 : index
    %swap3A_56 = arith.constant 0 : index
    %swap3A_57 = vector.load %arg14[%swap3A, %swap3A_56] : memref<8x128xf32, #tpu.memory_space<vmem>>, vector<1x64xf32>
    tpu.vector_store %arg14[%swap3A, %swap3A_56], %add3A {strides = array<i32>} : memref<8x128xf32, #tpu.memory_space<vmem>>, vector<1x64xf32>,
    %swap3A_58 = arith.constant 7 : index
    %swap3A_59 = arith.constant 0 : index
    %swap3A_60 = vector.load %arg14[%swap3A_58, %swap3A_59] : memref<8x128xf32, #tpu.memory_space<vmem>>, vector<1x1xf32>
    tpu.vector_store %arg14[%swap3A_58, %swap3A_59], %max3A {strides = array<i32>} : memref<8x128xf32, #tpu.memory_space<vmem>>, vector<1x1xf32>,
    %mul3A_61 = arith.mulf %get3A_29, %exp3A : vector<1x1xf32>
    %add3A_62 = arith.addf %mul3A_61, %broadcast_in_dim3A_41 : vector<1x1xf32>
    %swap3A_63 = arith.constant 7 : index
    %swap3A_64 = arith.constant 1 : index
    %swap3A_65 = vector.load %arg14[%swap3A_63, %swap3A_64] : memref<8x128xf32, #tpu.memory_space<vmem>>, vector<1x1xf32>
    tpu.vector_store %arg14[%swap3A_63, %swap3A_64], %add3A_62 {strides = array<i32>} : memref<8x128xf32, #tpu.memory_space<vmem>>, vector<1x1xf32>,
    %eq3A_66 = arith.constant 0 : i32
    %eq3A_67 = arith.cmpi eq, %arg1, %eq3A_66 : i32
    %convert_element_type3A_68 = arith.extui %eq3A_67 : i1 to i32
    %cond3A_69 = arith.constant 0 : i32
    %cond3A_70 = arith.cmpi ne, %convert_element_type3A_68, %cond3A_69 : i32
    scf.if %cond3A_70 {
      %get3A_71 = arith.constant 6 : index
      %get3A_72 = arith.constant 0 : index
      %get3A_73 = vector.load %arg14[%get3A_71, %get3A_72] : memref<8x128xf32, #tpu.memory_space<vmem>>, vector<1x64xf32>
      %get3A_74 = arith.constant 0 : index
      %get3A_75 = arith.constant 0 : index
      %get3A_76 = vector.load %arg5[%get3A_74, %get3A_75] : memref<64x16xf32, #tpu.memory_space<vmem>>, vector<64x16xf32>
      %dot_general3A_77 = arith.constant dense<0.000000e+00> : vector<1x16xf32>
      %dot_general3A_78 = tpu.matmul %get3A_73, %get3A_76, %dot_general3A_77 {dimension_numbers = #tpu.dot_dimension_numbers<[1], [0], [0], [1], [0, 0, 1, 1], [], []>, transpose_lhs_hint = false} : vector<1x64xf32>, vector<64x16xf32>, vector<1x16xf32> -> vector<1x16xf32>
      %get3A_79 = arith.constant 7 : index
      %get3A_80 = arith.constant 1 : index
      %get3A_81 = vector.load %arg14[%get3A_79, %get3A_80] : memref<8x128xf32, #tpu.memory_space<vmem>>, vector<1x1xf32>
      %div3A = vector.broadcast %get3A_81 : vector<1x1xf32> to vector<1x16xf32>
      %div3A_82 = arith.divf %dot_general3A_78, %div3A : vector<1x16xf32>
      %get3A_83 = arith.constant 5 : index
      %get3A_84 = arith.constant 0 : index
      %get3A_85 = vector.load %arg14[%get3A_83, %get3A_84] : memref<8x128xf32, #tpu.memory_space<vmem>>, vector<1x16xf32>
      %concatenate3A = tpu.concatenate %get3A_85, %div3A_82 in 1 : vector<1x16xf32>, vector<1x16xf32> -> vector<1x32xf32>
      %swap3A_86 = arith.constant 4 : index
      %swap3A_87 = arith.constant 0 : index
      %swap3A_88 = vector.load %arg14[%swap3A_86, %swap3A_87] : memref<8x128xf32, #tpu.memory_space<vmem>>, vector<1x32xf32>
      tpu.vector_store %arg14[%swap3A_86, %swap3A_87], %concatenate3A {strides = array<i32>} : memref<8x128xf32, #tpu.memory_space<vmem>>, vector<1x32xf32>,
      %eq3A_89 = arith.constant 2 : i32
      %eq3A_90 = arith.cmpi eq, %arg0, %eq3A_89 : i32
      %convert_element_type3A_91 = arith.extui %eq3A_90 : i1 to i32
      %cond3A_92 = arith.constant 0 : i32
      %cond3A_93 = arith.cmpi ne, %convert_element_type3A_91, %cond3A_92 : i32
      scf.if %cond3A_93 {
        %swap3A_94 = arith.constant 0 : index
        %swap3A_95 = arith.constant 0 : index
        %swap3A_96 = vector.load %arg13[%swap3A_94, %swap3A_95] : memref<1x32xf32, #tpu.memory_space<vmem>>, vector<1x32xf32>
        tpu.vector_store %arg13[%swap3A_94, %swap3A_95], %concatenate3A {strides = array<i32>} : memref<1x32xf32, #tpu.memory_space<vmem>>, vector<1x32xf32>,
      } else {
      }
    } else {
    }
    return
  }
  func.func @transform_0(%arg0: i32, %arg1: i32) -> (i32, i32) {
    %c0_i32 = arith.constant 0 : i32
    %c0_i32_0 = arith.constant 0 : i32
    return %arg1, %c0_i32 : i32, i32
  }
  func.func @transform_1(%arg0: i32, %arg1: i32) -> (i32, i32) {
    %c0_i32 = arith.constant 0 : i32
    %c0_i32_0 = arith.constant 0 : i32
    %c0_i32_1 = arith.constant 0 : i32
    return %c0_i32, %c0_i32_0 : i32, i32
  }
  func.func @transform_2(%arg0: i32, %arg1: i32) -> (i32, i32) {
    %c0_i32 = arith.constant 0 : i32
    %c0_i32_0 = arith.constant 0 : i32
    %c0_i32_1 = arith.constant 0 : i32
    return %c0_i32, %c0_i32_0 : i32, i32
  }
  func.func @transform_3(%arg0: i32, %arg1: i32) -> (i32, i32) {
    %c0_i32 = arith.constant 0 : i32
    %c0_i32_0 = arith.constant 0 : i32
    %c0_i32_1 = arith.constant 0 : i32
    return %c0_i32, %c0_i32_0 : i32, i32
  }
  func.func @transform_4(%arg0: i32, %arg1: i32) -> (i32, i32) {
    %c0_i32 = arith.constant 0 : i32
    %c0_i32_0 = arith.constant 0 : i32
    %c0_i32_1 = arith.constant 0 : i32
    return %c0_i32, %c0_i32_0 : i32, i32
  }
  func.func @transform_5(%arg0: i32, %arg1: i32) -> (i32, i32) {
    %c0_i32 = arith.constant 0 : i32
    %c0_i32_0 = arith.constant 0 : i32
    %c0_i32_1 = arith.constant 0 : i32
    return %c0_i32, %c0_i32_0 : i32, i32
  }
  func.func @transform_6(%arg0: i32, %arg1: i32) -> (i32, i32) {
    %c0_i32 = arith.constant 0 : i32
    %c0_i32_0 = arith.constant 0 : i32
    %c0_i32_1 = arith.constant 0 : i32
    return %c0_i32, %c0_i32_0 : i32, i32
  }
  func.func @transform_7(%arg0: i32, %arg1: i32) -> (i32, i32) {
    %c0_i32 = arith.constant 0 : i32
    %c0_i32_0 = arith.constant 0 : i32
    %c0_i32_1 = arith.constant 0 : i32
    return %c0_i32, %c0_i32_0 : i32, i32
  }
  func.func @transform_8(%arg0: i32, %arg1: i32) -> (i32, i32) {
    %c0_i32 = arith.constant 0 : i32
    %c0_i32_0 = arith.constant 0 : i32
    %c0_i32_1 = arith.constant 0 : i32
    return %c0_i32, %c0_i32_0 : i32, i32
  }
  func.func @transform_9(%arg0: i32, %arg1: i32) -> (i32, i32) {
    %c0_i32 = arith.constant 0 : i32
    %c0_i32_0 = arith.constant 0 : i32
    %c0_i32_1 = arith.constant 0 : i32
    return %c0_i32, %c0_i32_0 : i32, i32
  }
  func.func @transform_10(%arg0: i32, %arg1: i32) -> (i32, i32) {
    %c0_i32 = arith.constant 0 : i32
    %c0_i32_0 = arith.constant 0 : i32
    %c0_i32_1 = arith.constant 0 : i32
    return %c0_i32, %c0_i32_0 : i32, i32
  }
  func.func @transform_11(%arg0: i32, %arg1: i32) -> (i32, i32) {
    %c0_i32 = arith.constant 0 : i32
    %c0_i32_0 = arith.constant 0 : i32
    %c0_i32_1 = arith.constant 0 : i32
    return %c0_i32, %c0_i32_0 : i32, i32
  }
}

module attributes {stable_mosaic.version = 14 : i64} {
  func.func @_pred_body(%arg0: memref<1x32xf32, #tpu.memory_space<vmem>>, %arg1: memref<1x32xf32, #tpu.memory_space<vmem>>, %arg2: memref<32x64xf32, #tpu.memory_space<vmem>>, %arg3: memref<32x64xf32, #tpu.memory_space<vmem>>, %arg4: memref<1x64xf32, #tpu.memory_space<vmem>>, %arg5: memref<64x1xf32, #tpu.memory_space<vmem>>, %arg6: memref<1x1xf32, #tpu.memory_space<vmem>>, %arg7: memref<1x1xf32, #tpu.memory_space<vmem>>) attributes {dimension_semantics = [], scalar_prefetch = 0 : i64, scratch_operands = 0 : i64, tpu.core_type = #tpu.core_type<tc>} {
    %get3A = arith.constant 0 : index
    %get3A_0 = arith.constant 0 : index
    %get3A_1 = vector.load %arg0[%get3A, %get3A_0] : memref<1x32xf32, #tpu.memory_space<vmem>>, vector<1x32xf32>
    %get3A_2 = arith.constant 0 : index
    %get3A_3 = arith.constant 0 : index
    %get3A_4 = vector.load %arg2[%get3A_2, %get3A_3] : memref<32x64xf32, #tpu.memory_space<vmem>>, vector<32x64xf32>
    %dot_general3A = arith.constant dense<0.000000e+00> : vector<1x64xf32>
    %dot_general3A_5 = tpu.matmul %get3A_1, %get3A_4, %dot_general3A {dimension_numbers = #tpu.dot_dimension_numbers<[1], [0], [0], [1], [0, 0, 1, 1], [], []>, transpose_lhs_hint = false} : vector<1x32xf32>, vector<32x64xf32>, vector<1x64xf32> -> vector<1x64xf32>
    %get3A_6 = arith.constant 0 : index
    %get3A_7 = arith.constant 0 : index
    %get3A_8 = vector.load %arg1[%get3A_6, %get3A_7] : memref<1x32xf32, #tpu.memory_space<vmem>>, vector<1x32xf32>
    %get3A_9 = arith.constant 0 : index
    %get3A_10 = arith.constant 0 : index
    %get3A_11 = vector.load %arg3[%get3A_9, %get3A_10] : memref<32x64xf32, #tpu.memory_space<vmem>>, vector<32x64xf32>
    %dot_general3A_12 = arith.constant dense<0.000000e+00> : vector<1x64xf32>
    %dot_general3A_13 = tpu.matmul %get3A_8, %get3A_11, %dot_general3A_12 {dimension_numbers = #tpu.dot_dimension_numbers<[1], [0], [0], [1], [0, 0, 1, 1], [], []>, transpose_lhs_hint = false} : vector<1x32xf32>, vector<32x64xf32>, vector<1x64xf32> -> vector<1x64xf32>
    %add3A = arith.addf %dot_general3A_5, %dot_general3A_13 : vector<1x64xf32>
    %get3A_14 = arith.constant 0 : index
    %get3A_15 = arith.constant 0 : index
    %get3A_16 = vector.load %arg4[%get3A_14, %get3A_15] : memref<1x64xf32, #tpu.memory_space<vmem>>, vector<1x64xf32>
    %add3A_17 = arith.addf %add3A, %get3A_16 : vector<1x64xf32>
    %gt3A = arith.constant 0.000000e+00 : f32
    %gt3A_18 = vector.broadcast %gt3A : f32 to vector<1x64xf32>
    %gt3A_19 = arith.cmpf ogt, %add3A_17, %gt3A_18 : vector<1x64xf32>
    %mul3A = arith.constant 0.00999999977 : f32
    %mul3A_20 = vector.broadcast %mul3A : f32 to vector<1x64xf32>
    %mul3A_21 = arith.mulf %mul3A_20, %add3A_17 : vector<1x64xf32>
    %select_n3A = arith.select %gt3A_19, %add3A_17, %mul3A_21 : vector<1x64xi1>, vector<1x64xf32>
    %get3A_22 = arith.constant 0 : index
    %get3A_23 = arith.constant 0 : index
    %get3A_24 = vector.load %arg5[%get3A_22, %get3A_23] : memref<64x1xf32, #tpu.memory_space<vmem>>, vector<64x1xf32>
    %dot_general3A_25 = arith.constant dense<0.000000e+00> : vector<1x1xf32>
    %dot_general3A_26 = tpu.matmul %select_n3A, %get3A_24, %dot_general3A_25 {dimension_numbers = #tpu.dot_dimension_numbers<[1], [0], [0], [1], [0, 0, 1, 1], [], []>, transpose_lhs_hint = false} : vector<1x64xf32>, vector<64x1xf32>, vector<1x1xf32> -> vector<1x1xf32>
    %get3A_27 = arith.constant 0 : index
    %get3A_28 = arith.constant 0 : index
    %get3A_29 = vector.load %arg6[%get3A_27, %get3A_28] : memref<1x1xf32, #tpu.memory_space<vmem>>, vector<1x1xf32>
    %add3A_30 = arith.addf %dot_general3A_26, %get3A_29 : vector<1x1xf32>
    %swap3A = arith.constant 0 : index
    %swap3A_31 = arith.constant 0 : index
    %swap3A_32 = vector.load %arg7[%swap3A, %swap3A_31] : memref<1x1xf32, #tpu.memory_space<vmem>>, vector<1x1xf32>
    tpu.vector_store %arg7[%swap3A, %swap3A_31], %add3A_30 {strides = array<i32>} : memref<1x1xf32, #tpu.memory_space<vmem>>, vector<1x1xf32>,
    return
  }
}

</mosaic_0001>

<sc_bundles>
// kernel: kernel.18.cloned.1.call-start
scs
__scs_entry_jumppad:
0x0: {  	(pc) =	sbr.rel $0x88, $3  }
0x1: {  	(tag) =	ssettag $0x0;
	lr =	simm.s32 $0x1  }
0x2: {  	[smem:$0x3F4D] =	sst lr;
	_ =	strace $0xD0000000  }
0x3: {  	_ = 	snop  }
0x4: {  	_ = 	snop  }
0x5: {  	_ = 	snop  }
0x6: {  	_ = 	snop  }
0x7: {  	_ = 	snop  }
__scs_overlays_trampoline_lowered:
0x8: {  	[smem:$0x3F5C] =	sst s0  }
0x9: {  	[smem:$0x3F5D] =	sst s1  }
0xa: {  	[smem:$0x3F5E] =	sst s2  }
0xb: {  	[smem:$0x3F5F] =	sst s3  }
0xc: {  	[smem:$0x3F60] =	sst s4  }
0xd: {  	[smem:$0x3F61] =	sst s5  }
0xe: {  	[smem:$0x3F62] =	sst s6  }
0xf: {  	[smem:$0x3F63] =	sst s7  }
0x10: {  	[smem:$0x3F64] =	sst s8  }
0x11: {  	[smem:$0x3F65] =	sst s9;
	s0 =	simm.s32 @!p0 $0x0  }
0x12: {  	s1 =	sld [smem:$0x3F4B];
	s0 =	simm.s32 @p0 $0x1  }
0x13: {  	[smem:$0x3F66] =	sst s0;
	s0 =	simm.s32 @!p1 $0x0  }
0x14: {  	s2 =	sld [smem:$0x3F4A];
	s0 =	simm.s32 @p1 $0x1  }
0x15: {  	[smem:$0x3F67] =	sst s0;
	s0 =	simm.s32 @!p2 $0x0  }
0x16: {  	s3 =	sld [smem:$0x3FDB];
	s0 =	simm.s32 @p2 $0x1  }
0x17: {  	s4 =	simm.s32 $0x1BF5;
	[smem:$0x3F69] =	sst s0  }
0x18: {  	s0 =	sld [smem:$0x3F4C];
	_ =	swait.ge [sflag:s4], $0x0  }
0x19: {  	s7 =	sld [smem:$0x3F4D]  }
0x1a: {  	s8 =	sadd.s32 $0xFFFFE003, lr  }
0x1b: {  	s9 =	sadd.s32 $0xFFFFFEF7, lr;
	s5 =	simm.s32 $0xFFFFFFFF;
	p2 =	slt.u32 s8, $0xFFFFF086  }
0x1c: {  	p1 =	slt.u32 s9, $0xF7A;
	s5 =	simm.s32 @!p2 $0x0  }
0x1d: {  	s5 =	simm.s32 @p1 $0x1;
	p0 =	seq.s32 s7, s2  }
0x1e: {  	s7 =	smul.u32 @!p0 $0xF7A, s2;
	p2 =	seq.s32 @!p0 s5, $0x0  }
0x1f: {  	s9 =	smul.u32 $0xF7A, s1;
	s8 =	simm.s32 @!p0 $0x1BF5;
	p2 =	por !p2, p0  }
0x20: {  	[sflag:s8] =	ssyncset.s32 @!p0 $0xFFFFF086;
	s6 =	sadd.s32 @!p0 s3, s7;
	s7 =	simm.s32 @!p0 $0x108  }
0x21: {  	s3 =	sadd.s32 s3, s9;
	s6 =	sadd.s32 @!p0 $0x88, s6;
	s7 =	simm.s32 @p2 $0x1082  }
0x22: {  	[simem:s7], [sflag:s8] =	dma.local @!p0 [hbm:s6], $0xF7A  }
0x23: {  	s9 =	sor.u32 $0xD0000000, s2;
	s6 =	simm.s32 $0x108;
	_ =	swait.ge @!p0 [sflag:s8], $0x0  }
0x24: {  	s3 =	sadd.s32 $0x88, s3;
	s6 =	simm.s32 @!p1 $0x1082;
	[sflag:s4] =	ssyncset.s32 $0xFFFFF086  }
0x25: {  	[simem:s6], [sflag:s4] =	dma.local [hbm:s3], $0xF7A  }
0x26: {  	[smem:$0x3F4D] =	sst s1;
	(tag) =	ssettag s2;
	_ =	strace s9  }
0x27: {  	s1 =	sld [smem:$0x3F5D]  }
0x28: {  	s2 =	sld [smem:$0x3F5E]  }
0x29: {  	s4 =	sld [smem:$0x3F60]  }
0x2a: {  	p0 =	seq.s32 s5, $0x0;
	s5 =	sld [smem:$0x3F61]  }
0x2b: {  	s6 =	sld [smem:$0x3F62]  }
0x2c: {  	s7 =	sld [smem:$0x3F63]  }
0x2d: {  	s3 =	simm.s32 $0x108;
	s8 =	sld [smem:$0x3F64]  }
0x2e: {  	s3 =	simm.s32 @!p0 $0x1082;
	s9 =	sld [smem:$0x3F65]  }
0x2f: {  	lr =	sadd.s32 s0, s3;
	s0 =	sld [smem:$0x3F5C]  }
0x30: {  	s3 =	sld [smem:$0x3F5F]  }
0x31: {  	[smem:$0x3F68] =	sst s10  }
0x32: {  	s10 =	sld [smem:$0x3F66];
	_ =	sdelay $0x3  }
0x33: {  	p0 =	seq.s32 s10, $0x1;
	s10 =	sld [smem:$0x3F68];
	_ =	sdelay $0x3  }
0x34: {  	[smem:$0x3F68] =	sst s10  }
0x35: {  	s10 =	sld [smem:$0x3F67];
	_ =	sdelay $0x3  }
0x36: {  	p1 =	seq.s32 s10, $0x1;
	s10 =	sld [smem:$0x3F68];
	_ =	sdelay $0x3  }
0x37: {  	[smem:$0x3F68] =	sst s10  }
0x38: {  	s10 =	sld [smem:$0x3F69]  }
0x39: {  	_ = 	snop;
	(pc) =	sbr.ind lr, $3  }
0x3a: {  	_ = 	snop  }
0x3b: {  	_ = 	snop  }
0x3c: {  	p2 =	seq.s32 s10, $0x1;
	s10 =	sld [smem:$0x3F68]  }
0x3d: {  	_ =	shalt  }
0x3e: {  	_ =	shalt  }
0x3f: {  	_ =	shalt  }
0x40: {  	_ =	shalt  }
0x41: {  	_ =	shalt  }
0x42: {  	_ =	shalt  }
0x43: {  	_ =	shalt  }
0x44: {  	_ =	shalt  }
0x45: {  	_ =	shalt  }
0x46: {  	_ =	shalt  }
0x47: {  	_ =	shalt  }
0x48: {  	_ =	shalt  }
0x49: {  	_ =	shalt  }
0x4a: {  	_ =	shalt  }
0x4b: {  	_ =	shalt  }
0x4c: {  	_ =	shalt  }
0x4d: {  	_ =	shalt  }
0x4e: {  	_ =	shalt  }
0x4f: {  	_ =	shalt  }
0x50: {  	_ =	shalt  }
0x51: {  	_ =	shalt  }
0x52: {  	_ =	shalt  }
0x53: {  	_ =	shalt  }
0x54: {  	_ =	shalt  }
0x55: {  	_ =	shalt  }
0x56: {  	_ =	shalt  }
0x57: {  	_ =	shalt  }
0x58: {  	_ =	shalt  }
0x59: {  	_ =	shalt  }
0x5a: {  	_ =	shalt  }
0x5b: {  	_ =	shalt  }
0x5c: {  	_ =	shalt  }
0x5d: {  	_ =	shalt  }
0x5e: {  	_ =	shalt  }
0x5f: {  	_ =	shalt  }
0x60: {  	_ =	shalt  }
0x61: {  	_ =	shalt  }
0x62: {  	_ =	shalt  }
0x63: {  	_ =	shalt  }
0x64: {  	_ =	shalt  }
0x65: {  	_ =	shalt  }
0x66: {  	_ =	shalt  }
0x67: {  	_ =	shalt  }
0x68: {  	_ =	shalt  }
0x69: {  	_ =	shalt  }
0x6a: {  	_ =	shalt  }
0x6b: {  	_ =	shalt  }
0x6c: {  	_ =	shalt  }
0x6d: {  	_ =	shalt  }
0x6e: {  	_ =	shalt  }
0x6f: {  	_ =	shalt  }
0x70: {  	_ =	shalt  }
0x71: {  	_ =	shalt  }
0x72: {  	_ =	shalt  }
0x73: {  	_ =	shalt  }
0x74: {  	_ =	shalt  }
0x75: {  	_ =	shalt  }
0x76: {  	_ =	shalt  }
0x77: {  	_ =	shalt  }
0x78: {  	_ =	shalt  }
0x79: {  	_ =	shalt  }
0x7a: {  	_ =	shalt  }
0x7b: {  	_ =	shalt  }
0x7c: {  	_ =	shalt  }
0x7d: {  	_ =	shalt  }
0x7e: {  	_ =	shalt  }
0x7f: {  	_ =	shalt  }
0x80: {  	_ =	shalt  }
0x81: {  	_ =	shalt  }
0x82: {  	_ =	shalt  }
0x83: {  	_ =	shalt  }
0x84: {  	_ =	shalt  }
0x85: {  	_ =	shalt  }
0x86: {  	_ =	shalt  }
0x87: {  	_ =	shalt  }
.Lfunc_end0:
.L_simem_size_0:
called_computation_lowered:
.L_overlay_start_0:
0x88: {  	s2 =	sld [smem:$0x3FD9]  }
0x89: {  	s3 =	sld [smem:$0x3FFE];
	_ =	sdelay $0x1  }
0x8a: {  	s1 =	srdreg.scid  }
0x8b: {  	s0 =	sand.u32 $0x1, s1  }
0x8c: {  	s16 =	sshll.u32 s0, $0xA;
	s2 =	sadd.s32 s3, s2  }
0x8d: {  	s2 =	sadd.s32 s2, s16  }
0x8e: {  	[smem:$0x3F74] =	sst s2  }
0x8f: {  	_ = 	snop  }
0x90: {  	(tm) =	ssettm $0x1  }
0x91: {  	s17 =	sld [smem:$0x3FFB];
	_ =	sdelay $0x3  }
0x92: {  	_ =	strace s17  }
0x93: {  	s2 =	sld [smem:$0x3FFC];
	_ =	sdelay $0x3  }
0x94: {  	_ =	strace s2  }
0x95: {  	s2 =	sld [smem:$0x3FFD];
	_ =	sdelay $0x3  }
0x96: {  	_ =	strace s2  }
0x97: {  	_ =	strace $0x8FFFFFFF  }
0x98: {  	s18 =	sld [smem:$0x3FDB];
	_ =	sdelay $0x1  }
0x99: {  	s19 =	simm.s32 $_scs_section_size  }
0x9a: {  	s4 =	simm.s32 $_size__tile_overlayer_lowered;
	s5 =	simm.s32 $_tile_overlayer_lowered  }
0x9b: {  	s22 =	simm.s32 $0x1BFF;
	s21 =	sshll.u32 s5, $0x1;
	s2 =	sadd.s32 s19, s18  }
0x9c: {  	s6 =	simm.s32 $0x0;
	s20 =	sshll.u32 s4, $0x1;
	s4 =	sadd.s32 s21, s2  }
0x9d: {  	[timem:s6], [sflag:s22] =	dma.local [hbm:s4], s20  }
0x9e: {  	_ =	swait.ge [sflag:s22], s20  }
0x9f: {  	s3 =	ssub.s32 $0x0, s20;
	[sflag:s22] =	ssyncset.done $0x0  }
0xa0: {  	[sflag:s22] =	ssyncadd.s32 s3;
	_ =	sdelay $0x1  }
0xa1: {  	s23 =	simm.s32 $0x1B8B  }
0xa2: {  	_ =	swait.ge [sflag:s23], $0x1  }
0xa3: {  	[sflag:s23] =	ssyncset.done $0x0  }
0xa4: {  	s25 =	simm.s32 $0x1B8E;
	s24 =	sld [smem:$0x3FFE];
	[sflag:s23] =	ssyncadd.s32 $0xFFFFFFFF  }
0xa5: {  	s26 =	simm.s32 $execute0_lowered;
	[smem:$0x3FD2] =	sst s25  }
0xa6: {  	s4 =	sshll.u32 s26, $0x1;
	_ =	strace $0x80000046;
	[dreg:$0x1] =	wrdreg $0xFFFFFFFF  }
0xa7: {  	s28 =	simm.s32 $_size_execute0_lowered;
	s2 =	sadd.s32 s2, s4;
	[dreg:$0x0] =	wrdreg $0x0  }
0xa8: {  	s4 =	sshll.u32 s28, $0x1;
	[dreg:$0x2] =	wrdreg s2  }
0xa9: {  	[dreg:$0x3] =	wrdreg s4  }
0xaa: {  	[dreg:$0x4] =	wrdreg $0xC0  }
0xab: {  	_ =	task [dreg:s6], $0x5FFFF  }
0xac: {  	[dreg:$0x1] =	wrdreg $0xFFFFFFFF  }
0xad: {  	[dreg:$0x0] =	wrdreg $0x60  }
0xae: {  	[dreg:$0x2] =	wrdreg s24  }
0xaf: {  	[dreg:$0x3] =	wrdreg $0x9  }
0xb0: {  	_ =	task.clear_ibuf [dreg:s6], $0x4FFFF;
	_ =	strace $0x90000046  }
0xb1: {  	s29 =	simm.s32 $0x9;
	_ =	strace $0x80000048  }
0xb2: {  	_ =	swait.ge [sflag:s29], $0x1  }
0xb3: {  	[sflag:s29] =	ssyncadd.s32 $0xFFFFFFFF  }
0xb4: {  	_ =	strace $0x90000048  }
0xb5: {  	_ =	sfence  }
0xb6: {  	s30 =	sld [smem:$0x0];
	_ =	sdelay $0x2  }
0xb7: {  	s31 =	sshll.u32 s1, $0xD;
	s1 =	sshrl.u32 s1, $0x2  }
0xb8: {  	s3 =	sand.u32 $0x4000, s31;
	s1 =	sadd.s32 s1, s30  }
0xb9: {  	s0 =	sor.u32 s3, s0;
	s1 =	sshll.u32 s1, $0x11  }
0xba: {  	s0 =	sor.u32 s1, s0  }
0xbb: {  	s0 =	sadd.s32 $0x8F2B, s0  }
0xbc: {  	[sflag:s0] =	ssyncadd.remote.s32 $0x1  }
0xbd: {  	_ =	sfence.sel $0xFFFF  }
0xbe: {  	[dreg:$0x0] =	wrdreg $0xFFFFFFFF;
	(pc) =	sbr.abs _section_cstart, $3  }
0xbf: {  	[dreg:$0x1] =	wrdreg $0xFFFFFFFF  }
0xc0: {  	_ =	task.clear_ibuf [dreg:s6], $0x2FFFF;
	_ =	strace $0x9FFFFFFF  }
0xc1: {  	(tm) =	ssettm $0x7FFFFFFF  }
tec
execute0_lowered:
.L_overlay_start_1:
0x0: {  	(tag) =	ssettag $0x1  }
0x1: {  	s4 =	rddreg [dreg:$0x0]  }
0x2: {  	s0 =	rddreg [dreg:$0x1];
	s3 =	srdreg.scid  }
0x3: {  	s1 =	stileid.u32;
	s2 =	simm.s32 $0x0;
	s11 =	simm.s32 $0x7D0  }
0x4: {  	s12 =	simm.s32 $0x84D0;
	s13 =	simm.s32 $0x1;
	s6 =	smul.u32 $0x4E20, s1  }
0x5: {  	s14 =	simm.s32 $0x2;
	s5 =	sand.u32 $0x1, s3;
	s8 =	smul.u32 $0x13880, s1  }
0x6: {  	s15 =	simm.s32 $0x0;
	[smem:$0x7FF] =	sst s2;
	s7 =	smul.u32 $0x2710, s5  }
0x7: {  	s3 =	sadd.s32 $0x3A200, s4;
	s29 =	ssub.s32 $0x2, s5;
	s5 =	smul.u32 $0x9C40, s5  }
0x8: {  	_ =	strace $0x80000047;
	s8 =	sadd.s32 s8, s4;
	s9 =	sshrl.u32 s29, $0x1  }
0x9: {  	s6 =	sadd.s32 s7, s6;
	s30 =	ssub.s32 s29, s9;
	s31 =	sadd.s32 s5, s8  }
0xa: {  	s9 =	simm.s32 $0x3;
	s6 =	sshrl.u32 s6, $0x3;
	s5 =	sadd.s32 $0x190400, s31  }
0xb: {  	s10 =	sadd.s32 s6, s4;
	s4 =	smax.u32 s30, $0x1;
	s6 =	sadd.s32 $0x57C00, s31  }
0xc: {  	s7 =	sadd.s32 $0x4DE00, s10;
	s8 =	sadd.s32 $0x44000, s10;
	s10 =	simm.s32 $0x3E8  }
.LBB2_1:
0xd: {  	s16 =	sadd.s32 $0x0, s8  }
0xe: {  	[tilespmem:s2], [sflag:$0x3] =	stream.linear.gather [hbm4b:s16+s2], $0x3E8, $0x38;
	[tilespmem:$0x101D0] =	vst v63  }
0xf: {  	_ =	swait.ge [sflag:s9], $0x3E8  }
0x10: {  	[sflag:s9] =	ssyncset.done $0x0  }
0x11: {  	s31 =	sadd.s32 $0x0, s7;
	[sflag:s9] =	ssyncadd.s32 $0xFFFFFC18  }
0x12: {  	[tilespmem:s10], [sflag:$0x3] =	stream.linear.gather [hbm4b:s31+s2], $0x3E8, $0x38;
	[tilespmem:$0x101D0] =	vst v63  }
0x13: {  	_ =	swait.ge [sflag:s9], $0x3E8  }
0x14: {  	[sflag:s9] =	ssyncset.done $0x0  }
0x15: {  	[sflag:s9] =	ssyncadd.s32 $0xFFFFFC18  }
0x16: {  	[tilespmem:s11], [sflag:$0x1] =	stream.indirect.gather [hbm4b:s3+s10], $0x20, s2, s10, $0xb8;
	[tilespmem:$0x101D0] =	vst v63  }
0x17: {  	_ = 	snop  }
0x18: {  	[tilespmem:s12], [sflag:$0x2] =	stream.indirect.gather [hbm4b:s3+s10], $0x20, s10, s10, $0xb8;
	[tilespmem:$0x101D0] =	vst v63  }
0x19: {  	_ =	swait.ge [sflag:s13], $0x7D00  }
0x1a: {  	[sflag:s13] =	ssyncset.done $0x0  }
0x1b: {  	[sflag:s13] =	ssyncadd.s32 $0xFFFF8300  }
0x1c: {  	_ =	swait.ge [sflag:s14], $0x7D00  }
0x1d: {  	[sflag:s14] =	ssyncset.done $0x0  }
0x1e: {  	[sflag:s14] =	ssyncadd.s32 $0xFFFF8300  }
0x1f: {  	[hbm4b:s6+s2] =	stream.linear.scatter [tilespmem:s11], [sflag:$0x3], $0x7D00, $0x38;
	[tilespmem:$0x101D0] =	vst v63  }
0x20: {  	_ =	swait.ge [sflag:s9], $0x7D00  }
0x21: {  	[sflag:s9] =	ssyncset.done $0x0  }
0x22: {  	[sflag:s9] =	ssyncadd.s32 $0xFFFF8300  }
0x23: {  	[hbm4b:s5+s2] =	stream.linear.scatter [tilespmem:s12], [sflag:$0x3], $0x7D00, $0x38;
	[tilespmem:$0x101D0] =	vst v63  }
0x24: {  	s18 =	simm.s32 $0x7D;
	s19 =	simm.s32 $0xFA;
	_ =	swait.ge [sflag:s9], $0x7D00  }
0x25: {  	s17 =	sadd.s32 $0xFA0, s6;
	s16 =	sadd.s32 $0xFA0, s5;
	[sflag:s9] =	ssyncset.done $0x0  }
.LBB2_2:
0x26: {  	s20 =	sadd.s32 s18, s8  }
0x27: {  	[sflag:s9] =	ssyncadd.s32 $0xFFFF8300;
	s21 =	smov.u32 s19;
	s22 =	sadd.s32 $0x7D, s19  }
0x28: {  	[tilespmem:s2], [sflag:$0x3] =	stream.linear.gather [hbm4b:s20+s2], $0x3E8, $0x38;
	[tilespmem:$0x101D0] =	vst v63  }
0x29: {  	p0 =	sne.s32 s19, $0x465;
	_ =	swait.ge [sflag:s9], $0x3E8  }
0x2a: {  	[sflag:s9] =	ssyncset.done $0x0  }
0x2b: {  	s19 =	sadd.s32 s18, s7;
	s18 =	smov.u32 s21;
	[sflag:s9] =	ssyncadd.s32 $0xFFFFFC18  }
0x2c: {  	[tilespmem:s10], [sflag:$0x3] =	stream.linear.gather [hbm4b:s19+s2], $0x3E8, $0x38;
	[tilespmem:$0x101D0] =	vst v63  }
0x2d: {  	_ =	swait.ge [sflag:s9], $0x3E8  }
0x2e: {  	[sflag:s9] =	ssyncset.done $0x0  }
0x2f: {  	[sflag:s9] =	ssyncadd.s32 $0xFFFFFC18  }
0x30: {  	[tilespmem:s11], [sflag:$0x1] =	stream.indirect.gather [hbm4b:s3+s10], $0x20, s2, s10, $0xb8;
	[tilespmem:$0x101D0] =	vst v63  }
0x31: {  	_ = 	snop  }
0x32: {  	[tilespmem:s12], [sflag:$0x2] =	stream.indirect.gather [hbm4b:s3+s10], $0x20, s10, s10, $0xb8;
	[tilespmem:$0x101D0] =	vst v63  }
0x33: {  	_ =	swait.ge [sflag:s13], $0x7D00  }
0x34: {  	[sflag:s13] =	ssyncset.done $0x0  }
0x35: {  	[sflag:s13] =	ssyncadd.s32 $0xFFFF8300  }
0x36: {  	_ =	swait.ge [sflag:s14], $0x7D00  }
0x37: {  	[sflag:s14] =	ssyncset.done $0x0  }
0x38: {  	[sflag:s14] =	ssyncadd.s32 $0xFFFF8300  }
0x39: {  	[hbm4b:s17+s2] =	stream.linear.scatter [tilespmem:s11], [sflag:$0x3], $0x7D00, $0x38;
	[tilespmem:$0x101D0] =	vst v63  }
0x3a: {  	_ =	swait.ge [sflag:s9], $0x7D00  }
.Ltmp0:
0x3b: {  	[sflag:s9] =	ssyncset.done $0x0;
	(pc) =	sbr.rel @p0 .LBB2_2-.Ltmp0, $4  }
0x3c: {  	[sflag:s9] =	ssyncadd.s32 $0xFFFF8300  }
0x3d: {  	[hbm4b:s16+s2] =	stream.linear.scatter [tilespmem:s12], [sflag:$0x3], $0x7D00, $0x38;
	[tilespmem:$0x101D0] =	vst v63  }
0x3e: {  	s19 =	smov.u32 s22;
	_ =	swait.ge [sflag:s9], $0x7D00  }
0x3f: {  	s17 =	sadd.s32 $0xFA0, s17;
	s16 =	sadd.s32 $0xFA0, s16;
	[sflag:s9] =	ssyncset.done $0x0  }
0x40: {  	s19 =	sadd.s32 s18, s8;
	[sflag:s9] =	ssyncadd.s32 $0xFFFF8300  }
0x41: {  	[tilespmem:s2], [sflag:$0x3] =	stream.linear.gather [hbm4b:s19+s2], $0x3E8, $0x38;
	[tilespmem:$0x101D0] =	vst v63  }
0x42: {  	_ =	swait.ge [sflag:s9], $0x3E8  }
0x43: {  	[sflag:s9] =	ssyncset.done $0x0  }
0x44: {  	s31 =	sadd.s32 s18, s7;
	[sflag:s9] =	ssyncadd.s32 $0xFFFFFC18  }
0x45: {  	[tilespmem:s10], [sflag:$0x3] =	stream.linear.gather [hbm4b:s31+s2], $0x3E8, $0x38;
	[tilespmem:$0x101D0] =	vst v63  }
0x46: {  	_ =	swait.ge [sflag:s9], $0x3E8  }
0x47: {  	[sflag:s9] =	ssyncset.done $0x0  }
0x48: {  	[sflag:s9] =	ssyncadd.s32 $0xFFFFFC18  }
0x49: {  	[tilespmem:s11], [sflag:$0x1] =	stream.indirect.gather [hbm4b:s3+s10], $0x20, s2, s10, $0xb8;
	[tilespmem:$0x101D0] =	vst v63  }
0x4a: {  	_ = 	snop  }
0x4b: {  	[tilespmem:s12], [sflag:$0x2] =	stream.indirect.gather [hbm4b:s3+s10], $0x20, s10, s10, $0xb8;
	[tilespmem:$0x101D0] =	vst v63  }
0x4c: {  	_ =	swait.ge [sflag:s13], $0x7D00  }
0x4d: {  	[sflag:s13] =	ssyncset.done $0x0  }
0x4e: {  	[sflag:s13] =	ssyncadd.s32 $0xFFFF8300  }
0x4f: {  	_ =	swait.ge [sflag:s14], $0x7D00  }
0x50: {  	[sflag:s14] =	ssyncset.done $0x0  }
0x51: {  	[sflag:s14] =	ssyncadd.s32 $0xFFFF8300  }
0x52: {  	[hbm4b:s17+s2] =	stream.linear.scatter [tilespmem:s11], [sflag:$0x3], $0x7D00, $0x38;
	[tilespmem:$0x101D0] =	vst v63  }
0x53: {  	s15 =	sadd.s32 $0x1, s15;
	_ =	swait.ge [sflag:s9], $0x7D00  }
0x54: {  	p0 =	sne.s32 s15, s4;
	[sflag:s9] =	ssyncset.done $0x0  }
.Ltmp1:
0x55: {  	[sflag:s9] =	ssyncadd.s32 $0xFFFF8300;
	(pc) =	sbr.rel @p0 .LBB2_1-.Ltmp1, $4  }
0x56: {  	[hbm4b:s16+s2] =	stream.linear.scatter [tilespmem:s12], [sflag:$0x3], $0x7D00, $0x38;
	[tilespmem:$0x101D0] =	vst v63  }
0x57: {  	_ =	swait.ge [sflag:s9], $0x7D00  }
0x58: {  	[sflag:s9] =	ssyncset.done $0x0  }
0x59: {  	[sflag:s9] =	ssyncadd.s32 $0xFFFF8300  }
0x5a: {  	_ =	sfence.sel $0x180000  }
0x5b: {  	[bflag:$0x0] =	sbarrier.arrive $0xFFFF  }
0x5c: {  	p0 =	sne.s32 s1, $0x0;
	_ =	strace $0x90000047  }
0x5d: {  	s0 =	sadd.s32 @!p0 $0x100000, s0;
	[bflag:$0x2] =	sbarrier.arrive $0xFFFF  }
0x5e: {  	[sflag:s0] =	ssyncadd.tile.s32 @!p0 $0x1;
	_ =	shalt  }
.Lfunc_end2:
_tile_overlayer_lowered:
.L_overlay_start_2:
0x5f: {  	(tag) =	ssettag $0x2  }
0x60: {  	s0 =	rddreg [dreg:$0x0];
	s2 =	stileid.u32  }
0x61: {  	s1 =	rddreg [dreg:$0x1];
	p0 =	sne.s32 s2, $0x0  }
0x62: {  	s3 =	rddreg [dreg:$0x2];
	[bflag:$0x3] =	sbarrier.arrive $0xFFFF;
	s2 =	simm.s32 @!p0 $0x1C03  }
0x63: {  	[timem:s3], [sflag:s2] =	dma.local @!p0 [hbm:s0], s1  }
0x64: {  	s0 =	simm.s32 @!p0 $0x3  }
0x65: {  	_ =	swait.ge @!p0 [sflag:s0], s1  }
0x66: {  	s1 =	ssub.s32 @!p0 $0x0, s1;
	[sflag:s0] =	ssyncset.done @!p0 $0x0  }
0x67: {  	[sflag:s0] =	ssyncadd.s32 @!p0 s1  }
0x68: {  	[bflag:$0x3] =	sbarrier.arrive $0xFFFF  }
0x69: {  	_ =	shalt  }

// kernel: kernel.21.cloned.1.call-start
scs
__scs_entry_jumppad:
0x0: {  	(pc) =	sbr.rel $0x88, $3  }
0x1: {  	(tag) =	ssettag $0x0;
	lr =	simm.s32 $0x1  }
0x2: {  	[smem:$0x3F4D] =	sst lr;
	_ =	strace $0xD0000000  }
0x3: {  	_ = 	snop  }
0x4: {  	_ = 	snop  }
0x5: {  	_ = 	snop  }
0x6: {  	_ = 	snop  }
0x7: {  	_ = 	snop  }
__scs_overlays_trampoline_lowered:
0x8: {  	[smem:$0x3F5C] =	sst s0  }
0x9: {  	[smem:$0x3F5D] =	sst s1  }
0xa: {  	[smem:$0x3F5E] =	sst s2  }
0xb: {  	[smem:$0x3F5F] =	sst s3  }
0xc: {  	[smem:$0x3F60] =	sst s4  }
0xd: {  	[smem:$0x3F61] =	sst s5  }
0xe: {  	[smem:$0x3F62] =	sst s6  }
0xf: {  	[smem:$0x3F63] =	sst s7  }
0x10: {  	[smem:$0x3F64] =	sst s8  }
0x11: {  	[smem:$0x3F65] =	sst s9;
	s0 =	simm.s32 @!p0 $0x0  }
0x12: {  	s1 =	sld [smem:$0x3F4B];
	s0 =	simm.s32 @p0 $0x1  }
0x13: {  	[smem:$0x3F66] =	sst s0;
	s0 =	simm.s32 @!p1 $0x0  }
0x14: {  	s2 =	sld [smem:$0x3F4A];
	s0 =	simm.s32 @p1 $0x1  }
0x15: {  	[smem:$0x3F67] =	sst s0;
	s0 =	simm.s32 @!p2 $0x0  }
0x16: {  	s3 =	sld [smem:$0x3FDB];
	s0 =	simm.s32 @p2 $0x1  }
0x17: {  	s4 =	simm.s32 $0x1BF5;
	[smem:$0x3F69] =	sst s0  }
0x18: {  	s0 =	sld [smem:$0x3F4C];
	_ =	swait.ge [sflag:s4], $0x0  }
0x19: {  	s7 =	sld [smem:$0x3F4D]  }
0x1a: {  	s8 =	sadd.s32 $0xFFFFE003, lr  }
0x1b: {  	s9 =	sadd.s32 $0xFFFFFEF7, lr;
	s5 =	simm.s32 $0xFFFFFFFF;
	p2 =	slt.u32 s8, $0xFFFFF086  }
0x1c: {  	p1 =	slt.u32 s9, $0xF7A;
	s5 =	simm.s32 @!p2 $0x0  }
0x1d: {  	s5 =	simm.s32 @p1 $0x1;
	p0 =	seq.s32 s7, s2  }
0x1e: {  	s7 =	smul.u32 @!p0 $0xF7A, s2;
	p2 =	seq.s32 @!p0 s5, $0x0  }
0x1f: {  	s9 =	smul.u32 $0xF7A, s1;
	s8 =	simm.s32 @!p0 $0x1BF5;
	p2 =	por !p2, p0  }
0x20: {  	[sflag:s8] =	ssyncset.s32 @!p0 $0xFFFFF086;
	s6 =	sadd.s32 @!p0 s3, s7;
	s7 =	simm.s32 @!p0 $0x108  }
0x21: {  	s3 =	sadd.s32 s3, s9;
	s6 =	sadd.s32 @!p0 $0x88, s6;
	s7 =	simm.s32 @p2 $0x1082  }
0x22: {  	[simem:s7], [sflag:s8] =	dma.local @!p0 [hbm:s6], $0xF7A  }
0x23: {  	s9 =	sor.u32 $0xD0000000, s2;
	s6 =	simm.s32 $0x108;
	_ =	swait.ge @!p0 [sflag:s8], $0x0  }
0x24: {  	s3 =	sadd.s32 $0x88, s3;
	s6 =	simm.s32 @!p1 $0x1082;
	[sflag:s4] =	ssyncset.s32 $0xFFFFF086  }
0x25: {  	[simem:s6], [sflag:s4] =	dma.local [hbm:s3], $0xF7A  }
0x26: {  	[smem:$0x3F4D] =	sst s1;
	(tag) =	ssettag s2;
	_ =	strace s9  }
0x27: {  	s1 =	sld [smem:$0x3F5D]  }
0x28: {  	s2 =	sld [smem:$0x3F5E]  }
0x29: {  	s4 =	sld [smem:$0x3F60]  }
0x2a: {  	p0 =	seq.s32 s5, $0x0;
	s5 =	sld [smem:$0x3F61]  }
0x2b: {  	s6 =	sld [smem:$0x3F62]  }
0x2c: {  	s7 =	sld [smem:$0x3F63]  }
0x2d: {  	s3 =	simm.s32 $0x108;
	s8 =	sld [smem:$0x3F64]  }
0x2e: {  	s3 =	simm.s32 @!p0 $0x1082;
	s9 =	sld [smem:$0x3F65]  }
0x2f: {  	lr =	sadd.s32 s0, s3;
	s0 =	sld [smem:$0x3F5C]  }
0x30: {  	s3 =	sld [smem:$0x3F5F]  }
0x31: {  	[smem:$0x3F68] =	sst s10  }
0x32: {  	s10 =	sld [smem:$0x3F66];
	_ =	sdelay $0x3  }
0x33: {  	p0 =	seq.s32 s10, $0x1;
	s10 =	sld [smem:$0x3F68];
	_ =	sdelay $0x3  }
0x34: {  	[smem:$0x3F68] =	sst s10  }
0x35: {  	s10 =	sld [smem:$0x3F67];
	_ =	sdelay $0x3  }
0x36: {  	p1 =	seq.s32 s10, $0x1;
	s10 =	sld [smem:$0x3F68];
	_ =	sdelay $0x3  }
0x37: {  	[smem:$0x3F68] =	sst s10  }
0x38: {  	s10 =	sld [smem:$0x3F69]  }
0x39: {  	_ = 	snop;
	(pc) =	sbr.ind lr, $3  }
0x3a: {  	_ = 	snop  }
0x3b: {  	_ = 	snop  }
0x3c: {  	p2 =	seq.s32 s10, $0x1;
	s10 =	sld [smem:$0x3F68]  }
0x3d: {  	_ =	shalt  }
0x3e: {  	_ =	shalt  }
0x3f: {  	_ =	shalt  }
0x40: {  	_ =	shalt  }
0x41: {  	_ =	shalt  }
0x42: {  	_ =	shalt  }
0x43: {  	_ =	shalt  }
0x44: {  	_ =	shalt  }
0x45: {  	_ =	shalt  }
0x46: {  	_ =	shalt  }
0x47: {  	_ =	shalt  }
0x48: {  	_ =	shalt  }
0x49: {  	_ =	shalt  }
0x4a: {  	_ =	shalt  }
0x4b: {  	_ =	shalt  }
0x4c: {  	_ =	shalt  }
0x4d: {  	_ =	shalt  }
0x4e: {  	_ =	shalt  }
0x4f: {  	_ =	shalt  }
0x50: {  	_ =	shalt  }
0x51: {  	_ =	shalt  }
0x52: {  	_ =	shalt  }
0x53: {  	_ =	shalt  }
0x54: {  	_ =	shalt  }
0x55: {  	_ =	shalt  }
0x56: {  	_ =	shalt  }
0x57: {  	_ =	shalt  }
0x58: {  	_ =	shalt  }
0x59: {  	_ =	shalt  }
0x5a: {  	_ =	shalt  }
0x5b: {  	_ =	shalt  }
0x5c: {  	_ =	shalt  }
0x5d: {  	_ =	shalt  }
0x5e: {  	_ =	shalt  }
0x5f: {  	_ =	shalt  }
0x60: {  	_ =	shalt  }
0x61: {  	_ =	shalt  }
0x62: {  	_ =	shalt  }
0x63: {  	_ =	shalt  }
0x64: {  	_ =	shalt  }
0x65: {  	_ =	shalt  }
0x66: {  	_ =	shalt  }
0x67: {  	_ =	shalt  }
0x68: {  	_ =	shalt  }
0x69: {  	_ =	shalt  }
0x6a: {  	_ =	shalt  }
0x6b: {  	_ =	shalt  }
0x6c: {  	_ =	shalt  }
0x6d: {  	_ =	shalt  }
0x6e: {  	_ =	shalt  }
0x6f: {  	_ =	shalt  }
0x70: {  	_ =	shalt  }
0x71: {  	_ =	shalt  }
0x72: {  	_ =	shalt  }
0x73: {  	_ =	shalt  }
0x74: {  	_ =	shalt  }
0x75: {  	_ =	shalt  }
0x76: {  	_ =	shalt  }
0x77: {  	_ =	shalt  }
0x78: {  	_ =	shalt  }
0x79: {  	_ =	shalt  }
0x7a: {  	_ =	shalt  }
0x7b: {  	_ =	shalt  }
0x7c: {  	_ =	shalt  }
0x7d: {  	_ =	shalt  }
0x7e: {  	_ =	shalt  }
0x7f: {  	_ =	shalt  }
0x80: {  	_ =	shalt  }
0x81: {  	_ =	shalt  }
0x82: {  	_ =	shalt  }
0x83: {  	_ =	shalt  }
0x84: {  	_ =	shalt  }
0x85: {  	_ =	shalt  }
0x86: {  	_ =	shalt  }
0x87: {  	_ =	shalt  }
.Lfunc_end0:
.L_simem_size_0:
called_computation.1_lowered:
.L_overlay_start_0:
0x88: {  	s2 =	sld [smem:$0x3FD9]  }
0x89: {  	s3 =	sld [smem:$0x3FFE];
	_ =	sdelay $0x1  }
0x8a: {  	s1 =	srdreg.scid  }
0x8b: {  	s0 =	sand.u32 $0x1, s1  }
0x8c: {  	s16 =	sshll.u32 s0, $0xA;
	s2 =	sadd.s32 s3, s2  }
0x8d: {  	s2 =	sadd.s32 s2, s16  }
0x8e: {  	[smem:$0x3F74] =	sst s2  }
0x8f: {  	_ = 	snop  }
0x90: {  	(tm) =	ssettm $0x1  }
0x91: {  	s17 =	sld [smem:$0x3FFB];
	_ =	sdelay $0x3  }
0x92: {  	_ =	strace s17  }
0x93: {  	s2 =	sld [smem:$0x3FFC];
	_ =	sdelay $0x3  }
0x94: {  	_ =	strace s2  }
0x95: {  	s2 =	sld [smem:$0x3FFD];
	_ =	sdelay $0x3  }
0x96: {  	_ =	strace s2  }
0x97: {  	_ =	strace $0x8FFFFFFF  }
0x98: {  	s18 =	sld [smem:$0x3FDB];
	_ =	sdelay $0x1  }
0x99: {  	s19 =	simm.s32 $_scs_section_size  }
0x9a: {  	s4 =	simm.s32 $_size__tile_overlayer_lowered;
	s5 =	simm.s32 $_tile_overlayer_lowered  }
0x9b: {  	s22 =	simm.s32 $0x1BFF;
	s21 =	sshll.u32 s5, $0x1;
	s2 =	sadd.s32 s19, s18  }
0x9c: {  	s6 =	simm.s32 $0x0;
	s20 =	sshll.u32 s4, $0x1;
	s4 =	sadd.s32 s21, s2  }
0x9d: {  	[timem:s6], [sflag:s22] =	dma.local [hbm:s4], s20  }
0x9e: {  	_ =	swait.ge [sflag:s22], s20  }
0x9f: {  	s3 =	ssub.s32 $0x0, s20;
	[sflag:s22] =	ssyncset.done $0x0  }
0xa0: {  	[sflag:s22] =	ssyncadd.s32 s3;
	_ =	sdelay $0x1  }
0xa1: {  	s23 =	simm.s32 $0x1B8B  }
0xa2: {  	_ =	swait.ge [sflag:s23], $0x1  }
0xa3: {  	[sflag:s23] =	ssyncset.done $0x0  }
0xa4: {  	s25 =	simm.s32 $0x1B8E;
	s24 =	sld [smem:$0x3FFE];
	[sflag:s23] =	ssyncadd.s32 $0xFFFFFFFF  }
0xa5: {  	s26 =	simm.s32 $execute0_lowered;
	[smem:$0x3FD2] =	sst s25  }
0xa6: {  	s4 =	sshll.u32 s26, $0x1;
	_ =	strace $0x80000049;
	[dreg:$0x1] =	wrdreg $0xFFFFFFFF  }
0xa7: {  	s28 =	simm.s32 $_size_execute0_lowered;
	s2 =	sadd.s32 s2, s4;
	[dreg:$0x0] =	wrdreg $0x0  }
0xa8: {  	s4 =	sshll.u32 s28, $0x1;
	[dreg:$0x2] =	wrdreg s2  }
0xa9: {  	[dreg:$0x3] =	wrdreg s4  }
0xaa: {  	[dreg:$0x4] =	wrdreg $0xC0  }
0xab: {  	_ =	task [dreg:s6], $0x5FFFF  }
0xac: {  	[dreg:$0x1] =	wrdreg $0xFFFFFFFF  }
0xad: {  	[dreg:$0x0] =	wrdreg $0x60  }
0xae: {  	[dreg:$0x2] =	wrdreg s24  }
0xaf: {  	[dreg:$0x3] =	wrdreg $0x80E80  }
0xb0: {  	[dreg:$0x4] =	wrdreg $0xCF080  }
0xb1: {  	[dreg:$0x5] =	wrdreg $0x9  }
0xb2: {  	_ =	task.clear_ibuf [dreg:s6], $0x6FFFF;
	_ =	strace $0x90000049  }
0xb3: {  	s29 =	simm.s32 $0x9;
	_ =	strace $0x8000004B  }
0xb4: {  	_ =	swait.ge [sflag:s29], $0x1  }
0xb5: {  	[sflag:s29] =	ssyncadd.s32 $0xFFFFFFFF  }
0xb6: {  	_ =	strace $0x9000004B  }
0xb7: {  	_ =	sfence  }
0xb8: {  	s30 =	sld [smem:$0x0];
	_ =	sdelay $0x2  }
0xb9: {  	s31 =	sshll.u32 s1, $0xD;
	s1 =	sshrl.u32 s1, $0x2  }
0xba: {  	s3 =	sand.u32 $0x4000, s31;
	s1 =	sadd.s32 s1, s30  }
0xbb: {  	s0 =	sor.u32 s3, s0;
	s1 =	sshll.u32 s1, $0x11  }
0xbc: {  	s0 =	sor.u32 s1, s0  }
0xbd: {  	s0 =	sadd.s32 $0x8F2B, s0  }
0xbe: {  	[sflag:s0] =	ssyncadd.remote.s32 $0x1  }
0xbf: {  	_ =	sfence.sel $0xFFFF  }
0xc0: {  	[dreg:$0x0] =	wrdreg $0xFFFFFFFF;
	(pc) =	sbr.abs _section_cstart, $3  }
0xc1: {  	[dreg:$0x1] =	wrdreg $0xFFFFFFFF  }
0xc2: {  	_ =	task.clear_ibuf [dreg:s6], $0x2FFFF;
	_ =	strace $0x9FFFFFFF  }
0xc3: {  	(tm) =	ssettm $0x7FFFFFFF  }
tec
execute0_lowered:
.L_overlay_start_1:
0x0: {  	(tag) =	ssettag $0x1  }
0x1: {  	s0 =	srdreg.scid  }
0x2: {  	s7 =	rddreg [dreg:$0x0];
	s8 =	sand.u32 $0x1, s0  }
0x3: {  	s2 =	rddreg [dreg:$0x1];
	s5 =	smul.u32 $0x9C400, s8  }
0x4: {  	s0 =	stileid.u32;
	s6 =	smul.u32 $0x27100, s8  }
0x5: {  	s3 =	rddreg [dreg:$0x2];
	s9 =	smul.u32 $0x2710, s0  }
0x6: {  	s1 =	rddreg [dreg:$0x3];
	s4 =	simm.s32 $0x0;
	s10 =	smul.u32 $0x271, s0  }
0x7: {  	s17 =	simm.s32 $0x3E8;
	[smem:$0x7FF] =	sst s4;
	s26 =	smul.u32 $0x2710, s8  }
0x8: {  	s18 =	simm.s32 $0x0;
	_ =	strace $0x8000004A;
	s30 =	smul.u32 $0x4E20, s0  }
0x9: {  	s8 =	ssub.s32 $0x2, s8;
	s31 =	sshll.u32 s0, $0x6;
	s14 =	smul.u32 $0x9C40, s0  }
0xa: {  	s29 =	sshrl.u32 s8, $0x1;
	s6 =	sadd.s32 s9, s6;
	s11 =	sadd.s32 s5, s7  }
0xb: {  	s5 =	sadd.s32 $0x3A200, s7;
	s9 =	sadd.s32 s10, s26;
	s13 =	ssub.s32 s8, s29  }
0xc: {  	s15 =	sadd.s32 s30, s2;
	s16 =	sadd.s32 s30, s3;
	s28 =	sshrl.u32 s6, $0x3  }
0xd: {  	s6 =	sadd.s32 $0x3AC00, s7;
	s9 =	sshll.u32 s9, $0x2;
	s11 =	sadd.s32 s14, s11  }
0xe: {  	s10 =	smax.u32 s13, $0x1;
	s13 =	sshrl.u32 s15, $0x3;
	s14 =	simm.s32 $0x1  }
0xf: {  	s15 =	sshrl.u32 s16, $0x3;
	s16 =	simm.s32 $0x11D28;
	s12 =	sadd.s32 s28, s7  }
0x10: {  	s9 =	sadd.s32 s9, s7;
	s7 =	sor.u32 $0x1C01, s31;
	s11 =	sadd.s32 $0x2D9A00, s11  }
0x11: {  	s8 =	sadd.s32 $0x57C00, s9;
	s9 =	sadd.s32 $0x6B600, s9;
	s12 =	sadd.s32 $0x4DE00, s12  }
.LBB2_1:
0x12: {  	[spmem:s13], [sflag:s7] =	dma.local [hbm:s5], $0x9C4  }
0x13: {  	_ =	swait.ge [sflag:s14], $0x9C4  }
0x14: {  	[sflag:s14] =	ssyncset.done $0x0  }
0x15: {  	[sflag:s14] =	ssyncadd.s32 $0xFFFFF63C  }
0x16: {  	[spmem:s15], [sflag:s7] =	dma.local [hbm:s5], $0x9C4  }
0x17: {  	_ =	swait.ge [sflag:s14], $0x9C4  }
0x18: {  	[sflag:s14] =	ssyncset.done $0x0  }
0x19: {  	[sflag:s14] =	ssyncadd.s32 $0xFFFFF63C  }
0x1a: {  	[tilespmem:s16], [sflag:$0x1] =	stream.linear.gather [hbm4b:s6+s4], $0x7D00, $0x38;
	[tilespmem:$0x19A28] =	vst v63  }
0x1b: {  	_ =	swait.ge [sflag:s14], $0x7D00  }
0x1c: {  	[sflag:s14] =	ssyncset.done $0x0  }
0x1d: {  	[sflag:s14] =	ssyncadd.s32 $0xFFFF8300  }
0x1e: {  	s19 =	sadd.s32 $0x0, s12;
	[bflag:$0x0] =	sbarrier.arrive $0xFFFF  }
0x1f: {  	[tilespmem:s4], [sflag:$0x1] =	stream.linear.gather [hbm4b:s19+s4], $0x3E8, $0x38;
	[tilespmem:$0x19A28] =	vst v63  }
0x20: {  	_ =	swait.ge [sflag:s14], $0x3E8  }
0x21: {  	[sflag:s14] =	ssyncset.done $0x0  }
0x22: {  	[sflag:s14] =	ssyncadd.s32 $0xFFFFFC18  }
0x23: {  	[tilespmem:s17], [sflag:$0x1] =	stream.linear.gather [hbm4b:s11+s4], $0x7D00, $0x38;
	[tilespmem:$0x19A28] =	vst v63  }
0x24: {  	_ =	swait.ge [sflag:s14], $0x7D00  }
0x25: {  	[sflag:s14] =	ssyncset.done $0x0  }
0x26: {  	[sflag:s14] =	ssyncadd.s32 $0xFFFF8300  }
0x27: {  	[spmem:s2] =	stream.indirect.scatter.add.f32 [tilespmem:s17], [sflag:$0x1], $0x20, s4, s17, $0xb8;
	[tilespmem:$0x19A28] =	vst v63  }
0x28: {  	_ =	swait.ge [sflag:s14], $0x7D00  }
0x29: {  	[sflag:s14] =	ssyncset.done $0x0  }
0x2a: {  	[sflag:s14] =	ssyncadd.s32 $0xFFFF8300  }
0x2b: {  	[spmem:s3] =	stream.indirect.scatter.add.f32 [tilespmem:s16], [sflag:$0x1], $0x20, s4, s17, $0xb8;
	[tilespmem:$0x19A28] =	vst v63  }
0x2c: {  	s20 =	simm.s32 $0x7D;
	_ =	swait.ge [sflag:s14], $0x7D00  }
0x2d: {  	s21 =	simm.s32 $0xFA;
	s19 =	sadd.s32 $0xFA0, s11;
	[sflag:s14] =	ssyncset.done $0x0  }
.LBB2_2:
0x2e: {  	s22 =	sadd.s32 s20, s12  }
0x2f: {  	[sflag:s14] =	ssyncadd.s32 $0xFFFF8300;
	s20 =	smov.u32 s21;
	s23 =	sadd.s32 $0x7D, s21  }
0x30: {  	[tilespmem:s4], [sflag:$0x1] =	stream.linear.gather [hbm4b:s22+s4], $0x3E8, $0x38;
	[tilespmem:$0x19A28] =	vst v63  }
0x31: {  	p0 =	sne.s32 s21, $0x465;
	_ =	swait.ge [sflag:s14], $0x3E8  }
0x32: {  	[sflag:s14] =	ssyncset.done $0x0  }
0x33: {  	[sflag:s14] =	ssyncadd.s32 $0xFFFFFC18  }
0x34: {  	[tilespmem:s17], [sflag:$0x1] =	stream.linear.gather [hbm4b:s19+s4], $0x7D00, $0x38;
	[tilespmem:$0x19A28] =	vst v63  }
0x35: {  	_ =	swait.ge [sflag:s14], $0x7D00  }
0x36: {  	[sflag:s14] =	ssyncset.done $0x0  }
0x37: {  	[sflag:s14] =	ssyncadd.s32 $0xFFFF8300  }
0x38: {  	[spmem:s2] =	stream.indirect.scatter.add.f32 [tilespmem:s17], [sflag:$0x1], $0x20, s4, s17, $0xb8;
	[tilespmem:$0x19A28] =	vst v63  }
0x39: {  	_ =	swait.ge [sflag:s14], $0x7D00  }
.Ltmp0:
0x3a: {  	[sflag:s14] =	ssyncset.done $0x0;
	(pc) =	sbr.rel @p0 .LBB2_2-.Ltmp0, $4  }
0x3b: {  	[sflag:s14] =	ssyncadd.s32 $0xFFFF8300  }
0x3c: {  	[spmem:s3] =	stream.indirect.scatter.add.f32 [tilespmem:s16], [sflag:$0x1], $0x20, s4, s17, $0xb8;
	[tilespmem:$0x19A28] =	vst v63  }
0x3d: {  	_ =	swait.ge [sflag:s14], $0x7D00  }
0x3e: {  	s21 =	smov.u32 s23;
	s19 =	sadd.s32 $0xFA0, s19;
	[sflag:s14] =	ssyncset.done $0x0  }
0x3f: {  	s20 =	sadd.s32 s20, s12;
	[sflag:s14] =	ssyncadd.s32 $0xFFFF8300  }
0x40: {  	[tilespmem:s4], [sflag:$0x1] =	stream.linear.gather [hbm4b:s20+s4], $0x3E8, $0x38;
	[tilespmem:$0x19A28] =	vst v63  }
0x41: {  	_ =	swait.ge [sflag:s14], $0x3E8  }
0x42: {  	[sflag:s14] =	ssyncset.done $0x0  }
0x43: {  	[sflag:s14] =	ssyncadd.s32 $0xFFFFFC18  }
0x44: {  	[tilespmem:s17], [sflag:$0x1] =	stream.linear.gather [hbm4b:s19+s4], $0x7D00, $0x38;
	[tilespmem:$0x19A28] =	vst v63  }
0x45: {  	_ =	swait.ge [sflag:s14], $0x7D00  }
0x46: {  	[sflag:s14] =	ssyncset.done $0x0  }
0x47: {  	[sflag:s14] =	ssyncadd.s32 $0xFFFF8300  }
0x48: {  	[spmem:s2] =	stream.indirect.scatter.add.f32 [tilespmem:s17], [sflag:$0x1], $0x20, s4, s17, $0xb8;
	[tilespmem:$0x19A28] =	vst v63  }
0x49: {  	_ =	swait.ge [sflag:s14], $0x7D00  }
0x4a: {  	[sflag:s14] =	ssyncset.done $0x0  }
0x4b: {  	[sflag:s14] =	ssyncadd.s32 $0xFFFF8300  }
0x4c: {  	[spmem:s3] =	stream.indirect.scatter.add.f32 [tilespmem:s16], [sflag:$0x1], $0x20, s4, s17, $0xb8;
	[tilespmem:$0x19A28] =	vst v63  }
0x4d: {  	_ =	swait.ge [sflag:s14], $0x7D00  }
0x4e: {  	[sflag:s14] =	ssyncset.done $0x0  }
0x4f: {  	[sflag:s14] =	ssyncadd.s32 $0xFFFF8300  }
0x50: {  	[bflag:$0x0] =	sbarrier.arrive $0xFFFF  }
0x51: {  	[hbm:s8], [sflag:s7] =	dma.local [spmem:s13], $0x9C4  }
0x52: {  	s18 =	sadd.s32 $0x1, s18;
	_ =	swait.ge [sflag:s14], $0x9C4  }
0x53: {  	p0 =	sne.s32 s18, s10;
	[sflag:s14] =	ssyncset.done $0x0  }
.Ltmp1:
0x54: {  	[sflag:s14] =	ssyncadd.s32 $0xFFFFF63C;
	(pc) =	sbr.rel @p0 .LBB2_1-.Ltmp1, $4  }
0x55: {  	[hbm:s9], [sflag:s7] =	dma.local [spmem:s15], $0x9C4  }
0x56: {  	_ =	swait.ge [sflag:s14], $0x9C4  }
0x57: {  	[sflag:s14] =	ssyncset.done $0x0  }
0x58: {  	[sflag:s14] =	ssyncadd.s32 $0xFFFFF63C  }
0x59: {  	_ =	sfence.sel $0x180000  }
0x5a: {  	[bflag:$0x0] =	sbarrier.arrive $0xFFFF  }
0x5b: {  	p0 =	sne.s32 s0, $0x0;
	_ =	strace $0x9000004A  }
0x5c: {  	s0 =	sadd.s32 @!p0 $0x100000, s1;
	[bflag:$0x2] =	sbarrier.arrive $0xFFFF  }
0x5d: {  	[sflag:s0] =	ssyncadd.tile.s32 @!p0 $0x1;
	_ =	shalt  }
.Lfunc_end2:
_tile_overlayer_lowered:
.L_overlay_start_2:
0x5e: {  	(tag) =	ssettag $0x2  }
0x5f: {  	s0 =	rddreg [dreg:$0x0];
	s2 =	stileid.u32  }
0x60: {  	s1 =	rddreg [dreg:$0x1];
	p0 =	sne.s32 s2, $0x0  }
0x61: {  	s3 =	rddreg [dreg:$0x2];
	[bflag:$0x3] =	sbarrier.arrive $0xFFFF;
	s2 =	simm.s32 @!p0 $0x1C01  }
0x62: {  	[timem:s3], [sflag:s2] =	dma.local @!p0 [hbm:s0], s1  }
0x63: {  	s0 =	simm.s32 @!p0 $0x1  }
0x64: {  	_ =	swait.ge @!p0 [sflag:s0], s1  }
0x65: {  	s1 =	ssub.s32 @!p0 $0x0, s1;
	[sflag:s0] =	ssyncset.done @!p0 $0x0  }
0x66: {  	[sflag:s0] =	ssyncadd.s32 @!p0 s1  }
0x67: {  	[bflag:$0x3] =	sbarrier.arrive $0xFFFF  }
0x68: {  	_ =	shalt  }

// kernel: kernel.24.cloned.1.call-start
scs
__scs_entry_jumppad:
0x0: {  	(pc) =	sbr.rel $0x88, $3  }
0x1: {  	(tag) =	ssettag $0x0;
	lr =	simm.s32 $0x1  }
0x2: {  	[smem:$0x3F4D] =	sst lr;
	_ =	strace $0xD0000000  }
0x3: {  	_ = 	snop  }
0x4: {  	_ = 	snop  }
0x5: {  	_ = 	snop  }
0x6: {  	_ = 	snop  }
0x7: {  	_ = 	snop  }
__scs_overlays_trampoline_lowered:
0x8: {  	[smem:$0x3F5C] =	sst s0  }
0x9: {  	[smem:$0x3F5D] =	sst s1  }
0xa: {  	[smem:$0x3F5E] =	sst s2  }
0xb: {  	[smem:$0x3F5F] =	sst s3  }
0xc: {  	[smem:$0x3F60] =	sst s4  }
0xd: {  	[smem:$0x3F61] =	sst s5  }
0xe: {  	[smem:$0x3F62] =	sst s6  }
0xf: {  	[smem:$0x3F63] =	sst s7  }
0x10: {  	[smem:$0x3F64] =	sst s8  }
0x11: {  	[smem:$0x3F65] =	sst s9;
	s0 =	simm.s32 @!p0 $0x0  }
0x12: {  	s1 =	sld [smem:$0x3F4B];
	s0 =	simm.s32 @p0 $0x1  }
0x13: {  	[smem:$0x3F66] =	sst s0;
	s0 =	simm.s32 @!p1 $0x0  }
0x14: {  	s2 =	sld [smem:$0x3F4A];
	s0 =	simm.s32 @p1 $0x1  }
0x15: {  	[smem:$0x3F67] =	sst s0;
	s0 =	simm.s32 @!p2 $0x0  }
0x16: {  	s3 =	sld [smem:$0x3FDB];
	s0 =	simm.s32 @p2 $0x1  }
0x17: {  	s4 =	simm.s32 $0x1BF5;
	[smem:$0x3F69] =	sst s0  }
0x18: {  	s0 =	sld [smem:$0x3F4C];
	_ =	swait.ge [sflag:s4], $0x0  }
0x19: {  	s7 =	sld [smem:$0x3F4D]  }
0x1a: {  	s8 =	sadd.s32 $0xFFFFE003, lr  }
0x1b: {  	s9 =	sadd.s32 $0xFFFFFEF7, lr;
	s5 =	simm.s32 $0xFFFFFFFF;
	p2 =	slt.u32 s8, $0xFFFFF086  }
0x1c: {  	p1 =	slt.u32 s9, $0xF7A;
	s5 =	simm.s32 @!p2 $0x0  }
0x1d: {  	s5 =	simm.s32 @p1 $0x1;
	p0 =	seq.s32 s7, s2  }
0x1e: {  	s7 =	smul.u32 @!p0 $0xF7A, s2;
	p2 =	seq.s32 @!p0 s5, $0x0  }
0x1f: {  	s9 =	smul.u32 $0xF7A, s1;
	s8 =	simm.s32 @!p0 $0x1BF5;
	p2 =	por !p2, p0  }
0x20: {  	[sflag:s8] =	ssyncset.s32 @!p0 $0xFFFFF086;
	s6 =	sadd.s32 @!p0 s3, s7;
	s7 =	simm.s32 @!p0 $0x108  }
0x21: {  	s3 =	sadd.s32 s3, s9;
	s6 =	sadd.s32 @!p0 $0x88, s6;
	s7 =	simm.s32 @p2 $0x1082  }
0x22: {  	[simem:s7], [sflag:s8] =	dma.local @!p0 [hbm:s6], $0xF7A  }
0x23: {  	s9 =	sor.u32 $0xD0000000, s2;
	s6 =	simm.s32 $0x108;
	_ =	swait.ge @!p0 [sflag:s8], $0x0  }
0x24: {  	s3 =	sadd.s32 $0x88, s3;
	s6 =	simm.s32 @!p1 $0x1082;
	[sflag:s4] =	ssyncset.s32 $0xFFFFF086  }
0x25: {  	[simem:s6], [sflag:s4] =	dma.local [hbm:s3], $0xF7A  }
0x26: {  	[smem:$0x3F4D] =	sst s1;
	(tag) =	ssettag s2;
	_ =	strace s9  }
0x27: {  	s1 =	sld [smem:$0x3F5D]  }
0x28: {  	s2 =	sld [smem:$0x3F5E]  }
0x29: {  	s4 =	sld [smem:$0x3F60]  }
0x2a: {  	p0 =	seq.s32 s5, $0x0;
	s5 =	sld [smem:$0x3F61]  }
0x2b: {  	s6 =	sld [smem:$0x3F62]  }
0x2c: {  	s7 =	sld [smem:$0x3F63]  }
0x2d: {  	s3 =	simm.s32 $0x108;
	s8 =	sld [smem:$0x3F64]  }
0x2e: {  	s3 =	simm.s32 @!p0 $0x1082;
	s9 =	sld [smem:$0x3F65]  }
0x2f: {  	lr =	sadd.s32 s0, s3;
	s0 =	sld [smem:$0x3F5C]  }
0x30: {  	s3 =	sld [smem:$0x3F5F]  }
0x31: {  	[smem:$0x3F68] =	sst s10  }
0x32: {  	s10 =	sld [smem:$0x3F66];
	_ =	sdelay $0x3  }
0x33: {  	p0 =	seq.s32 s10, $0x1;
	s10 =	sld [smem:$0x3F68];
	_ =	sdelay $0x3  }
0x34: {  	[smem:$0x3F68] =	sst s10  }
0x35: {  	s10 =	sld [smem:$0x3F67];
	_ =	sdelay $0x3  }
0x36: {  	p1 =	seq.s32 s10, $0x1;
	s10 =	sld [smem:$0x3F68];
	_ =	sdelay $0x3  }
0x37: {  	[smem:$0x3F68] =	sst s10  }
0x38: {  	s10 =	sld [smem:$0x3F69]  }
0x39: {  	_ = 	snop;
	(pc) =	sbr.ind lr, $3  }
0x3a: {  	_ = 	snop  }
0x3b: {  	_ = 	snop  }
0x3c: {  	p2 =	seq.s32 s10, $0x1;
	s10 =	sld [smem:$0x3F68]  }
0x3d: {  	_ =	shalt  }
0x3e: {  	_ =	shalt  }
0x3f: {  	_ =	shalt  }
0x40: {  	_ =	shalt  }
0x41: {  	_ =	shalt  }
0x42: {  	_ =	shalt  }
0x43: {  	_ =	shalt  }
0x44: {  	_ =	shalt  }
0x45: {  	_ =	shalt  }
0x46: {  	_ =	shalt  }
0x47: {  	_ =	shalt  }
0x48: {  	_ =	shalt  }
0x49: {  	_ =	shalt  }
0x4a: {  	_ =	shalt  }
0x4b: {  	_ =	shalt  }
0x4c: {  	_ =	shalt  }
0x4d: {  	_ =	shalt  }
0x4e: {  	_ =	shalt  }
0x4f: {  	_ =	shalt  }
0x50: {  	_ =	shalt  }
0x51: {  	_ =	shalt  }
0x52: {  	_ =	shalt  }
0x53: {  	_ =	shalt  }
0x54: {  	_ =	shalt  }
0x55: {  	_ =	shalt  }
0x56: {  	_ =	shalt  }
0x57: {  	_ =	shalt  }
0x58: {  	_ =	shalt  }
0x59: {  	_ =	shalt  }
0x5a: {  	_ =	shalt  }
0x5b: {  	_ =	shalt  }
0x5c: {  	_ =	shalt  }
0x5d: {  	_ =	shalt  }
0x5e: {  	_ =	shalt  }
0x5f: {  	_ =	shalt  }
0x60: {  	_ =	shalt  }
0x61: {  	_ =	shalt  }
0x62: {  	_ =	shalt  }
0x63: {  	_ =	shalt  }
0x64: {  	_ =	shalt  }
0x65: {  	_ =	shalt  }
0x66: {  	_ =	shalt  }
0x67: {  	_ =	shalt  }
0x68: {  	_ =	shalt  }
0x69: {  	_ =	shalt  }
0x6a: {  	_ =	shalt  }
0x6b: {  	_ =	shalt  }
0x6c: {  	_ =	shalt  }
0x6d: {  	_ =	shalt  }
0x6e: {  	_ =	shalt  }
0x6f: {  	_ =	shalt  }
0x70: {  	_ =	shalt  }
0x71: {  	_ =	shalt  }
0x72: {  	_ =	shalt  }
0x73: {  	_ =	shalt  }
0x74: {  	_ =	shalt  }
0x75: {  	_ =	shalt  }
0x76: {  	_ =	shalt  }
0x77: {  	_ =	shalt  }
0x78: {  	_ =	shalt  }
0x79: {  	_ =	shalt  }
0x7a: {  	_ =	shalt  }
0x7b: {  	_ =	shalt  }
0x7c: {  	_ =	shalt  }
0x7d: {  	_ =	shalt  }
0x7e: {  	_ =	shalt  }
0x7f: {  	_ =	shalt  }
0x80: {  	_ =	shalt  }
0x81: {  	_ =	shalt  }
0x82: {  	_ =	shalt  }
0x83: {  	_ =	shalt  }
0x84: {  	_ =	shalt  }
0x85: {  	_ =	shalt  }
0x86: {  	_ =	shalt  }
0x87: {  	_ =	shalt  }
.Lfunc_end0:
.L_simem_size_0:
called_computation.2_lowered:
.L_overlay_start_0:
0x88: {  	s2 =	sld [smem:$0x3FD9]  }
0x89: {  	s3 =	sld [smem:$0x3FFE];
	_ =	sdelay $0x1  }
0x8a: {  	s1 =	srdreg.scid  }
0x8b: {  	s0 =	sand.u32 $0x1, s1  }
0x8c: {  	s16 =	sshll.u32 s0, $0xA;
	s2 =	sadd.s32 s3, s2  }
0x8d: {  	s2 =	sadd.s32 s2, s16  }
0x8e: {  	[smem:$0x3F74] =	sst s2  }
0x8f: {  	_ = 	snop  }
0x90: {  	(tm) =	ssettm $0x1  }
0x91: {  	s17 =	sld [smem:$0x3FFB];
	_ =	sdelay $0x3  }
0x92: {  	_ =	strace s17  }
0x93: {  	s2 =	sld [smem:$0x3FFC];
	_ =	sdelay $0x3  }
0x94: {  	_ =	strace s2  }
0x95: {  	s2 =	sld [smem:$0x3FFD];
	_ =	sdelay $0x3  }
0x96: {  	_ =	strace s2  }
0x97: {  	_ =	strace $0x8FFFFFFF  }
0x98: {  	s18 =	sld [smem:$0x3FDB];
	_ =	sdelay $0x1  }
0x99: {  	s19 =	simm.s32 $_scs_section_size  }
0x9a: {  	s4 =	simm.s32 $_size__tile_overlayer_lowered;
	s5 =	simm.s32 $_tile_overlayer_lowered  }
0x9b: {  	s22 =	simm.s32 $0x1BFF;
	s21 =	sshll.u32 s5, $0x1;
	s2 =	sadd.s32 s19, s18  }
0x9c: {  	s6 =	simm.s32 $0x0;
	s20 =	sshll.u32 s4, $0x1;
	s4 =	sadd.s32 s21, s2  }
0x9d: {  	[timem:s6], [sflag:s22] =	dma.local [hbm:s4], s20  }
0x9e: {  	_ =	swait.ge [sflag:s22], s20  }
0x9f: {  	s3 =	ssub.s32 $0x0, s20;
	[sflag:s22] =	ssyncset.done $0x0  }
0xa0: {  	[sflag:s22] =	ssyncadd.s32 s3;
	_ =	sdelay $0x1  }
0xa1: {  	s23 =	simm.s32 $0x1B8B  }
0xa2: {  	_ =	swait.ge [sflag:s23], $0x1  }
0xa3: {  	[sflag:s23] =	ssyncset.done $0x0  }
0xa4: {  	s25 =	simm.s32 $0x1B8E;
	s24 =	sld [smem:$0x3FFE];
	[sflag:s23] =	ssyncadd.s32 $0xFFFFFFFF  }
0xa5: {  	s26 =	simm.s32 $execute0_lowered;
	[smem:$0x3FD2] =	sst s25  }
0xa6: {  	s4 =	sshll.u32 s26, $0x1;
	_ =	strace $0x8000004C;
	[dreg:$0x1] =	wrdreg $0xFFFFFFFF  }
0xa7: {  	s28 =	simm.s32 $_size_execute0_lowered;
	s2 =	sadd.s32 s2, s4;
	[dreg:$0x0] =	wrdreg $0x0  }
0xa8: {  	s4 =	sshll.u32 s28, $0x1;
	[dreg:$0x2] =	wrdreg s2  }
0xa9: {  	[dreg:$0x3] =	wrdreg s4  }
0xaa: {  	[dreg:$0x4] =	wrdreg $0xC0  }
0xab: {  	_ =	task [dreg:s6], $0x5FFFF  }
0xac: {  	[dreg:$0x1] =	wrdreg $0xFFFFFFFF  }
0xad: {  	[dreg:$0x0] =	wrdreg $0x60  }
0xae: {  	[dreg:$0x2] =	wrdreg s24  }
0xaf: {  	[dreg:$0x3] =	wrdreg $0x9  }
0xb0: {  	_ =	task.clear_ibuf [dreg:s6], $0x4FFFF;
	_ =	strace $0x9000004C  }
0xb1: {  	s29 =	simm.s32 $0x9;
	_ =	strace $0x8000004E  }
0xb2: {  	_ =	swait.ge [sflag:s29], $0x1  }
0xb3: {  	[sflag:s29] =	ssyncadd.s32 $0xFFFFFFFF  }
0xb4: {  	_ =	strace $0x9000004E  }
0xb5: {  	_ =	sfence  }
0xb6: {  	s30 =	sld [smem:$0x0];
	_ =	sdelay $0x2  }
0xb7: {  	s31 =	sshll.u32 s1, $0xD;
	s1 =	sshrl.u32 s1, $0x2  }
0xb8: {  	s3 =	sand.u32 $0x4000, s31;
	s1 =	sadd.s32 s1, s30  }
0xb9: {  	s0 =	sor.u32 s3, s0;
	s1 =	sshll.u32 s1, $0x11  }
0xba: {  	s0 =	sor.u32 s1, s0  }
0xbb: {  	s0 =	sadd.s32 $0x8F2B, s0  }
0xbc: {  	[sflag:s0] =	ssyncadd.remote.s32 $0x1  }
0xbd: {  	_ =	sfence.sel $0xFFFF  }
0xbe: {  	[dreg:$0x0] =	wrdreg $0xFFFFFFFF;
	(pc) =	sbr.abs _section_cstart, $3  }
0xbf: {  	[dreg:$0x1] =	wrdreg $0xFFFFFFFF  }
0xc0: {  	_ =	task.clear_ibuf [dreg:s6], $0x2FFFF;
	_ =	strace $0x9FFFFFFF  }
0xc1: {  	(tm) =	ssettm $0x7FFFFFFF  }
tec
execute0_lowered:
.L_overlay_start_1:
0x0: {  	(tag) =	ssettag $0x1  }
0x1: {  	s4 =	rddreg [dreg:$0x0]  }
0x2: {  	s0 =	rddreg [dreg:$0x1];
	s3 =	srdreg.scid  }
0x3: {  	s1 =	stileid.u32;
	s2 =	simm.s32 $0x0;
	s11 =	simm.s32 $0x7D0  }
0x4: {  	s12 =	simm.s32 $0x84D0;
	s13 =	simm.s32 $0x1;
	s6 =	smul.u32 $0x4E20, s1  }
0x5: {  	s14 =	simm.s32 $0x2;
	s5 =	sand.u32 $0x1, s3;
	s8 =	smul.u32 $0x13880, s1  }
0x6: {  	s15 =	simm.s32 $0x0;
	[smem:$0x7FF] =	sst s2;
	s7 =	smul.u32 $0x2710, s5  }
0x7: {  	s3 =	sadd.s32 $0x13000, s4;
	s29 =	ssub.s32 $0x2, s5;
	s5 =	smul.u32 $0x9C40, s5  }
0x8: {  	_ =	strace $0x8000004D;
	s8 =	sadd.s32 s8, s4;
	s9 =	sshrl.u32 s29, $0x1  }
0x9: {  	s6 =	sadd.s32 s7, s6;
	s30 =	ssub.s32 s29, s9;
	s31 =	sadd.s32 s5, s8  }
0xa: {  	s9 =	simm.s32 $0x3;
	s6 =	sshrl.u32 s6, $0x3;
	s5 =	sadd.s32 $0x190400, s31  }
0xb: {  	s10 =	sadd.s32 s6, s4;
	s4 =	smax.u32 s30, $0x1;
	s6 =	sadd.s32 $0x57C00, s31  }
0xc: {  	s7 =	sadd.s32 $0x4DE00, s10;
	s8 =	sadd.s32 $0x44000, s10;
	s10 =	simm.s32 $0x3E8  }
.LBB2_1:
0xd: {  	s16 =	sadd.s32 $0x0, s8  }
0xe: {  	[tilespmem:s2], [sflag:$0x3] =	stream.linear.gather [hbm4b:s16+s2], $0x3E8, $0x38;
	[tilespmem:$0x101D0] =	vst v63  }
0xf: {  	_ =	swait.ge [sflag:s9], $0x3E8  }
0x10: {  	[sflag:s9] =	ssyncset.done $0x0  }
0x11: {  	s31 =	sadd.s32 $0x0, s7;
	[sflag:s9] =	ssyncadd.s32 $0xFFFFFC18  }
0x12: {  	[tilespmem:s10], [sflag:$0x3] =	stream.linear.gather [hbm4b:s31+s2], $0x3E8, $0x38;
	[tilespmem:$0x101D0] =	vst v63  }
0x13: {  	_ =	swait.ge [sflag:s9], $0x3E8  }
0x14: {  	[sflag:s9] =	ssyncset.done $0x0  }
0x15: {  	[sflag:s9] =	ssyncadd.s32 $0xFFFFFC18  }
0x16: {  	[tilespmem:s11], [sflag:$0x1] =	stream.indirect.gather [hbm4b:s3+s10], $0x20, s2, s10, $0xb8;
	[tilespmem:$0x101D0] =	vst v63  }
0x17: {  	_ = 	snop  }
0x18: {  	[tilespmem:s12], [sflag:$0x2] =	stream.indirect.gather [hbm4b:s3+s10], $0x20, s10, s10, $0xb8;
	[tilespmem:$0x101D0] =	vst v63  }
0x19: {  	_ =	swait.ge [sflag:s13], $0x7D00  }
0x1a: {  	[sflag:s13] =	ssyncset.done $0x0  }
0x1b: {  	[sflag:s13] =	ssyncadd.s32 $0xFFFF8300  }
0x1c: {  	_ =	swait.ge [sflag:s14], $0x7D00  }
0x1d: {  	[sflag:s14] =	ssyncset.done $0x0  }
0x1e: {  	[sflag:s14] =	ssyncadd.s32 $0xFFFF8300  }
0x1f: {  	[hbm4b:s6+s2] =	stream.linear.scatter [tilespmem:s11], [sflag:$0x3], $0x7D00, $0x38;
	[tilespmem:$0x101D0] =	vst v63  }
0x20: {  	_ =	swait.ge [sflag:s9], $0x7D00  }
0x21: {  	[sflag:s9] =	ssyncset.done $0x0  }
0x22: {  	[sflag:s9] =	ssyncadd.s32 $0xFFFF8300  }
0x23: {  	[hbm4b:s5+s2] =	stream.linear.scatter [tilespmem:s12], [sflag:$0x3], $0x7D00, $0x38;
	[tilespmem:$0x101D0] =	vst v63  }
0x24: {  	s18 =	simm.s32 $0x7D;
	s19 =	simm.s32 $0xFA;
	_ =	swait.ge [sflag:s9], $0x7D00  }
0x25: {  	s17 =	sadd.s32 $0xFA0, s6;
	s16 =	sadd.s32 $0xFA0, s5;
	[sflag:s9] =	ssyncset.done $0x0  }
.LBB2_2:
0x26: {  	s20 =	sadd.s32 s18, s8  }
0x27: {  	[sflag:s9] =	ssyncadd.s32 $0xFFFF8300;
	s21 =	smov.u32 s19;
	s22 =	sadd.s32 $0x7D, s19  }
0x28: {  	[tilespmem:s2], [sflag:$0x3] =	stream.linear.gather [hbm4b:s20+s2], $0x3E8, $0x38;
	[tilespmem:$0x101D0] =	vst v63  }
0x29: {  	p0 =	sne.s32 s19, $0x465;
	_ =	swait.ge [sflag:s9], $0x3E8  }
0x2a: {  	[sflag:s9] =	ssyncset.done $0x0  }
0x2b: {  	s19 =	sadd.s32 s18, s7;
	s18 =	smov.u32 s21;
	[sflag:s9] =	ssyncadd.s32 $0xFFFFFC18  }
0x2c: {  	[tilespmem:s10], [sflag:$0x3] =	stream.linear.gather [hbm4b:s19+s2], $0x3E8, $0x38;
	[tilespmem:$0x101D0] =	vst v63  }
0x2d: {  	_ =	swait.ge [sflag:s9], $0x3E8  }
0x2e: {  	[sflag:s9] =	ssyncset.done $0x0  }
0x2f: {  	[sflag:s9] =	ssyncadd.s32 $0xFFFFFC18  }
0x30: {  	[tilespmem:s11], [sflag:$0x1] =	stream.indirect.gather [hbm4b:s3+s10], $0x20, s2, s10, $0xb8;
	[tilespmem:$0x101D0] =	vst v63  }
0x31: {  	_ = 	snop  }
0x32: {  	[tilespmem:s12], [sflag:$0x2] =	stream.indirect.gather [hbm4b:s3+s10], $0x20, s10, s10, $0xb8;
	[tilespmem:$0x101D0] =	vst v63  }
0x33: {  	_ =	swait.ge [sflag:s13], $0x7D00  }
0x34: {  	[sflag:s13] =	ssyncset.done $0x0  }
0x35: {  	[sflag:s13] =	ssyncadd.s32 $0xFFFF8300  }
0x36: {  	_ =	swait.ge [sflag:s14], $0x7D00  }
0x37: {  	[sflag:s14] =	ssyncset.done $0x0  }
0x38: {  	[sflag:s14] =	ssyncadd.s32 $0xFFFF8300  }
0x39: {  	[hbm4b:s17+s2] =	stream.linear.scatter [tilespmem:s11], [sflag:$0x3], $0x7D00, $0x38;
	[tilespmem:$0x101D0] =	vst v63  }
0x3a: {  	_ =	swait.ge [sflag:s9], $0x7D00  }
.Ltmp0:
0x3b: {  	[sflag:s9] =	ssyncset.done $0x0;
	(pc) =	sbr.rel @p0 .LBB2_2-.Ltmp0, $4  }
0x3c: {  	[sflag:s9] =	ssyncadd.s32 $0xFFFF8300  }
0x3d: {  	[hbm4b:s16+s2] =	stream.linear.scatter [tilespmem:s12], [sflag:$0x3], $0x7D00, $0x38;
	[tilespmem:$0x101D0] =	vst v63  }
0x3e: {  	s19 =	smov.u32 s22;
	_ =	swait.ge [sflag:s9], $0x7D00  }
0x3f: {  	s17 =	sadd.s32 $0xFA0, s17;
	s16 =	sadd.s32 $0xFA0, s16;
	[sflag:s9] =	ssyncset.done $0x0  }
0x40: {  	s19 =	sadd.s32 s18, s8;
	[sflag:s9] =	ssyncadd.s32 $0xFFFF8300  }
0x41: {  	[tilespmem:s2], [sflag:$0x3] =	stream.linear.gather [hbm4b:s19+s2], $0x3E8, $0x38;
	[tilespmem:$0x101D0] =	vst v63  }
0x42: {  	_ =	swait.ge [sflag:s9], $0x3E8  }
0x43: {  	[sflag:s9] =	ssyncset.done $0x0  }
0x44: {  	s31 =	sadd.s32 s18, s7;
	[sflag:s9] =	ssyncadd.s32 $0xFFFFFC18  }
0x45: {  	[tilespmem:s10], [sflag:$0x3] =	stream.linear.gather [hbm4b:s31+s2], $0x3E8, $0x38;
	[tilespmem:$0x101D0] =	vst v63  }
0x46: {  	_ =	swait.ge [sflag:s9], $0x3E8  }
0x47: {  	[sflag:s9] =	ssyncset.done $0x0  }
0x48: {  	[sflag:s9] =	ssyncadd.s32 $0xFFFFFC18  }
0x49: {  	[tilespmem:s11], [sflag:$0x1] =	stream.indirect.gather [hbm4b:s3+s10], $0x20, s2, s10, $0xb8;
	[tilespmem:$0x101D0] =	vst v63  }
0x4a: {  	_ = 	snop  }
0x4b: {  	[tilespmem:s12], [sflag:$0x2] =	stream.indirect.gather [hbm4b:s3+s10], $0x20, s10, s10, $0xb8;
	[tilespmem:$0x101D0] =	vst v63  }
0x4c: {  	_ =	swait.ge [sflag:s13], $0x7D00  }
0x4d: {  	[sflag:s13] =	ssyncset.done $0x0  }
0x4e: {  	[sflag:s13] =	ssyncadd.s32 $0xFFFF8300  }
0x4f: {  	_ =	swait.ge [sflag:s14], $0x7D00  }
0x50: {  	[sflag:s14] =	ssyncset.done $0x0  }
0x51: {  	[sflag:s14] =	ssyncadd.s32 $0xFFFF8300  }
0x52: {  	[hbm4b:s17+s2] =	stream.linear.scatter [tilespmem:s11], [sflag:$0x3], $0x7D00, $0x38;
	[tilespmem:$0x101D0] =	vst v63  }
0x53: {  	s15 =	sadd.s32 $0x1, s15;
	_ =	swait.ge [sflag:s9], $0x7D00  }
0x54: {  	p0 =	sne.s32 s15, s4;
	[sflag:s9] =	ssyncset.done $0x0  }
.Ltmp1:
0x55: {  	[sflag:s9] =	ssyncadd.s32 $0xFFFF8300;
	(pc) =	sbr.rel @p0 .LBB2_1-.Ltmp1, $4  }
0x56: {  	[hbm4b:s16+s2] =	stream.linear.scatter [tilespmem:s12], [sflag:$0x3], $0x7D00, $0x38;
	[tilespmem:$0x101D0] =	vst v63  }
0x57: {  	_ =	swait.ge [sflag:s9], $0x7D00  }
0x58: {  	[sflag:s9] =	ssyncset.done $0x0  }
0x59: {  	[sflag:s9] =	ssyncadd.s32 $0xFFFF8300  }
0x5a: {  	_ =	sfence.sel $0x180000  }
0x5b: {  	[bflag:$0x0] =	sbarrier.arrive $0xFFFF  }
0x5c: {  	p0 =	sne.s32 s1, $0x0;
	_ =	strace $0x9000004D  }
0x5d: {  	s0 =	sadd.s32 @!p0 $0x100000, s0;
	[bflag:$0x2] =	sbarrier.arrive $0xFFFF  }
0x5e: {  	[sflag:s0] =	ssyncadd.tile.s32 @!p0 $0x1;
	_ =	shalt  }
.Lfunc_end2:
_tile_overlayer_lowered:
.L_overlay_start_2:
0x5f: {  	(tag) =	ssettag $0x2  }
0x60: {  	s0 =	rddreg [dreg:$0x0];
	s2 =	stileid.u32  }
0x61: {  	s1 =	rddreg [dreg:$0x1];
	p0 =	sne.s32 s2, $0x0  }
0x62: {  	s3 =	rddreg [dreg:$0x2];
	[bflag:$0x3] =	sbarrier.arrive $0xFFFF;
	s2 =	simm.s32 @!p0 $0x1C03  }
0x63: {  	[timem:s3], [sflag:s2] =	dma.local @!p0 [hbm:s0], s1  }
0x64: {  	s0 =	simm.s32 @!p0 $0x3  }
0x65: {  	_ =	swait.ge @!p0 [sflag:s0], s1  }
0x66: {  	s1 =	ssub.s32 @!p0 $0x0, s1;
	[sflag:s0] =	ssyncset.done @!p0 $0x0  }
0x67: {  	[sflag:s0] =	ssyncadd.s32 @!p0 s1  }
0x68: {  	[bflag:$0x3] =	sbarrier.arrive $0xFFFF  }
0x69: {  	_ =	shalt  }

// kernel: kernel.27.cloned.1.call-start
scs
__scs_entry_jumppad:
0x0: {  	(pc) =	sbr.rel $0x88, $3  }
0x1: {  	(tag) =	ssettag $0x0;
	lr =	simm.s32 $0x1  }
0x2: {  	[smem:$0x3F4D] =	sst lr;
	_ =	strace $0xD0000000  }
0x3: {  	_ = 	snop  }
0x4: {  	_ = 	snop  }
0x5: {  	_ = 	snop  }
0x6: {  	_ = 	snop  }
0x7: {  	_ = 	snop  }
__scs_overlays_trampoline_lowered:
0x8: {  	[smem:$0x3F5C] =	sst s0  }
0x9: {  	[smem:$0x3F5D] =	sst s1  }
0xa: {  	[smem:$0x3F5E] =	sst s2  }
0xb: {  	[smem:$0x3F5F] =	sst s3  }
0xc: {  	[smem:$0x3F60] =	sst s4  }
0xd: {  	[smem:$0x3F61] =	sst s5  }
0xe: {  	[smem:$0x3F62] =	sst s6  }
0xf: {  	[smem:$0x3F63] =	sst s7  }
0x10: {  	[smem:$0x3F64] =	sst s8  }
0x11: {  	[smem:$0x3F65] =	sst s9;
	s0 =	simm.s32 @!p0 $0x0  }
0x12: {  	s1 =	sld [smem:$0x3F4B];
	s0 =	simm.s32 @p0 $0x1  }
0x13: {  	[smem:$0x3F66] =	sst s0;
	s0 =	simm.s32 @!p1 $0x0  }
0x14: {  	s2 =	sld [smem:$0x3F4A];
	s0 =	simm.s32 @p1 $0x1  }
0x15: {  	[smem:$0x3F67] =	sst s0;
	s0 =	simm.s32 @!p2 $0x0  }
0x16: {  	s3 =	sld [smem:$0x3FDB];
	s0 =	simm.s32 @p2 $0x1  }
0x17: {  	s4 =	simm.s32 $0x1BF5;
	[smem:$0x3F69] =	sst s0  }
0x18: {  	s0 =	sld [smem:$0x3F4C];
	_ =	swait.ge [sflag:s4], $0x0  }
0x19: {  	s7 =	sld [smem:$0x3F4D]  }
0x1a: {  	s8 =	sadd.s32 $0xFFFFE003, lr  }
0x1b: {  	s9 =	sadd.s32 $0xFFFFFEF7, lr;
	s5 =	simm.s32 $0xFFFFFFFF;
	p2 =	slt.u32 s8, $0xFFFFF086  }
0x1c: {  	p1 =	slt.u32 s9, $0xF7A;
	s5 =	simm.s32 @!p2 $0x0  }
0x1d: {  	s5 =	simm.s32 @p1 $0x1;
	p0 =	seq.s32 s7, s2  }
0x1e: {  	s7 =	smul.u32 @!p0 $0xF7A, s2;
	p2 =	seq.s32 @!p0 s5, $0x0  }
0x1f: {  	s9 =	smul.u32 $0xF7A, s1;
	s8 =	simm.s32 @!p0 $0x1BF5;
	p2 =	por !p2, p0  }
0x20: {  	[sflag:s8] =	ssyncset.s32 @!p0 $0xFFFFF086;
	s6 =	sadd.s32 @!p0 s3, s7;
	s7 =	simm.s32 @!p0 $0x108  }
0x21: {  	s3 =	sadd.s32 s3, s9;
	s6 =	sadd.s32 @!p0 $0x88, s6;
	s7 =	simm.s32 @p2 $0x1082  }
0x22: {  	[simem:s7], [sflag:s8] =	dma.local @!p0 [hbm:s6], $0xF7A  }
0x23: {  	s9 =	sor.u32 $0xD0000000, s2;
	s6 =	simm.s32 $0x108;
	_ =	swait.ge @!p0 [sflag:s8], $0x0  }
0x24: {  	s3 =	sadd.s32 $0x88, s3;
	s6 =	simm.s32 @!p1 $0x1082;
	[sflag:s4] =	ssyncset.s32 $0xFFFFF086  }
0x25: {  	[simem:s6], [sflag:s4] =	dma.local [hbm:s3], $0xF7A  }
0x26: {  	[smem:$0x3F4D] =	sst s1;
	(tag) =	ssettag s2;
	_ =	strace s9  }
0x27: {  	s1 =	sld [smem:$0x3F5D]  }
0x28: {  	s2 =	sld [smem:$0x3F5E]  }
0x29: {  	s4 =	sld [smem:$0x3F60]  }
0x2a: {  	p0 =	seq.s32 s5, $0x0;
	s5 =	sld [smem:$0x3F61]  }
0x2b: {  	s6 =	sld [smem:$0x3F62]  }
0x2c: {  	s7 =	sld [smem:$0x3F63]  }
0x2d: {  	s3 =	simm.s32 $0x108;
	s8 =	sld [smem:$0x3F64]  }
0x2e: {  	s3 =	simm.s32 @!p0 $0x1082;
	s9 =	sld [smem:$0x3F65]  }
0x2f: {  	lr =	sadd.s32 s0, s3;
	s0 =	sld [smem:$0x3F5C]  }
0x30: {  	s3 =	sld [smem:$0x3F5F]  }
0x31: {  	[smem:$0x3F68] =	sst s10  }
0x32: {  	s10 =	sld [smem:$0x3F66];
	_ =	sdelay $0x3  }
0x33: {  	p0 =	seq.s32 s10, $0x1;
	s10 =	sld [smem:$0x3F68];
	_ =	sdelay $0x3  }
0x34: {  	[smem:$0x3F68] =	sst s10  }
0x35: {  	s10 =	sld [smem:$0x3F67];
	_ =	sdelay $0x3  }
0x36: {  	p1 =	seq.s32 s10, $0x1;
	s10 =	sld [smem:$0x3F68];
	_ =	sdelay $0x3  }
0x37: {  	[smem:$0x3F68] =	sst s10  }
0x38: {  	s10 =	sld [smem:$0x3F69]  }
0x39: {  	_ = 	snop;
	(pc) =	sbr.ind lr, $3  }
0x3a: {  	_ = 	snop  }
0x3b: {  	_ = 	snop  }
0x3c: {  	p2 =	seq.s32 s10, $0x1;
	s10 =	sld [smem:$0x3F68]  }
0x3d: {  	_ =	shalt  }
0x3e: {  	_ =	shalt  }
0x3f: {  	_ =	shalt  }
0x40: {  	_ =	shalt  }
0x41: {  	_ =	shalt  }
0x42: {  	_ =	shalt  }
0x43: {  	_ =	shalt  }
0x44: {  	_ =	shalt  }
0x45: {  	_ =	shalt  }
0x46: {  	_ =	shalt  }
0x47: {  	_ =	shalt  }
0x48: {  	_ =	shalt  }
0x49: {  	_ =	shalt  }
0x4a: {  	_ =	shalt  }
0x4b: {  	_ =	shalt  }
0x4c: {  	_ =	shalt  }
0x4d: {  	_ =	shalt  }
0x4e: {  	_ =	shalt  }
0x4f: {  	_ =	shalt  }
0x50: {  	_ =	shalt  }
0x51: {  	_ =	shalt  }
0x52: {  	_ =	shalt  }
0x53: {  	_ =	shalt  }
0x54: {  	_ =	shalt  }
0x55: {  	_ =	shalt  }
0x56: {  	_ =	shalt  }
0x57: {  	_ =	shalt  }
0x58: {  	_ =	shalt  }
0x59: {  	_ =	shalt  }
0x5a: {  	_ =	shalt  }
0x5b: {  	_ =	shalt  }
0x5c: {  	_ =	shalt  }
0x5d: {  	_ =	shalt  }
0x5e: {  	_ =	shalt  }
0x5f: {  	_ =	shalt  }
0x60: {  	_ =	shalt  }
0x61: {  	_ =	shalt  }
0x62: {  	_ =	shalt  }
0x63: {  	_ =	shalt  }
0x64: {  	_ =	shalt  }
0x65: {  	_ =	shalt  }
0x66: {  	_ =	shalt  }
0x67: {  	_ =	shalt  }
0x68: {  	_ =	shalt  }
0x69: {  	_ =	shalt  }
0x6a: {  	_ =	shalt  }
0x6b: {  	_ =	shalt  }
0x6c: {  	_ =	shalt  }
0x6d: {  	_ =	shalt  }
0x6e: {  	_ =	shalt  }
0x6f: {  	_ =	shalt  }
0x70: {  	_ =	shalt  }
0x71: {  	_ =	shalt  }
0x72: {  	_ =	shalt  }
0x73: {  	_ =	shalt  }
0x74: {  	_ =	shalt  }
0x75: {  	_ =	shalt  }
0x76: {  	_ =	shalt  }
0x77: {  	_ =	shalt  }
0x78: {  	_ =	shalt  }
0x79: {  	_ =	shalt  }
0x7a: {  	_ =	shalt  }
0x7b: {  	_ =	shalt  }
0x7c: {  	_ =	shalt  }
0x7d: {  	_ =	shalt  }
0x7e: {  	_ =	shalt  }
0x7f: {  	_ =	shalt  }
0x80: {  	_ =	shalt  }
0x81: {  	_ =	shalt  }
0x82: {  	_ =	shalt  }
0x83: {  	_ =	shalt  }
0x84: {  	_ =	shalt  }
0x85: {  	_ =	shalt  }
0x86: {  	_ =	shalt  }
0x87: {  	_ =	shalt  }
.Lfunc_end0:
.L_simem_size_0:
called_computation.3_lowered:
.L_overlay_start_0:
0x88: {  	s2 =	sld [smem:$0x3FD9]  }
0x89: {  	s3 =	sld [smem:$0x3FFE];
	_ =	sdelay $0x1  }
0x8a: {  	s1 =	srdreg.scid  }
0x8b: {  	s0 =	sand.u32 $0x1, s1  }
0x8c: {  	s16 =	sshll.u32 s0, $0xA;
	s2 =	sadd.s32 s3, s2  }
0x8d: {  	s2 =	sadd.s32 s2, s16  }
0x8e: {  	[smem:$0x3F74] =	sst s2  }
0x8f: {  	_ = 	snop  }
0x90: {  	(tm) =	ssettm $0x1  }
0x91: {  	s17 =	sld [smem:$0x3FFB];
	_ =	sdelay $0x3  }
0x92: {  	_ =	strace s17  }
0x93: {  	s2 =	sld [smem:$0x3FFC];
	_ =	sdelay $0x3  }
0x94: {  	_ =	strace s2  }
0x95: {  	s2 =	sld [smem:$0x3FFD];
	_ =	sdelay $0x3  }
0x96: {  	_ =	strace s2  }
0x97: {  	_ =	strace $0x8FFFFFFF  }
0x98: {  	s18 =	sld [smem:$0x3FDB];
	_ =	sdelay $0x1  }
0x99: {  	s19 =	simm.s32 $_scs_section_size  }
0x9a: {  	s4 =	simm.s32 $_size__tile_overlayer_lowered;
	s5 =	simm.s32 $_tile_overlayer_lowered  }
0x9b: {  	s22 =	simm.s32 $0x1BFF;
	s21 =	sshll.u32 s5, $0x1;
	s2 =	sadd.s32 s19, s18  }
0x9c: {  	s6 =	simm.s32 $0x0;
	s20 =	sshll.u32 s4, $0x1;
	s4 =	sadd.s32 s21, s2  }
0x9d: {  	[timem:s6], [sflag:s22] =	dma.local [hbm:s4], s20  }
0x9e: {  	_ =	swait.ge [sflag:s22], s20  }
0x9f: {  	s3 =	ssub.s32 $0x0, s20;
	[sflag:s22] =	ssyncset.done $0x0  }
0xa0: {  	[sflag:s22] =	ssyncadd.s32 s3;
	_ =	sdelay $0x1  }
0xa1: {  	s23 =	simm.s32 $0x1B8B  }
0xa2: {  	_ =	swait.ge [sflag:s23], $0x1  }
0xa3: {  	[sflag:s23] =	ssyncset.done $0x0  }
0xa4: {  	s25 =	simm.s32 $0x1B8E;
	s24 =	sld [smem:$0x3FFE];
	[sflag:s23] =	ssyncadd.s32 $0xFFFFFFFF  }
0xa5: {  	s26 =	simm.s32 $execute0_lowered;
	[smem:$0x3FD2] =	sst s25  }
0xa6: {  	s4 =	sshll.u32 s26, $0x1;
	_ =	strace $0x8000004F;
	[dreg:$0x1] =	wrdreg $0xFFFFFFFF  }
0xa7: {  	s28 =	simm.s32 $_size_execute0_lowered;
	s2 =	sadd.s32 s2, s4;
	[dreg:$0x0] =	wrdreg $0x0  }
0xa8: {  	s4 =	sshll.u32 s28, $0x1;
	[dreg:$0x2] =	wrdreg s2  }
0xa9: {  	[dreg:$0x3] =	wrdreg s4  }
0xaa: {  	[dreg:$0x4] =	wrdreg $0xC0  }
0xab: {  	_ =	task [dreg:s6], $0x5FFFF  }
0xac: {  	[dreg:$0x1] =	wrdreg $0xFFFFFFFF  }
0xad: {  	[dreg:$0x0] =	wrdreg $0x60  }
0xae: {  	[dreg:$0x2] =	wrdreg s24  }
0xaf: {  	[dreg:$0x3] =	wrdreg $0x80E80  }
0xb0: {  	[dreg:$0x4] =	wrdreg $0x9  }
0xb1: {  	_ =	task.clear_ibuf [dreg:s6], $0x5FFFF;
	_ =	strace $0x9000004F  }
0xb2: {  	s29 =	simm.s32 $0x9;
	_ =	strace $0x80000051  }
0xb3: {  	_ =	swait.ge [sflag:s29], $0x1  }
0xb4: {  	[sflag:s29] =	ssyncadd.s32 $0xFFFFFFFF  }
0xb5: {  	_ =	strace $0x90000051  }
0xb6: {  	_ =	sfence  }
0xb7: {  	s30 =	sld [smem:$0x0];
	_ =	sdelay $0x2  }
0xb8: {  	s31 =	sshll.u32 s1, $0xD;
	s1 =	sshrl.u32 s1, $0x2  }
0xb9: {  	s3 =	sand.u32 $0x4000, s31;
	s1 =	sadd.s32 s1, s30  }
0xba: {  	s0 =	sor.u32 s3, s0;
	s1 =	sshll.u32 s1, $0x11  }
0xbb: {  	s0 =	sor.u32 s1, s0  }
0xbc: {  	s0 =	sadd.s32 $0x8F2B, s0  }
0xbd: {  	[sflag:s0] =	ssyncadd.remote.s32 $0x1  }
0xbe: {  	_ =	sfence.sel $0xFFFF  }
0xbf: {  	[dreg:$0x0] =	wrdreg $0xFFFFFFFF;
	(pc) =	sbr.abs _section_cstart, $3  }
0xc0: {  	[dreg:$0x1] =	wrdreg $0xFFFFFFFF  }
0xc1: {  	_ =	task.clear_ibuf [dreg:s6], $0x2FFFF;
	_ =	strace $0x9FFFFFFF  }
0xc2: {  	(tm) =	ssettm $0x7FFFFFFF  }
0xc3: {  	_ =	shalt  }
tec
execute0_lowered:
.L_overlay_start_1:
0x0: {  	(tag) =	ssettag $0x1  }
0x1: {  	s0 =	srdreg.scid  }
0x2: {  	s5 =	rddreg [dreg:$0x0];
	s4 =	sand.u32 $0x1, s0  }
0x3: {  	s0 =	stileid.u32;
	s6 =	smul.u32 $0x27100, s4  }
0x4: {  	s2 =	rddreg [dreg:$0x1];
	s7 =	smul.u32 $0x2710, s0  }
0x5: {  	s1 =	rddreg [dreg:$0x2];
	s3 =	simm.s32 $0x0;
	s8 =	smul.u32 $0x9C400, s4  }
0x6: {  	[smem:$0x7FF] =	sst s3;
	s26 =	smul.u32 $0x9C4, s0  }
0x7: {  	s9 =	smul.u32 $0x9C40, s4;
	_ =	strace $0x80000050;
	s29 =	ssub.s32 $0x2, s4  }
0x8: {  	s30 =	smul.u32 $0x13880, s0;
	s4 =	sadd.s32 $0x3A200, s5;
	s11 =	sshll.u32 s0, $0x6  }
0x9: {  	s12 =	smul.u32 $0x9C40, s0;
	s31 =	sshrl.u32 s29, $0x1;
	s6 =	sadd.s32 s7, s6  }
0xa: {  	s8 =	sadd.s32 s8, s5;
	s28 =	sadd.s32 s26, s9;
	s9 =	sshrl.u32 s30, $0x2  }
0xb: {  	s7 =	ssub.s32 s29, s31;
	s6 =	sshrl.u32 s6, $0x3;
	s13 =	sadd.s32 s9, s2  }
0xc: {  	s7 =	smax.u32 s7, $0x1;
	s8 =	sadd.s32 s12, s8;
	s12 =	simm.s32 $0x3E8  }
0xd: {  	s10 =	sadd.s32 s6, s5;
	s6 =	sadd.s32 s28, s5;
	s5 =	sor.u32 $0x1C01, s11  }
0xe: {  	s8 =	sadd.s32 $0x412200, s8;
	s11 =	simm.s32 $0x1;
	s6 =	sadd.s32 $0x1CE00, s6  }
0xf: {  	s9 =	sadd.s32 $0x4DE00, s10;
	s10 =	sshrl.u32 s13, $0x3;
	s13 =	simm.s32 $0x0  }
.LBB2_1:
0x10: {  	[spmem:s10], [sflag:s5] =	dma.local [hbm:s4], $0x9C4  }
0x11: {  	_ =	swait.ge [sflag:s11], $0x9C4  }
0x12: {  	[sflag:s11] =	ssyncset.done $0x0  }
0x13: {  	[sflag:s11] =	ssyncadd.s32 $0xFFFFF63C  }
0x14: {  	s14 =	sadd.s32 $0x0, s9;
	[bflag:$0x0] =	sbarrier.arrive $0xFFFF  }
0x15: {  	[tilespmem:s3], [sflag:$0x1] =	stream.linear.gather [hbm4b:s14+s3], $0x3E8, $0x38;
	[tilespmem:$0xCF08] =	vst v63  }
0x16: {  	_ =	swait.ge [sflag:s11], $0x3E8  }
0x17: {  	[sflag:s11] =	ssyncset.done $0x0  }
0x18: {  	[sflag:s11] =	ssyncadd.s32 $0xFFFFFC18  }
0x19: {  	[tilespmem:s12], [sflag:$0x1] =	stream.linear.gather [hbm4b:s8+s3], $0x7D00, $0x38;
	[tilespmem:$0xCF08] =	vst v63  }
0x1a: {  	_ =	swait.ge [sflag:s11], $0x7D00  }
0x1b: {  	[sflag:s11] =	ssyncset.done $0x0  }
0x1c: {  	[sflag:s11] =	ssyncadd.s32 $0xFFFF8300  }
0x1d: {  	[spmem:s2] =	stream.indirect.scatter.add.f32 [tilespmem:s12], [sflag:$0x1], $0x20, s3, s12, $0xb8;
	[tilespmem:$0xCF08] =	vst v63  }
0x1e: {  	s15 =	simm.s32 $0x7D;
	_ =	swait.ge [sflag:s11], $0x7D00  }
0x1f: {  	s16 =	simm.s32 $0xFA;
	s14 =	sadd.s32 $0xFA0, s8;
	[sflag:s11] =	ssyncset.done $0x0  }
.LBB2_2:
0x20: {  	s17 =	sadd.s32 s15, s9  }
0x21: {  	[sflag:s11] =	ssyncadd.s32 $0xFFFF8300;
	s15 =	smov.u32 s16;
	s18 =	sadd.s32 $0x7D, s16  }
0x22: {  	[tilespmem:s3], [sflag:$0x1] =	stream.linear.gather [hbm4b:s17+s3], $0x3E8, $0x38;
	[tilespmem:$0xCF08] =	vst v63  }
0x23: {  	p0 =	sne.s32 s16, $0x465;
	_ =	swait.ge [sflag:s11], $0x3E8  }
0x24: {  	[sflag:s11] =	ssyncset.done $0x0  }
0x25: {  	[sflag:s11] =	ssyncadd.s32 $0xFFFFFC18  }
0x26: {  	[tilespmem:s12], [sflag:$0x1] =	stream.linear.gather [hbm4b:s14+s3], $0x7D00, $0x38;
	[tilespmem:$0xCF08] =	vst v63  }
0x27: {  	_ =	swait.ge [sflag:s11], $0x7D00  }
.Ltmp0:
0x28: {  	[sflag:s11] =	ssyncset.done $0x0;
	(pc) =	sbr.rel @p0 .LBB2_2-.Ltmp0, $4  }
0x29: {  	[sflag:s11] =	ssyncadd.s32 $0xFFFF8300  }
0x2a: {  	[spmem:s2] =	stream.indirect.scatter.add.f32 [tilespmem:s12], [sflag:$0x1], $0x20, s3, s12, $0xb8;
	[tilespmem:$0xCF08] =	vst v63  }
0x2b: {  	_ =	swait.ge [sflag:s11], $0x7D00  }
0x2c: {  	s16 =	smov.u32 s18;
	s14 =	sadd.s32 $0xFA0, s14;
	[sflag:s11] =	ssyncset.done $0x0  }
0x2d: {  	s15 =	sadd.s32 s15, s9;
	[sflag:s11] =	ssyncadd.s32 $0xFFFF8300  }
0x2e: {  	[tilespmem:s3], [sflag:$0x1] =	stream.linear.gather [hbm4b:s15+s3], $0x3E8, $0x38;
	[tilespmem:$0xCF08] =	vst v63  }
0x2f: {  	_ =	swait.ge [sflag:s11], $0x3E8  }
0x30: {  	[sflag:s11] =	ssyncset.done $0x0  }
0x31: {  	[sflag:s11] =	ssyncadd.s32 $0xFFFFFC18  }
0x32: {  	[tilespmem:s12], [sflag:$0x1] =	stream.linear.gather [hbm4b:s14+s3], $0x7D00, $0x38;
	[tilespmem:$0xCF08] =	vst v63  }
0x33: {  	_ =	swait.ge [sflag:s11], $0x7D00  }
0x34: {  	[sflag:s11] =	ssyncset.done $0x0  }
0x35: {  	[sflag:s11] =	ssyncadd.s32 $0xFFFF8300  }
0x36: {  	[spmem:s2] =	stream.indirect.scatter.add.f32 [tilespmem:s12], [sflag:$0x1], $0x20, s3, s12, $0xb8;
	[tilespmem:$0xCF08] =	vst v63  }
0x37: {  	_ =	swait.ge [sflag:s11], $0x7D00  }
0x38: {  	s13 =	sadd.s32 $0x1, s13;
	[sflag:s11] =	ssyncset.done $0x0  }
0x39: {  	p0 =	sne.s32 s13, s7;
	[sflag:s11] =	ssyncadd.s32 $0xFFFF8300  }
.Ltmp1:
0x3a: {  	[bflag:$0x0] =	sbarrier.arrive $0xFFFF;
	(pc) =	sbr.rel @p0 .LBB2_1-.Ltmp1, $4  }
0x3b: {  	[hbm:s6], [sflag:s5] =	dma.local [spmem:s10], $0x9C4  }
0x3c: {  	_ =	swait.ge [sflag:s11], $0x9C4  }
0x3d: {  	[sflag:s11] =	ssyncset.done $0x0  }
0x3e: {  	[sflag:s11] =	ssyncadd.s32 $0xFFFFF63C  }
0x3f: {  	_ =	sfence.sel $0x180000  }
0x40: {  	[bflag:$0x0] =	sbarrier.arrive $0xFFFF  }
0x41: {  	p0 =	sne.s32 s0, $0x0;
	_ =	strace $0x90000050  }
0x42: {  	s0 =	sadd.s32 @!p0 $0x100000, s1;
	[bflag:$0x2] =	sbarrier.arrive $0xFFFF  }
0x43: {  	[sflag:s0] =	ssyncadd.tile.s32 @!p0 $0x1;
	_ =	shalt  }
.Lfunc_end2:
_tile_overlayer_lowered:
.L_overlay_start_2:
0x44: {  	(tag) =	ssettag $0x2  }
0x45: {  	s0 =	rddreg [dreg:$0x0];
	s2 =	stileid.u32  }
0x46: {  	s1 =	rddreg [dreg:$0x1];
	p0 =	sne.s32 s2, $0x0  }
0x47: {  	s3 =	rddreg [dreg:$0x2];
	[bflag:$0x3] =	sbarrier.arrive $0xFFFF;
	s2 =	simm.s32 @!p0 $0x1C01  }
0x48: {  	[timem:s3], [sflag:s2] =	dma.local @!p0 [hbm:s0], s1  }
0x49: {  	s0 =	simm.s32 @!p0 $0x1  }
0x4a: {  	_ =	swait.ge @!p0 [sflag:s0], s1  }
0x4b: {  	s1 =	ssub.s32 @!p0 $0x0, s1;
	[sflag:s0] =	ssyncset.done @!p0 $0x0  }
0x4c: {  	[sflag:s0] =	ssyncadd.s32 @!p0 s1  }
0x4d: {  	[bflag:$0x3] =	sbarrier.arrive $0xFFFF  }
0x4e: {  	_ =	shalt  }

// kernel: kernel.30.cloned.1.call-start
scs
__scs_entry_jumppad:
0x0: {  	(pc) =	sbr.rel $0x88, $3  }
0x1: {  	(tag) =	ssettag $0x0;
	lr =	simm.s32 $0x1  }
0x2: {  	[smem:$0x3F4D] =	sst lr;
	_ =	strace $0xD0000000  }
0x3: {  	_ = 	snop  }
0x4: {  	_ = 	snop  }
0x5: {  	_ = 	snop  }
0x6: {  	_ = 	snop  }
0x7: {  	_ = 	snop  }
__scs_overlays_trampoline_lowered:
0x8: {  	[smem:$0x3F5C] =	sst s0  }
0x9: {  	[smem:$0x3F5D] =	sst s1  }
0xa: {  	[smem:$0x3F5E] =	sst s2  }
0xb: {  	[smem:$0x3F5F] =	sst s3  }
0xc: {  	[smem:$0x3F60] =	sst s4  }
0xd: {  	[smem:$0x3F61] =	sst s5  }
0xe: {  	[smem:$0x3F62] =	sst s6  }
0xf: {  	[smem:$0x3F63] =	sst s7  }
0x10: {  	[smem:$0x3F64] =	sst s8  }
0x11: {  	[smem:$0x3F65] =	sst s9;
	s0 =	simm.s32 @!p0 $0x0  }
0x12: {  	s1 =	sld [smem:$0x3F4B];
	s0 =	simm.s32 @p0 $0x1  }
0x13: {  	[smem:$0x3F66] =	sst s0;
	s0 =	simm.s32 @!p1 $0x0  }
0x14: {  	s2 =	sld [smem:$0x3F4A];
	s0 =	simm.s32 @p1 $0x1  }
0x15: {  	[smem:$0x3F67] =	sst s0;
	s0 =	simm.s32 @!p2 $0x0  }
0x16: {  	s3 =	sld [smem:$0x3FDB];
	s0 =	simm.s32 @p2 $0x1  }
0x17: {  	s4 =	simm.s32 $0x1BF5;
	[smem:$0x3F69] =	sst s0  }
0x18: {  	s0 =	sld [smem:$0x3F4C];
	_ =	swait.ge [sflag:s4], $0x0  }
0x19: {  	s7 =	sld [smem:$0x3F4D]  }
0x1a: {  	s8 =	sadd.s32 $0xFFFFE003, lr  }
0x1b: {  	s9 =	sadd.s32 $0xFFFFFEF7, lr;
	s5 =	simm.s32 $0xFFFFFFFF;
	p2 =	slt.u32 s8, $0xFFFFF086  }
0x1c: {  	p1 =	slt.u32 s9, $0xF7A;
	s5 =	simm.s32 @!p2 $0x0  }
0x1d: {  	s5 =	simm.s32 @p1 $0x1;
	p0 =	seq.s32 s7, s2  }
0x1e: {  	s7 =	smul.u32 @!p0 $0xF7A, s2;
	p2 =	seq.s32 @!p0 s5, $0x0  }
0x1f: {  	s9 =	smul.u32 $0xF7A, s1;
	s8 =	simm.s32 @!p0 $0x1BF5;
	p2 =	por !p2, p0  }
0x20: {  	[sflag:s8] =	ssyncset.s32 @!p0 $0xFFFFF086;
	s6 =	sadd.s32 @!p0 s3, s7;
	s7 =	simm.s32 @!p0 $0x108  }
0x21: {  	s3 =	sadd.s32 s3, s9;
	s6 =	sadd.s32 @!p0 $0x88, s6;
	s7 =	simm.s32 @p2 $0x1082  }
0x22: {  	[simem:s7], [sflag:s8] =	dma.local @!p0 [hbm:s6], $0xF7A  }
0x23: {  	s9 =	sor.u32 $0xD0000000, s2;
	s6 =	simm.s32 $0x108;
	_ =	swait.ge @!p0 [sflag:s8], $0x0  }
0x24: {  	s3 =	sadd.s32 $0x88, s3;
	s6 =	simm.s32 @!p1 $0x1082;
	[sflag:s4] =	ssyncset.s32 $0xFFFFF086  }
0x25: {  	[simem:s6], [sflag:s4] =	dma.local [hbm:s3], $0xF7A  }
0x26: {  	[smem:$0x3F4D] =	sst s1;
	(tag) =	ssettag s2;
	_ =	strace s9  }
0x27: {  	s1 =	sld [smem:$0x3F5D]  }
0x28: {  	s2 =	sld [smem:$0x3F5E]  }
0x29: {  	s4 =	sld [smem:$0x3F60]  }
0x2a: {  	p0 =	seq.s32 s5, $0x0;
	s5 =	sld [smem:$0x3F61]  }
0x2b: {  	s6 =	sld [smem:$0x3F62]  }
0x2c: {  	s7 =	sld [smem:$0x3F63]  }
0x2d: {  	s3 =	simm.s32 $0x108;
	s8 =	sld [smem:$0x3F64]  }
0x2e: {  	s3 =	simm.s32 @!p0 $0x1082;
	s9 =	sld [smem:$0x3F65]  }
0x2f: {  	lr =	sadd.s32 s0, s3;
	s0 =	sld [smem:$0x3F5C]  }
0x30: {  	s3 =	sld [smem:$0x3F5F]  }
0x31: {  	[smem:$0x3F68] =	sst s10  }
0x32: {  	s10 =	sld [smem:$0x3F66];
	_ =	sdelay $0x3  }
0x33: {  	p0 =	seq.s32 s10, $0x1;
	s10 =	sld [smem:$0x3F68];
	_ =	sdelay $0x3  }
0x34: {  	[smem:$0x3F68] =	sst s10  }
0x35: {  	s10 =	sld [smem:$0x3F67];
	_ =	sdelay $0x3  }
0x36: {  	p1 =	seq.s32 s10, $0x1;
	s10 =	sld [smem:$0x3F68];
	_ =	sdelay $0x3  }
0x37: {  	[smem:$0x3F68] =	sst s10  }
0x38: {  	s10 =	sld [smem:$0x3F69]  }
0x39: {  	_ = 	snop;
	(pc) =	sbr.ind lr, $3  }
0x3a: {  	_ = 	snop  }
0x3b: {  	_ = 	snop  }
0x3c: {  	p2 =	seq.s32 s10, $0x1;
	s10 =	sld [smem:$0x3F68]  }
0x3d: {  	_ =	shalt  }
0x3e: {  	_ =	shalt  }
0x3f: {  	_ =	shalt  }
0x40: {  	_ =	shalt  }
0x41: {  	_ =	shalt  }
0x42: {  	_ =	shalt  }
0x43: {  	_ =	shalt  }
0x44: {  	_ =	shalt  }
0x45: {  	_ =	shalt  }
0x46: {  	_ =	shalt  }
0x47: {  	_ =	shalt  }
0x48: {  	_ =	shalt  }
0x49: {  	_ =	shalt  }
0x4a: {  	_ =	shalt  }
0x4b: {  	_ =	shalt  }
0x4c: {  	_ =	shalt  }
0x4d: {  	_ =	shalt  }
0x4e: {  	_ =	shalt  }
0x4f: {  	_ =	shalt  }
0x50: {  	_ =	shalt  }
0x51: {  	_ =	shalt  }
0x52: {  	_ =	shalt  }
0x53: {  	_ =	shalt  }
0x54: {  	_ =	shalt  }
0x55: {  	_ =	shalt  }
0x56: {  	_ =	shalt  }
0x57: {  	_ =	shalt  }
0x58: {  	_ =	shalt  }
0x59: {  	_ =	shalt  }
0x5a: {  	_ =	shalt  }
0x5b: {  	_ =	shalt  }
0x5c: {  	_ =	shalt  }
0x5d: {  	_ =	shalt  }
0x5e: {  	_ =	shalt  }
0x5f: {  	_ =	shalt  }
0x60: {  	_ =	shalt  }
0x61: {  	_ =	shalt  }
0x62: {  	_ =	shalt  }
0x63: {  	_ =	shalt  }
0x64: {  	_ =	shalt  }
0x65: {  	_ =	shalt  }
0x66: {  	_ =	shalt  }
0x67: {  	_ =	shalt  }
0x68: {  	_ =	shalt  }
0x69: {  	_ =	shalt  }
0x6a: {  	_ =	shalt  }
0x6b: {  	_ =	shalt  }
0x6c: {  	_ =	shalt  }
0x6d: {  	_ =	shalt  }
0x6e: {  	_ =	shalt  }
0x6f: {  	_ =	shalt  }
0x70: {  	_ =	shalt  }
0x71: {  	_ =	shalt  }
0x72: {  	_ =	shalt  }
0x73: {  	_ =	shalt  }
0x74: {  	_ =	shalt  }
0x75: {  	_ =	shalt  }
0x76: {  	_ =	shalt  }
0x77: {  	_ =	shalt  }
0x78: {  	_ =	shalt  }
0x79: {  	_ =	shalt  }
0x7a: {  	_ =	shalt  }
0x7b: {  	_ =	shalt  }
0x7c: {  	_ =	shalt  }
0x7d: {  	_ =	shalt  }
0x7e: {  	_ =	shalt  }
0x7f: {  	_ =	shalt  }
0x80: {  	_ =	shalt  }
0x81: {  	_ =	shalt  }
0x82: {  	_ =	shalt  }
0x83: {  	_ =	shalt  }
0x84: {  	_ =	shalt  }
0x85: {  	_ =	shalt  }
0x86: {  	_ =	shalt  }
0x87: {  	_ =	shalt  }
.Lfunc_end0:
.L_simem_size_0:
called_computation.4_lowered:
.L_overlay_start_0:
0x88: {  	s2 =	sld [smem:$0x3FD9]  }
0x89: {  	s3 =	sld [smem:$0x3FFE];
	_ =	sdelay $0x1  }
0x8a: {  	s1 =	srdreg.scid  }
0x8b: {  	s0 =	sand.u32 $0x1, s1  }
0x8c: {  	s16 =	sshll.u32 s0, $0xA;
	s2 =	sadd.s32 s3, s2  }
0x8d: {  	s2 =	sadd.s32 s2, s16  }
0x8e: {  	[smem:$0x3F74] =	sst s2  }
0x8f: {  	_ = 	snop  }
0x90: {  	(tm) =	ssettm $0x1  }
0x91: {  	s17 =	sld [smem:$0x3FFB];
	_ =	sdelay $0x3  }
0x92: {  	_ =	strace s17  }
0x93: {  	s2 =	sld [smem:$0x3FFC];
	_ =	sdelay $0x3  }
0x94: {  	_ =	strace s2  }
0x95: {  	s2 =	sld [smem:$0x3FFD];
	_ =	sdelay $0x3  }
0x96: {  	_ =	strace s2  }
0x97: {  	_ =	strace $0x8FFFFFFF  }
0x98: {  	s18 =	sld [smem:$0x3FDB];
	_ =	sdelay $0x1  }
0x99: {  	s19 =	simm.s32 $_scs_section_size  }
0x9a: {  	s4 =	simm.s32 $_size__tile_overlayer_lowered;
	s5 =	simm.s32 $_tile_overlayer_lowered  }
0x9b: {  	s22 =	simm.s32 $0x1BFF;
	s21 =	sshll.u32 s5, $0x1;
	s2 =	sadd.s32 s19, s18  }
0x9c: {  	s6 =	simm.s32 $0x0;
	s20 =	sshll.u32 s4, $0x1;
	s4 =	sadd.s32 s21, s2  }
0x9d: {  	[timem:s6], [sflag:s22] =	dma.local [hbm:s4], s20  }
0x9e: {  	_ =	swait.ge [sflag:s22], s20  }
0x9f: {  	s3 =	ssub.s32 $0x0, s20;
	[sflag:s22] =	ssyncset.done $0x0  }
0xa0: {  	[sflag:s22] =	ssyncadd.s32 s3;
	_ =	sdelay $0x1  }
0xa1: {  	s23 =	simm.s32 $0x1B8B  }
0xa2: {  	_ =	swait.ge [sflag:s23], $0x1  }
0xa3: {  	[sflag:s23] =	ssyncset.done $0x0  }
0xa4: {  	s25 =	simm.s32 $0x1B8E;
	s24 =	sld [smem:$0x3FFE];
	[sflag:s23] =	ssyncadd.s32 $0xFFFFFFFF  }
0xa5: {  	s26 =	simm.s32 $execute0_lowered;
	[smem:$0x3FD2] =	sst s25  }
0xa6: {  	s4 =	sshll.u32 s26, $0x1;
	_ =	strace $0x80000052;
	[dreg:$0x1] =	wrdreg $0xFFFFFFFF  }
0xa7: {  	s28 =	simm.s32 $_size_execute0_lowered;
	s2 =	sadd.s32 s2, s4;
	[dreg:$0x0] =	wrdreg $0x0  }
0xa8: {  	s4 =	sshll.u32 s28, $0x1;
	[dreg:$0x2] =	wrdreg s2  }
0xa9: {  	[dreg:$0x3] =	wrdreg s4  }
0xaa: {  	[dreg:$0x4] =	wrdreg $0xC0  }
0xab: {  	_ =	task [dreg:s6], $0x5FFFF  }
0xac: {  	[dreg:$0x1] =	wrdreg $0xFFFFFFFF  }
0xad: {  	[dreg:$0x0] =	wrdreg $0x60  }
0xae: {  	[dreg:$0x2] =	wrdreg s24  }
0xaf: {  	[dreg:$0x3] =	wrdreg $0x9  }
0xb0: {  	_ =	task.clear_ibuf [dreg:s6], $0x4FFFF;
	_ =	strace $0x90000052  }
0xb1: {  	s29 =	simm.s32 $0x9;
	_ =	strace $0x80000054  }
0xb2: {  	_ =	swait.ge [sflag:s29], $0x1  }
0xb3: {  	[sflag:s29] =	ssyncadd.s32 $0xFFFFFFFF  }
0xb4: {  	_ =	strace $0x90000054  }
0xb5: {  	_ =	sfence  }
0xb6: {  	s30 =	sld [smem:$0x0];
	_ =	sdelay $0x2  }
0xb7: {  	s31 =	sshll.u32 s1, $0xD;
	s1 =	sshrl.u32 s1, $0x2  }
0xb8: {  	s3 =	sand.u32 $0x4000, s31;
	s1 =	sadd.s32 s1, s30  }
0xb9: {  	s0 =	sor.u32 s3, s0;
	s1 =	sshll.u32 s1, $0x11  }
0xba: {  	s0 =	sor.u32 s1, s0  }
0xbb: {  	s0 =	sadd.s32 $0x8F2B, s0  }
0xbc: {  	[sflag:s0] =	ssyncadd.remote.s32 $0x1  }
0xbd: {  	_ =	sfence.sel $0xFFFF  }
0xbe: {  	[dreg:$0x0] =	wrdreg $0xFFFFFFFF;
	(pc) =	sbr.abs _section_cstart, $3  }
0xbf: {  	[dreg:$0x1] =	wrdreg $0xFFFFFFFF  }
0xc0: {  	_ =	task.clear_ibuf [dreg:s6], $0x2FFFF;
	_ =	strace $0x9FFFFFFF  }
0xc1: {  	(tm) =	ssettm $0x7FFFFFFF  }
tec
execute0_lowered:
.L_overlay_start_1:
0x0: {  	(tag) =	ssettag $0x1  }
0x1: {  	s4 =	rddreg [dreg:$0x0]  }
0x2: {  	s0 =	rddreg [dreg:$0x1];
	s3 =	srdreg.scid  }
0x3: {  	s1 =	stileid.u32;
	s2 =	simm.s32 $0x0;
	s11 =	simm.s32 $0x7D0  }
0x4: {  	s12 =	simm.s32 $0x84D0;
	s13 =	simm.s32 $0x1;
	s6 =	smul.u32 $0x4E20, s1  }
0x5: {  	s14 =	simm.s32 $0x2;
	s5 =	sand.u32 $0x1, s3;
	s8 =	smul.u32 $0x13880, s1  }
0x6: {  	s15 =	simm.s32 $0x0;
	[smem:$0x7FF] =	sst s2;
	s7 =	smul.u32 $0x2710, s5  }
0x7: {  	s3 =	sadd.s32 $0x13000, s4;
	s29 =	ssub.s32 $0x2, s5;
	s5 =	smul.u32 $0x9C40, s5  }
0x8: {  	_ =	strace $0x80000053;
	s8 =	sadd.s32 s8, s4;
	s9 =	sshrl.u32 s29, $0x1  }
0x9: {  	s6 =	sadd.s32 s7, s6;
	s30 =	ssub.s32 s29, s9;
	s31 =	sadd.s32 s5, s8  }
0xa: {  	s9 =	simm.s32 $0x3;
	s6 =	sshrl.u32 s6, $0x3;
	s5 =	sadd.s32 $0x57C00, s31  }
0xb: {  	s10 =	sadd.s32 s6, s4;
	s4 =	smax.u32 s30, $0x1;
	s6 =	sadd.s32 $0x2D9A00, s31  }
0xc: {  	s7 =	sadd.s32 $0x4DE00, s10;
	s8 =	sadd.s32 $0x44000, s10;
	s10 =	simm.s32 $0x3E8  }
.LBB2_1:
0xd: {  	s16 =	sadd.s32 $0x0, s8  }
0xe: {  	[tilespmem:s2], [sflag:$0x3] =	stream.linear.gather [hbm4b:s16+s2], $0x3E8, $0x38;
	[tilespmem:$0x101D0] =	vst v63  }
0xf: {  	_ =	swait.ge [sflag:s9], $0x3E8  }
0x10: {  	[sflag:s9] =	ssyncset.done $0x0  }
0x11: {  	s31 =	sadd.s32 $0x0, s7;
	[sflag:s9] =	ssyncadd.s32 $0xFFFFFC18  }
0x12: {  	[tilespmem:s10], [sflag:$0x3] =	stream.linear.gather [hbm4b:s31+s2], $0x3E8, $0x38;
	[tilespmem:$0x101D0] =	vst v63  }
0x13: {  	_ =	swait.ge [sflag:s9], $0x3E8  }
0x14: {  	[sflag:s9] =	ssyncset.done $0x0  }
0x15: {  	[sflag:s9] =	ssyncadd.s32 $0xFFFFFC18  }
0x16: {  	[tilespmem:s11], [sflag:$0x1] =	stream.indirect.gather [hbm4b:s3+s10], $0x20, s2, s10, $0xb8;
	[tilespmem:$0x101D0] =	vst v63  }
0x17: {  	_ = 	snop  }
0x18: {  	[tilespmem:s12], [sflag:$0x2] =	stream.indirect.gather [hbm4b:s3+s10], $0x20, s10, s10, $0xb8;
	[tilespmem:$0x101D0] =	vst v63  }
0x19: {  	_ =	swait.ge [sflag:s13], $0x7D00  }
0x1a: {  	[sflag:s13] =	ssyncset.done $0x0  }
0x1b: {  	[sflag:s13] =	ssyncadd.s32 $0xFFFF8300  }
0x1c: {  	_ =	swait.ge [sflag:s14], $0x7D00  }
0x1d: {  	[sflag:s14] =	ssyncset.done $0x0  }
0x1e: {  	[sflag:s14] =	ssyncadd.s32 $0xFFFF8300  }
0x1f: {  	[hbm4b:s6+s2] =	stream.linear.scatter [tilespmem:s11], [sflag:$0x3], $0x7D00, $0x38;
	[tilespmem:$0x101D0] =	vst v63  }
0x20: {  	_ =	swait.ge [sflag:s9], $0x7D00  }
0x21: {  	[sflag:s9] =	ssyncset.done $0x0  }
0x22: {  	[sflag:s9] =	ssyncadd.s32 $0xFFFF8300  }
0x23: {  	[hbm4b:s5+s2] =	stream.linear.scatter [tilespmem:s12], [sflag:$0x3], $0x7D00, $0x38;
	[tilespmem:$0x101D0] =	vst v63  }
0x24: {  	s18 =	simm.s32 $0x7D;
	s19 =	simm.s32 $0xFA;
	_ =	swait.ge [sflag:s9], $0x7D00  }
0x25: {  	s17 =	sadd.s32 $0xFA0, s6;
	s16 =	sadd.s32 $0xFA0, s5;
	[sflag:s9] =	ssyncset.done $0x0  }
.LBB2_2:
0x26: {  	s20 =	sadd.s32 s18, s8  }
0x27: {  	[sflag:s9] =	ssyncadd.s32 $0xFFFF8300;
	s21 =	smov.u32 s19;
	s22 =	sadd.s32 $0x7D, s19  }
0x28: {  	[tilespmem:s2], [sflag:$0x3] =	stream.linear.gather [hbm4b:s20+s2], $0x3E8, $0x38;
	[tilespmem:$0x101D0] =	vst v63  }
0x29: {  	p0 =	sne.s32 s19, $0x465;
	_ =	swait.ge [sflag:s9], $0x3E8  }
0x2a: {  	[sflag:s9] =	ssyncset.done $0x0  }
0x2b: {  	s19 =	sadd.s32 s18, s7;
	s18 =	smov.u32 s21;
	[sflag:s9] =	ssyncadd.s32 $0xFFFFFC18  }
0x2c: {  	[tilespmem:s10], [sflag:$0x3] =	stream.linear.gather [hbm4b:s19+s2], $0x3E8, $0x38;
	[tilespmem:$0x101D0] =	vst v63  }
0x2d: {  	_ =	swait.ge [sflag:s9], $0x3E8  }
0x2e: {  	[sflag:s9] =	ssyncset.done $0x0  }
0x2f: {  	[sflag:s9] =	ssyncadd.s32 $0xFFFFFC18  }
0x30: {  	[tilespmem:s11], [sflag:$0x1] =	stream.indirect.gather [hbm4b:s3+s10], $0x20, s2, s10, $0xb8;
	[tilespmem:$0x101D0] =	vst v63  }
0x31: {  	_ = 	snop  }
0x32: {  	[tilespmem:s12], [sflag:$0x2] =	stream.indirect.gather [hbm4b:s3+s10], $0x20, s10, s10, $0xb8;
	[tilespmem:$0x101D0] =	vst v63  }
0x33: {  	_ =	swait.ge [sflag:s13], $0x7D00  }
0x34: {  	[sflag:s13] =	ssyncset.done $0x0  }
0x35: {  	[sflag:s13] =	ssyncadd.s32 $0xFFFF8300  }
0x36: {  	_ =	swait.ge [sflag:s14], $0x7D00  }
0x37: {  	[sflag:s14] =	ssyncset.done $0x0  }
0x38: {  	[sflag:s14] =	ssyncadd.s32 $0xFFFF8300  }
0x39: {  	[hbm4b:s17+s2] =	stream.linear.scatter [tilespmem:s11], [sflag:$0x3], $0x7D00, $0x38;
	[tilespmem:$0x101D0] =	vst v63  }
0x3a: {  	_ =	swait.ge [sflag:s9], $0x7D00  }
.Ltmp0:
0x3b: {  	[sflag:s9] =	ssyncset.done $0x0;
	(pc) =	sbr.rel @p0 .LBB2_2-.Ltmp0, $4  }
0x3c: {  	[sflag:s9] =	ssyncadd.s32 $0xFFFF8300  }
0x3d: {  	[hbm4b:s16+s2] =	stream.linear.scatter [tilespmem:s12], [sflag:$0x3], $0x7D00, $0x38;
	[tilespmem:$0x101D0] =	vst v63  }
0x3e: {  	s19 =	smov.u32 s22;
	_ =	swait.ge [sflag:s9], $0x7D00  }
0x3f: {  	s17 =	sadd.s32 $0xFA0, s17;
	s16 =	sadd.s32 $0xFA0, s16;
	[sflag:s9] =	ssyncset.done $0x0  }
0x40: {  	s19 =	sadd.s32 s18, s8;
	[sflag:s9] =	ssyncadd.s32 $0xFFFF8300  }
0x41: {  	[tilespmem:s2], [sflag:$0x3] =	stream.linear.gather [hbm4b:s19+s2], $0x3E8, $0x38;
	[tilespmem:$0x101D0] =	vst v63  }
0x42: {  	_ =	swait.ge [sflag:s9], $0x3E8  }
0x43: {  	[sflag:s9] =	ssyncset.done $0x0  }
0x44: {  	s31 =	sadd.s32 s18, s7;
	[sflag:s9] =	ssyncadd.s32 $0xFFFFFC18  }
0x45: {  	[tilespmem:s10], [sflag:$0x3] =	stream.linear.gather [hbm4b:s31+s2], $0x3E8, $0x38;
	[tilespmem:$0x101D0] =	vst v63  }
0x46: {  	_ =	swait.ge [sflag:s9], $0x3E8  }
0x47: {  	[sflag:s9] =	ssyncset.done $0x0  }
0x48: {  	[sflag:s9] =	ssyncadd.s32 $0xFFFFFC18  }
0x49: {  	[tilespmem:s11], [sflag:$0x1] =	stream.indirect.gather [hbm4b:s3+s10], $0x20, s2, s10, $0xb8;
	[tilespmem:$0x101D0] =	vst v63  }
0x4a: {  	_ = 	snop  }
0x4b: {  	[tilespmem:s12], [sflag:$0x2] =	stream.indirect.gather [hbm4b:s3+s10], $0x20, s10, s10, $0xb8;
	[tilespmem:$0x101D0] =	vst v63  }
0x4c: {  	_ =	swait.ge [sflag:s13], $0x7D00  }
0x4d: {  	[sflag:s13] =	ssyncset.done $0x0  }
0x4e: {  	[sflag:s13] =	ssyncadd.s32 $0xFFFF8300  }
0x4f: {  	_ =	swait.ge [sflag:s14], $0x7D00  }
0x50: {  	[sflag:s14] =	ssyncset.done $0x0  }
0x51: {  	[sflag:s14] =	ssyncadd.s32 $0xFFFF8300  }
0x52: {  	[hbm4b:s17+s2] =	stream.linear.scatter [tilespmem:s11], [sflag:$0x3], $0x7D00, $0x38;
	[tilespmem:$0x101D0] =	vst v63  }
0x53: {  	s15 =	sadd.s32 $0x1, s15;
	_ =	swait.ge [sflag:s9], $0x7D00  }
0x54: {  	p0 =	sne.s32 s15, s4;
	[sflag:s9] =	ssyncset.done $0x0  }
.Ltmp1:
0x55: {  	[sflag:s9] =	ssyncadd.s32 $0xFFFF8300;
	(pc) =	sbr.rel @p0 .LBB2_1-.Ltmp1, $4  }
0x56: {  	[hbm4b:s16+s2] =	stream.linear.scatter [tilespmem:s12], [sflag:$0x3], $0x7D00, $0x38;
	[tilespmem:$0x101D0] =	vst v63  }
0x57: {  	_ =	swait.ge [sflag:s9], $0x7D00  }
0x58: {  	[sflag:s9] =	ssyncset.done $0x0  }
0x59: {  	[sflag:s9] =	ssyncadd.s32 $0xFFFF8300  }
0x5a: {  	_ =	sfence.sel $0x180000  }
0x5b: {  	[bflag:$0x0] =	sbarrier.arrive $0xFFFF  }
0x5c: {  	p0 =	sne.s32 s1, $0x0;
	_ =	strace $0x90000053  }
0x5d: {  	s0 =	sadd.s32 @!p0 $0x100000, s0;
	[bflag:$0x2] =	sbarrier.arrive $0xFFFF  }
0x5e: {  	[sflag:s0] =	ssyncadd.tile.s32 @!p0 $0x1;
	_ =	shalt  }
.Lfunc_end2:
_tile_overlayer_lowered:
.L_overlay_start_2:
0x5f: {  	(tag) =	ssettag $0x2  }
0x60: {  	s0 =	rddreg [dreg:$0x0];
	s2 =	stileid.u32  }
0x61: {  	s1 =	rddreg [dreg:$0x1];
	p0 =	sne.s32 s2, $0x0  }
0x62: {  	s3 =	rddreg [dreg:$0x2];
	[bflag:$0x3] =	sbarrier.arrive $0xFFFF;
	s2 =	simm.s32 @!p0 $0x1C03  }
0x63: {  	[timem:s3], [sflag:s2] =	dma.local @!p0 [hbm:s0], s1  }
0x64: {  	s0 =	simm.s32 @!p0 $0x3  }
0x65: {  	_ =	swait.ge @!p0 [sflag:s0], s1  }
0x66: {  	s1 =	ssub.s32 @!p0 $0x0, s1;
	[sflag:s0] =	ssyncset.done @!p0 $0x0  }
0x67: {  	[sflag:s0] =	ssyncadd.s32 @!p0 s1  }
0x68: {  	[bflag:$0x3] =	sbarrier.arrive $0xFFFF  }
0x69: {  	_ =	shalt  }

// kernel: kernel.33.cloned.1.call-start
scs
__scs_entry_jumppad:
0x0: {  	(pc) =	sbr.rel $0x88, $3  }
0x1: {  	(tag) =	ssettag $0x0;
	lr =	simm.s32 $0x1  }
0x2: {  	[smem:$0x3F4D] =	sst lr;
	_ =	strace $0xD0000000  }
0x3: {  	_ = 	snop  }
0x4: {  	_ = 	snop  }
0x5: {  	_ = 	snop  }
0x6: {  	_ = 	snop  }
0x7: {  	_ = 	snop  }
__scs_overlays_trampoline_lowered:
0x8: {  	[smem:$0x3F5C] =	sst s0  }
0x9: {  	[smem:$0x3F5D] =	sst s1  }
0xa: {  	[smem:$0x3F5E] =	sst s2  }
0xb: {  	[smem:$0x3F5F] =	sst s3  }
0xc: {  	[smem:$0x3F60] =	sst s4  }
0xd: {  	[smem:$0x3F61] =	sst s5  }
0xe: {  	[smem:$0x3F62] =	sst s6  }
0xf: {  	[smem:$0x3F63] =	sst s7  }
0x10: {  	[smem:$0x3F64] =	sst s8  }
0x11: {  	[smem:$0x3F65] =	sst s9;
	s0 =	simm.s32 @!p0 $0x0  }
0x12: {  	s1 =	sld [smem:$0x3F4B];
	s0 =	simm.s32 @p0 $0x1  }
0x13: {  	[smem:$0x3F66] =	sst s0;
	s0 =	simm.s32 @!p1 $0x0  }
0x14: {  	s2 =	sld [smem:$0x3F4A];
	s0 =	simm.s32 @p1 $0x1  }
0x15: {  	[smem:$0x3F67] =	sst s0;
	s0 =	simm.s32 @!p2 $0x0  }
0x16: {  	s3 =	sld [smem:$0x3FDB];
	s0 =	simm.s32 @p2 $0x1  }
0x17: {  	s4 =	simm.s32 $0x1BF5;
	[smem:$0x3F69] =	sst s0  }
0x18: {  	s0 =	sld [smem:$0x3F4C];
	_ =	swait.ge [sflag:s4], $0x0  }
0x19: {  	s7 =	sld [smem:$0x3F4D]  }
0x1a: {  	s8 =	sadd.s32 $0xFFFFE003, lr  }
0x1b: {  	s9 =	sadd.s32 $0xFFFFFEF7, lr;
	s5 =	simm.s32 $0xFFFFFFFF;
	p2 =	slt.u32 s8, $0xFFFFF086  }
0x1c: {  	p1 =	slt.u32 s9, $0xF7A;
	s5 =	simm.s32 @!p2 $0x0  }
0x1d: {  	s5 =	simm.s32 @p1 $0x1;
	p0 =	seq.s32 s7, s2  }
0x1e: {  	s7 =	smul.u32 @!p0 $0xF7A, s2;
	p2 =	seq.s32 @!p0 s5, $0x0  }
0x1f: {  	s9 =	smul.u32 $0xF7A, s1;
	s8 =	simm.s32 @!p0 $0x1BF5;
	p2 =	por !p2, p0  }
0x20: {  	[sflag:s8] =	ssyncset.s32 @!p0 $0xFFFFF086;
	s6 =	sadd.s32 @!p0 s3, s7;
	s7 =	simm.s32 @!p0 $0x108  }
0x21: {  	s3 =	sadd.s32 s3, s9;
	s6 =	sadd.s32 @!p0 $0x88, s6;
	s7 =	simm.s32 @p2 $0x1082  }
0x22: {  	[simem:s7], [sflag:s8] =	dma.local @!p0 [hbm:s6], $0xF7A  }
0x23: {  	s9 =	sor.u32 $0xD0000000, s2;
	s6 =	simm.s32 $0x108;
	_ =	swait.ge @!p0 [sflag:s8], $0x0  }
0x24: {  	s3 =	sadd.s32 $0x88, s3;
	s6 =	simm.s32 @!p1 $0x1082;
	[sflag:s4] =	ssyncset.s32 $0xFFFFF086  }
0x25: {  	[simem:s6], [sflag:s4] =	dma.local [hbm:s3], $0xF7A  }
0x26: {  	[smem:$0x3F4D] =	sst s1;
	(tag) =	ssettag s2;
	_ =	strace s9  }
0x27: {  	s1 =	sld [smem:$0x3F5D]  }
0x28: {  	s2 =	sld [smem:$0x3F5E]  }
0x29: {  	s4 =	sld [smem:$0x3F60]  }
0x2a: {  	p0 =	seq.s32 s5, $0x0;
	s5 =	sld [smem:$0x3F61]  }
0x2b: {  	s6 =	sld [smem:$0x3F62]  }
0x2c: {  	s7 =	sld [smem:$0x3F63]  }
0x2d: {  	s3 =	simm.s32 $0x108;
	s8 =	sld [smem:$0x3F64]  }
0x2e: {  	s3 =	simm.s32 @!p0 $0x1082;
	s9 =	sld [smem:$0x3F65]  }
0x2f: {  	lr =	sadd.s32 s0, s3;
	s0 =	sld [smem:$0x3F5C]  }
0x30: {  	s3 =	sld [smem:$0x3F5F]  }
0x31: {  	[smem:$0x3F68] =	sst s10  }
0x32: {  	s10 =	sld [smem:$0x3F66];
	_ =	sdelay $0x3  }
0x33: {  	p0 =	seq.s32 s10, $0x1;
	s10 =	sld [smem:$0x3F68];
	_ =	sdelay $0x3  }
0x34: {  	[smem:$0x3F68] =	sst s10  }
0x35: {  	s10 =	sld [smem:$0x3F67];
	_ =	sdelay $0x3  }
0x36: {  	p1 =	seq.s32 s10, $0x1;
	s10 =	sld [smem:$0x3F68];
	_ =	sdelay $0x3  }
0x37: {  	[smem:$0x3F68] =	sst s10  }
0x38: {  	s10 =	sld [smem:$0x3F69]  }
0x39: {  	_ = 	snop;
	(pc) =	sbr.ind lr, $3  }
0x3a: {  	_ = 	snop  }
0x3b: {  	_ = 	snop  }
0x3c: {  	p2 =	seq.s32 s10, $0x1;
	s10 =	sld [smem:$0x3F68]  }
0x3d: {  	_ =	shalt  }
0x3e: {  	_ =	shalt  }
0x3f: {  	_ =	shalt  }
0x40: {  	_ =	shalt  }
0x41: {  	_ =	shalt  }
0x42: {  	_ =	shalt  }
0x43: {  	_ =	shalt  }
0x44: {  	_ =	shalt  }
0x45: {  	_ =	shalt  }
0x46: {  	_ =	shalt  }
0x47: {  	_ =	shalt  }
0x48: {  	_ =	shalt  }
0x49: {  	_ =	shalt  }
0x4a: {  	_ =	shalt  }
0x4b: {  	_ =	shalt  }
0x4c: {  	_ =	shalt  }
0x4d: {  	_ =	shalt  }
0x4e: {  	_ =	shalt  }
0x4f: {  	_ =	shalt  }
0x50: {  	_ =	shalt  }
0x51: {  	_ =	shalt  }
0x52: {  	_ =	shalt  }
0x53: {  	_ =	shalt  }
0x54: {  	_ =	shalt  }
0x55: {  	_ =	shalt  }
0x56: {  	_ =	shalt  }
0x57: {  	_ =	shalt  }
0x58: {  	_ =	shalt  }
0x59: {  	_ =	shalt  }
0x5a: {  	_ =	shalt  }
0x5b: {  	_ =	shalt  }
0x5c: {  	_ =	shalt  }
0x5d: {  	_ =	shalt  }
0x5e: {  	_ =	shalt  }
0x5f: {  	_ =	shalt  }
0x60: {  	_ =	shalt  }
0x61: {  	_ =	shalt  }
0x62: {  	_ =	shalt  }
0x63: {  	_ =	shalt  }
0x64: {  	_ =	shalt  }
0x65: {  	_ =	shalt  }
0x66: {  	_ =	shalt  }
0x67: {  	_ =	shalt  }
0x68: {  	_ =	shalt  }
0x69: {  	_ =	shalt  }
0x6a: {  	_ =	shalt  }
0x6b: {  	_ =	shalt  }
0x6c: {  	_ =	shalt  }
0x6d: {  	_ =	shalt  }
0x6e: {  	_ =	shalt  }
0x6f: {  	_ =	shalt  }
0x70: {  	_ =	shalt  }
0x71: {  	_ =	shalt  }
0x72: {  	_ =	shalt  }
0x73: {  	_ =	shalt  }
0x74: {  	_ =	shalt  }
0x75: {  	_ =	shalt  }
0x76: {  	_ =	shalt  }
0x77: {  	_ =	shalt  }
0x78: {  	_ =	shalt  }
0x79: {  	_ =	shalt  }
0x7a: {  	_ =	shalt  }
0x7b: {  	_ =	shalt  }
0x7c: {  	_ =	shalt  }
0x7d: {  	_ =	shalt  }
0x7e: {  	_ =	shalt  }
0x7f: {  	_ =	shalt  }
0x80: {  	_ =	shalt  }
0x81: {  	_ =	shalt  }
0x82: {  	_ =	shalt  }
0x83: {  	_ =	shalt  }
0x84: {  	_ =	shalt  }
0x85: {  	_ =	shalt  }
0x86: {  	_ =	shalt  }
0x87: {  	_ =	shalt  }
.Lfunc_end0:
.L_simem_size_0:
called_computation.5_lowered:
.L_overlay_start_0:
0x88: {  	s2 =	sld [smem:$0x3FD9]  }
0x89: {  	s3 =	sld [smem:$0x3FFE];
	_ =	sdelay $0x1  }
0x8a: {  	s1 =	srdreg.scid  }
0x8b: {  	s0 =	sand.u32 $0x1, s1  }
0x8c: {  	s16 =	sshll.u32 s0, $0xA;
	s2 =	sadd.s32 s3, s2  }
0x8d: {  	s2 =	sadd.s32 s2, s16  }
0x8e: {  	[smem:$0x3F74] =	sst s2  }
0x8f: {  	_ = 	snop  }
0x90: {  	(tm) =	ssettm $0x1  }
0x91: {  	s17 =	sld [smem:$0x3FFB];
	_ =	sdelay $0x3  }
0x92: {  	_ =	strace s17  }
0x93: {  	s2 =	sld [smem:$0x3FFC];
	_ =	sdelay $0x3  }
0x94: {  	_ =	strace s2  }
0x95: {  	s2 =	sld [smem:$0x3FFD];
	_ =	sdelay $0x3  }
0x96: {  	_ =	strace s2  }
0x97: {  	_ =	strace $0x8FFFFFFF  }
0x98: {  	s18 =	sld [smem:$0x3FDB];
	_ =	sdelay $0x1  }
0x99: {  	s19 =	simm.s32 $_scs_section_size  }
0x9a: {  	s4 =	simm.s32 $_size__tile_overlayer_lowered;
	s5 =	simm.s32 $_tile_overlayer_lowered  }
0x9b: {  	s22 =	simm.s32 $0x1BFF;
	s21 =	sshll.u32 s5, $0x1;
	s2 =	sadd.s32 s19, s18  }
0x9c: {  	s6 =	simm.s32 $0x0;
	s20 =	sshll.u32 s4, $0x1;
	s4 =	sadd.s32 s21, s2  }
0x9d: {  	[timem:s6], [sflag:s22] =	dma.local [hbm:s4], s20  }
0x9e: {  	_ =	swait.ge [sflag:s22], s20  }
0x9f: {  	s3 =	ssub.s32 $0x0, s20;
	[sflag:s22] =	ssyncset.done $0x0  }
0xa0: {  	[sflag:s22] =	ssyncadd.s32 s3;
	_ =	sdelay $0x1  }
0xa1: {  	s23 =	simm.s32 $0x1B8B  }
0xa2: {  	_ =	swait.ge [sflag:s23], $0x1  }
0xa3: {  	[sflag:s23] =	ssyncset.done $0x0  }
0xa4: {  	s25 =	simm.s32 $0x1B8E;
	s24 =	sld [smem:$0x3FFE];
	[sflag:s23] =	ssyncadd.s32 $0xFFFFFFFF  }
0xa5: {  	s26 =	simm.s32 $execute0_lowered;
	[smem:$0x3FD2] =	sst s25  }
0xa6: {  	s4 =	sshll.u32 s26, $0x1;
	_ =	strace $0x80000055;
	[dreg:$0x1] =	wrdreg $0xFFFFFFFF  }
0xa7: {  	s28 =	simm.s32 $_size_execute0_lowered;
	s2 =	sadd.s32 s2, s4;
	[dreg:$0x0] =	wrdreg $0x0  }
0xa8: {  	s4 =	sshll.u32 s28, $0x1;
	[dreg:$0x2] =	wrdreg s2  }
0xa9: {  	[dreg:$0x3] =	wrdreg s4  }
0xaa: {  	[dreg:$0x4] =	wrdreg $0xC0  }
0xab: {  	_ =	task [dreg:s6], $0x5FFFF  }
0xac: {  	[dreg:$0x1] =	wrdreg $0xFFFFFFFF  }
0xad: {  	[dreg:$0x0] =	wrdreg $0x60  }
0xae: {  	[dreg:$0x2] =	wrdreg s24  }
0xaf: {  	[dreg:$0x3] =	wrdreg $0x80E80  }
0xb0: {  	[dreg:$0x4] =	wrdreg $0x9  }
0xb1: {  	_ =	task.clear_ibuf [dreg:s6], $0x5FFFF;
	_ =	strace $0x90000055  }
0xb2: {  	s29 =	simm.s32 $0x9;
	_ =	strace $0x80000057  }
0xb3: {  	_ =	swait.ge [sflag:s29], $0x1  }
0xb4: {  	[sflag:s29] =	ssyncadd.s32 $0xFFFFFFFF  }
0xb5: {  	_ =	strace $0x90000057  }
0xb6: {  	_ =	sfence  }
0xb7: {  	s30 =	sld [smem:$0x0];
	_ =	sdelay $0x2  }
0xb8: {  	s31 =	sshll.u32 s1, $0xD;
	s1 =	sshrl.u32 s1, $0x2  }
0xb9: {  	s3 =	sand.u32 $0x4000, s31;
	s1 =	sadd.s32 s1, s30  }
0xba: {  	s0 =	sor.u32 s3, s0;
	s1 =	sshll.u32 s1, $0x11  }
0xbb: {  	s0 =	sor.u32 s1, s0  }
0xbc: {  	s0 =	sadd.s32 $0x8F2B, s0  }
0xbd: {  	[sflag:s0] =	ssyncadd.remote.s32 $0x1  }
0xbe: {  	_ =	sfence.sel $0xFFFF  }
0xbf: {  	[dreg:$0x0] =	wrdreg $0xFFFFFFFF;
	(pc) =	sbr.abs _section_cstart, $3  }
0xc0: {  	[dreg:$0x1] =	wrdreg $0xFFFFFFFF  }
0xc1: {  	_ =	task.clear_ibuf [dreg:s6], $0x2FFFF;
	_ =	strace $0x9FFFFFFF  }
0xc2: {  	(tm) =	ssettm $0x7FFFFFFF  }
0xc3: {  	_ =	shalt  }
tec
execute0_lowered:
.L_overlay_start_1:
0x0: {  	(tag) =	ssettag $0x1  }
0x1: {  	s0 =	srdreg.scid  }
0x2: {  	s5 =	rddreg [dreg:$0x0];
	s4 =	sand.u32 $0x1, s0  }
0x3: {  	s0 =	stileid.u32;
	s6 =	smul.u32 $0x27100, s4  }
0x4: {  	s2 =	rddreg [dreg:$0x1];
	s7 =	smul.u32 $0x2710, s0  }
0x5: {  	s1 =	rddreg [dreg:$0x2];
	s3 =	simm.s32 $0x0;
	s8 =	smul.u32 $0x9C400, s4  }
0x6: {  	[smem:$0x7FF] =	sst s3;
	s26 =	smul.u32 $0x9C4, s0  }
0x7: {  	s9 =	smul.u32 $0x9C40, s4;
	_ =	strace $0x80000056;
	s29 =	ssub.s32 $0x2, s4  }
0x8: {  	s30 =	smul.u32 $0x13880, s0;
	s4 =	sadd.s32 $0x3A200, s5;
	s11 =	sshll.u32 s0, $0x6  }
0x9: {  	s12 =	smul.u32 $0x9C40, s0;
	s31 =	sshrl.u32 s29, $0x1;
	s6 =	sadd.s32 s7, s6  }
0xa: {  	s8 =	sadd.s32 s8, s5;
	s28 =	sadd.s32 s26, s9;
	s9 =	sshrl.u32 s30, $0x2  }
0xb: {  	s7 =	ssub.s32 s29, s31;
	s6 =	sshrl.u32 s6, $0x3;
	s13 =	sadd.s32 s9, s2  }
0xc: {  	s7 =	smax.u32 s7, $0x1;
	s8 =	sadd.s32 s12, s8;
	s12 =	simm.s32 $0x3E8  }
0xd: {  	s10 =	sadd.s32 s6, s5;
	s6 =	sadd.s32 s28, s5;
	s5 =	sor.u32 $0x1C01, s11  }
0xe: {  	s8 =	sadd.s32 $0x190400, s8;
	s11 =	simm.s32 $0x1;
	s6 =	sadd.s32 $0x1CE00, s6  }
0xf: {  	s9 =	sadd.s32 $0x4DE00, s10;
	s10 =	sshrl.u32 s13, $0x3;
	s13 =	simm.s32 $0x0  }
.LBB2_1:
0x10: {  	[spmem:s10], [sflag:s5] =	dma.local [hbm:s4], $0x9C4  }
0x11: {  	_ =	swait.ge [sflag:s11], $0x9C4  }
0x12: {  	[sflag:s11] =	ssyncset.done $0x0  }
0x13: {  	[sflag:s11] =	ssyncadd.s32 $0xFFFFF63C  }
0x14: {  	s14 =	sadd.s32 $0x0, s9;
	[bflag:$0x0] =	sbarrier.arrive $0xFFFF  }
0x15: {  	[tilespmem:s3], [sflag:$0x1] =	stream.linear.gather [hbm4b:s14+s3], $0x3E8, $0x38;
	[tilespmem:$0xCF08] =	vst v63  }
0x16: {  	_ =	swait.ge [sflag:s11], $0x3E8  }
0x17: {  	[sflag:s11] =	ssyncset.done $0x0  }
0x18: {  	[sflag:s11] =	ssyncadd.s32 $0xFFFFFC18  }
0x19: {  	[tilespmem:s12], [sflag:$0x1] =	stream.linear.gather [hbm4b:s8+s3], $0x7D00, $0x38;
	[tilespmem:$0xCF08] =	vst v63  }
0x1a: {  	_ =	swait.ge [sflag:s11], $0x7D00  }
0x1b: {  	[sflag:s11] =	ssyncset.done $0x0  }
0x1c: {  	[sflag:s11] =	ssyncadd.s32 $0xFFFF8300  }
0x1d: {  	[spmem:s2] =	stream.indirect.scatter.add.f32 [tilespmem:s12], [sflag:$0x1], $0x20, s3, s12, $0xb8;
	[tilespmem:$0xCF08] =	vst v63  }
0x1e: {  	s15 =	simm.s32 $0x7D;
	_ =	swait.ge [sflag:s11], $0x7D00  }
0x1f: {  	s16 =	simm.s32 $0xFA;
	s14 =	sadd.s32 $0xFA0, s8;
	[sflag:s11] =	ssyncset.done $0x0  }
.LBB2_2:
0x20: {  	s17 =	sadd.s32 s15, s9  }
0x21: {  	[sflag:s11] =	ssyncadd.s32 $0xFFFF8300;
	s15 =	smov.u32 s16;
	s18 =	sadd.s32 $0x7D, s16  }
0x22: {  	[tilespmem:s3], [sflag:$0x1] =	stream.linear.gather [hbm4b:s17+s3], $0x3E8, $0x38;
	[tilespmem:$0xCF08] =	vst v63  }
0x23: {  	p0 =	sne.s32 s16, $0x465;
	_ =	swait.ge [sflag:s11], $0x3E8  }
0x24: {  	[sflag:s11] =	ssyncset.done $0x0  }
0x25: {  	[sflag:s11] =	ssyncadd.s32 $0xFFFFFC18  }
0x26: {  	[tilespmem:s12], [sflag:$0x1] =	stream.linear.gather [hbm4b:s14+s3], $0x7D00, $0x38;
	[tilespmem:$0xCF08] =	vst v63  }
0x27: {  	_ =	swait.ge [sflag:s11], $0x7D00  }
.Ltmp0:
0x28: {  	[sflag:s11] =	ssyncset.done $0x0;
	(pc) =	sbr.rel @p0 .LBB2_2-.Ltmp0, $4  }
0x29: {  	[sflag:s11] =	ssyncadd.s32 $0xFFFF8300  }
0x2a: {  	[spmem:s2] =	stream.indirect.scatter.add.f32 [tilespmem:s12], [sflag:$0x1], $0x20, s3, s12, $0xb8;
	[tilespmem:$0xCF08] =	vst v63  }
0x2b: {  	_ =	swait.ge [sflag:s11], $0x7D00  }
0x2c: {  	s16 =	smov.u32 s18;
	s14 =	sadd.s32 $0xFA0, s14;
	[sflag:s11] =	ssyncset.done $0x0  }
0x2d: {  	s15 =	sadd.s32 s15, s9;
	[sflag:s11] =	ssyncadd.s32 $0xFFFF8300  }
0x2e: {  	[tilespmem:s3], [sflag:$0x1] =	stream.linear.gather [hbm4b:s15+s3], $0x3E8, $0x38;
	[tilespmem:$0xCF08] =	vst v63  }
0x2f: {  	_ =	swait.ge [sflag:s11], $0x3E8  }
0x30: {  	[sflag:s11] =	ssyncset.done $0x0  }
0x31: {  	[sflag:s11] =	ssyncadd.s32 $0xFFFFFC18  }
0x32: {  	[tilespmem:s12], [sflag:$0x1] =	stream.linear.gather [hbm4b:s14+s3], $0x7D00, $0x38;
	[tilespmem:$0xCF08] =	vst v63  }
0x33: {  	_ =	swait.ge [sflag:s11], $0x7D00  }
0x34: {  	[sflag:s11] =	ssyncset.done $0x0  }
0x35: {  	[sflag:s11] =	ssyncadd.s32 $0xFFFF8300  }
0x36: {  	[spmem:s2] =	stream.indirect.scatter.add.f32 [tilespmem:s12], [sflag:$0x1], $0x20, s3, s12, $0xb8;
	[tilespmem:$0xCF08] =	vst v63  }
0x37: {  	_ =	swait.ge [sflag:s11], $0x7D00  }
0x38: {  	s13 =	sadd.s32 $0x1, s13;
	[sflag:s11] =	ssyncset.done $0x0  }
0x39: {  	p0 =	sne.s32 s13, s7;
	[sflag:s11] =	ssyncadd.s32 $0xFFFF8300  }
.Ltmp1:
0x3a: {  	[bflag:$0x0] =	sbarrier.arrive $0xFFFF;
	(pc) =	sbr.rel @p0 .LBB2_1-.Ltmp1, $4  }
0x3b: {  	[hbm:s6], [sflag:s5] =	dma.local [spmem:s10], $0x9C4  }
0x3c: {  	_ =	swait.ge [sflag:s11], $0x9C4  }
0x3d: {  	[sflag:s11] =	ssyncset.done $0x0  }
0x3e: {  	[sflag:s11] =	ssyncadd.s32 $0xFFFFF63C  }
0x3f: {  	_ =	sfence.sel $0x180000  }
0x40: {  	[bflag:$0x0] =	sbarrier.arrive $0xFFFF  }
0x41: {  	p0 =	sne.s32 s0, $0x0;
	_ =	strace $0x90000056  }
0x42: {  	s0 =	sadd.s32 @!p0 $0x100000, s1;
	[bflag:$0x2] =	sbarrier.arrive $0xFFFF  }
0x43: {  	[sflag:s0] =	ssyncadd.tile.s32 @!p0 $0x1;
	_ =	shalt  }
.Lfunc_end2:
_tile_overlayer_lowered:
.L_overlay_start_2:
0x44: {  	(tag) =	ssettag $0x2  }
0x45: {  	s0 =	rddreg [dreg:$0x0];
	s2 =	stileid.u32  }
0x46: {  	s1 =	rddreg [dreg:$0x1];
	p0 =	sne.s32 s2, $0x0  }
0x47: {  	s3 =	rddreg [dreg:$0x2];
	[bflag:$0x3] =	sbarrier.arrive $0xFFFF;
	s2 =	simm.s32 @!p0 $0x1C01  }
0x48: {  	[timem:s3], [sflag:s2] =	dma.local @!p0 [hbm:s0], s1  }
0x49: {  	s0 =	simm.s32 @!p0 $0x1  }
0x4a: {  	_ =	swait.ge @!p0 [sflag:s0], s1  }
0x4b: {  	s1 =	ssub.s32 @!p0 $0x0, s1;
	[sflag:s0] =	ssyncset.done @!p0 $0x0  }
0x4c: {  	[sflag:s0] =	ssyncadd.s32 @!p0 s1  }
0x4d: {  	[bflag:$0x3] =	sbarrier.arrive $0xFFFF  }
0x4e: {  	_ =	shalt  }

</sc_bundles>
